<compile_context>
chip_gen: v7x
topology: tpu7x:2x2x1
jax: 0.10.2.dev20260603
libtpu: 0.0.44.dev20260713+nightly
codegen_flags: <defaults>
</compile_context>

<pallas_src>
import functools

import jax
import jax.numpy as jnp
from jax import lax
from jax.experimental import pallas as pl
from jax.experimental.pallas import tpu as pltpu
from jax.experimental.pallas import tpu_sc as plsc

D_POINTS = 64
D_MODEL = 128
K = 24
POS_DIM = 60

B = 4
N = 4096
MA = 512
MC = 256
NSLAB = N // 128
IMAX = 0x7FFFFFFF


def _bdot(a, b, dims=(((1,), (0,)), ((), ()))):
    return lax.dot_general(a.astype(jnp.bfloat16), b.astype(jnp.bfloat16),
                           dims, preferred_element_type=jnp.float32)


def _topk_body(xyzq_ref, xyzk_ref, feat_ref, w1_ref, b1_ref, posw_ref,
               x_ref, idx_ref, tab_ref):
    q = xyzq_ref[0]
    kx = xyzk_ref[0]
    k2 = jnp.sum(kx * kx, axis=-1, keepdims=True)
    qkT = _bdot(kx, q, (((1,), (1,)), ((), ())))
    s = k2 - 2.0 * qkT

    bits = lax.bitcast_convert_type(s, jnp.int32)
    ikey = bits ^ (lax.shift_right_arithmetic(bits, 31) & jnp.int32(0x7FFFFFFF))

    m1 = m2 = m3 = m4 = jnp.full((128, MA), IMAX, jnp.int32)
    for j in range(NSLAB):
        sl = (ikey[j * 128:(j + 1) * 128, :] & jnp.int32(-32)) | jnp.int32(j)
        lo = jnp.minimum(m1, sl)
        hi = jnp.maximum(m1, sl)
        m1 = lo
        lo = jnp.minimum(m2, hi)
        hi = jnp.maximum(m2, hi)
        m2 = lo
        lo = jnp.minimum(m3, hi)
        hi = jnp.maximum(m3, hi)
        m3 = lo
        m4 = jnp.minimum(m4, hi)

    subi = lax.broadcasted_iota(jnp.int32, (128, MA), 0)
    krow = lax.broadcasted_iota(jnp.int32, (K, MA), 0)
    out_idx = jnp.zeros((K, MA), jnp.int32)
    for kk in range(K):
        w = jnp.min(m1, axis=0, keepdims=True)
        eq = m1 == w
        r = jnp.min(jnp.where(eq, subi, jnp.int32(128)), axis=0, keepdims=True)
        gidx = (w & jnp.int32(31)) * 128 + r
        out_idx = jnp.where(krow == kk, gidx, out_idx)
        eqr = subi == r
        m1 = jnp.where(eqr, m2, m1)
        m2 = jnp.where(eqr, m3, m2)
        m3 = jnp.where(eqr, m4, m3)
        m4 = jnp.where(eqr, IMAX, m4)

    idx_ref[0] = out_idx

    lane = lax.broadcasted_iota(jnp.int32, (MA, 128), 1)
    posw = posw_ref[...]
    ang = (q[:, 0:1] * posw[0:1, :]
           + q[:, 1:2] * posw[1:2, :]
           + q[:, 2:3] * posw[2:3, :])
    sn = jnp.sin(ang)
    cs = jnp.cos(ang)
    tab = jnp.where(lane < 32, q, jnp.where(lane < 64, sn,
                    jnp.where(lane < 96, cs, 0.0)))
    tab_ref[0] = tab

    x_ref[0] = _bdot(feat_ref[0], w1_ref[...]) + b1_ref[...]


def _run_topk(xyz128, features, W1, b1, posw):
    nb = xyz128.shape[0]
    grid = (nb, N // MA)
    return pl.pallas_call(
        _topk_body,
        grid=grid,
        in_specs=[
            pl.BlockSpec((1, MA, 128), lambda b, i: (b, i, 0)),
            pl.BlockSpec((1, N, 128), lambda b, i: (b, 0, 0)),
            pl.BlockSpec((1, MA, D_POINTS), lambda b, i: (b, i, 0)),
            pl.BlockSpec((D_POINTS, D_MODEL), lambda b, i: (0, 0)),
            pl.BlockSpec((1, D_MODEL), lambda b, i: (0, 0)),
            pl.BlockSpec((8, 128), lambda b, i: (0, 0)),
        ],
        out_specs=[
            pl.BlockSpec((1, MA, D_MODEL), lambda b, i: (b, i, 0)),
            pl.BlockSpec((1, K, MA), lambda b, i: (b, 0, i)),
            pl.BlockSpec((1, MA, 128), lambda b, i: (b, i, 0)),
        ],
        out_shape=[
            jax.ShapeDtypeStruct((nb, N, D_MODEL), jnp.float32),
            jax.ShapeDtypeStruct((nb, K, N), jnp.int32),
            jax.ShapeDtypeStruct((nb, N, 128), jnp.float32),
        ],
        compiler_params=pltpu.CompilerParams(
            dimension_semantics=("parallel", "parallel")),
    )(xyz128, xyz128, features, W1, b1, posw)


NC_SC = 2
NS_SC = 16
NW = NC_SC * NS_SC
ROWS = B * N * K
RPW = ROWS // NW
CH = 128
NCHUNK = RPW // CH


def _gather_sc(x2, tab2, gidx):
    rows = gidx.shape[0]
    rpw = rows // NW
    nchunk = rpw // CH
    mesh = plsc.VectorSubcoreMesh(core_axis_name="c", subcore_axis_name="s")

    @functools.partial(
        pl.kernel, mesh=mesh,
        out_type=[
            jax.ShapeDtypeStruct((N, K, D_MODEL), jnp.float32),
            jax.ShapeDtypeStruct((N, K, 128), jnp.float32),
        ],
        scratch_types=[
            pltpu.VMEM((CH,), jnp.int32),
            pltpu.VMEM((CH, D_MODEL), jnp.float32),
            pltpu.VMEM((CH, 128), jnp.float32),
            pltpu.VMEM((CH,), jnp.int32),
            pltpu.VMEM((CH, D_MODEL), jnp.float32),
            pltpu.VMEM((CH, 128), jnp.float32),
            pltpu.SemaphoreType.DMA,
            pltpu.SemaphoreType.DMA,
            pltpu.SemaphoreType.DMA,
            pltpu.SemaphoreType.DMA,
        ],
    )
    def gather_kernel(x2_hbm, tab_hbm, gidx_hbm, kf_hbm, ktab_hbm,
                      idxva, kfva, ktva, idxvb, kfvb, ktvb,
                      sa0, sa1, sb0, sb1):
        wid = lax.axis_index("s") * NC_SC + lax.axis_index("c")
        base0 = wid * rpw

        def body(i2, carry):
            baseA = base0 + (2 * i2) * CH
            baseB = baseA + CH
            kka = baseA // N
            n0a = baseA - kka * N
            kkb = baseB // N
            n0b = baseB - kkb * N
            pltpu.sync_copy(gidx_hbm.at[pl.ds(baseA, CH)], idxva)
            cpa0 = pltpu.async_copy(x2_hbm.at[idxva], kfva, sa0)
            cpa1 = pltpu.async_copy(tab_hbm.at[idxva], ktva, sa1)
            pltpu.sync_copy(gidx_hbm.at[pl.ds(baseB, CH)], idxvb)
            cpb0 = pltpu.async_copy(x2_hbm.at[idxvb], kfvb, sb0)
            cpb1 = pltpu.async_copy(tab_hbm.at[idxvb], ktvb, sb1)
            cpa0.wait()
            cpa1.wait()
            pltpu.sync_copy(kfva, kf_hbm.at[pl.ds(n0a, CH), kka])
            pltpu.sync_copy(ktva, ktab_hbm.at[pl.ds(n0a, CH), kka])
            cpb0.wait()
            cpb1.wait()
            pltpu.sync_copy(kfvb, kf_hbm.at[pl.ds(n0b, CH), kkb])
            pltpu.sync_copy(ktvb, ktab_hbm.at[pl.ds(n0b, CH), kkb])
            return carry

        lax.fori_loop(0, nchunk // 2, body, 0)

    return gather_kernel(x2, tab2, gidx)


def _mlp_body(x_ref, tabq_ref, kf_ref, kt_ref,
              wd1s_ref, wd1c_ref, bd1_ref, wd2_ref, bd2_ref,
              wg1_ref, bg1_ref, wg2_ref, bg2_ref, w2_ref, b2_ref,
              attn_ref, res_ref):
    MK = MC * K
    xq = x_ref[0]
    tq = tabq_ref[0]
    kf = kf_ref[...]
    kt3 = kt_ref[...].reshape(MC, K, 128)
    kf3 = kf.reshape(MC, K, D_MODEL)

    ksin3 = kt3[:, :, 32:64]
    kcos3 = kt3[:, :, 64:96]
    qsin3 = tq[:, None, 32:64]
    qcos3 = tq[:, None, 64:96]
    emb_sin = (qsin3 * kcos3 - qcos3 * ksin3).reshape(MK, 32)
    emb_cos = (qcos3 * kcos3 + qsin3 * ksin3).reshape(MK, 32)

    pos_pre = _bdot(emb_sin, wd1s_ref[...]) + _bdot(emb_cos, wd1c_ref[...]) + bd1_ref[...]
    pos_enc = _bdot(jnp.maximum(pos_pre, 0.0), wd2_ref[...]) + bd2_ref[...]

    pre = (xq[:, None, :] - kf3 + pos_enc.reshape(MC, K, D_MODEL)).reshape(MK, D_MODEL)
    a1 = _bdot(jnp.maximum(_bdot(pre, wg1_ref[...]) + bg1_ref[...], 0.0),
               wg2_ref[...]) + bg2_ref[...]
    a1 = a1 / jnp.sqrt(jnp.float32(D_MODEL))

    a3 = a1.reshape(MC, K, D_MODEL)
    mx = jnp.max(a3, axis=1, keepdims=True)
    e = jnp.exp(a3 - mx)
    s = jnp.sum(e, axis=1, keepdims=True)
    attn = e / s
    attn_ref[0] = attn

    prod = attn.reshape(MK, D_MODEL) * (kf + pos_enc)
    red = jnp.sum(prod.reshape(MC, K, D_MODEL), axis=1)
    res_ref[0] = _bdot(red, w2_ref[...]) + b2_ref[...] + xq


def _run_mlp(x, tab, kf, ktab, Wd1s, Wd1c, bd1, Wd2, bd2, Wg1, bg1, Wg2, bg2, W2, b2):
    nb = x.shape[0]
    grid = (nb, N // MC)
    nblk = N // MC
    return pl.pallas_call(
        _mlp_body,
        grid=grid,
        in_specs=[
            pl.BlockSpec((1, MC, D_MODEL), lambda b, i: (b, i, 0)),
            pl.BlockSpec((1, MC, 128), lambda b, i: (b, i, 0)),
            pl.BlockSpec((MC * K, D_MODEL), lambda b, i: (b * nblk + i, 0)),
            pl.BlockSpec((MC * K, 128), lambda b, i: (b * nblk + i, 0)),
            pl.BlockSpec((32, D_MODEL), lambda b, i: (0, 0)),
            pl.BlockSpec((32, D_MODEL), lambda b, i: (0, 0)),
            pl.BlockSpec((1, D_MODEL), lambda b, i: (0, 0)),
            pl.BlockSpec((D_MODEL, D_MODEL), lambda b, i: (0, 0)),
            pl.BlockSpec((1, D_MODEL), lambda b, i: (0, 0)),
            pl.BlockSpec((D_MODEL, D_MODEL), lambda b, i: (0, 0)),
            pl.BlockSpec((1, D_MODEL), lambda b, i: (0, 0)),
            pl.BlockSpec((D_MODEL, D_MODEL), lambda b, i: (0, 0)),
            pl.BlockSpec((1, D_MODEL), lambda b, i: (0, 0)),
            pl.BlockSpec((D_MODEL, D_MODEL), lambda b, i: (0, 0)),
            pl.BlockSpec((1, D_MODEL), lambda b, i: (0, 0)),
        ],
        out_specs=[
            pl.BlockSpec((1, MC, K, D_MODEL), lambda b, i: (b, i, 0, 0)),
            pl.BlockSpec((1, MC, D_MODEL), lambda b, i: (b, i, 0)),
        ],
        out_shape=[
            jax.ShapeDtypeStruct((nb, N, K, D_MODEL), jnp.float32),
            jax.ShapeDtypeStruct((nb, N, D_MODEL), jnp.float32),
        ],
        compiler_params=pltpu.CompilerParams(
            dimension_semantics=("parallel", "parallel")),
    )(x, tab, kf, ktab, Wd1s, Wd1c, bd1, Wd2, bd2, Wg1, bg1, Wg2, bg2, W2, b2)


def kernel(features, xyz, W1, b1, W2, b2, Wd1, bd1, Wd2, bd2, Wg1, bg1, Wg2, bg2):
    f32 = jnp.float32
    xyz128 = jnp.concatenate(
        [xyz, jnp.zeros((B, N, 125), f32)], axis=-1)

    d2 = POS_DIM // 3
    omega = jnp.arange(d2 // 2, dtype=f32) / (d2 / 2.0)
    omega = 1.0 / (10000.0 ** omega)
    col = jnp.arange(128)
    sub = col % 32
    a_of = jnp.clip(sub // 10, 0, 2)
    f_of = sub % 10
    in_band = ((col >= 32) & (col < 128 - 32)) & (sub < 30)
    posw = jnp.where(in_band[None, :] & (a_of[None, :] == jnp.arange(8)[:, None]),
                     omega[f_of][None, :], 0.0).astype(f32)

    c32 = jnp.arange(32)
    va = c32 < 30
    a32 = jnp.clip(c32 // 10, 0, 2)
    f32_ = c32 % 10
    Wd1s = jnp.where(va[:, None], Wd1[jnp.clip(20 * a32 + f32_, 0, POS_DIM - 1)], 0.0)
    Wd1c = jnp.where(va[:, None], Wd1[jnp.clip(20 * a32 + 10 + f32_, 0, POS_DIM - 1)], 0.0)

    attn_parts, res_parts = [], []
    for bb in range(B):
        xb, gidxb, tabb = _run_topk(xyz128[bb:bb + 1], features[bb:bb + 1],
                                    W1, b1.reshape(1, D_MODEL), posw)
        kfb, ktabb = _gather_sc(xb.reshape(N, D_MODEL), tabb.reshape(N, 128),
                                gidxb.reshape(K * N))
        kfb = kfb.reshape(N * K, D_MODEL)
        ktabb = ktabb.reshape(N * K, 128)
        attnb, resb = _run_mlp(xb, tabb, kfb, ktabb, Wd1s, Wd1c,
                               bd1.reshape(1, D_MODEL), Wd2, bd2.reshape(1, D_MODEL),
                               Wg1, bg1.reshape(1, D_MODEL), Wg2, bg2.reshape(1, D_MODEL),
                               W2, b2.reshape(1, D_MODEL))
        attn_parts.append(attnb)
        res_parts.append(resb)
    attn = jnp.concatenate(attn_parts, axis=0)
    res = jnp.concatenate(res_parts, axis=0)
    return (res, attn)

# --- scband reference (transcript-rebuilt; emitter-appended) ---
"""Pipeline reference for scband-grid-transformer-block-36876589203661 (READ-ONLY COPY).

The authoritative reference and input builder live on the scoring server;
editing this copy changes nothing except your own understanding.
"""

import jax, jax.numpy as jnp
import numpy as np

D_POINTS = 64
D_MODEL = 128
K = 24
POS_DIM = 60

def square_distance(src, dst):
    return (jnp.sum(src ** 2, -1)[..., :, None]
            + jnp.sum(dst ** 2, -1)[..., None, :]
            - 2.0 * jnp.matmul(src, jnp.swapaxes(dst, -1, -2)))

def index_points(points, idx):
    # points: [B, N, C], idx: [B, M, K] -> [B, M, K, C]
    return jax.vmap(lambda p, i: p[i])(points, idx)

def sincos_3d(embed_dim, pts):
    # pts: [..., 3] -> [..., embed_dim]; embed_dim divisible by 3 (and by 6)
    d = embed_dim // 3
    omega = jnp.arange(d // 2, dtype=jnp.float32) / (d / 2.0)
    omega = 1.0 / (10000.0 ** omega)
    parts = []
    for i in range(3):
        out = pts[..., i][..., None] * omega
        parts.append(jnp.concatenate([jnp.sin(out), jnp.cos(out)], axis=-1))
    return jnp.concatenate(parts, axis=-1)

def setup_inputs(seed: int = 0):
    key = jax.random.key(seed)
    ks = jax.random.split(key, 16)
    B, N = 4, 4096
    s = 0.02
    inp = {}
    inp['features'] = jax.random.normal(ks[0], (B, N, D_POINTS), dtype=jnp.float32)
    inp['xyz'] = jax.random.uniform(ks[1], (B, N, 3), dtype=jnp.float32)
    inp['W1'] = jax.random.normal(ks[2], (D_POINTS, D_MODEL), dtype=jnp.float32) * s
    inp['b1'] = jnp.zeros((D_MODEL,), dtype=jnp.float32)
    inp['W2'] = jax.random.normal(ks[3], (D_MODEL, D_MODEL), dtype=jnp.float32) * s
    inp['b2'] = jnp.zeros((D_MODEL,), dtype=jnp.float32)
    inp['Wd1'] = jax.random.normal(ks[4], (POS_DIM, D_MODEL), dtype=jnp.float32) * s
    inp['bd1'] = jnp.zeros((D_MODEL,), dtype=jnp.float32)
    inp['Wd2'] = jax.random.normal(ks[5], (D_MODEL, D_MODEL), dtype=jnp.float32) * s
    inp['bd2'] = jnp.zeros((D_MODEL,), dtype=jnp.float32)
    inp['Wg1'] = jax.random.normal(ks[6], (D_MODEL, D_MODEL), dtype=jnp.float32) * s
    inp['bg1'] = jnp.zeros((D_MODEL,), dtype=jnp.float32)
    inp['Wg2'] = jax.random.normal(ks[7], (D_MODEL, D_MODEL), dtype=jnp.float32) * s
    inp['bg2'] = jnp.zeros((D_MODEL,), dtype=jnp.float32)
    return inp

def reference(features, xyz, W1, b1, W2, b2, Wd1, bd1, Wd2, bd2, Wg1, bg1, Wg2, bg2):
    dists = square_distance(xyz, xyz)                       # [B, N, N]
    knn_idx = jnp.argsort(dists, axis=-1)[:, :, :K]         # [B, N, K]
    knn_xyz = index_points(xyz, knn_idx)                    # [B, N, K, 3]
    x = features @ W1 + b1                                  # [B, N, D]
    q = x
    kf = index_points(x, knn_idx)                           # [B, N, K, D]
    v = kf
    g_xyz = xyz[:, :, None, :] - knn_xyz                    # [B, N, K, 3]
    g_embed = sincos_3d(POS_DIM, g_xyz)                     # [B, N, K, 60]
    pos_enc = jax.nn.relu(g_embed @ Wd1 + bd1) @ Wd2 + bd2  # [B, N, K, D]
    pre = q[:, :, None, :] - kf + pos_enc
    attn = jax.nn.relu(pre @ Wg1 + bg1) @ Wg2 + bg2         # [B, N, K, D]
    attn = jax.nn.softmax(attn / jnp.sqrt(jnp.float32(kf.shape[-1])), axis=-2)
    res = jnp.einsum('bmnf,bmnf->bmf', attn, v + pos_enc)
    res = res @ W2 + b2 + x
    return (res, attn)

if __name__ == "__main__":
    import jax
    _d = setup_inputs()
    print(jax.jit(kernel)(*tuple(_d.values())))

</pallas_src>

<mosaic_0001>
#map = affine_map<(d0, d1) -> (0, 0)>
#map1 = affine_map<(d0, d1) -> (0)>
#map2 = affine_map<(d0, d1) -> (0, 0, 0)>
module attributes {stable_mosaic.version = 14 : i64} {
  func.func @gather_kernel(%arg0: i32, %arg1: i32, %arg2: memref<4096x128xf32, #tpu.memory_space<hbm>>, %arg3: memref<4096x128xf32, #tpu.memory_space<hbm>>, %arg4: memref<98304xi32, #tpu.memory_space<hbm>>, %arg5: memref<4096x24x128xf32, #tpu.memory_space<hbm>>, %arg6: memref<4096x24x128xf32, #tpu.memory_space<hbm>>, %arg7: memref<128xi32, #tpu.memory_space<vmem>>, %arg8: memref<128x128xf32, #tpu.memory_space<vmem>>, %arg9: memref<128x128xf32, #tpu.memory_space<vmem>>, %arg10: memref<128xi32, #tpu.memory_space<vmem>>, %arg11: memref<128x128xf32, #tpu.memory_space<vmem>>, %arg12: memref<128x128xf32, #tpu.memory_space<vmem>>, %arg13: memref<!tpu.dma_semaphore, #tpu.memory_space<semaphore_mem>>, %arg14: memref<!tpu.dma_semaphore, #tpu.memory_space<semaphore_mem>>, %arg15: memref<!tpu.dma_semaphore, #tpu.memory_space<semaphore_mem>>, %arg16: memref<!tpu.dma_semaphore, #tpu.memory_space<semaphore_mem>>) attributes {dimension_semantics = [#tpu.dimension_semantics<core_parallel>, #tpu.dimension_semantics<subcore_parallel>], iteration_bounds = array<i64: 2, 16>, scalar_prefetch = 0 : i64, scratch_operands = 10 : i64, tpu.core_type = #tpu.core_type<sc_vector_subcore>, window_params = [{transform_indices = #map}, {transform_indices = #map}, {transform_indices = #map1}, {transform_indices = #map2}, {transform_indices = #map2}]} {
    %mul3A = arith.constant 2 : i32
    %mul3A_0 = arith.muli %arg1, %mul3A : i32
    %add3A = arith.addi %mul3A_0, %arg0 : i32
    %mul3A_1 = arith.constant 3072 : i32
    %mul3A_2 = arith.muli %add3A, %mul3A_1 : i32
    %scan3A = arith.constant 0 : i32
    %scan3A_3 = arith.constant 0 : i32
    %scan3A_4 = arith.constant 12 : i32
    %scan3A_5 = arith.addi %scan3A_3, %scan3A_4 : i32
    %scan3A_6 = arith.constant 1 : i32
    scf.for %scan3A_8 = %scan3A_3 to %scan3A_5 step %scan3A_6  : i32 {
      %mul3A_9 = arith.constant 2 : i32
      %mul3A_10 = arith.muli %mul3A_9, %scan3A_8 : i32
      %mul3A_11 = arith.constant 128 : i32
      %mul3A_12 = arith.muli %mul3A_10, %mul3A_11 : i32
      %add3A_13 = arith.addi %mul3A_2, %mul3A_12 : i32
      %add3A_14 = arith.constant 128 : i32
      %add3A_15 = arith.addi %add3A_13, %add3A_14 : i32
      %jit3A = arith.constant 4096 : i32
      %div3A = arith.divsi %add3A_13, %jit3A : i32
      %sign3A = arith.constant 0 : i32
      %sign3A_16 = arith.cmpi sgt, %add3A_13, %sign3A : i32
      %sign3A_17 = arith.extui %sign3A_16 : i1 to i32
      %sign3A_18 = arith.constant 0 : i32
      %sign3A_19 = arith.cmpi slt, %add3A_13, %sign3A_18 : i32
      %sign3A_20 = arith.extui %sign3A_19 : i1 to i32
      %sign3A_21 = arith.subi %sign3A_17, %sign3A_20 : i32
      %sign3A_22 = arith.constant 0 : i32
      %sign3A_23 = arith.cmpi sgt, %jit3A, %sign3A_22 : i32
      %sign3A_24 = arith.extui %sign3A_23 : i1 to i32
      %sign3A_25 = arith.constant 0 : i32
      %sign3A_26 = arith.cmpi slt, %jit3A, %sign3A_25 : i32
      %sign3A_27 = arith.extui %sign3A_26 : i1 to i32
      %sign3A_28 = arith.subi %sign3A_24, %sign3A_27 : i32
      %ne3A = arith.cmpi ne, %sign3A_21, %sign3A_28 : i32
      %rem3A = arith.remsi %add3A_13, %jit3A : i32
      %ne3A_29 = arith.constant 0 : i32
      %ne3A_30 = arith.cmpi ne, %rem3A, %ne3A_29 : i32
      %and3A = arith.andi %ne3A, %ne3A_30 : i1
      %sub3A = arith.constant 1 : i32
      %sub3A_31 = arith.subi %div3A, %sub3A : i32
      %select_n3A = arith.select %and3A, %sub3A_31, %div3A : i32
      %mul3A_32 = arith.constant 4096 : i32
      %mul3A_33 = arith.muli %select_n3A, %mul3A_32 : i32
      %sub3A_34 = arith.subi %add3A_13, %mul3A_33 : i32
      %jit3A_35 = arith.constant 4096 : i32
      %div3A_36 = arith.divsi %add3A_15, %jit3A_35 : i32
      %sign3A_37 = arith.constant 0 : i32
      %sign3A_38 = arith.cmpi sgt, %add3A_15, %sign3A_37 : i32
      %sign3A_39 = arith.extui %sign3A_38 : i1 to i32
      %sign3A_40 = arith.constant 0 : i32
      %sign3A_41 = arith.cmpi slt, %add3A_15, %sign3A_40 : i32
      %sign3A_42 = arith.extui %sign3A_41 : i1 to i32
      %sign3A_43 = arith.subi %sign3A_39, %sign3A_42 : i32
      %sign3A_44 = arith.constant 0 : i32
      %sign3A_45 = arith.cmpi sgt, %jit3A_35, %sign3A_44 : i32
      %sign3A_46 = arith.extui %sign3A_45 : i1 to i32
      %sign3A_47 = arith.constant 0 : i32
      %sign3A_48 = arith.cmpi slt, %jit3A_35, %sign3A_47 : i32
      %sign3A_49 = arith.extui %sign3A_48 : i1 to i32
      %sign3A_50 = arith.subi %sign3A_46, %sign3A_49 : i32
      %ne3A_51 = arith.cmpi ne, %sign3A_43, %sign3A_50 : i32
      %rem3A_52 = arith.remsi %add3A_15, %jit3A_35 : i32
      %ne3A_53 = arith.constant 0 : i32
      %ne3A_54 = arith.cmpi ne, %rem3A_52, %ne3A_53 : i32
      %and3A_55 = arith.andi %ne3A_51, %ne3A_54 : i1
      %sub3A_56 = arith.constant 1 : i32
      %sub3A_57 = arith.subi %div3A_36, %sub3A_56 : i32
      %select_n3A_58 = arith.select %and3A_55, %sub3A_57, %div3A_36 : i32
      %mul3A_59 = arith.constant 4096 : i32
      %mul3A_60 = arith.muli %select_n3A_58, %mul3A_59 : i32
      %sub3A_61 = arith.subi %add3A_15, %mul3A_60 : i32
      "tpu.region"() ({
        %run_scoped3A = tpu.sem_alloc : memref<!tpu.dma_semaphore, #tpu.memory_space<semaphore_mem>>
        %dma_start3A_84 = tpu.memref_slice %arg4[%add3A_13] : memref<98304xi32, #tpu.memory_space<hbm>> -> memref<128xi32, #tpu.memory_space<hbm>>
        %dma_start3A_85 = tpu.memref_slice %arg4[%add3A_13] : memref<98304xi32, #tpu.memory_space<hbm>> -> memref<128xi32, #tpu.memory_space<hbm>>
        tpu.enqueue_dma source(%dma_start3A_85 : memref<128xi32, #tpu.memory_space<hbm>>) target(%arg7 : memref<128xi32, #tpu.memory_space<vmem>>) target_semaphore(%run_scoped3A : memref<!tpu.dma_semaphore, #tpu.memory_space<semaphore_mem>>)
        %dma_wait3A_86 = tpu.memref_slice %arg4[%add3A_13] : memref<98304xi32, #tpu.memory_space<hbm>> -> memref<128xi32, #tpu.memory_space<hbm>>
        %dma_wait3A_87 = tpu.memref_slice %arg4[%add3A_13] : memref<98304xi32, #tpu.memory_space<hbm>> -> memref<128xi32, #tpu.memory_space<hbm>>
        tpu.wait_dma2 semaphore(%run_scoped3A : memref<!tpu.dma_semaphore, #tpu.memory_space<semaphore_mem>>) src(%dma_wait3A_87 : memref<128xi32, #tpu.memory_space<hbm>>) dst(%arg7 : memref<128xi32, #tpu.memory_space<vmem>>)
        tpu.yield
      }) : () -> ()
      %dma_start3A = arith.constant 0 : i32
      %dma_start3A_62 = arith.constant 0 : i32
      %dma_start3A_63 = tpu.memref_slice %arg2[%dma_start3A, %dma_start3A_62] : memref<4096x128xf32, #tpu.memory_space<hbm>> -> memref<4096x128xf32, #tpu.memory_space<hbm>>
      tpu.enqueue_indirect_dma source(%dma_start3A_63 : memref<4096x128xf32, #tpu.memory_space<hbm>>) target(%arg8 : memref<128x128xf32, #tpu.memory_space<vmem>>) offsets(%arg7 : memref<128xi32, #tpu.memory_space<vmem>>) semaphore(%arg13 : memref<!tpu.dma_semaphore, #tpu.memory_space<semaphore_mem>>)
      %dma_start3A_64 = arith.constant 0 : i32
      %dma_start3A_65 = arith.constant 0 : i32
      %dma_start3A_66 = tpu.memref_slice %arg3[%dma_start3A_64, %dma_start3A_65] : memref<4096x128xf32, #tpu.memory_space<hbm>> -> memref<4096x128xf32, #tpu.memory_space<hbm>>
      tpu.enqueue_indirect_dma source(%dma_start3A_66 : memref<4096x128xf32, #tpu.memory_space<hbm>>) target(%arg9 : memref<128x128xf32, #tpu.memory_space<vmem>>) offsets(%arg7 : memref<128xi32, #tpu.memory_space<vmem>>) semaphore(%arg14 : memref<!tpu.dma_semaphore, #tpu.memory_space<semaphore_mem>>)
      "tpu.region"() ({
        %run_scoped3A = tpu.sem_alloc : memref<!tpu.dma_semaphore, #tpu.memory_space<semaphore_mem>>
        %dma_start3A_84 = tpu.memref_slice %arg4[%add3A_15] : memref<98304xi32, #tpu.memory_space<hbm>> -> memref<128xi32, #tpu.memory_space<hbm>>
        %dma_start3A_85 = tpu.memref_slice %arg4[%add3A_15] : memref<98304xi32, #tpu.memory_space<hbm>> -> memref<128xi32, #tpu.memory_space<hbm>>
        tpu.enqueue_dma source(%dma_start3A_85 : memref<128xi32, #tpu.memory_space<hbm>>) target(%arg10 : memref<128xi32, #tpu.memory_space<vmem>>) target_semaphore(%run_scoped3A : memref<!tpu.dma_semaphore, #tpu.memory_space<semaphore_mem>>)
        %dma_wait3A_86 = tpu.memref_slice %arg4[%add3A_15] : memref<98304xi32, #tpu.memory_space<hbm>> -> memref<128xi32, #tpu.memory_space<hbm>>
        %dma_wait3A_87 = tpu.memref_slice %arg4[%add3A_15] : memref<98304xi32, #tpu.memory_space<hbm>> -> memref<128xi32, #tpu.memory_space<hbm>>
        tpu.wait_dma2 semaphore(%run_scoped3A : memref<!tpu.dma_semaphore, #tpu.memory_space<semaphore_mem>>) src(%dma_wait3A_87 : memref<128xi32, #tpu.memory_space<hbm>>) dst(%arg10 : memref<128xi32, #tpu.memory_space<vmem>>)
        tpu.yield
      }) : () -> ()
      %dma_start3A_67 = arith.constant 0 : i32
      %dma_start3A_68 = arith.constant 0 : i32
      %dma_start3A_69 = tpu.memref_slice %arg2[%dma_start3A_67, %dma_start3A_68] : memref<4096x128xf32, #tpu.memory_space<hbm>> -> memref<4096x128xf32, #tpu.memory_space<hbm>>
      tpu.enqueue_indirect_dma source(%dma_start3A_69 : memref<4096x128xf32, #tpu.memory_space<hbm>>) target(%arg11 : memref<128x128xf32, #tpu.memory_space<vmem>>) offsets(%arg10 : memref<128xi32, #tpu.memory_space<vmem>>) semaphore(%arg15 : memref<!tpu.dma_semaphore, #tpu.memory_space<semaphore_mem>>)
      %dma_start3A_70 = arith.constant 0 : i32
      %dma_start3A_71 = arith.constant 0 : i32
      %dma_start3A_72 = tpu.memref_slice %arg3[%dma_start3A_70, %dma_start3A_71] : memref<4096x128xf32, #tpu.memory_space<hbm>> -> memref<4096x128xf32, #tpu.memory_space<hbm>>
      tpu.enqueue_indirect_dma source(%dma_start3A_72 : memref<4096x128xf32, #tpu.memory_space<hbm>>) target(%arg12 : memref<128x128xf32, #tpu.memory_space<vmem>>) offsets(%arg10 : memref<128xi32, #tpu.memory_space<vmem>>) semaphore(%arg16 : memref<!tpu.dma_semaphore, #tpu.memory_space<semaphore_mem>>)
      %dma_wait3A = arith.constant 0 : i32
      %dma_wait3A_73 = arith.constant 0 : i32
      %dma_wait3A_74 = tpu.memref_slice %arg2[%dma_wait3A, %dma_wait3A_73] : memref<4096x128xf32, #tpu.memory_space<hbm>> -> memref<4096x128xf32, #tpu.memory_space<hbm>>
      tpu.wait_indirect_dma semaphore(%arg13 : memref<!tpu.dma_semaphore, #tpu.memory_space<semaphore_mem>>) src(%dma_wait3A_74 : memref<4096x128xf32, #tpu.memory_space<hbm>>) dst(%arg8 : memref<128x128xf32, #tpu.memory_space<vmem>>)
      %dma_wait3A_75 = arith.constant 0 : i32
      %dma_wait3A_76 = arith.constant 0 : i32
      %dma_wait3A_77 = tpu.memref_slice %arg3[%dma_wait3A_75, %dma_wait3A_76] : memref<4096x128xf32, #tpu.memory_space<hbm>> -> memref<4096x128xf32, #tpu.memory_space<hbm>>
      tpu.wait_indirect_dma semaphore(%arg14 : memref<!tpu.dma_semaphore, #tpu.memory_space<semaphore_mem>>) src(%dma_wait3A_77 : memref<4096x128xf32, #tpu.memory_space<hbm>>) dst(%arg9 : memref<128x128xf32, #tpu.memory_space<vmem>>)
      "tpu.region"() ({
        %run_scoped3A = tpu.sem_alloc : memref<!tpu.dma_semaphore, #tpu.memory_space<semaphore_mem>>
        %dma_start3A_84 = arith.constant 0 : i32
        %dma_start3A_85 = tpu.memref_slice %arg5[%sub3A_34, %select_n3A, %dma_start3A_84] : memref<4096x24x128xf32, #tpu.memory_space<hbm>> -> memref<128x1x128xf32, #tpu.memory_space<hbm>>
        %dma_start3A_86 = tpu.memref_squeeze %dma_start3A_85 : memref<128x1x128xf32, #tpu.memory_space<hbm>> -> memref<128x128xf32, #tpu.memory_space<hbm>>
        %dma_start3A_87 = arith.constant 0 : i32
        %dma_start3A_88 = tpu.memref_slice %arg5[%sub3A_34, %select_n3A, %dma_start3A_87] : memref<4096x24x128xf32, #tpu.memory_space<hbm>> -> memref<128x1x128xf32, #tpu.memory_space<hbm>>
        %dma_start3A_89 = tpu.memref_squeeze %dma_start3A_88 : memref<128x1x128xf32, #tpu.memory_space<hbm>> -> memref<128x128xf32, #tpu.memory_space<hbm>>
        tpu.enqueue_dma source(%arg8 : memref<128x128xf32, #tpu.memory_space<vmem>>) target(%dma_start3A_89 : memref<128x128xf32, #tpu.memory_space<hbm>>) target_semaphore(%run_scoped3A : memref<!tpu.dma_semaphore, #tpu.memory_space<semaphore_mem>>)
        %dma_wait3A_90 = arith.constant 0 : i32
        %dma_wait3A_91 = tpu.memref_slice %arg5[%sub3A_34, %select_n3A, %dma_wait3A_90] : memref<4096x24x128xf32, #tpu.memory_space<hbm>> -> memref<128x1x128xf32, #tpu.memory_space<hbm>>
        %dma_wait3A_92 = tpu.memref_squeeze %dma_wait3A_91 : memref<128x1x128xf32, #tpu.memory_space<hbm>> -> memref<128x128xf32, #tpu.memory_space<hbm>>
        %dma_wait3A_93 = arith.constant 0 : i32
        %dma_wait3A_94 = tpu.memref_slice %arg5[%sub3A_34, %select_n3A, %dma_wait3A_93] : memref<4096x24x128xf32, #tpu.memory_space<hbm>> -> memref<128x1x128xf32, #tpu.memory_space<hbm>>
        %dma_wait3A_95 = tpu.memref_squeeze %dma_wait3A_94 : memref<128x1x128xf32, #tpu.memory_space<hbm>> -> memref<128x128xf32, #tpu.memory_space<hbm>>
        tpu.wait_dma2 semaphore(%run_scoped3A : memref<!tpu.dma_semaphore, #tpu.memory_space<semaphore_mem>>) src(%arg8 : memref<128x128xf32, #tpu.memory_space<vmem>>) dst(%dma_wait3A_95 : memref<128x128xf32, #tpu.memory_space<hbm>>)
        tpu.yield
      }) : () -> ()
      "tpu.region"() ({
        %run_scoped3A = tpu.sem_alloc : memref<!tpu.dma_semaphore, #tpu.memory_space<semaphore_mem>>
        %dma_start3A_84 = arith.constant 0 : i32
        %dma_start3A_85 = tpu.memref_slice %arg6[%sub3A_34, %select_n3A, %dma_start3A_84] : memref<4096x24x128xf32, #tpu.memory_space<hbm>> -> memref<128x1x128xf32, #tpu.memory_space<hbm>>
        %dma_start3A_86 = tpu.memref_squeeze %dma_start3A_85 : memref<128x1x128xf32, #tpu.memory_space<hbm>> -> memref<128x128xf32, #tpu.memory_space<hbm>>
        %dma_start3A_87 = arith.constant 0 : i32
        %dma_start3A_88 = tpu.memref_slice %arg6[%sub3A_34, %select_n3A, %dma_start3A_87] : memref<4096x24x128xf32, #tpu.memory_space<hbm>> -> memref<128x1x128xf32, #tpu.memory_space<hbm>>
        %dma_start3A_89 = tpu.memref_squeeze %dma_start3A_88 : memref<128x1x128xf32, #tpu.memory_space<hbm>> -> memref<128x128xf32, #tpu.memory_space<hbm>>
        tpu.enqueue_dma source(%arg9 : memref<128x128xf32, #tpu.memory_space<vmem>>) target(%dma_start3A_89 : memref<128x128xf32, #tpu.memory_space<hbm>>) target_semaphore(%run_scoped3A : memref<!tpu.dma_semaphore, #tpu.memory_space<semaphore_mem>>)
        %dma_wait3A_90 = arith.constant 0 : i32
        %dma_wait3A_91 = tpu.memref_slice %arg6[%sub3A_34, %select_n3A, %dma_wait3A_90] : memref<4096x24x128xf32, #tpu.memory_space<hbm>> -> memref<128x1x128xf32, #tpu.memory_space<hbm>>
        %dma_wait3A_92 = tpu.memref_squeeze %dma_wait3A_91 : memref<128x1x128xf32, #tpu.memory_space<hbm>> -> memref<128x128xf32, #tpu.memory_space<hbm>>
        %dma_wait3A_93 = arith.constant 0 : i32
        %dma_wait3A_94 = tpu.memref_slice %arg6[%sub3A_34, %select_n3A, %dma_wait3A_93] : memref<4096x24x128xf32, #tpu.memory_space<hbm>> -> memref<128x1x128xf32, #tpu.memory_space<hbm>>
        %dma_wait3A_95 = tpu.memref_squeeze %dma_wait3A_94 : memref<128x1x128xf32, #tpu.memory_space<hbm>> -> memref<128x128xf32, #tpu.memory_space<hbm>>
        tpu.wait_dma2 semaphore(%run_scoped3A : memref<!tpu.dma_semaphore, #tpu.memory_space<semaphore_mem>>) src(%arg9 : memref<128x128xf32, #tpu.memory_space<vmem>>) dst(%dma_wait3A_95 : memref<128x128xf32, #tpu.memory_space<hbm>>)
        tpu.yield
      }) : () -> ()
      %dma_wait3A_78 = arith.constant 0 : i32
      %dma_wait3A_79 = arith.constant 0 : i32
      %dma_wait3A_80 = tpu.memref_slice %arg2[%dma_wait3A_78, %dma_wait3A_79] : memref<4096x128xf32, #tpu.memory_space<hbm>> -> memref<4096x128xf32, #tpu.memory_space<hbm>>
      tpu.wait_indirect_dma semaphore(%arg15 : memref<!tpu.dma_semaphore, #tpu.memory_space<semaphore_mem>>) src(%dma_wait3A_80 : memref<4096x128xf32, #tpu.memory_space<hbm>>) dst(%arg11 : memref<128x128xf32, #tpu.memory_space<vmem>>)
      %dma_wait3A_81 = arith.constant 0 : i32
      %dma_wait3A_82 = arith.constant 0 : i32
      %dma_wait3A_83 = tpu.memref_slice %arg3[%dma_wait3A_81, %dma_wait3A_82] : memref<4096x128xf32, #tpu.memory_space<hbm>> -> memref<4096x128xf32, #tpu.memory_space<hbm>>
      tpu.wait_indirect_dma semaphore(%arg16 : memref<!tpu.dma_semaphore, #tpu.memory_space<semaphore_mem>>) src(%dma_wait3A_83 : memref<4096x128xf32, #tpu.memory_space<hbm>>) dst(%arg12 : memref<128x128xf32, #tpu.memory_space<vmem>>)
      "tpu.region"() ({
        %run_scoped3A = tpu.sem_alloc : memref<!tpu.dma_semaphore, #tpu.memory_space<semaphore_mem>>
        %dma_start3A_84 = arith.constant 0 : i32
        %dma_start3A_85 = tpu.memref_slice %arg5[%sub3A_61, %select_n3A_58, %dma_start3A_84] : memref<4096x24x128xf32, #tpu.memory_space<hbm>> -> memref<128x1x128xf32, #tpu.memory_space<hbm>>
        %dma_start3A_86 = tpu.memref_squeeze %dma_start3A_85 : memref<128x1x128xf32, #tpu.memory_space<hbm>> -> memref<128x128xf32, #tpu.memory_space<hbm>>
        %dma_start3A_87 = arith.constant 0 : i32
        %dma_start3A_88 = tpu.memref_slice %arg5[%sub3A_61, %select_n3A_58, %dma_start3A_87] : memref<4096x24x128xf32, #tpu.memory_space<hbm>> -> memref<128x1x128xf32, #tpu.memory_space<hbm>>
        %dma_start3A_89 = tpu.memref_squeeze %dma_start3A_88 : memref<128x1x128xf32, #tpu.memory_space<hbm>> -> memref<128x128xf32, #tpu.memory_space<hbm>>
        tpu.enqueue_dma source(%arg11 : memref<128x128xf32, #tpu.memory_space<vmem>>) target(%dma_start3A_89 : memref<128x128xf32, #tpu.memory_space<hbm>>) target_semaphore(%run_scoped3A : memref<!tpu.dma_semaphore, #tpu.memory_space<semaphore_mem>>)
        %dma_wait3A_90 = arith.constant 0 : i32
        %dma_wait3A_91 = tpu.memref_slice %arg5[%sub3A_61, %select_n3A_58, %dma_wait3A_90] : memref<4096x24x128xf32, #tpu.memory_space<hbm>> -> memref<128x1x128xf32, #tpu.memory_space<hbm>>
        %dma_wait3A_92 = tpu.memref_squeeze %dma_wait3A_91 : memref<128x1x128xf32, #tpu.memory_space<hbm>> -> memref<128x128xf32, #tpu.memory_space<hbm>>
        %dma_wait3A_93 = arith.constant 0 : i32
        %dma_wait3A_94 = tpu.memref_slice %arg5[%sub3A_61, %select_n3A_58, %dma_wait3A_93] : memref<4096x24x128xf32, #tpu.memory_space<hbm>> -> memref<128x1x128xf32, #tpu.memory_space<hbm>>
        %dma_wait3A_95 = tpu.memref_squeeze %dma_wait3A_94 : memref<128x1x128xf32, #tpu.memory_space<hbm>> -> memref<128x128xf32, #tpu.memory_space<hbm>>
        tpu.wait_dma2 semaphore(%run_scoped3A : memref<!tpu.dma_semaphore, #tpu.memory_space<semaphore_mem>>) src(%arg11 : memref<128x128xf32, #tpu.memory_space<vmem>>) dst(%dma_wait3A_95 : memref<128x128xf32, #tpu.memory_space<hbm>>)
        tpu.yield
      }) : () -> ()
      "tpu.region"() ({
        %run_scoped3A = tpu.sem_alloc : memref<!tpu.dma_semaphore, #tpu.memory_space<semaphore_mem>>
        %dma_start3A_84 = arith.constant 0 : i32
        %dma_start3A_85 = tpu.memref_slice %arg6[%sub3A_61, %select_n3A_58, %dma_start3A_84] : memref<4096x24x128xf32, #tpu.memory_space<hbm>> -> memref<128x1x128xf32, #tpu.memory_space<hbm>>
        %dma_start3A_86 = tpu.memref_squeeze %dma_start3A_85 : memref<128x1x128xf32, #tpu.memory_space<hbm>> -> memref<128x128xf32, #tpu.memory_space<hbm>>
        %dma_start3A_87 = arith.constant 0 : i32
        %dma_start3A_88 = tpu.memref_slice %arg6[%sub3A_61, %select_n3A_58, %dma_start3A_87] : memref<4096x24x128xf32, #tpu.memory_space<hbm>> -> memref<128x1x128xf32, #tpu.memory_space<hbm>>
        %dma_start3A_89 = tpu.memref_squeeze %dma_start3A_88 : memref<128x1x128xf32, #tpu.memory_space<hbm>> -> memref<128x128xf32, #tpu.memory_space<hbm>>
        tpu.enqueue_dma source(%arg12 : memref<128x128xf32, #tpu.memory_space<vmem>>) target(%dma_start3A_89 : memref<128x128xf32, #tpu.memory_space<hbm>>) target_semaphore(%run_scoped3A : memref<!tpu.dma_semaphore, #tpu.memory_space<semaphore_mem>>)
        %dma_wait3A_90 = arith.constant 0 : i32
        %dma_wait3A_91 = tpu.memref_slice %arg6[%sub3A_61, %select_n3A_58, %dma_wait3A_90] : memref<4096x24x128xf32, #tpu.memory_space<hbm>> -> memref<128x1x128xf32, #tpu.memory_space<hbm>>
        %dma_wait3A_92 = tpu.memref_squeeze %dma_wait3A_91 : memref<128x1x128xf32, #tpu.memory_space<hbm>> -> memref<128x128xf32, #tpu.memory_space<hbm>>
        %dma_wait3A_93 = arith.constant 0 : i32
        %dma_wait3A_94 = tpu.memref_slice %arg6[%sub3A_61, %select_n3A_58, %dma_wait3A_93] : memref<4096x24x128xf32, #tpu.memory_space<hbm>> -> memref<128x1x128xf32, #tpu.memory_space<hbm>>
        %dma_wait3A_95 = tpu.memref_squeeze %dma_wait3A_94 : memref<128x1x128xf32, #tpu.memory_space<hbm>> -> memref<128x128xf32, #tpu.memory_space<hbm>>
        tpu.wait_dma2 semaphore(%run_scoped3A : memref<!tpu.dma_semaphore, #tpu.memory_space<semaphore_mem>>) src(%arg12 : memref<128x128xf32, #tpu.memory_space<vmem>>) dst(%dma_wait3A_95 : memref<128x128xf32, #tpu.memory_space<hbm>>)
        tpu.yield
      }) : () -> ()
    }
    %scan3A_7 = arith.constant 12 : i32
    return
  }
}

#map = affine_map<(d0, d1) -> (0, 0)>
#map1 = affine_map<(d0, d1) -> (0)>
#map2 = affine_map<(d0, d1) -> (0, 0, 0)>
module attributes {stable_mosaic.version = 14 : i64} {
  func.func @gather_kernel(%arg0: i32, %arg1: i32, %arg2: memref<4096x128xf32, #tpu.memory_space<hbm>>, %arg3: memref<4096x128xf32, #tpu.memory_space<hbm>>, %arg4: memref<98304xi32, #tpu.memory_space<hbm>>, %arg5: memref<4096x24x128xf32, #tpu.memory_space<hbm>>, %arg6: memref<4096x24x128xf32, #tpu.memory_space<hbm>>, %arg7: memref<128xi32, #tpu.memory_space<vmem>>, %arg8: memref<128x128xf32, #tpu.memory_space<vmem>>, %arg9: memref<128x128xf32, #tpu.memory_space<vmem>>, %arg10: memref<128xi32, #tpu.memory_space<vmem>>, %arg11: memref<128x128xf32, #tpu.memory_space<vmem>>, %arg12: memref<128x128xf32, #tpu.memory_space<vmem>>, %arg13: memref<!tpu.dma_semaphore, #tpu.memory_space<semaphore_mem>>, %arg14: memref<!tpu.dma_semaphore, #tpu.memory_space<semaphore_mem>>, %arg15: memref<!tpu.dma_semaphore, #tpu.memory_space<semaphore_mem>>, %arg16: memref<!tpu.dma_semaphore, #tpu.memory_space<semaphore_mem>>) attributes {dimension_semantics = [#tpu.dimension_semantics<core_parallel>, #tpu.dimension_semantics<subcore_parallel>], iteration_bounds = array<i64: 2, 16>, scalar_prefetch = 0 : i64, scratch_operands = 10 : i64, tpu.core_type = #tpu.core_type<sc_vector_subcore>, window_params = [{transform_indices = #map}, {transform_indices = #map}, {transform_indices = #map1}, {transform_indices = #map2}, {transform_indices = #map2}]} {
    %mul3A = arith.constant 2 : i32
    %mul3A_0 = arith.muli %arg1, %mul3A : i32
    %add3A = arith.addi %mul3A_0, %arg0 : i32
    %mul3A_1 = arith.constant 3072 : i32
    %mul3A_2 = arith.muli %add3A, %mul3A_1 : i32
    %scan3A = arith.constant 0 : i32
    %scan3A_3 = arith.constant 0 : i32
    %scan3A_4 = arith.constant 12 : i32
    %scan3A_5 = arith.addi %scan3A_3, %scan3A_4 : i32
    %scan3A_6 = arith.constant 1 : i32
    scf.for %scan3A_8 = %scan3A_3 to %scan3A_5 step %scan3A_6  : i32 {
      %mul3A_9 = arith.constant 2 : i32
      %mul3A_10 = arith.muli %mul3A_9, %scan3A_8 : i32
      %mul3A_11 = arith.constant 128 : i32
      %mul3A_12 = arith.muli %mul3A_10, %mul3A_11 : i32
      %add3A_13 = arith.addi %mul3A_2, %mul3A_12 : i32
      %add3A_14 = arith.constant 128 : i32
      %add3A_15 = arith.addi %add3A_13, %add3A_14 : i32
      %jit3A = arith.constant 4096 : i32
      %div3A = arith.divsi %add3A_13, %jit3A : i32
      %sign3A = arith.constant 0 : i32
      %sign3A_16 = arith.cmpi sgt, %add3A_13, %sign3A : i32
      %sign3A_17 = arith.extui %sign3A_16 : i1 to i32
      %sign3A_18 = arith.constant 0 : i32
      %sign3A_19 = arith.cmpi slt, %add3A_13, %sign3A_18 : i32
      %sign3A_20 = arith.extui %sign3A_19 : i1 to i32
      %sign3A_21 = arith.subi %sign3A_17, %sign3A_20 : i32
      %sign3A_22 = arith.constant 0 : i32
      %sign3A_23 = arith.cmpi sgt, %jit3A, %sign3A_22 : i32
      %sign3A_24 = arith.extui %sign3A_23 : i1 to i32
      %sign3A_25 = arith.constant 0 : i32
      %sign3A_26 = arith.cmpi slt, %jit3A, %sign3A_25 : i32
      %sign3A_27 = arith.extui %sign3A_26 : i1 to i32
      %sign3A_28 = arith.subi %sign3A_24, %sign3A_27 : i32
      %ne3A = arith.cmpi ne, %sign3A_21, %sign3A_28 : i32
      %rem3A = arith.remsi %add3A_13, %jit3A : i32
      %ne3A_29 = arith.constant 0 : i32
      %ne3A_30 = arith.cmpi ne, %rem3A, %ne3A_29 : i32
      %and3A = arith.andi %ne3A, %ne3A_30 : i1
      %sub3A = arith.constant 1 : i32
      %sub3A_31 = arith.subi %div3A, %sub3A : i32
      %select_n3A = arith.select %and3A, %sub3A_31, %div3A : i32
      %mul3A_32 = arith.constant 4096 : i32
      %mul3A_33 = arith.muli %select_n3A, %mul3A_32 : i32
      %sub3A_34 = arith.subi %add3A_13, %mul3A_33 : i32
      %jit3A_35 = arith.constant 4096 : i32
      %div3A_36 = arith.divsi %add3A_15, %jit3A_35 : i32
      %sign3A_37 = arith.constant 0 : i32
      %sign3A_38 = arith.cmpi sgt, %add3A_15, %sign3A_37 : i32
      %sign3A_39 = arith.extui %sign3A_38 : i1 to i32
      %sign3A_40 = arith.constant 0 : i32
      %sign3A_41 = arith.cmpi slt, %add3A_15, %sign3A_40 : i32
      %sign3A_42 = arith.extui %sign3A_41 : i1 to i32
      %sign3A_43 = arith.subi %sign3A_39, %sign3A_42 : i32
      %sign3A_44 = arith.constant 0 : i32
      %sign3A_45 = arith.cmpi sgt, %jit3A_35, %sign3A_44 : i32
      %sign3A_46 = arith.extui %sign3A_45 : i1 to i32
      %sign3A_47 = arith.constant 0 : i32
      %sign3A_48 = arith.cmpi slt, %jit3A_35, %sign3A_47 : i32
      %sign3A_49 = arith.extui %sign3A_48 : i1 to i32
      %sign3A_50 = arith.subi %sign3A_46, %sign3A_49 : i32
      %ne3A_51 = arith.cmpi ne, %sign3A_43, %sign3A_50 : i32
      %rem3A_52 = arith.remsi %add3A_15, %jit3A_35 : i32
      %ne3A_53 = arith.constant 0 : i32
      %ne3A_54 = arith.cmpi ne, %rem3A_52, %ne3A_53 : i32
      %and3A_55 = arith.andi %ne3A_51, %ne3A_54 : i1
      %sub3A_56 = arith.constant 1 : i32
      %sub3A_57 = arith.subi %div3A_36, %sub3A_56 : i32
      %select_n3A_58 = arith.select %and3A_55, %sub3A_57, %div3A_36 : i32
      %mul3A_59 = arith.constant 4096 : i32
      %mul3A_60 = arith.muli %select_n3A_58, %mul3A_59 : i32
      %sub3A_61 = arith.subi %add3A_15, %mul3A_60 : i32
      "tpu.region"() ({
        %run_scoped3A = tpu.sem_alloc : memref<!tpu.dma_semaphore, #tpu.memory_space<semaphore_mem>>
        %dma_start3A_84 = tpu.memref_slice %arg4[%add3A_13] : memref<98304xi32, #tpu.memory_space<hbm>> -> memref<128xi32, #tpu.memory_space<hbm>>
        %dma_start3A_85 = tpu.memref_slice %arg4[%add3A_13] : memref<98304xi32, #tpu.memory_space<hbm>> -> memref<128xi32, #tpu.memory_space<hbm>>
        tpu.enqueue_dma source(%dma_start3A_85 : memref<128xi32, #tpu.memory_space<hbm>>) target(%arg7 : memref<128xi32, #tpu.memory_space<vmem>>) target_semaphore(%run_scoped3A : memref<!tpu.dma_semaphore, #tpu.memory_space<semaphore_mem>>)
        %dma_wait3A_86 = tpu.memref_slice %arg4[%add3A_13] : memref<98304xi32, #tpu.memory_space<hbm>> -> memref<128xi32, #tpu.memory_space<hbm>>
        %dma_wait3A_87 = tpu.memref_slice %arg4[%add3A_13] : memref<98304xi32, #tpu.memory_space<hbm>> -> memref<128xi32, #tpu.memory_space<hbm>>
        tpu.wait_dma2 semaphore(%run_scoped3A : memref<!tpu.dma_semaphore, #tpu.memory_space<semaphore_mem>>) src(%dma_wait3A_87 : memref<128xi32, #tpu.memory_space<hbm>>) dst(%arg7 : memref<128xi32, #tpu.memory_space<vmem>>)
        tpu.yield
      }) : () -> ()
      %dma_start3A = arith.constant 0 : i32
      %dma_start3A_62 = arith.constant 0 : i32
      %dma_start3A_63 = tpu.memref_slice %arg2[%dma_start3A, %dma_start3A_62] : memref<4096x128xf32, #tpu.memory_space<hbm>> -> memref<4096x128xf32, #tpu.memory_space<hbm>>
      tpu.enqueue_indirect_dma source(%dma_start3A_63 : memref<4096x128xf32, #tpu.memory_space<hbm>>) target(%arg8 : memref<128x128xf32, #tpu.memory_space<vmem>>) offsets(%arg7 : memref<128xi32, #tpu.memory_space<vmem>>) semaphore(%arg13 : memref<!tpu.dma_semaphore, #tpu.memory_space<semaphore_mem>>)
      %dma_start3A_64 = arith.constant 0 : i32
      %dma_start3A_65 = arith.constant 0 : i32
      %dma_start3A_66 = tpu.memref_slice %arg3[%dma_start3A_64, %dma_start3A_65] : memref<4096x128xf32, #tpu.memory_space<hbm>> -> memref<4096x128xf32, #tpu.memory_space<hbm>>
      tpu.enqueue_indirect_dma source(%dma_start3A_66 : memref<4096x128xf32, #tpu.memory_space<hbm>>) target(%arg9 : memref<128x128xf32, #tpu.memory_space<vmem>>) offsets(%arg7 : memref<128xi32, #tpu.memory_space<vmem>>) semaphore(%arg14 : memref<!tpu.dma_semaphore, #tpu.memory_space<semaphore_mem>>)
      "tpu.region"() ({
        %run_scoped3A = tpu.sem_alloc : memref<!tpu.dma_semaphore, #tpu.memory_space<semaphore_mem>>
        %dma_start3A_84 = tpu.memref_slice %arg4[%add3A_15] : memref<98304xi32, #tpu.memory_space<hbm>> -> memref<128xi32, #tpu.memory_space<hbm>>
        %dma_start3A_85 = tpu.memref_slice %arg4[%add3A_15] : memref<98304xi32, #tpu.memory_space<hbm>> -> memref<128xi32, #tpu.memory_space<hbm>>
        tpu.enqueue_dma source(%dma_start3A_85 : memref<128xi32, #tpu.memory_space<hbm>>) target(%arg10 : memref<128xi32, #tpu.memory_space<vmem>>) target_semaphore(%run_scoped3A : memref<!tpu.dma_semaphore, #tpu.memory_space<semaphore_mem>>)
        %dma_wait3A_86 = tpu.memref_slice %arg4[%add3A_15] : memref<98304xi32, #tpu.memory_space<hbm>> -> memref<128xi32, #tpu.memory_space<hbm>>
        %dma_wait3A_87 = tpu.memref_slice %arg4[%add3A_15] : memref<98304xi32, #tpu.memory_space<hbm>> -> memref<128xi32, #tpu.memory_space<hbm>>
        tpu.wait_dma2 semaphore(%run_scoped3A : memref<!tpu.dma_semaphore, #tpu.memory_space<semaphore_mem>>) src(%dma_wait3A_87 : memref<128xi32, #tpu.memory_space<hbm>>) dst(%arg10 : memref<128xi32, #tpu.memory_space<vmem>>)
        tpu.yield
      }) : () -> ()
      %dma_start3A_67 = arith.constant 0 : i32
      %dma_start3A_68 = arith.constant 0 : i32
      %dma_start3A_69 = tpu.memref_slice %arg2[%dma_start3A_67, %dma_start3A_68] : memref<4096x128xf32, #tpu.memory_space<hbm>> -> memref<4096x128xf32, #tpu.memory_space<hbm>>
      tpu.enqueue_indirect_dma source(%dma_start3A_69 : memref<4096x128xf32, #tpu.memory_space<hbm>>) target(%arg11 : memref<128x128xf32, #tpu.memory_space<vmem>>) offsets(%arg10 : memref<128xi32, #tpu.memory_space<vmem>>) semaphore(%arg15 : memref<!tpu.dma_semaphore, #tpu.memory_space<semaphore_mem>>)
      %dma_start3A_70 = arith.constant 0 : i32
      %dma_start3A_71 = arith.constant 0 : i32
      %dma_start3A_72 = tpu.memref_slice %arg3[%dma_start3A_70, %dma_start3A_71] : memref<4096x128xf32, #tpu.memory_space<hbm>> -> memref<4096x128xf32, #tpu.memory_space<hbm>>
      tpu.enqueue_indirect_dma source(%dma_start3A_72 : memref<4096x128xf32, #tpu.memory_space<hbm>>) target(%arg12 : memref<128x128xf32, #tpu.memory_space<vmem>>) offsets(%arg10 : memref<128xi32, #tpu.memory_space<vmem>>) semaphore(%arg16 : memref<!tpu.dma_semaphore, #tpu.memory_space<semaphore_mem>>)
      %dma_wait3A = arith.constant 0 : i32
      %dma_wait3A_73 = arith.constant 0 : i32
      %dma_wait3A_74 = tpu.memref_slice %arg2[%dma_wait3A, %dma_wait3A_73] : memref<4096x128xf32, #tpu.memory_space<hbm>> -> memref<4096x128xf32, #tpu.memory_space<hbm>>
      tpu.wait_indirect_dma semaphore(%arg13 : memref<!tpu.dma_semaphore, #tpu.memory_space<semaphore_mem>>) src(%dma_wait3A_74 : memref<4096x128xf32, #tpu.memory_space<hbm>>) dst(%arg8 : memref<128x128xf32, #tpu.memory_space<vmem>>)
      %dma_wait3A_75 = arith.constant 0 : i32
      %dma_wait3A_76 = arith.constant 0 : i32
      %dma_wait3A_77 = tpu.memref_slice %arg3[%dma_wait3A_75, %dma_wait3A_76] : memref<4096x128xf32, #tpu.memory_space<hbm>> -> memref<4096x128xf32, #tpu.memory_space<hbm>>
      tpu.wait_indirect_dma semaphore(%arg14 : memref<!tpu.dma_semaphore, #tpu.memory_space<semaphore_mem>>) src(%dma_wait3A_77 : memref<4096x128xf32, #tpu.memory_space<hbm>>) dst(%arg9 : memref<128x128xf32, #tpu.memory_space<vmem>>)
      "tpu.region"() ({
        %run_scoped3A = tpu.sem_alloc : memref<!tpu.dma_semaphore, #tpu.memory_space<semaphore_mem>>
        %dma_start3A_84 = arith.constant 0 : i32
        %dma_start3A_85 = tpu.memref_slice %arg5[%sub3A_34, %select_n3A, %dma_start3A_84] : memref<4096x24x128xf32, #tpu.memory_space<hbm>> -> memref<128x1x128xf32, #tpu.memory_space<hbm>>
        %dma_start3A_86 = tpu.memref_squeeze %dma_start3A_85 : memref<128x1x128xf32, #tpu.memory_space<hbm>> -> memref<128x128xf32, #tpu.memory_space<hbm>>
        %dma_start3A_87 = arith.constant 0 : i32
        %dma_start3A_88 = tpu.memref_slice %arg5[%sub3A_34, %select_n3A, %dma_start3A_87] : memref<4096x24x128xf32, #tpu.memory_space<hbm>> -> memref<128x1x128xf32, #tpu.memory_space<hbm>>
        %dma_start3A_89 = tpu.memref_squeeze %dma_start3A_88 : memref<128x1x128xf32, #tpu.memory_space<hbm>> -> memref<128x128xf32, #tpu.memory_space<hbm>>
        tpu.enqueue_dma source(%arg8 : memref<128x128xf32, #tpu.memory_space<vmem>>) target(%dma_start3A_89 : memref<128x128xf32, #tpu.memory_space<hbm>>) target_semaphore(%run_scoped3A : memref<!tpu.dma_semaphore, #tpu.memory_space<semaphore_mem>>)
        %dma_wait3A_90 = arith.constant 0 : i32
        %dma_wait3A_91 = tpu.memref_slice %arg5[%sub3A_34, %select_n3A, %dma_wait3A_90] : memref<4096x24x128xf32, #tpu.memory_space<hbm>> -> memref<128x1x128xf32, #tpu.memory_space<hbm>>
        %dma_wait3A_92 = tpu.memref_squeeze %dma_wait3A_91 : memref<128x1x128xf32, #tpu.memory_space<hbm>> -> memref<128x128xf32, #tpu.memory_space<hbm>>
        %dma_wait3A_93 = arith.constant 0 : i32
        %dma_wait3A_94 = tpu.memref_slice %arg5[%sub3A_34, %select_n3A, %dma_wait3A_93] : memref<4096x24x128xf32, #tpu.memory_space<hbm>> -> memref<128x1x128xf32, #tpu.memory_space<hbm>>
        %dma_wait3A_95 = tpu.memref_squeeze %dma_wait3A_94 : memref<128x1x128xf32, #tpu.memory_space<hbm>> -> memref<128x128xf32, #tpu.memory_space<hbm>>
        tpu.wait_dma2 semaphore(%run_scoped3A : memref<!tpu.dma_semaphore, #tpu.memory_space<semaphore_mem>>) src(%arg8 : memref<128x128xf32, #tpu.memory_space<vmem>>) dst(%dma_wait3A_95 : memref<128x128xf32, #tpu.memory_space<hbm>>)
        tpu.yield
      }) : () -> ()
      "tpu.region"() ({
        %run_scoped3A = tpu.sem_alloc : memref<!tpu.dma_semaphore, #tpu.memory_space<semaphore_mem>>
        %dma_start3A_84 = arith.constant 0 : i32
        %dma_start3A_85 = tpu.memref_slice %arg6[%sub3A_34, %select_n3A, %dma_start3A_84] : memref<4096x24x128xf32, #tpu.memory_space<hbm>> -> memref<128x1x128xf32, #tpu.memory_space<hbm>>
        %dma_start3A_86 = tpu.memref_squeeze %dma_start3A_85 : memref<128x1x128xf32, #tpu.memory_space<hbm>> -> memref<128x128xf32, #tpu.memory_space<hbm>>
        %dma_start3A_87 = arith.constant 0 : i32
        %dma_start3A_88 = tpu.memref_slice %arg6[%sub3A_34, %select_n3A, %dma_start3A_87] : memref<4096x24x128xf32, #tpu.memory_space<hbm>> -> memref<128x1x128xf32, #tpu.memory_space<hbm>>
        %dma_start3A_89 = tpu.memref_squeeze %dma_start3A_88 : memref<128x1x128xf32, #tpu.memory_space<hbm>> -> memref<128x128xf32, #tpu.memory_space<hbm>>
        tpu.enqueue_dma source(%arg9 : memref<128x128xf32, #tpu.memory_space<vmem>>) target(%dma_start3A_89 : memref<128x128xf32, #tpu.memory_space<hbm>>) target_semaphore(%run_scoped3A : memref<!tpu.dma_semaphore, #tpu.memory_space<semaphore_mem>>)
        %dma_wait3A_90 = arith.constant 0 : i32
        %dma_wait3A_91 = tpu.memref_slice %arg6[%sub3A_34, %select_n3A, %dma_wait3A_90] : memref<4096x24x128xf32, #tpu.memory_space<hbm>> -> memref<128x1x128xf32, #tpu.memory_space<hbm>>
        %dma_wait3A_92 = tpu.memref_squeeze %dma_wait3A_91 : memref<128x1x128xf32, #tpu.memory_space<hbm>> -> memref<128x128xf32, #tpu.memory_space<hbm>>
        %dma_wait3A_93 = arith.constant 0 : i32
        %dma_wait3A_94 = tpu.memref_slice %arg6[%sub3A_34, %select_n3A, %dma_wait3A_93] : memref<4096x24x128xf32, #tpu.memory_space<hbm>> -> memref<128x1x128xf32, #tpu.memory_space<hbm>>
        %dma_wait3A_95 = tpu.memref_squeeze %dma_wait3A_94 : memref<128x1x128xf32, #tpu.memory_space<hbm>> -> memref<128x128xf32, #tpu.memory_space<hbm>>
        tpu.wait_dma2 semaphore(%run_scoped3A : memref<!tpu.dma_semaphore, #tpu.memory_space<semaphore_mem>>) src(%arg9 : memref<128x128xf32, #tpu.memory_space<vmem>>) dst(%dma_wait3A_95 : memref<128x128xf32, #tpu.memory_space<hbm>>)
        tpu.yield
      }) : () -> ()
      %dma_wait3A_78 = arith.constant 0 : i32
      %dma_wait3A_79 = arith.constant 0 : i32
      %dma_wait3A_80 = tpu.memref_slice %arg2[%dma_wait3A_78, %dma_wait3A_79] : memref<4096x128xf32, #tpu.memory_space<hbm>> -> memref<4096x128xf32, #tpu.memory_space<hbm>>
      tpu.wait_indirect_dma semaphore(%arg15 : memref<!tpu.dma_semaphore, #tpu.memory_space<semaphore_mem>>) src(%dma_wait3A_80 : memref<4096x128xf32, #tpu.memory_space<hbm>>) dst(%arg11 : memref<128x128xf32, #tpu.memory_space<vmem>>)
      %dma_wait3A_81 = arith.constant 0 : i32
      %dma_wait3A_82 = arith.constant 0 : i32
      %dma_wait3A_83 = tpu.memref_slice %arg3[%dma_wait3A_81, %dma_wait3A_82] : memref<4096x128xf32, #tpu.memory_space<hbm>> -> memref<4096x128xf32, #tpu.memory_space<hbm>>
      tpu.wait_indirect_dma semaphore(%arg16 : memref<!tpu.dma_semaphore, #tpu.memory_space<semaphore_mem>>) src(%dma_wait3A_83 : memref<4096x128xf32, #tpu.memory_space<hbm>>) dst(%arg12 : memref<128x128xf32, #tpu.memory_space<vmem>>)
      "tpu.region"() ({
        %run_scoped3A = tpu.sem_alloc : memref<!tpu.dma_semaphore, #tpu.memory_space<semaphore_mem>>
        %dma_start3A_84 = arith.constant 0 : i32
        %dma_start3A_85 = tpu.memref_slice %arg5[%sub3A_61, %select_n3A_58, %dma_start3A_84] : memref<4096x24x128xf32, #tpu.memory_space<hbm>> -> memref<128x1x128xf32, #tpu.memory_space<hbm>>
        %dma_start3A_86 = tpu.memref_squeeze %dma_start3A_85 : memref<128x1x128xf32, #tpu.memory_space<hbm>> -> memref<128x128xf32, #tpu.memory_space<hbm>>
        %dma_start3A_87 = arith.constant 0 : i32
        %dma_start3A_88 = tpu.memref_slice %arg5[%sub3A_61, %select_n3A_58, %dma_start3A_87] : memref<4096x24x128xf32, #tpu.memory_space<hbm>> -> memref<128x1x128xf32, #tpu.memory_space<hbm>>
        %dma_start3A_89 = tpu.memref_squeeze %dma_start3A_88 : memref<128x1x128xf32, #tpu.memory_space<hbm>> -> memref<128x128xf32, #tpu.memory_space<hbm>>
        tpu.enqueue_dma source(%arg11 : memref<128x128xf32, #tpu.memory_space<vmem>>) target(%dma_start3A_89 : memref<128x128xf32, #tpu.memory_space<hbm>>) target_semaphore(%run_scoped3A : memref<!tpu.dma_semaphore, #tpu.memory_space<semaphore_mem>>)
        %dma_wait3A_90 = arith.constant 0 : i32
        %dma_wait3A_91 = tpu.memref_slice %arg5[%sub3A_61, %select_n3A_58, %dma_wait3A_90] : memref<4096x24x128xf32, #tpu.memory_space<hbm>> -> memref<128x1x128xf32, #tpu.memory_space<hbm>>
        %dma_wait3A_92 = tpu.memref_squeeze %dma_wait3A_91 : memref<128x1x128xf32, #tpu.memory_space<hbm>> -> memref<128x128xf32, #tpu.memory_space<hbm>>
        %dma_wait3A_93 = arith.constant 0 : i32
        %dma_wait3A_94 = tpu.memref_slice %arg5[%sub3A_61, %select_n3A_58, %dma_wait3A_93] : memref<4096x24x128xf32, #tpu.memory_space<hbm>> -> memref<128x1x128xf32, #tpu.memory_space<hbm>>
        %dma_wait3A_95 = tpu.memref_squeeze %dma_wait3A_94 : memref<128x1x128xf32, #tpu.memory_space<hbm>> -> memref<128x128xf32, #tpu.memory_space<hbm>>
        tpu.wait_dma2 semaphore(%run_scoped3A : memref<!tpu.dma_semaphore, #tpu.memory_space<semaphore_mem>>) src(%arg11 : memref<128x128xf32, #tpu.memory_space<vmem>>) dst(%dma_wait3A_95 : memref<128x128xf32, #tpu.memory_space<hbm>>)
        tpu.yield
      }) : () -> ()
      "tpu.region"() ({
        %run_scoped3A = tpu.sem_alloc : memref<!tpu.dma_semaphore, #tpu.memory_space<semaphore_mem>>
        %dma_start3A_84 = arith.constant 0 : i32
        %dma_start3A_85 = tpu.memref_slice %arg6[%sub3A_61, %select_n3A_58, %dma_start3A_84] : memref<4096x24x128xf32, #tpu.memory_space<hbm>> -> memref<128x1x128xf32, #tpu.memory_space<hbm>>
        %dma_start3A_86 = tpu.memref_squeeze %dma_start3A_85 : memref<128x1x128xf32, #tpu.memory_space<hbm>> -> memref<128x128xf32, #tpu.memory_space<hbm>>
        %dma_start3A_87 = arith.constant 0 : i32
        %dma_start3A_88 = tpu.memref_slice %arg6[%sub3A_61, %select_n3A_58, %dma_start3A_87] : memref<4096x24x128xf32, #tpu.memory_space<hbm>> -> memref<128x1x128xf32, #tpu.memory_space<hbm>>
        %dma_start3A_89 = tpu.memref_squeeze %dma_start3A_88 : memref<128x1x128xf32, #tpu.memory_space<hbm>> -> memref<128x128xf32, #tpu.memory_space<hbm>>
        tpu.enqueue_dma source(%arg12 : memref<128x128xf32, #tpu.memory_space<vmem>>) target(%dma_start3A_89 : memref<128x128xf32, #tpu.memory_space<hbm>>) target_semaphore(%run_scoped3A : memref<!tpu.dma_semaphore, #tpu.memory_space<semaphore_mem>>)
        %dma_wait3A_90 = arith.constant 0 : i32
        %dma_wait3A_91 = tpu.memref_slice %arg6[%sub3A_61, %select_n3A_58, %dma_wait3A_90] : memref<4096x24x128xf32, #tpu.memory_space<hbm>> -> memref<128x1x128xf32, #tpu.memory_space<hbm>>
        %dma_wait3A_92 = tpu.memref_squeeze %dma_wait3A_91 : memref<128x1x128xf32, #tpu.memory_space<hbm>> -> memref<128x128xf32, #tpu.memory_space<hbm>>
        %dma_wait3A_93 = arith.constant 0 : i32
        %dma_wait3A_94 = tpu.memref_slice %arg6[%sub3A_61, %select_n3A_58, %dma_wait3A_93] : memref<4096x24x128xf32, #tpu.memory_space<hbm>> -> memref<128x1x128xf32, #tpu.memory_space<hbm>>
        %dma_wait3A_95 = tpu.memref_squeeze %dma_wait3A_94 : memref<128x1x128xf32, #tpu.memory_space<hbm>> -> memref<128x128xf32, #tpu.memory_space<hbm>>
        tpu.wait_dma2 semaphore(%run_scoped3A : memref<!tpu.dma_semaphore, #tpu.memory_space<semaphore_mem>>) src(%arg12 : memref<128x128xf32, #tpu.memory_space<vmem>>) dst(%dma_wait3A_95 : memref<128x128xf32, #tpu.memory_space<hbm>>)
        tpu.yield
      }) : () -> ()
    }
    %scan3A_7 = arith.constant 12 : i32
    return
  }
}

#map = affine_map<(d0, d1) -> (0, 0)>
#map1 = affine_map<(d0, d1) -> (0)>
#map2 = affine_map<(d0, d1) -> (0, 0, 0)>
module attributes {stable_mosaic.version = 14 : i64} {
  func.func @gather_kernel(%arg0: i32, %arg1: i32, %arg2: memref<4096x128xf32, #tpu.memory_space<hbm>>, %arg3: memref<4096x128xf32, #tpu.memory_space<hbm>>, %arg4: memref<98304xi32, #tpu.memory_space<hbm>>, %arg5: memref<4096x24x128xf32, #tpu.memory_space<hbm>>, %arg6: memref<4096x24x128xf32, #tpu.memory_space<hbm>>, %arg7: memref<128xi32, #tpu.memory_space<vmem>>, %arg8: memref<128x128xf32, #tpu.memory_space<vmem>>, %arg9: memref<128x128xf32, #tpu.memory_space<vmem>>, %arg10: memref<128xi32, #tpu.memory_space<vmem>>, %arg11: memref<128x128xf32, #tpu.memory_space<vmem>>, %arg12: memref<128x128xf32, #tpu.memory_space<vmem>>, %arg13: memref<!tpu.dma_semaphore, #tpu.memory_space<semaphore_mem>>, %arg14: memref<!tpu.dma_semaphore, #tpu.memory_space<semaphore_mem>>, %arg15: memref<!tpu.dma_semaphore, #tpu.memory_space<semaphore_mem>>, %arg16: memref<!tpu.dma_semaphore, #tpu.memory_space<semaphore_mem>>) attributes {dimension_semantics = [#tpu.dimension_semantics<core_parallel>, #tpu.dimension_semantics<subcore_parallel>], iteration_bounds = array<i64: 2, 16>, scalar_prefetch = 0 : i64, scratch_operands = 10 : i64, tpu.core_type = #tpu.core_type<sc_vector_subcore>, window_params = [{transform_indices = #map}, {transform_indices = #map}, {transform_indices = #map1}, {transform_indices = #map2}, {transform_indices = #map2}]} {
    %mul3A = arith.constant 2 : i32
    %mul3A_0 = arith.muli %arg1, %mul3A : i32
    %add3A = arith.addi %mul3A_0, %arg0 : i32
    %mul3A_1 = arith.constant 3072 : i32
    %mul3A_2 = arith.muli %add3A, %mul3A_1 : i32
    %scan3A = arith.constant 0 : i32
    %scan3A_3 = arith.constant 0 : i32
    %scan3A_4 = arith.constant 12 : i32
    %scan3A_5 = arith.addi %scan3A_3, %scan3A_4 : i32
    %scan3A_6 = arith.constant 1 : i32
    scf.for %scan3A_8 = %scan3A_3 to %scan3A_5 step %scan3A_6  : i32 {
      %mul3A_9 = arith.constant 2 : i32
      %mul3A_10 = arith.muli %mul3A_9, %scan3A_8 : i32
      %mul3A_11 = arith.constant 128 : i32
      %mul3A_12 = arith.muli %mul3A_10, %mul3A_11 : i32
      %add3A_13 = arith.addi %mul3A_2, %mul3A_12 : i32
      %add3A_14 = arith.constant 128 : i32
      %add3A_15 = arith.addi %add3A_13, %add3A_14 : i32
      %jit3A = arith.constant 4096 : i32
      %div3A = arith.divsi %add3A_13, %jit3A : i32
      %sign3A = arith.constant 0 : i32
      %sign3A_16 = arith.cmpi sgt, %add3A_13, %sign3A : i32
      %sign3A_17 = arith.extui %sign3A_16 : i1 to i32
      %sign3A_18 = arith.constant 0 : i32
      %sign3A_19 = arith.cmpi slt, %add3A_13, %sign3A_18 : i32
      %sign3A_20 = arith.extui %sign3A_19 : i1 to i32
      %sign3A_21 = arith.subi %sign3A_17, %sign3A_20 : i32
      %sign3A_22 = arith.constant 0 : i32
      %sign3A_23 = arith.cmpi sgt, %jit3A, %sign3A_22 : i32
      %sign3A_24 = arith.extui %sign3A_23 : i1 to i32
      %sign3A_25 = arith.constant 0 : i32
      %sign3A_26 = arith.cmpi slt, %jit3A, %sign3A_25 : i32
      %sign3A_27 = arith.extui %sign3A_26 : i1 to i32
      %sign3A_28 = arith.subi %sign3A_24, %sign3A_27 : i32
      %ne3A = arith.cmpi ne, %sign3A_21, %sign3A_28 : i32
      %rem3A = arith.remsi %add3A_13, %jit3A : i32
      %ne3A_29 = arith.constant 0 : i32
      %ne3A_30 = arith.cmpi ne, %rem3A, %ne3A_29 : i32
      %and3A = arith.andi %ne3A, %ne3A_30 : i1
      %sub3A = arith.constant 1 : i32
      %sub3A_31 = arith.subi %div3A, %sub3A : i32
      %select_n3A = arith.select %and3A, %sub3A_31, %div3A : i32
      %mul3A_32 = arith.constant 4096 : i32
      %mul3A_33 = arith.muli %select_n3A, %mul3A_32 : i32
      %sub3A_34 = arith.subi %add3A_13, %mul3A_33 : i32
      %jit3A_35 = arith.constant 4096 : i32
      %div3A_36 = arith.divsi %add3A_15, %jit3A_35 : i32
      %sign3A_37 = arith.constant 0 : i32
      %sign3A_38 = arith.cmpi sgt, %add3A_15, %sign3A_37 : i32
      %sign3A_39 = arith.extui %sign3A_38 : i1 to i32
      %sign3A_40 = arith.constant 0 : i32
      %sign3A_41 = arith.cmpi slt, %add3A_15, %sign3A_40 : i32
      %sign3A_42 = arith.extui %sign3A_41 : i1 to i32
      %sign3A_43 = arith.subi %sign3A_39, %sign3A_42 : i32
      %sign3A_44 = arith.constant 0 : i32
      %sign3A_45 = arith.cmpi sgt, %jit3A_35, %sign3A_44 : i32
      %sign3A_46 = arith.extui %sign3A_45 : i1 to i32
      %sign3A_47 = arith.constant 0 : i32
      %sign3A_48 = arith.cmpi slt, %jit3A_35, %sign3A_47 : i32
      %sign3A_49 = arith.extui %sign3A_48 : i1 to i32
      %sign3A_50 = arith.subi %sign3A_46, %sign3A_49 : i32
      %ne3A_51 = arith.cmpi ne, %sign3A_43, %sign3A_50 : i32
      %rem3A_52 = arith.remsi %add3A_15, %jit3A_35 : i32
      %ne3A_53 = arith.constant 0 : i32
      %ne3A_54 = arith.cmpi ne, %rem3A_52, %ne3A_53 : i32
      %and3A_55 = arith.andi %ne3A_51, %ne3A_54 : i1
      %sub3A_56 = arith.constant 1 : i32
      %sub3A_57 = arith.subi %div3A_36, %sub3A_56 : i32
      %select_n3A_58 = arith.select %and3A_55, %sub3A_57, %div3A_36 : i32
      %mul3A_59 = arith.constant 4096 : i32
      %mul3A_60 = arith.muli %select_n3A_58, %mul3A_59 : i32
      %sub3A_61 = arith.subi %add3A_15, %mul3A_60 : i32
      "tpu.region"() ({
        %run_scoped3A = tpu.sem_alloc : memref<!tpu.dma_semaphore, #tpu.memory_space<semaphore_mem>>
        %dma_start3A_84 = tpu.memref_slice %arg4[%add3A_13] : memref<98304xi32, #tpu.memory_space<hbm>> -> memref<128xi32, #tpu.memory_space<hbm>>
        %dma_start3A_85 = tpu.memref_slice %arg4[%add3A_13] : memref<98304xi32, #tpu.memory_space<hbm>> -> memref<128xi32, #tpu.memory_space<hbm>>
        tpu.enqueue_dma source(%dma_start3A_85 : memref<128xi32, #tpu.memory_space<hbm>>) target(%arg7 : memref<128xi32, #tpu.memory_space<vmem>>) target_semaphore(%run_scoped3A : memref<!tpu.dma_semaphore, #tpu.memory_space<semaphore_mem>>)
        %dma_wait3A_86 = tpu.memref_slice %arg4[%add3A_13] : memref<98304xi32, #tpu.memory_space<hbm>> -> memref<128xi32, #tpu.memory_space<hbm>>
        %dma_wait3A_87 = tpu.memref_slice %arg4[%add3A_13] : memref<98304xi32, #tpu.memory_space<hbm>> -> memref<128xi32, #tpu.memory_space<hbm>>
        tpu.wait_dma2 semaphore(%run_scoped3A : memref<!tpu.dma_semaphore, #tpu.memory_space<semaphore_mem>>) src(%dma_wait3A_87 : memref<128xi32, #tpu.memory_space<hbm>>) dst(%arg7 : memref<128xi32, #tpu.memory_space<vmem>>)
        tpu.yield
      }) : () -> ()
      %dma_start3A = arith.constant 0 : i32
      %dma_start3A_62 = arith.constant 0 : i32
      %dma_start3A_63 = tpu.memref_slice %arg2[%dma_start3A, %dma_start3A_62] : memref<4096x128xf32, #tpu.memory_space<hbm>> -> memref<4096x128xf32, #tpu.memory_space<hbm>>
      tpu.enqueue_indirect_dma source(%dma_start3A_63 : memref<4096x128xf32, #tpu.memory_space<hbm>>) target(%arg8 : memref<128x128xf32, #tpu.memory_space<vmem>>) offsets(%arg7 : memref<128xi32, #tpu.memory_space<vmem>>) semaphore(%arg13 : memref<!tpu.dma_semaphore, #tpu.memory_space<semaphore_mem>>)
      %dma_start3A_64 = arith.constant 0 : i32
      %dma_start3A_65 = arith.constant 0 : i32
      %dma_start3A_66 = tpu.memref_slice %arg3[%dma_start3A_64, %dma_start3A_65] : memref<4096x128xf32, #tpu.memory_space<hbm>> -> memref<4096x128xf32, #tpu.memory_space<hbm>>
      tpu.enqueue_indirect_dma source(%dma_start3A_66 : memref<4096x128xf32, #tpu.memory_space<hbm>>) target(%arg9 : memref<128x128xf32, #tpu.memory_space<vmem>>) offsets(%arg7 : memref<128xi32, #tpu.memory_space<vmem>>) semaphore(%arg14 : memref<!tpu.dma_semaphore, #tpu.memory_space<semaphore_mem>>)
      "tpu.region"() ({
        %run_scoped3A = tpu.sem_alloc : memref<!tpu.dma_semaphore, #tpu.memory_space<semaphore_mem>>
        %dma_start3A_84 = tpu.memref_slice %arg4[%add3A_15] : memref<98304xi32, #tpu.memory_space<hbm>> -> memref<128xi32, #tpu.memory_space<hbm>>
        %dma_start3A_85 = tpu.memref_slice %arg4[%add3A_15] : memref<98304xi32, #tpu.memory_space<hbm>> -> memref<128xi32, #tpu.memory_space<hbm>>
        tpu.enqueue_dma source(%dma_start3A_85 : memref<128xi32, #tpu.memory_space<hbm>>) target(%arg10 : memref<128xi32, #tpu.memory_space<vmem>>) target_semaphore(%run_scoped3A : memref<!tpu.dma_semaphore, #tpu.memory_space<semaphore_mem>>)
        %dma_wait3A_86 = tpu.memref_slice %arg4[%add3A_15] : memref<98304xi32, #tpu.memory_space<hbm>> -> memref<128xi32, #tpu.memory_space<hbm>>
        %dma_wait3A_87 = tpu.memref_slice %arg4[%add3A_15] : memref<98304xi32, #tpu.memory_space<hbm>> -> memref<128xi32, #tpu.memory_space<hbm>>
        tpu.wait_dma2 semaphore(%run_scoped3A : memref<!tpu.dma_semaphore, #tpu.memory_space<semaphore_mem>>) src(%dma_wait3A_87 : memref<128xi32, #tpu.memory_space<hbm>>) dst(%arg10 : memref<128xi32, #tpu.memory_space<vmem>>)
        tpu.yield
      }) : () -> ()
      %dma_start3A_67 = arith.constant 0 : i32
      %dma_start3A_68 = arith.constant 0 : i32
      %dma_start3A_69 = tpu.memref_slice %arg2[%dma_start3A_67, %dma_start3A_68] : memref<4096x128xf32, #tpu.memory_space<hbm>> -> memref<4096x128xf32, #tpu.memory_space<hbm>>
      tpu.enqueue_indirect_dma source(%dma_start3A_69 : memref<4096x128xf32, #tpu.memory_space<hbm>>) target(%arg11 : memref<128x128xf32, #tpu.memory_space<vmem>>) offsets(%arg10 : memref<128xi32, #tpu.memory_space<vmem>>) semaphore(%arg15 : memref<!tpu.dma_semaphore, #tpu.memory_space<semaphore_mem>>)
      %dma_start3A_70 = arith.constant 0 : i32
      %dma_start3A_71 = arith.constant 0 : i32
      %dma_start3A_72 = tpu.memref_slice %arg3[%dma_start3A_70, %dma_start3A_71] : memref<4096x128xf32, #tpu.memory_space<hbm>> -> memref<4096x128xf32, #tpu.memory_space<hbm>>
      tpu.enqueue_indirect_dma source(%dma_start3A_72 : memref<4096x128xf32, #tpu.memory_space<hbm>>) target(%arg12 : memref<128x128xf32, #tpu.memory_space<vmem>>) offsets(%arg10 : memref<128xi32, #tpu.memory_space<vmem>>) semaphore(%arg16 : memref<!tpu.dma_semaphore, #tpu.memory_space<semaphore_mem>>)
      %dma_wait3A = arith.constant 0 : i32
      %dma_wait3A_73 = arith.constant 0 : i32
      %dma_wait3A_74 = tpu.memref_slice %arg2[%dma_wait3A, %dma_wait3A_73] : memref<4096x128xf32, #tpu.memory_space<hbm>> -> memref<4096x128xf32, #tpu.memory_space<hbm>>
      tpu.wait_indirect_dma semaphore(%arg13 : memref<!tpu.dma_semaphore, #tpu.memory_space<semaphore_mem>>) src(%dma_wait3A_74 : memref<4096x128xf32, #tpu.memory_space<hbm>>) dst(%arg8 : memref<128x128xf32, #tpu.memory_space<vmem>>)
      %dma_wait3A_75 = arith.constant 0 : i32
      %dma_wait3A_76 = arith.constant 0 : i32
      %dma_wait3A_77 = tpu.memref_slice %arg3[%dma_wait3A_75, %dma_wait3A_76] : memref<4096x128xf32, #tpu.memory_space<hbm>> -> memref<4096x128xf32, #tpu.memory_space<hbm>>
      tpu.wait_indirect_dma semaphore(%arg14 : memref<!tpu.dma_semaphore, #tpu.memory_space<semaphore_mem>>) src(%dma_wait3A_77 : memref<4096x128xf32, #tpu.memory_space<hbm>>) dst(%arg9 : memref<128x128xf32, #tpu.memory_space<vmem>>)
      "tpu.region"() ({
        %run_scoped3A = tpu.sem_alloc : memref<!tpu.dma_semaphore, #tpu.memory_space<semaphore_mem>>
        %dma_start3A_84 = arith.constant 0 : i32
        %dma_start3A_85 = tpu.memref_slice %arg5[%sub3A_34, %select_n3A, %dma_start3A_84] : memref<4096x24x128xf32, #tpu.memory_space<hbm>> -> memref<128x1x128xf32, #tpu.memory_space<hbm>>
        %dma_start3A_86 = tpu.memref_squeeze %dma_start3A_85 : memref<128x1x128xf32, #tpu.memory_space<hbm>> -> memref<128x128xf32, #tpu.memory_space<hbm>>
        %dma_start3A_87 = arith.constant 0 : i32
        %dma_start3A_88 = tpu.memref_slice %arg5[%sub3A_34, %select_n3A, %dma_start3A_87] : memref<4096x24x128xf32, #tpu.memory_space<hbm>> -> memref<128x1x128xf32, #tpu.memory_space<hbm>>
        %dma_start3A_89 = tpu.memref_squeeze %dma_start3A_88 : memref<128x1x128xf32, #tpu.memory_space<hbm>> -> memref<128x128xf32, #tpu.memory_space<hbm>>
        tpu.enqueue_dma source(%arg8 : memref<128x128xf32, #tpu.memory_space<vmem>>) target(%dma_start3A_89 : memref<128x128xf32, #tpu.memory_space<hbm>>) target_semaphore(%run_scoped3A : memref<!tpu.dma_semaphore, #tpu.memory_space<semaphore_mem>>)
        %dma_wait3A_90 = arith.constant 0 : i32
        %dma_wait3A_91 = tpu.memref_slice %arg5[%sub3A_34, %select_n3A, %dma_wait3A_90] : memref<4096x24x128xf32, #tpu.memory_space<hbm>> -> memref<128x1x128xf32, #tpu.memory_space<hbm>>
        %dma_wait3A_92 = tpu.memref_squeeze %dma_wait3A_91 : memref<128x1x128xf32, #tpu.memory_space<hbm>> -> memref<128x128xf32, #tpu.memory_space<hbm>>
        %dma_wait3A_93 = arith.constant 0 : i32
        %dma_wait3A_94 = tpu.memref_slice %arg5[%sub3A_34, %select_n3A, %dma_wait3A_93] : memref<4096x24x128xf32, #tpu.memory_space<hbm>> -> memref<128x1x128xf32, #tpu.memory_space<hbm>>
        %dma_wait3A_95 = tpu.memref_squeeze %dma_wait3A_94 : memref<128x1x128xf32, #tpu.memory_space<hbm>> -> memref<128x128xf32, #tpu.memory_space<hbm>>
        tpu.wait_dma2 semaphore(%run_scoped3A : memref<!tpu.dma_semaphore, #tpu.memory_space<semaphore_mem>>) src(%arg8 : memref<128x128xf32, #tpu.memory_space<vmem>>) dst(%dma_wait3A_95 : memref<128x128xf32, #tpu.memory_space<hbm>>)
        tpu.yield
      }) : () -> ()
      "tpu.region"() ({
        %run_scoped3A = tpu.sem_alloc : memref<!tpu.dma_semaphore, #tpu.memory_space<semaphore_mem>>
        %dma_start3A_84 = arith.constant 0 : i32
        %dma_start3A_85 = tpu.memref_slice %arg6[%sub3A_34, %select_n3A, %dma_start3A_84] : memref<4096x24x128xf32, #tpu.memory_space<hbm>> -> memref<128x1x128xf32, #tpu.memory_space<hbm>>
        %dma_start3A_86 = tpu.memref_squeeze %dma_start3A_85 : memref<128x1x128xf32, #tpu.memory_space<hbm>> -> memref<128x128xf32, #tpu.memory_space<hbm>>
        %dma_start3A_87 = arith.constant 0 : i32
        %dma_start3A_88 = tpu.memref_slice %arg6[%sub3A_34, %select_n3A, %dma_start3A_87] : memref<4096x24x128xf32, #tpu.memory_space<hbm>> -> memref<128x1x128xf32, #tpu.memory_space<hbm>>
        %dma_start3A_89 = tpu.memref_squeeze %dma_start3A_88 : memref<128x1x128xf32, #tpu.memory_space<hbm>> -> memref<128x128xf32, #tpu.memory_space<hbm>>
        tpu.enqueue_dma source(%arg9 : memref<128x128xf32, #tpu.memory_space<vmem>>) target(%dma_start3A_89 : memref<128x128xf32, #tpu.memory_space<hbm>>) target_semaphore(%run_scoped3A : memref<!tpu.dma_semaphore, #tpu.memory_space<semaphore_mem>>)
        %dma_wait3A_90 = arith.constant 0 : i32
        %dma_wait3A_91 = tpu.memref_slice %arg6[%sub3A_34, %select_n3A, %dma_wait3A_90] : memref<4096x24x128xf32, #tpu.memory_space<hbm>> -> memref<128x1x128xf32, #tpu.memory_space<hbm>>
        %dma_wait3A_92 = tpu.memref_squeeze %dma_wait3A_91 : memref<128x1x128xf32, #tpu.memory_space<hbm>> -> memref<128x128xf32, #tpu.memory_space<hbm>>
        %dma_wait3A_93 = arith.constant 0 : i32
        %dma_wait3A_94 = tpu.memref_slice %arg6[%sub3A_34, %select_n3A, %dma_wait3A_93] : memref<4096x24x128xf32, #tpu.memory_space<hbm>> -> memref<128x1x128xf32, #tpu.memory_space<hbm>>
        %dma_wait3A_95 = tpu.memref_squeeze %dma_wait3A_94 : memref<128x1x128xf32, #tpu.memory_space<hbm>> -> memref<128x128xf32, #tpu.memory_space<hbm>>
        tpu.wait_dma2 semaphore(%run_scoped3A : memref<!tpu.dma_semaphore, #tpu.memory_space<semaphore_mem>>) src(%arg9 : memref<128x128xf32, #tpu.memory_space<vmem>>) dst(%dma_wait3A_95 : memref<128x128xf32, #tpu.memory_space<hbm>>)
        tpu.yield
      }) : () -> ()
      %dma_wait3A_78 = arith.constant 0 : i32
      %dma_wait3A_79 = arith.constant 0 : i32
      %dma_wait3A_80 = tpu.memref_slice %arg2[%dma_wait3A_78, %dma_wait3A_79] : memref<4096x128xf32, #tpu.memory_space<hbm>> -> memref<4096x128xf32, #tpu.memory_space<hbm>>
      tpu.wait_indirect_dma semaphore(%arg15 : memref<!tpu.dma_semaphore, #tpu.memory_space<semaphore_mem>>) src(%dma_wait3A_80 : memref<4096x128xf32, #tpu.memory_space<hbm>>) dst(%arg11 : memref<128x128xf32, #tpu.memory_space<vmem>>)
      %dma_wait3A_81 = arith.constant 0 : i32
      %dma_wait3A_82 = arith.constant 0 : i32
      %dma_wait3A_83 = tpu.memref_slice %arg3[%dma_wait3A_81, %dma_wait3A_82] : memref<4096x128xf32, #tpu.memory_space<hbm>> -> memref<4096x128xf32, #tpu.memory_space<hbm>>
      tpu.wait_indirect_dma semaphore(%arg16 : memref<!tpu.dma_semaphore, #tpu.memory_space<semaphore_mem>>) src(%dma_wait3A_83 : memref<4096x128xf32, #tpu.memory_space<hbm>>) dst(%arg12 : memref<128x128xf32, #tpu.memory_space<vmem>>)
      "tpu.region"() ({
        %run_scoped3A = tpu.sem_alloc : memref<!tpu.dma_semaphore, #tpu.memory_space<semaphore_mem>>
        %dma_start3A_84 = arith.constant 0 : i32
        %dma_start3A_85 = tpu.memref_slice %arg5[%sub3A_61, %select_n3A_58, %dma_start3A_84] : memref<4096x24x128xf32, #tpu.memory_space<hbm>> -> memref<128x1x128xf32, #tpu.memory_space<hbm>>
        %dma_start3A_86 = tpu.memref_squeeze %dma_start3A_85 : memref<128x1x128xf32, #tpu.memory_space<hbm>> -> memref<128x128xf32, #tpu.memory_space<hbm>>
        %dma_start3A_87 = arith.constant 0 : i32
        %dma_start3A_88 = tpu.memref_slice %arg5[%sub3A_61, %select_n3A_58, %dma_start3A_87] : memref<4096x24x128xf32, #tpu.memory_space<hbm>> -> memref<128x1x128xf32, #tpu.memory_space<hbm>>
        %dma_start3A_89 = tpu.memref_squeeze %dma_start3A_88 : memref<128x1x128xf32, #tpu.memory_space<hbm>> -> memref<128x128xf32, #tpu.memory_space<hbm>>
        tpu.enqueue_dma source(%arg11 : memref<128x128xf32, #tpu.memory_space<vmem>>) target(%dma_start3A_89 : memref<128x128xf32, #tpu.memory_space<hbm>>) target_semaphore(%run_scoped3A : memref<!tpu.dma_semaphore, #tpu.memory_space<semaphore_mem>>)
        %dma_wait3A_90 = arith.constant 0 : i32
        %dma_wait3A_91 = tpu.memref_slice %arg5[%sub3A_61, %select_n3A_58, %dma_wait3A_90] : memref<4096x24x128xf32, #tpu.memory_space<hbm>> -> memref<128x1x128xf32, #tpu.memory_space<hbm>>
        %dma_wait3A_92 = tpu.memref_squeeze %dma_wait3A_91 : memref<128x1x128xf32, #tpu.memory_space<hbm>> -> memref<128x128xf32, #tpu.memory_space<hbm>>
        %dma_wait3A_93 = arith.constant 0 : i32
        %dma_wait3A_94 = tpu.memref_slice %arg5[%sub3A_61, %select_n3A_58, %dma_wait3A_93] : memref<4096x24x128xf32, #tpu.memory_space<hbm>> -> memref<128x1x128xf32, #tpu.memory_space<hbm>>
        %dma_wait3A_95 = tpu.memref_squeeze %dma_wait3A_94 : memref<128x1x128xf32, #tpu.memory_space<hbm>> -> memref<128x128xf32, #tpu.memory_space<hbm>>
        tpu.wait_dma2 semaphore(%run_scoped3A : memref<!tpu.dma_semaphore, #tpu.memory_space<semaphore_mem>>) src(%arg11 : memref<128x128xf32, #tpu.memory_space<vmem>>) dst(%dma_wait3A_95 : memref<128x128xf32, #tpu.memory_space<hbm>>)
        tpu.yield
      }) : () -> ()
      "tpu.region"() ({
        %run_scoped3A = tpu.sem_alloc : memref<!tpu.dma_semaphore, #tpu.memory_space<semaphore_mem>>
        %dma_start3A_84 = arith.constant 0 : i32
        %dma_start3A_85 = tpu.memref_slice %arg6[%sub3A_61, %select_n3A_58, %dma_start3A_84] : memref<4096x24x128xf32, #tpu.memory_space<hbm>> -> memref<128x1x128xf32, #tpu.memory_space<hbm>>
        %dma_start3A_86 = tpu.memref_squeeze %dma_start3A_85 : memref<128x1x128xf32, #tpu.memory_space<hbm>> -> memref<128x128xf32, #tpu.memory_space<hbm>>
        %dma_start3A_87 = arith.constant 0 : i32
        %dma_start3A_88 = tpu.memref_slice %arg6[%sub3A_61, %select_n3A_58, %dma_start3A_87] : memref<4096x24x128xf32, #tpu.memory_space<hbm>> -> memref<128x1x128xf32, #tpu.memory_space<hbm>>
        %dma_start3A_89 = tpu.memref_squeeze %dma_start3A_88 : memref<128x1x128xf32, #tpu.memory_space<hbm>> -> memref<128x128xf32, #tpu.memory_space<hbm>>
        tpu.enqueue_dma source(%arg12 : memref<128x128xf32, #tpu.memory_space<vmem>>) target(%dma_start3A_89 : memref<128x128xf32, #tpu.memory_space<hbm>>) target_semaphore(%run_scoped3A : memref<!tpu.dma_semaphore, #tpu.memory_space<semaphore_mem>>)
        %dma_wait3A_90 = arith.constant 0 : i32
        %dma_wait3A_91 = tpu.memref_slice %arg6[%sub3A_61, %select_n3A_58, %dma_wait3A_90] : memref<4096x24x128xf32, #tpu.memory_space<hbm>> -> memref<128x1x128xf32, #tpu.memory_space<hbm>>
        %dma_wait3A_92 = tpu.memref_squeeze %dma_wait3A_91 : memref<128x1x128xf32, #tpu.memory_space<hbm>> -> memref<128x128xf32, #tpu.memory_space<hbm>>
        %dma_wait3A_93 = arith.constant 0 : i32
        %dma_wait3A_94 = tpu.memref_slice %arg6[%sub3A_61, %select_n3A_58, %dma_wait3A_93] : memref<4096x24x128xf32, #tpu.memory_space<hbm>> -> memref<128x1x128xf32, #tpu.memory_space<hbm>>
        %dma_wait3A_95 = tpu.memref_squeeze %dma_wait3A_94 : memref<128x1x128xf32, #tpu.memory_space<hbm>> -> memref<128x128xf32, #tpu.memory_space<hbm>>
        tpu.wait_dma2 semaphore(%run_scoped3A : memref<!tpu.dma_semaphore, #tpu.memory_space<semaphore_mem>>) src(%arg12 : memref<128x128xf32, #tpu.memory_space<vmem>>) dst(%dma_wait3A_95 : memref<128x128xf32, #tpu.memory_space<hbm>>)
        tpu.yield
      }) : () -> ()
    }
    %scan3A_7 = arith.constant 12 : i32
    return
  }
}

#map = affine_map<(d0, d1) -> (0, 0)>
#map1 = affine_map<(d0, d1) -> (0)>
#map2 = affine_map<(d0, d1) -> (0, 0, 0)>
module attributes {stable_mosaic.version = 14 : i64} {
  func.func @gather_kernel(%arg0: i32, %arg1: i32, %arg2: memref<4096x128xf32, #tpu.memory_space<hbm>>, %arg3: memref<4096x128xf32, #tpu.memory_space<hbm>>, %arg4: memref<98304xi32, #tpu.memory_space<hbm>>, %arg5: memref<4096x24x128xf32, #tpu.memory_space<hbm>>, %arg6: memref<4096x24x128xf32, #tpu.memory_space<hbm>>, %arg7: memref<128xi32, #tpu.memory_space<vmem>>, %arg8: memref<128x128xf32, #tpu.memory_space<vmem>>, %arg9: memref<128x128xf32, #tpu.memory_space<vmem>>, %arg10: memref<128xi32, #tpu.memory_space<vmem>>, %arg11: memref<128x128xf32, #tpu.memory_space<vmem>>, %arg12: memref<128x128xf32, #tpu.memory_space<vmem>>, %arg13: memref<!tpu.dma_semaphore, #tpu.memory_space<semaphore_mem>>, %arg14: memref<!tpu.dma_semaphore, #tpu.memory_space<semaphore_mem>>, %arg15: memref<!tpu.dma_semaphore, #tpu.memory_space<semaphore_mem>>, %arg16: memref<!tpu.dma_semaphore, #tpu.memory_space<semaphore_mem>>) attributes {dimension_semantics = [#tpu.dimension_semantics<core_parallel>, #tpu.dimension_semantics<subcore_parallel>], iteration_bounds = array<i64: 2, 16>, scalar_prefetch = 0 : i64, scratch_operands = 10 : i64, tpu.core_type = #tpu.core_type<sc_vector_subcore>, window_params = [{transform_indices = #map}, {transform_indices = #map}, {transform_indices = #map1}, {transform_indices = #map2}, {transform_indices = #map2}]} {
    %mul3A = arith.constant 2 : i32
    %mul3A_0 = arith.muli %arg1, %mul3A : i32
    %add3A = arith.addi %mul3A_0, %arg0 : i32
    %mul3A_1 = arith.constant 3072 : i32
    %mul3A_2 = arith.muli %add3A, %mul3A_1 : i32
    %scan3A = arith.constant 0 : i32
    %scan3A_3 = arith.constant 0 : i32
    %scan3A_4 = arith.constant 12 : i32
    %scan3A_5 = arith.addi %scan3A_3, %scan3A_4 : i32
    %scan3A_6 = arith.constant 1 : i32
    scf.for %scan3A_8 = %scan3A_3 to %scan3A_5 step %scan3A_6  : i32 {
      %mul3A_9 = arith.constant 2 : i32
      %mul3A_10 = arith.muli %mul3A_9, %scan3A_8 : i32
      %mul3A_11 = arith.constant 128 : i32
      %mul3A_12 = arith.muli %mul3A_10, %mul3A_11 : i32
      %add3A_13 = arith.addi %mul3A_2, %mul3A_12 : i32
      %add3A_14 = arith.constant 128 : i32
      %add3A_15 = arith.addi %add3A_13, %add3A_14 : i32
      %jit3A = arith.constant 4096 : i32
      %div3A = arith.divsi %add3A_13, %jit3A : i32
      %sign3A = arith.constant 0 : i32
      %sign3A_16 = arith.cmpi sgt, %add3A_13, %sign3A : i32
      %sign3A_17 = arith.extui %sign3A_16 : i1 to i32
      %sign3A_18 = arith.constant 0 : i32
      %sign3A_19 = arith.cmpi slt, %add3A_13, %sign3A_18 : i32
      %sign3A_20 = arith.extui %sign3A_19 : i1 to i32
      %sign3A_21 = arith.subi %sign3A_17, %sign3A_20 : i32
      %sign3A_22 = arith.constant 0 : i32
      %sign3A_23 = arith.cmpi sgt, %jit3A, %sign3A_22 : i32
      %sign3A_24 = arith.extui %sign3A_23 : i1 to i32
      %sign3A_25 = arith.constant 0 : i32
      %sign3A_26 = arith.cmpi slt, %jit3A, %sign3A_25 : i32
      %sign3A_27 = arith.extui %sign3A_26 : i1 to i32
      %sign3A_28 = arith.subi %sign3A_24, %sign3A_27 : i32
      %ne3A = arith.cmpi ne, %sign3A_21, %sign3A_28 : i32
      %rem3A = arith.remsi %add3A_13, %jit3A : i32
      %ne3A_29 = arith.constant 0 : i32
      %ne3A_30 = arith.cmpi ne, %rem3A, %ne3A_29 : i32
      %and3A = arith.andi %ne3A, %ne3A_30 : i1
      %sub3A = arith.constant 1 : i32
      %sub3A_31 = arith.subi %div3A, %sub3A : i32
      %select_n3A = arith.select %and3A, %sub3A_31, %div3A : i32
      %mul3A_32 = arith.constant 4096 : i32
      %mul3A_33 = arith.muli %select_n3A, %mul3A_32 : i32
      %sub3A_34 = arith.subi %add3A_13, %mul3A_33 : i32
      %jit3A_35 = arith.constant 4096 : i32
      %div3A_36 = arith.divsi %add3A_15, %jit3A_35 : i32
      %sign3A_37 = arith.constant 0 : i32
      %sign3A_38 = arith.cmpi sgt, %add3A_15, %sign3A_37 : i32
      %sign3A_39 = arith.extui %sign3A_38 : i1 to i32
      %sign3A_40 = arith.constant 0 : i32
      %sign3A_41 = arith.cmpi slt, %add3A_15, %sign3A_40 : i32
      %sign3A_42 = arith.extui %sign3A_41 : i1 to i32
      %sign3A_43 = arith.subi %sign3A_39, %sign3A_42 : i32
      %sign3A_44 = arith.constant 0 : i32
      %sign3A_45 = arith.cmpi sgt, %jit3A_35, %sign3A_44 : i32
      %sign3A_46 = arith.extui %sign3A_45 : i1 to i32
      %sign3A_47 = arith.constant 0 : i32
      %sign3A_48 = arith.cmpi slt, %jit3A_35, %sign3A_47 : i32
      %sign3A_49 = arith.extui %sign3A_48 : i1 to i32
      %sign3A_50 = arith.subi %sign3A_46, %sign3A_49 : i32
      %ne3A_51 = arith.cmpi ne, %sign3A_43, %sign3A_50 : i32
      %rem3A_52 = arith.remsi %add3A_15, %jit3A_35 : i32
      %ne3A_53 = arith.constant 0 : i32
      %ne3A_54 = arith.cmpi ne, %rem3A_52, %ne3A_53 : i32
      %and3A_55 = arith.andi %ne3A_51, %ne3A_54 : i1
      %sub3A_56 = arith.constant 1 : i32
      %sub3A_57 = arith.subi %div3A_36, %sub3A_56 : i32
      %select_n3A_58 = arith.select %and3A_55, %sub3A_57, %div3A_36 : i32
      %mul3A_59 = arith.constant 4096 : i32
      %mul3A_60 = arith.muli %select_n3A_58, %mul3A_59 : i32
      %sub3A_61 = arith.subi %add3A_15, %mul3A_60 : i32
      "tpu.region"() ({
        %run_scoped3A = tpu.sem_alloc : memref<!tpu.dma_semaphore, #tpu.memory_space<semaphore_mem>>
        %dma_start3A_84 = tpu.memref_slice %arg4[%add3A_13] : memref<98304xi32, #tpu.memory_space<hbm>> -> memref<128xi32, #tpu.memory_space<hbm>>
        %dma_start3A_85 = tpu.memref_slice %arg4[%add3A_13] : memref<98304xi32, #tpu.memory_space<hbm>> -> memref<128xi32, #tpu.memory_space<hbm>>
        tpu.enqueue_dma source(%dma_start3A_85 : memref<128xi32, #tpu.memory_space<hbm>>) target(%arg7 : memref<128xi32, #tpu.memory_space<vmem>>) target_semaphore(%run_scoped3A : memref<!tpu.dma_semaphore, #tpu.memory_space<semaphore_mem>>)
        %dma_wait3A_86 = tpu.memref_slice %arg4[%add3A_13] : memref<98304xi32, #tpu.memory_space<hbm>> -> memref<128xi32, #tpu.memory_space<hbm>>
        %dma_wait3A_87 = tpu.memref_slice %arg4[%add3A_13] : memref<98304xi32, #tpu.memory_space<hbm>> -> memref<128xi32, #tpu.memory_space<hbm>>
        tpu.wait_dma2 semaphore(%run_scoped3A : memref<!tpu.dma_semaphore, #tpu.memory_space<semaphore_mem>>) src(%dma_wait3A_87 : memref<128xi32, #tpu.memory_space<hbm>>) dst(%arg7 : memref<128xi32, #tpu.memory_space<vmem>>)
        tpu.yield
      }) : () -> ()
      %dma_start3A = arith.constant 0 : i32
      %dma_start3A_62 = arith.constant 0 : i32
      %dma_start3A_63 = tpu.memref_slice %arg2[%dma_start3A, %dma_start3A_62] : memref<4096x128xf32, #tpu.memory_space<hbm>> -> memref<4096x128xf32, #tpu.memory_space<hbm>>
      tpu.enqueue_indirect_dma source(%dma_start3A_63 : memref<4096x128xf32, #tpu.memory_space<hbm>>) target(%arg8 : memref<128x128xf32, #tpu.memory_space<vmem>>) offsets(%arg7 : memref<128xi32, #tpu.memory_space<vmem>>) semaphore(%arg13 : memref<!tpu.dma_semaphore, #tpu.memory_space<semaphore_mem>>)
      %dma_start3A_64 = arith.constant 0 : i32
      %dma_start3A_65 = arith.constant 0 : i32
      %dma_start3A_66 = tpu.memref_slice %arg3[%dma_start3A_64, %dma_start3A_65] : memref<4096x128xf32, #tpu.memory_space<hbm>> -> memref<4096x128xf32, #tpu.memory_space<hbm>>
      tpu.enqueue_indirect_dma source(%dma_start3A_66 : memref<4096x128xf32, #tpu.memory_space<hbm>>) target(%arg9 : memref<128x128xf32, #tpu.memory_space<vmem>>) offsets(%arg7 : memref<128xi32, #tpu.memory_space<vmem>>) semaphore(%arg14 : memref<!tpu.dma_semaphore, #tpu.memory_space<semaphore_mem>>)
      "tpu.region"() ({
        %run_scoped3A = tpu.sem_alloc : memref<!tpu.dma_semaphore, #tpu.memory_space<semaphore_mem>>
        %dma_start3A_84 = tpu.memref_slice %arg4[%add3A_15] : memref<98304xi32, #tpu.memory_space<hbm>> -> memref<128xi32, #tpu.memory_space<hbm>>
        %dma_start3A_85 = tpu.memref_slice %arg4[%add3A_15] : memref<98304xi32, #tpu.memory_space<hbm>> -> memref<128xi32, #tpu.memory_space<hbm>>
        tpu.enqueue_dma source(%dma_start3A_85 : memref<128xi32, #tpu.memory_space<hbm>>) target(%arg10 : memref<128xi32, #tpu.memory_space<vmem>>) target_semaphore(%run_scoped3A : memref<!tpu.dma_semaphore, #tpu.memory_space<semaphore_mem>>)
        %dma_wait3A_86 = tpu.memref_slice %arg4[%add3A_15] : memref<98304xi32, #tpu.memory_space<hbm>> -> memref<128xi32, #tpu.memory_space<hbm>>
        %dma_wait3A_87 = tpu.memref_slice %arg4[%add3A_15] : memref<98304xi32, #tpu.memory_space<hbm>> -> memref<128xi32, #tpu.memory_space<hbm>>
        tpu.wait_dma2 semaphore(%run_scoped3A : memref<!tpu.dma_semaphore, #tpu.memory_space<semaphore_mem>>) src(%dma_wait3A_87 : memref<128xi32, #tpu.memory_space<hbm>>) dst(%arg10 : memref<128xi32, #tpu.memory_space<vmem>>)
        tpu.yield
      }) : () -> ()
      %dma_start3A_67 = arith.constant 0 : i32
      %dma_start3A_68 = arith.constant 0 : i32
      %dma_start3A_69 = tpu.memref_slice %arg2[%dma_start3A_67, %dma_start3A_68] : memref<4096x128xf32, #tpu.memory_space<hbm>> -> memref<4096x128xf32, #tpu.memory_space<hbm>>
      tpu.enqueue_indirect_dma source(%dma_start3A_69 : memref<4096x128xf32, #tpu.memory_space<hbm>>) target(%arg11 : memref<128x128xf32, #tpu.memory_space<vmem>>) offsets(%arg10 : memref<128xi32, #tpu.memory_space<vmem>>) semaphore(%arg15 : memref<!tpu.dma_semaphore, #tpu.memory_space<semaphore_mem>>)
      %dma_start3A_70 = arith.constant 0 : i32
      %dma_start3A_71 = arith.constant 0 : i32
      %dma_start3A_72 = tpu.memref_slice %arg3[%dma_start3A_70, %dma_start3A_71] : memref<4096x128xf32, #tpu.memory_space<hbm>> -> memref<4096x128xf32, #tpu.memory_space<hbm>>
      tpu.enqueue_indirect_dma source(%dma_start3A_72 : memref<4096x128xf32, #tpu.memory_space<hbm>>) target(%arg12 : memref<128x128xf32, #tpu.memory_space<vmem>>) offsets(%arg10 : memref<128xi32, #tpu.memory_space<vmem>>) semaphore(%arg16 : memref<!tpu.dma_semaphore, #tpu.memory_space<semaphore_mem>>)
      %dma_wait3A = arith.constant 0 : i32
      %dma_wait3A_73 = arith.constant 0 : i32
      %dma_wait3A_74 = tpu.memref_slice %arg2[%dma_wait3A, %dma_wait3A_73] : memref<4096x128xf32, #tpu.memory_space<hbm>> -> memref<4096x128xf32, #tpu.memory_space<hbm>>
      tpu.wait_indirect_dma semaphore(%arg13 : memref<!tpu.dma_semaphore, #tpu.memory_space<semaphore_mem>>) src(%dma_wait3A_74 : memref<4096x128xf32, #tpu.memory_space<hbm>>) dst(%arg8 : memref<128x128xf32, #tpu.memory_space<vmem>>)
      %dma_wait3A_75 = arith.constant 0 : i32
      %dma_wait3A_76 = arith.constant 0 : i32
      %dma_wait3A_77 = tpu.memref_slice %arg3[%dma_wait3A_75, %dma_wait3A_76] : memref<4096x128xf32, #tpu.memory_space<hbm>> -> memref<4096x128xf32, #tpu.memory_space<hbm>>
      tpu.wait_indirect_dma semaphore(%arg14 : memref<!tpu.dma_semaphore, #tpu.memory_space<semaphore_mem>>) src(%dma_wait3A_77 : memref<4096x128xf32, #tpu.memory_space<hbm>>) dst(%arg9 : memref<128x128xf32, #tpu.memory_space<vmem>>)
      "tpu.region"() ({
        %run_scoped3A = tpu.sem_alloc : memref<!tpu.dma_semaphore, #tpu.memory_space<semaphore_mem>>
        %dma_start3A_84 = arith.constant 0 : i32
        %dma_start3A_85 = tpu.memref_slice %arg5[%sub3A_34, %select_n3A, %dma_start3A_84] : memref<4096x24x128xf32, #tpu.memory_space<hbm>> -> memref<128x1x128xf32, #tpu.memory_space<hbm>>
        %dma_start3A_86 = tpu.memref_squeeze %dma_start3A_85 : memref<128x1x128xf32, #tpu.memory_space<hbm>> -> memref<128x128xf32, #tpu.memory_space<hbm>>
        %dma_start3A_87 = arith.constant 0 : i32
        %dma_start3A_88 = tpu.memref_slice %arg5[%sub3A_34, %select_n3A, %dma_start3A_87] : memref<4096x24x128xf32, #tpu.memory_space<hbm>> -> memref<128x1x128xf32, #tpu.memory_space<hbm>>
        %dma_start3A_89 = tpu.memref_squeeze %dma_start3A_88 : memref<128x1x128xf32, #tpu.memory_space<hbm>> -> memref<128x128xf32, #tpu.memory_space<hbm>>
        tpu.enqueue_dma source(%arg8 : memref<128x128xf32, #tpu.memory_space<vmem>>) target(%dma_start3A_89 : memref<128x128xf32, #tpu.memory_space<hbm>>) target_semaphore(%run_scoped3A : memref<!tpu.dma_semaphore, #tpu.memory_space<semaphore_mem>>)
        %dma_wait3A_90 = arith.constant 0 : i32
        %dma_wait3A_91 = tpu.memref_slice %arg5[%sub3A_34, %select_n3A, %dma_wait3A_90] : memref<4096x24x128xf32, #tpu.memory_space<hbm>> -> memref<128x1x128xf32, #tpu.memory_space<hbm>>
        %dma_wait3A_92 = tpu.memref_squeeze %dma_wait3A_91 : memref<128x1x128xf32, #tpu.memory_space<hbm>> -> memref<128x128xf32, #tpu.memory_space<hbm>>
        %dma_wait3A_93 = arith.constant 0 : i32
        %dma_wait3A_94 = tpu.memref_slice %arg5[%sub3A_34, %select_n3A, %dma_wait3A_93] : memref<4096x24x128xf32, #tpu.memory_space<hbm>> -> memref<128x1x128xf32, #tpu.memory_space<hbm>>
        %dma_wait3A_95 = tpu.memref_squeeze %dma_wait3A_94 : memref<128x1x128xf32, #tpu.memory_space<hbm>> -> memref<128x128xf32, #tpu.memory_space<hbm>>
        tpu.wait_dma2 semaphore(%run_scoped3A : memref<!tpu.dma_semaphore, #tpu.memory_space<semaphore_mem>>) src(%arg8 : memref<128x128xf32, #tpu.memory_space<vmem>>) dst(%dma_wait3A_95 : memref<128x128xf32, #tpu.memory_space<hbm>>)
        tpu.yield
      }) : () -> ()
      "tpu.region"() ({
        %run_scoped3A = tpu.sem_alloc : memref<!tpu.dma_semaphore, #tpu.memory_space<semaphore_mem>>
        %dma_start3A_84 = arith.constant 0 : i32
        %dma_start3A_85 = tpu.memref_slice %arg6[%sub3A_34, %select_n3A, %dma_start3A_84] : memref<4096x24x128xf32, #tpu.memory_space<hbm>> -> memref<128x1x128xf32, #tpu.memory_space<hbm>>
        %dma_start3A_86 = tpu.memref_squeeze %dma_start3A_85 : memref<128x1x128xf32, #tpu.memory_space<hbm>> -> memref<128x128xf32, #tpu.memory_space<hbm>>
        %dma_start3A_87 = arith.constant 0 : i32
        %dma_start3A_88 = tpu.memref_slice %arg6[%sub3A_34, %select_n3A, %dma_start3A_87] : memref<4096x24x128xf32, #tpu.memory_space<hbm>> -> memref<128x1x128xf32, #tpu.memory_space<hbm>>
        %dma_start3A_89 = tpu.memref_squeeze %dma_start3A_88 : memref<128x1x128xf32, #tpu.memory_space<hbm>> -> memref<128x128xf32, #tpu.memory_space<hbm>>
        tpu.enqueue_dma source(%arg9 : memref<128x128xf32, #tpu.memory_space<vmem>>) target(%dma_start3A_89 : memref<128x128xf32, #tpu.memory_space<hbm>>) target_semaphore(%run_scoped3A : memref<!tpu.dma_semaphore, #tpu.memory_space<semaphore_mem>>)
        %dma_wait3A_90 = arith.constant 0 : i32
        %dma_wait3A_91 = tpu.memref_slice %arg6[%sub3A_34, %select_n3A, %dma_wait3A_90] : memref<4096x24x128xf32, #tpu.memory_space<hbm>> -> memref<128x1x128xf32, #tpu.memory_space<hbm>>
        %dma_wait3A_92 = tpu.memref_squeeze %dma_wait3A_91 : memref<128x1x128xf32, #tpu.memory_space<hbm>> -> memref<128x128xf32, #tpu.memory_space<hbm>>
        %dma_wait3A_93 = arith.constant 0 : i32
        %dma_wait3A_94 = tpu.memref_slice %arg6[%sub3A_34, %select_n3A, %dma_wait3A_93] : memref<4096x24x128xf32, #tpu.memory_space<hbm>> -> memref<128x1x128xf32, #tpu.memory_space<hbm>>
        %dma_wait3A_95 = tpu.memref_squeeze %dma_wait3A_94 : memref<128x1x128xf32, #tpu.memory_space<hbm>> -> memref<128x128xf32, #tpu.memory_space<hbm>>
        tpu.wait_dma2 semaphore(%run_scoped3A : memref<!tpu.dma_semaphore, #tpu.memory_space<semaphore_mem>>) src(%arg9 : memref<128x128xf32, #tpu.memory_space<vmem>>) dst(%dma_wait3A_95 : memref<128x128xf32, #tpu.memory_space<hbm>>)
        tpu.yield
      }) : () -> ()
      %dma_wait3A_78 = arith.constant 0 : i32
      %dma_wait3A_79 = arith.constant 0 : i32
      %dma_wait3A_80 = tpu.memref_slice %arg2[%dma_wait3A_78, %dma_wait3A_79] : memref<4096x128xf32, #tpu.memory_space<hbm>> -> memref<4096x128xf32, #tpu.memory_space<hbm>>
      tpu.wait_indirect_dma semaphore(%arg15 : memref<!tpu.dma_semaphore, #tpu.memory_space<semaphore_mem>>) src(%dma_wait3A_80 : memref<4096x128xf32, #tpu.memory_space<hbm>>) dst(%arg11 : memref<128x128xf32, #tpu.memory_space<vmem>>)
      %dma_wait3A_81 = arith.constant 0 : i32
      %dma_wait3A_82 = arith.constant 0 : i32
      %dma_wait3A_83 = tpu.memref_slice %arg3[%dma_wait3A_81, %dma_wait3A_82] : memref<4096x128xf32, #tpu.memory_space<hbm>> -> memref<4096x128xf32, #tpu.memory_space<hbm>>
      tpu.wait_indirect_dma semaphore(%arg16 : memref<!tpu.dma_semaphore, #tpu.memory_space<semaphore_mem>>) src(%dma_wait3A_83 : memref<4096x128xf32, #tpu.memory_space<hbm>>) dst(%arg12 : memref<128x128xf32, #tpu.memory_space<vmem>>)
      "tpu.region"() ({
        %run_scoped3A = tpu.sem_alloc : memref<!tpu.dma_semaphore, #tpu.memory_space<semaphore_mem>>
        %dma_start3A_84 = arith.constant 0 : i32
        %dma_start3A_85 = tpu.memref_slice %arg5[%sub3A_61, %select_n3A_58, %dma_start3A_84] : memref<4096x24x128xf32, #tpu.memory_space<hbm>> -> memref<128x1x128xf32, #tpu.memory_space<hbm>>
        %dma_start3A_86 = tpu.memref_squeeze %dma_start3A_85 : memref<128x1x128xf32, #tpu.memory_space<hbm>> -> memref<128x128xf32, #tpu.memory_space<hbm>>
        %dma_start3A_87 = arith.constant 0 : i32
        %dma_start3A_88 = tpu.memref_slice %arg5[%sub3A_61, %select_n3A_58, %dma_start3A_87] : memref<4096x24x128xf32, #tpu.memory_space<hbm>> -> memref<128x1x128xf32, #tpu.memory_space<hbm>>
        %dma_start3A_89 = tpu.memref_squeeze %dma_start3A_88 : memref<128x1x128xf32, #tpu.memory_space<hbm>> -> memref<128x128xf32, #tpu.memory_space<hbm>>
        tpu.enqueue_dma source(%arg11 : memref<128x128xf32, #tpu.memory_space<vmem>>) target(%dma_start3A_89 : memref<128x128xf32, #tpu.memory_space<hbm>>) target_semaphore(%run_scoped3A : memref<!tpu.dma_semaphore, #tpu.memory_space<semaphore_mem>>)
        %dma_wait3A_90 = arith.constant 0 : i32
        %dma_wait3A_91 = tpu.memref_slice %arg5[%sub3A_61, %select_n3A_58, %dma_wait3A_90] : memref<4096x24x128xf32, #tpu.memory_space<hbm>> -> memref<128x1x128xf32, #tpu.memory_space<hbm>>
        %dma_wait3A_92 = tpu.memref_squeeze %dma_wait3A_91 : memref<128x1x128xf32, #tpu.memory_space<hbm>> -> memref<128x128xf32, #tpu.memory_space<hbm>>
        %dma_wait3A_93 = arith.constant 0 : i32
        %dma_wait3A_94 = tpu.memref_slice %arg5[%sub3A_61, %select_n3A_58, %dma_wait3A_93] : memref<4096x24x128xf32, #tpu.memory_space<hbm>> -> memref<128x1x128xf32, #tpu.memory_space<hbm>>
        %dma_wait3A_95 = tpu.memref_squeeze %dma_wait3A_94 : memref<128x1x128xf32, #tpu.memory_space<hbm>> -> memref<128x128xf32, #tpu.memory_space<hbm>>
        tpu.wait_dma2 semaphore(%run_scoped3A : memref<!tpu.dma_semaphore, #tpu.memory_space<semaphore_mem>>) src(%arg11 : memref<128x128xf32, #tpu.memory_space<vmem>>) dst(%dma_wait3A_95 : memref<128x128xf32, #tpu.memory_space<hbm>>)
        tpu.yield
      }) : () -> ()
      "tpu.region"() ({
        %run_scoped3A = tpu.sem_alloc : memref<!tpu.dma_semaphore, #tpu.memory_space<semaphore_mem>>
        %dma_start3A_84 = arith.constant 0 : i32
        %dma_start3A_85 = tpu.memref_slice %arg6[%sub3A_61, %select_n3A_58, %dma_start3A_84] : memref<4096x24x128xf32, #tpu.memory_space<hbm>> -> memref<128x1x128xf32, #tpu.memory_space<hbm>>
        %dma_start3A_86 = tpu.memref_squeeze %dma_start3A_85 : memref<128x1x128xf32, #tpu.memory_space<hbm>> -> memref<128x128xf32, #tpu.memory_space<hbm>>
        %dma_start3A_87 = arith.constant 0 : i32
        %dma_start3A_88 = tpu.memref_slice %arg6[%sub3A_61, %select_n3A_58, %dma_start3A_87] : memref<4096x24x128xf32, #tpu.memory_space<hbm>> -> memref<128x1x128xf32, #tpu.memory_space<hbm>>
        %dma_start3A_89 = tpu.memref_squeeze %dma_start3A_88 : memref<128x1x128xf32, #tpu.memory_space<hbm>> -> memref<128x128xf32, #tpu.memory_space<hbm>>
        tpu.enqueue_dma source(%arg12 : memref<128x128xf32, #tpu.memory_space<vmem>>) target(%dma_start3A_89 : memref<128x128xf32, #tpu.memory_space<hbm>>) target_semaphore(%run_scoped3A : memref<!tpu.dma_semaphore, #tpu.memory_space<semaphore_mem>>)
        %dma_wait3A_90 = arith.constant 0 : i32
        %dma_wait3A_91 = tpu.memref_slice %arg6[%sub3A_61, %select_n3A_58, %dma_wait3A_90] : memref<4096x24x128xf32, #tpu.memory_space<hbm>> -> memref<128x1x128xf32, #tpu.memory_space<hbm>>
        %dma_wait3A_92 = tpu.memref_squeeze %dma_wait3A_91 : memref<128x1x128xf32, #tpu.memory_space<hbm>> -> memref<128x128xf32, #tpu.memory_space<hbm>>
        %dma_wait3A_93 = arith.constant 0 : i32
        %dma_wait3A_94 = tpu.memref_slice %arg6[%sub3A_61, %select_n3A_58, %dma_wait3A_93] : memref<4096x24x128xf32, #tpu.memory_space<hbm>> -> memref<128x1x128xf32, #tpu.memory_space<hbm>>
        %dma_wait3A_95 = tpu.memref_squeeze %dma_wait3A_94 : memref<128x1x128xf32, #tpu.memory_space<hbm>> -> memref<128x128xf32, #tpu.memory_space<hbm>>
        tpu.wait_dma2 semaphore(%run_scoped3A : memref<!tpu.dma_semaphore, #tpu.memory_space<semaphore_mem>>) src(%arg12 : memref<128x128xf32, #tpu.memory_space<vmem>>) dst(%dma_wait3A_95 : memref<128x128xf32, #tpu.memory_space<hbm>>)
        tpu.yield
      }) : () -> ()
    }
    %scan3A_7 = arith.constant 12 : i32
    return
  }
}

module attributes {stable_mosaic.version = 14 : i64} {
  func.func @_topk_body(%arg0: i32, %arg1: i32, %arg2: memref<1x512x128xf32, #tpu.memory_space<vmem>>, %arg3: memref<1x4096x128xf32, #tpu.memory_space<vmem>>, %arg4: memref<1x512x64xf32, #tpu.memory_space<vmem>>, %arg5: memref<64x128xf32, #tpu.memory_space<vmem>>, %arg6: memref<1x128xf32, #tpu.memory_space<vmem>>, %arg7: memref<8x128xf32, #tpu.memory_space<vmem>>, %arg8: memref<1x512x128xf32, #tpu.memory_space<vmem>>, %arg9: memref<1x24x512xi32, #tpu.memory_space<vmem>>, %arg10: memref<1x512x128xf32, #tpu.memory_space<vmem>>) attributes {dimension_semantics = [#tpu.dimension_semantics<parallel>, #tpu.dimension_semantics<parallel>], iteration_bounds = array<i64: 1, 8>, scalar_prefetch = 0 : i64, scratch_operands = 0 : i64, tpu.core_type = #tpu.core_type<tc>, window_params = [{transform_indices = @transform_0, window_bounds = array<i64: 1, 512, 128>}, {transform_indices = @transform_1, window_bounds = array<i64: 1, 4096, 128>}, {transform_indices = @transform_2, window_bounds = array<i64: 1, 512, 64>}, {pipeline_mode = #tpu.pipeline_mode<synchronous>, transform_indices = @transform_3, window_bounds = array<i64: 64, 128>}, {pipeline_mode = #tpu.pipeline_mode<synchronous>, transform_indices = @transform_4, window_bounds = array<i64: 1, 128>}, {pipeline_mode = #tpu.pipeline_mode<synchronous>, transform_indices = @transform_5, window_bounds = array<i64: 8, 128>}, {transform_indices = @transform_6, window_bounds = array<i64: 1, 512, 128>}, {transform_indices = @transform_7, window_bounds = array<i64: 1, 24, 512>}, {transform_indices = @transform_8, window_bounds = array<i64: 1, 512, 128>}]} {
    %get3A = arith.constant 0 : index
    %get3A_0 = arith.constant 0 : index
    %get3A_1 = arith.constant 0 : index
    %get3A_2 = vector.load %arg2[%get3A, %get3A_0, %get3A_1] : memref<1x512x128xf32, #tpu.memory_space<vmem>>, vector<1x512x128xf32>
    %get3A_3 = vector.shape_cast %get3A_2 : vector<1x512x128xf32> to vector<512x128xf32>
    %get3A_4 = arith.constant 0 : index
    %get3A_5 = arith.constant 0 : index
    %get3A_6 = arith.constant 0 : index
    %get3A_7 = vector.load %arg3[%get3A_4, %get3A_5, %get3A_6] : memref<1x4096x128xf32, #tpu.memory_space<vmem>>, vector<1x4096x128xf32>
    %get3A_8 = vector.shape_cast %get3A_7 : vector<1x4096x128xf32> to vector<4096x128xf32>
    %mul3A = arith.mulf %get3A_8, %get3A_8 : vector<4096x128xf32>
    %reduce_sum3A = arith.constant dense<0.000000e+00> : vector<4096xf32>
    %reduce_sum3A_9 = vector.multi_reduction <add>, %mul3A, %reduce_sum3A [1] : vector<4096x128xf32> to vector<4096xf32>
    %broadcast_in_dim3A = vector.shape_cast %reduce_sum3A_9 : vector<4096xf32> to vector<4096x1xf32>
    %convert_element_type3A = arith.truncf %get3A_8 : vector<4096x128xf32> to vector<4096x128xbf16>
    %convert_element_type3A_10 = arith.truncf %get3A_3 : vector<512x128xf32> to vector<512x128xbf16>
    %dot_general3A = arith.constant dense<0.000000e+00> : vector<4096x512xf32>
    %dot_general3A_11 = tpu.matmul %convert_element_type3A, %convert_element_type3A_10, %dot_general3A {dimension_numbers = #tpu.dot_dimension_numbers<[1], [1], [0], [0], [0, 0, 1, 0], [], []>, transpose_lhs_hint = false} : vector<4096x128xbf16>, vector<512x128xbf16>, vector<4096x512xf32> -> vector<4096x512xf32>
    %mul3A_12 = arith.constant 2.000000e+00 : f32
    %mul3A_13 = vector.broadcast %mul3A_12 : f32 to vector<4096x512xf32>
    %mul3A_14 = arith.mulf %mul3A_13, %dot_general3A_11 : vector<4096x512xf32>
    %sub3A = vector.broadcast %broadcast_in_dim3A : vector<4096x1xf32> to vector<4096x512xf32>
    %sub3A_15 = arith.subf %sub3A, %mul3A_14 : vector<4096x512xf32>
    %bitcast_convert_type3A = tpu.bitcast %sub3A_15 : vector<4096x512xf32> -> vector<4096x512xi32>
    %shift_right_arithmetic3A = arith.constant 31 : i32
    %shift_right_arithmetic3A_16 = vector.broadcast %shift_right_arithmetic3A : i32 to vector<4096x512xi32>
    %shift_right_arithmetic3A_17 = arith.shrsi %bitcast_convert_type3A, %shift_right_arithmetic3A_16 : vector<4096x512xi32>
    %and3A = arith.constant 2147483647 : i32
    %and3A_18 = vector.broadcast %and3A : i32 to vector<4096x512xi32>
    %and3A_19 = arith.andi %shift_right_arithmetic3A_17, %and3A_18 : vector<4096x512xi32>
    %xor3A = arith.xori %bitcast_convert_type3A, %and3A_19 : vector<4096x512xi32>
    %broadcast_in_dim3A_20 = arith.constant 2147483647 : i32
    %broadcast_in_dim3A_21 = vector.broadcast %broadcast_in_dim3A_20 : i32 to vector<128x512xi32>
    %slice3A = vector.extract_strided_slice %xor3A {offsets = [0, 0], sizes = [128, 512], strides = [1, 1]} : vector<4096x512xi32> to vector<128x512xi32>
    %and3A_22 = arith.constant -32 : i32
    %and3A_23 = vector.broadcast %and3A_22 : i32 to vector<128x512xi32>
    %and3A_24 = arith.andi %slice3A, %and3A_23 : vector<128x512xi32>
    %or3A = arith.constant 0 : i32
    %or3A_25 = vector.broadcast %or3A : i32 to vector<128x512xi32>
    %or3A_26 = arith.ori %and3A_24, %or3A_25 : vector<128x512xi32>
    %min3A = arith.minsi %broadcast_in_dim3A_21, %or3A_26 : vector<128x512xi32>
    %max3A = arith.maxsi %broadcast_in_dim3A_21, %or3A_26 : vector<128x512xi32>
    %min3A_27 = arith.minsi %broadcast_in_dim3A_21, %max3A : vector<128x512xi32>
    %max3A_28 = arith.maxsi %broadcast_in_dim3A_21, %max3A : vector<128x512xi32>
    %min3A_29 = arith.minsi %broadcast_in_dim3A_21, %max3A_28 : vector<128x512xi32>
    %max3A_30 = arith.maxsi %broadcast_in_dim3A_21, %max3A_28 : vector<128x512xi32>
    %min3A_31 = arith.minsi %broadcast_in_dim3A_21, %max3A_30 : vector<128x512xi32>
    %slice3A_32 = vector.extract_strided_slice %xor3A {offsets = [128, 0], sizes = [128, 512], strides = [1, 1]} : vector<4096x512xi32> to vector<128x512xi32>
    %and3A_33 = arith.constant -32 : i32
    %and3A_34 = vector.broadcast %and3A_33 : i32 to vector<128x512xi32>
    %and3A_35 = arith.andi %slice3A_32, %and3A_34 : vector<128x512xi32>
    %or3A_36 = arith.constant 1 : i32
    %or3A_37 = vector.broadcast %or3A_36 : i32 to vector<128x512xi32>
    %or3A_38 = arith.ori %and3A_35, %or3A_37 : vector<128x512xi32>
    %min3A_39 = arith.minsi %min3A, %or3A_38 : vector<128x512xi32>
    %max3A_40 = arith.maxsi %min3A, %or3A_38 : vector<128x512xi32>
    %min3A_41 = arith.minsi %min3A_27, %max3A_40 : vector<128x512xi32>
    %max3A_42 = arith.maxsi %min3A_27, %max3A_40 : vector<128x512xi32>
    %min3A_43 = arith.minsi %min3A_29, %max3A_42 : vector<128x512xi32>
    %max3A_44 = arith.maxsi %min3A_29, %max3A_42 : vector<128x512xi32>
    %min3A_45 = arith.minsi %min3A_31, %max3A_44 : vector<128x512xi32>
    %slice3A_46 = vector.extract_strided_slice %xor3A {offsets = [256, 0], sizes = [128, 512], strides = [1, 1]} : vector<4096x512xi32> to vector<128x512xi32>
    %and3A_47 = arith.constant -32 : i32
    %and3A_48 = vector.broadcast %and3A_47 : i32 to vector<128x512xi32>
    %and3A_49 = arith.andi %slice3A_46, %and3A_48 : vector<128x512xi32>
    %or3A_50 = arith.constant 2 : i32
    %or3A_51 = vector.broadcast %or3A_50 : i32 to vector<128x512xi32>
    %or3A_52 = arith.ori %and3A_49, %or3A_51 : vector<128x512xi32>
    %min3A_53 = arith.minsi %min3A_39, %or3A_52 : vector<128x512xi32>
    %max3A_54 = arith.maxsi %min3A_39, %or3A_52 : vector<128x512xi32>
    %min3A_55 = arith.minsi %min3A_41, %max3A_54 : vector<128x512xi32>
    %max3A_56 = arith.maxsi %min3A_41, %max3A_54 : vector<128x512xi32>
    %min3A_57 = arith.minsi %min3A_43, %max3A_56 : vector<128x512xi32>
    %max3A_58 = arith.maxsi %min3A_43, %max3A_56 : vector<128x512xi32>
    %min3A_59 = arith.minsi %min3A_45, %max3A_58 : vector<128x512xi32>
    %slice3A_60 = vector.extract_strided_slice %xor3A {offsets = [384, 0], sizes = [128, 512], strides = [1, 1]} : vector<4096x512xi32> to vector<128x512xi32>
    %and3A_61 = arith.constant -32 : i32
    %and3A_62 = vector.broadcast %and3A_61 : i32 to vector<128x512xi32>
    %and3A_63 = arith.andi %slice3A_60, %and3A_62 : vector<128x512xi32>
    %or3A_64 = arith.constant 3 : i32
    %or3A_65 = vector.broadcast %or3A_64 : i32 to vector<128x512xi32>
    %or3A_66 = arith.ori %and3A_63, %or3A_65 : vector<128x512xi32>
    %min3A_67 = arith.minsi %min3A_53, %or3A_66 : vector<128x512xi32>
    %max3A_68 = arith.maxsi %min3A_53, %or3A_66 : vector<128x512xi32>
    %min3A_69 = arith.minsi %min3A_55, %max3A_68 : vector<128x512xi32>
    %max3A_70 = arith.maxsi %min3A_55, %max3A_68 : vector<128x512xi32>
    %min3A_71 = arith.minsi %min3A_57, %max3A_70 : vector<128x512xi32>
    %max3A_72 = arith.maxsi %min3A_57, %max3A_70 : vector<128x512xi32>
    %min3A_73 = arith.minsi %min3A_59, %max3A_72 : vector<128x512xi32>
    %slice3A_74 = vector.extract_strided_slice %xor3A {offsets = [512, 0], sizes = [128, 512], strides = [1, 1]} : vector<4096x512xi32> to vector<128x512xi32>
    %and3A_75 = arith.constant -32 : i32
    %and3A_76 = vector.broadcast %and3A_75 : i32 to vector<128x512xi32>
    %and3A_77 = arith.andi %slice3A_74, %and3A_76 : vector<128x512xi32>
    %or3A_78 = arith.constant 4 : i32
    %or3A_79 = vector.broadcast %or3A_78 : i32 to vector<128x512xi32>
    %or3A_80 = arith.ori %and3A_77, %or3A_79 : vector<128x512xi32>
    %min3A_81 = arith.minsi %min3A_67, %or3A_80 : vector<128x512xi32>
    %max3A_82 = arith.maxsi %min3A_67, %or3A_80 : vector<128x512xi32>
    %min3A_83 = arith.minsi %min3A_69, %max3A_82 : vector<128x512xi32>
    %max3A_84 = arith.maxsi %min3A_69, %max3A_82 : vector<128x512xi32>
    %min3A_85 = arith.minsi %min3A_71, %max3A_84 : vector<128x512xi32>
    %max3A_86 = arith.maxsi %min3A_71, %max3A_84 : vector<128x512xi32>
    %min3A_87 = arith.minsi %min3A_73, %max3A_86 : vector<128x512xi32>
    %slice3A_88 = vector.extract_strided_slice %xor3A {offsets = [640, 0], sizes = [128, 512], strides = [1, 1]} : vector<4096x512xi32> to vector<128x512xi32>
    %and3A_89 = arith.constant -32 : i32
    %and3A_90 = vector.broadcast %and3A_89 : i32 to vector<128x512xi32>
    %and3A_91 = arith.andi %slice3A_88, %and3A_90 : vector<128x512xi32>
    %or3A_92 = arith.constant 5 : i32
    %or3A_93 = vector.broadcast %or3A_92 : i32 to vector<128x512xi32>
    %or3A_94 = arith.ori %and3A_91, %or3A_93 : vector<128x512xi32>
    %min3A_95 = arith.minsi %min3A_81, %or3A_94 : vector<128x512xi32>
    %max3A_96 = arith.maxsi %min3A_81, %or3A_94 : vector<128x512xi32>
    %min3A_97 = arith.minsi %min3A_83, %max3A_96 : vector<128x512xi32>
    %max3A_98 = arith.maxsi %min3A_83, %max3A_96 : vector<128x512xi32>
    %min3A_99 = arith.minsi %min3A_85, %max3A_98 : vector<128x512xi32>
    %max3A_100 = arith.maxsi %min3A_85, %max3A_98 : vector<128x512xi32>
    %min3A_101 = arith.minsi %min3A_87, %max3A_100 : vector<128x512xi32>
    %slice3A_102 = vector.extract_strided_slice %xor3A {offsets = [768, 0], sizes = [128, 512], strides = [1, 1]} : vector<4096x512xi32> to vector<128x512xi32>
    %and3A_103 = arith.constant -32 : i32
    %and3A_104 = vector.broadcast %and3A_103 : i32 to vector<128x512xi32>
    %and3A_105 = arith.andi %slice3A_102, %and3A_104 : vector<128x512xi32>
    %or3A_106 = arith.constant 6 : i32
    %or3A_107 = vector.broadcast %or3A_106 : i32 to vector<128x512xi32>
    %or3A_108 = arith.ori %and3A_105, %or3A_107 : vector<128x512xi32>
    %min3A_109 = arith.minsi %min3A_95, %or3A_108 : vector<128x512xi32>
    %max3A_110 = arith.maxsi %min3A_95, %or3A_108 : vector<128x512xi32>
    %min3A_111 = arith.minsi %min3A_97, %max3A_110 : vector<128x512xi32>
    %max3A_112 = arith.maxsi %min3A_97, %max3A_110 : vector<128x512xi32>
    %min3A_113 = arith.minsi %min3A_99, %max3A_112 : vector<128x512xi32>
    %max3A_114 = arith.maxsi %min3A_99, %max3A_112 : vector<128x512xi32>
    %min3A_115 = arith.minsi %min3A_101, %max3A_114 : vector<128x512xi32>
    %slice3A_116 = vector.extract_strided_slice %xor3A {offsets = [896, 0], sizes = [128, 512], strides = [1, 1]} : vector<4096x512xi32> to vector<128x512xi32>
    %and3A_117 = arith.constant -32 : i32
    %and3A_118 = vector.broadcast %and3A_117 : i32 to vector<128x512xi32>
    %and3A_119 = arith.andi %slice3A_116, %and3A_118 : vector<128x512xi32>
    %or3A_120 = arith.constant 7 : i32
    %or3A_121 = vector.broadcast %or3A_120 : i32 to vector<128x512xi32>
    %or3A_122 = arith.ori %and3A_119, %or3A_121 : vector<128x512xi32>
    %min3A_123 = arith.minsi %min3A_109, %or3A_122 : vector<128x512xi32>
    %max3A_124 = arith.maxsi %min3A_109, %or3A_122 : vector<128x512xi32>
    %min3A_125 = arith.minsi %min3A_111, %max3A_124 : vector<128x512xi32>
    %max3A_126 = arith.maxsi %min3A_111, %max3A_124 : vector<128x512xi32>
    %min3A_127 = arith.minsi %min3A_113, %max3A_126 : vector<128x512xi32>
    %max3A_128 = arith.maxsi %min3A_113, %max3A_126 : vector<128x512xi32>
    %min3A_129 = arith.minsi %min3A_115, %max3A_128 : vector<128x512xi32>
    %slice3A_130 = vector.extract_strided_slice %xor3A {offsets = [1024, 0], sizes = [128, 512], strides = [1, 1]} : vector<4096x512xi32> to vector<128x512xi32>
    %and3A_131 = arith.constant -32 : i32
    %and3A_132 = vector.broadcast %and3A_131 : i32 to vector<128x512xi32>
    %and3A_133 = arith.andi %slice3A_130, %and3A_132 : vector<128x512xi32>
    %or3A_134 = arith.constant 8 : i32
    %or3A_135 = vector.broadcast %or3A_134 : i32 to vector<128x512xi32>
    %or3A_136 = arith.ori %and3A_133, %or3A_135 : vector<128x512xi32>
    %min3A_137 = arith.minsi %min3A_123, %or3A_136 : vector<128x512xi32>
    %max3A_138 = arith.maxsi %min3A_123, %or3A_136 : vector<128x512xi32>
    %min3A_139 = arith.minsi %min3A_125, %max3A_138 : vector<128x512xi32>
    %max3A_140 = arith.maxsi %min3A_125, %max3A_138 : vector<128x512xi32>
    %min3A_141 = arith.minsi %min3A_127, %max3A_140 : vector<128x512xi32>
    %max3A_142 = arith.maxsi %min3A_127, %max3A_140 : vector<128x512xi32>
    %min3A_143 = arith.minsi %min3A_129, %max3A_142 : vector<128x512xi32>
    %slice3A_144 = vector.extract_strided_slice %xor3A {offsets = [1152, 0], sizes = [128, 512], strides = [1, 1]} : vector<4096x512xi32> to vector<128x512xi32>
    %and3A_145 = arith.constant -32 : i32
    %and3A_146 = vector.broadcast %and3A_145 : i32 to vector<128x512xi32>
    %and3A_147 = arith.andi %slice3A_144, %and3A_146 : vector<128x512xi32>
    %or3A_148 = arith.constant 9 : i32
    %or3A_149 = vector.broadcast %or3A_148 : i32 to vector<128x512xi32>
    %or3A_150 = arith.ori %and3A_147, %or3A_149 : vector<128x512xi32>
    %min3A_151 = arith.minsi %min3A_137, %or3A_150 : vector<128x512xi32>
    %max3A_152 = arith.maxsi %min3A_137, %or3A_150 : vector<128x512xi32>
    %min3A_153 = arith.minsi %min3A_139, %max3A_152 : vector<128x512xi32>
    %max3A_154 = arith.maxsi %min3A_139, %max3A_152 : vector<128x512xi32>
    %min3A_155 = arith.minsi %min3A_141, %max3A_154 : vector<128x512xi32>
    %max3A_156 = arith.maxsi %min3A_141, %max3A_154 : vector<128x512xi32>
    %min3A_157 = arith.minsi %min3A_143, %max3A_156 : vector<128x512xi32>
    %slice3A_158 = vector.extract_strided_slice %xor3A {offsets = [1280, 0], sizes = [128, 512], strides = [1, 1]} : vector<4096x512xi32> to vector<128x512xi32>
    %and3A_159 = arith.constant -32 : i32
    %and3A_160 = vector.broadcast %and3A_159 : i32 to vector<128x512xi32>
    %and3A_161 = arith.andi %slice3A_158, %and3A_160 : vector<128x512xi32>
    %or3A_162 = arith.constant 10 : i32
    %or3A_163 = vector.broadcast %or3A_162 : i32 to vector<128x512xi32>
    %or3A_164 = arith.ori %and3A_161, %or3A_163 : vector<128x512xi32>
    %min3A_165 = arith.minsi %min3A_151, %or3A_164 : vector<128x512xi32>
    %max3A_166 = arith.maxsi %min3A_151, %or3A_164 : vector<128x512xi32>
    %min3A_167 = arith.minsi %min3A_153, %max3A_166 : vector<128x512xi32>
    %max3A_168 = arith.maxsi %min3A_153, %max3A_166 : vector<128x512xi32>
    %min3A_169 = arith.minsi %min3A_155, %max3A_168 : vector<128x512xi32>
    %max3A_170 = arith.maxsi %min3A_155, %max3A_168 : vector<128x512xi32>
    %min3A_171 = arith.minsi %min3A_157, %max3A_170 : vector<128x512xi32>
    %slice3A_172 = vector.extract_strided_slice %xor3A {offsets = [1408, 0], sizes = [128, 512], strides = [1, 1]} : vector<4096x512xi32> to vector<128x512xi32>
    %and3A_173 = arith.constant -32 : i32
    %and3A_174 = vector.broadcast %and3A_173 : i32 to vector<128x512xi32>
    %and3A_175 = arith.andi %slice3A_172, %and3A_174 : vector<128x512xi32>
    %or3A_176 = arith.constant 11 : i32
    %or3A_177 = vector.broadcast %or3A_176 : i32 to vector<128x512xi32>
    %or3A_178 = arith.ori %and3A_175, %or3A_177 : vector<128x512xi32>
    %min3A_179 = arith.minsi %min3A_165, %or3A_178 : vector<128x512xi32>
    %max3A_180 = arith.maxsi %min3A_165, %or3A_178 : vector<128x512xi32>
    %min3A_181 = arith.minsi %min3A_167, %max3A_180 : vector<128x512xi32>
    %max3A_182 = arith.maxsi %min3A_167, %max3A_180 : vector<128x512xi32>
    %min3A_183 = arith.minsi %min3A_169, %max3A_182 : vector<128x512xi32>
    %max3A_184 = arith.maxsi %min3A_169, %max3A_182 : vector<128x512xi32>
    %min3A_185 = arith.minsi %min3A_171, %max3A_184 : vector<128x512xi32>
    %slice3A_186 = vector.extract_strided_slice %xor3A {offsets = [1536, 0], sizes = [128, 512], strides = [1, 1]} : vector<4096x512xi32> to vector<128x512xi32>
    %and3A_187 = arith.constant -32 : i32
    %and3A_188 = vector.broadcast %and3A_187 : i32 to vector<128x512xi32>
    %and3A_189 = arith.andi %slice3A_186, %and3A_188 : vector<128x512xi32>
    %or3A_190 = arith.constant 12 : i32
    %or3A_191 = vector.broadcast %or3A_190 : i32 to vector<128x512xi32>
    %or3A_192 = arith.ori %and3A_189, %or3A_191 : vector<128x512xi32>
    %min3A_193 = arith.minsi %min3A_179, %or3A_192 : vector<128x512xi32>
    %max3A_194 = arith.maxsi %min3A_179, %or3A_192 : vector<128x512xi32>
    %min3A_195 = arith.minsi %min3A_181, %max3A_194 : vector<128x512xi32>
    %max3A_196 = arith.maxsi %min3A_181, %max3A_194 : vector<128x512xi32>
    %min3A_197 = arith.minsi %min3A_183, %max3A_196 : vector<128x512xi32>
    %max3A_198 = arith.maxsi %min3A_183, %max3A_196 : vector<128x512xi32>
    %min3A_199 = arith.minsi %min3A_185, %max3A_198 : vector<128x512xi32>
    %slice3A_200 = vector.extract_strided_slice %xor3A {offsets = [1664, 0], sizes = [128, 512], strides = [1, 1]} : vector<4096x512xi32> to vector<128x512xi32>
    %and3A_201 = arith.constant -32 : i32
    %and3A_202 = vector.broadcast %and3A_201 : i32 to vector<128x512xi32>
    %and3A_203 = arith.andi %slice3A_200, %and3A_202 : vector<128x512xi32>
    %or3A_204 = arith.constant 13 : i32
    %or3A_205 = vector.broadcast %or3A_204 : i32 to vector<128x512xi32>
    %or3A_206 = arith.ori %and3A_203, %or3A_205 : vector<128x512xi32>
    %min3A_207 = arith.minsi %min3A_193, %or3A_206 : vector<128x512xi32>
    %max3A_208 = arith.maxsi %min3A_193, %or3A_206 : vector<128x512xi32>
    %min3A_209 = arith.minsi %min3A_195, %max3A_208 : vector<128x512xi32>
    %max3A_210 = arith.maxsi %min3A_195, %max3A_208 : vector<128x512xi32>
    %min3A_211 = arith.minsi %min3A_197, %max3A_210 : vector<128x512xi32>
    %max3A_212 = arith.maxsi %min3A_197, %max3A_210 : vector<128x512xi32>
    %min3A_213 = arith.minsi %min3A_199, %max3A_212 : vector<128x512xi32>
    %slice3A_214 = vector.extract_strided_slice %xor3A {offsets = [1792, 0], sizes = [128, 512], strides = [1, 1]} : vector<4096x512xi32> to vector<128x512xi32>
    %and3A_215 = arith.constant -32 : i32
    %and3A_216 = vector.broadcast %and3A_215 : i32 to vector<128x512xi32>
    %and3A_217 = arith.andi %slice3A_214, %and3A_216 : vector<128x512xi32>
    %or3A_218 = arith.constant 14 : i32
    %or3A_219 = vector.broadcast %or3A_218 : i32 to vector<128x512xi32>
    %or3A_220 = arith.ori %and3A_217, %or3A_219 : vector<128x512xi32>
    %min3A_221 = arith.minsi %min3A_207, %or3A_220 : vector<128x512xi32>
    %max3A_222 = arith.maxsi %min3A_207, %or3A_220 : vector<128x512xi32>
    %min3A_223 = arith.minsi %min3A_209, %max3A_222 : vector<128x512xi32>
    %max3A_224 = arith.maxsi %min3A_209, %max3A_222 : vector<128x512xi32>
    %min3A_225 = arith.minsi %min3A_211, %max3A_224 : vector<128x512xi32>
    %max3A_226 = arith.maxsi %min3A_211, %max3A_224 : vector<128x512xi32>
    %min3A_227 = arith.minsi %min3A_213, %max3A_226 : vector<128x512xi32>
    %slice3A_228 = vector.extract_strided_slice %xor3A {offsets = [1920, 0], sizes = [128, 512], strides = [1, 1]} : vector<4096x512xi32> to vector<128x512xi32>
    %and3A_229 = arith.constant -32 : i32
    %and3A_230 = vector.broadcast %and3A_229 : i32 to vector<128x512xi32>
    %and3A_231 = arith.andi %slice3A_228, %and3A_230 : vector<128x512xi32>
    %or3A_232 = arith.constant 15 : i32
    %or3A_233 = vector.broadcast %or3A_232 : i32 to vector<128x512xi32>
    %or3A_234 = arith.ori %and3A_231, %or3A_233 : vector<128x512xi32>
    %min3A_235 = arith.minsi %min3A_221, %or3A_234 : vector<128x512xi32>
    %max3A_236 = arith.maxsi %min3A_221, %or3A_234 : vector<128x512xi32>
    %min3A_237 = arith.minsi %min3A_223, %max3A_236 : vector<128x512xi32>
    %max3A_238 = arith.maxsi %min3A_223, %max3A_236 : vector<128x512xi32>
    %min3A_239 = arith.minsi %min3A_225, %max3A_238 : vector<128x512xi32>
    %max3A_240 = arith.maxsi %min3A_225, %max3A_238 : vector<128x512xi32>
    %min3A_241 = arith.minsi %min3A_227, %max3A_240 : vector<128x512xi32>
    %slice3A_242 = vector.extract_strided_slice %xor3A {offsets = [2048, 0], sizes = [128, 512], strides = [1, 1]} : vector<4096x512xi32> to vector<128x512xi32>
    %and3A_243 = arith.constant -32 : i32
    %and3A_244 = vector.broadcast %and3A_243 : i32 to vector<128x512xi32>
    %and3A_245 = arith.andi %slice3A_242, %and3A_244 : vector<128x512xi32>
    %or3A_246 = arith.constant 16 : i32
    %or3A_247 = vector.broadcast %or3A_246 : i32 to vector<128x512xi32>
    %or3A_248 = arith.ori %and3A_245, %or3A_247 : vector<128x512xi32>
    %min3A_249 = arith.minsi %min3A_235, %or3A_248 : vector<128x512xi32>
    %max3A_250 = arith.maxsi %min3A_235, %or3A_248 : vector<128x512xi32>
    %min3A_251 = arith.minsi %min3A_237, %max3A_250 : vector<128x512xi32>
    %max3A_252 = arith.maxsi %min3A_237, %max3A_250 : vector<128x512xi32>
    %min3A_253 = arith.minsi %min3A_239, %max3A_252 : vector<128x512xi32>
    %max3A_254 = arith.maxsi %min3A_239, %max3A_252 : vector<128x512xi32>
    %min3A_255 = arith.minsi %min3A_241, %max3A_254 : vector<128x512xi32>
    %slice3A_256 = vector.extract_strided_slice %xor3A {offsets = [2176, 0], sizes = [128, 512], strides = [1, 1]} : vector<4096x512xi32> to vector<128x512xi32>
    %and3A_257 = arith.constant -32 : i32
    %and3A_258 = vector.broadcast %and3A_257 : i32 to vector<128x512xi32>
    %and3A_259 = arith.andi %slice3A_256, %and3A_258 : vector<128x512xi32>
    %or3A_260 = arith.constant 17 : i32
    %or3A_261 = vector.broadcast %or3A_260 : i32 to vector<128x512xi32>
    %or3A_262 = arith.ori %and3A_259, %or3A_261 : vector<128x512xi32>
    %min3A_263 = arith.minsi %min3A_249, %or3A_262 : vector<128x512xi32>
    %max3A_264 = arith.maxsi %min3A_249, %or3A_262 : vector<128x512xi32>
    %min3A_265 = arith.minsi %min3A_251, %max3A_264 : vector<128x512xi32>
    %max3A_266 = arith.maxsi %min3A_251, %max3A_264 : vector<128x512xi32>
    %min3A_267 = arith.minsi %min3A_253, %max3A_266 : vector<128x512xi32>
    %max3A_268 = arith.maxsi %min3A_253, %max3A_266 : vector<128x512xi32>
    %min3A_269 = arith.minsi %min3A_255, %max3A_268 : vector<128x512xi32>
    %slice3A_270 = vector.extract_strided_slice %xor3A {offsets = [2304, 0], sizes = [128, 512], strides = [1, 1]} : vector<4096x512xi32> to vector<128x512xi32>
    %and3A_271 = arith.constant -32 : i32
    %and3A_272 = vector.broadcast %and3A_271 : i32 to vector<128x512xi32>
    %and3A_273 = arith.andi %slice3A_270, %and3A_272 : vector<128x512xi32>
    %or3A_274 = arith.constant 18 : i32
    %or3A_275 = vector.broadcast %or3A_274 : i32 to vector<128x512xi32>
    %or3A_276 = arith.ori %and3A_273, %or3A_275 : vector<128x512xi32>
    %min3A_277 = arith.minsi %min3A_263, %or3A_276 : vector<128x512xi32>
    %max3A_278 = arith.maxsi %min3A_263, %or3A_276 : vector<128x512xi32>
    %min3A_279 = arith.minsi %min3A_265, %max3A_278 : vector<128x512xi32>
    %max3A_280 = arith.maxsi %min3A_265, %max3A_278 : vector<128x512xi32>
    %min3A_281 = arith.minsi %min3A_267, %max3A_280 : vector<128x512xi32>
    %max3A_282 = arith.maxsi %min3A_267, %max3A_280 : vector<128x512xi32>
    %min3A_283 = arith.minsi %min3A_269, %max3A_282 : vector<128x512xi32>
    %slice3A_284 = vector.extract_strided_slice %xor3A {offsets = [2432, 0], sizes = [128, 512], strides = [1, 1]} : vector<4096x512xi32> to vector<128x512xi32>
    %and3A_285 = arith.constant -32 : i32
    %and3A_286 = vector.broadcast %and3A_285 : i32 to vector<128x512xi32>
    %and3A_287 = arith.andi %slice3A_284, %and3A_286 : vector<128x512xi32>
    %or3A_288 = arith.constant 19 : i32
    %or3A_289 = vector.broadcast %or3A_288 : i32 to vector<128x512xi32>
    %or3A_290 = arith.ori %and3A_287, %or3A_289 : vector<128x512xi32>
    %min3A_291 = arith.minsi %min3A_277, %or3A_290 : vector<128x512xi32>
    %max3A_292 = arith.maxsi %min3A_277, %or3A_290 : vector<128x512xi32>
    %min3A_293 = arith.minsi %min3A_279, %max3A_292 : vector<128x512xi32>
    %max3A_294 = arith.maxsi %min3A_279, %max3A_292 : vector<128x512xi32>
    %min3A_295 = arith.minsi %min3A_281, %max3A_294 : vector<128x512xi32>
    %max3A_296 = arith.maxsi %min3A_281, %max3A_294 : vector<128x512xi32>
    %min3A_297 = arith.minsi %min3A_283, %max3A_296 : vector<128x512xi32>
    %slice3A_298 = vector.extract_strided_slice %xor3A {offsets = [2560, 0], sizes = [128, 512], strides = [1, 1]} : vector<4096x512xi32> to vector<128x512xi32>
    %and3A_299 = arith.constant -32 : i32
    %and3A_300 = vector.broadcast %and3A_299 : i32 to vector<128x512xi32>
    %and3A_301 = arith.andi %slice3A_298, %and3A_300 : vector<128x512xi32>
    %or3A_302 = arith.constant 20 : i32
    %or3A_303 = vector.broadcast %or3A_302 : i32 to vector<128x512xi32>
    %or3A_304 = arith.ori %and3A_301, %or3A_303 : vector<128x512xi32>
    %min3A_305 = arith.minsi %min3A_291, %or3A_304 : vector<128x512xi32>
    %max3A_306 = arith.maxsi %min3A_291, %or3A_304 : vector<128x512xi32>
    %min3A_307 = arith.minsi %min3A_293, %max3A_306 : vector<128x512xi32>
    %max3A_308 = arith.maxsi %min3A_293, %max3A_306 : vector<128x512xi32>
    %min3A_309 = arith.minsi %min3A_295, %max3A_308 : vector<128x512xi32>
    %max3A_310 = arith.maxsi %min3A_295, %max3A_308 : vector<128x512xi32>
    %min3A_311 = arith.minsi %min3A_297, %max3A_310 : vector<128x512xi32>
    %slice3A_312 = vector.extract_strided_slice %xor3A {offsets = [2688, 0], sizes = [128, 512], strides = [1, 1]} : vector<4096x512xi32> to vector<128x512xi32>
    %and3A_313 = arith.constant -32 : i32
    %and3A_314 = vector.broadcast %and3A_313 : i32 to vector<128x512xi32>
    %and3A_315 = arith.andi %slice3A_312, %and3A_314 : vector<128x512xi32>
    %or3A_316 = arith.constant 21 : i32
    %or3A_317 = vector.broadcast %or3A_316 : i32 to vector<128x512xi32>
    %or3A_318 = arith.ori %and3A_315, %or3A_317 : vector<128x512xi32>
    %min3A_319 = arith.minsi %min3A_305, %or3A_318 : vector<128x512xi32>
    %max3A_320 = arith.maxsi %min3A_305, %or3A_318 : vector<128x512xi32>
    %min3A_321 = arith.minsi %min3A_307, %max3A_320 : vector<128x512xi32>
    %max3A_322 = arith.maxsi %min3A_307, %max3A_320 : vector<128x512xi32>
    %min3A_323 = arith.minsi %min3A_309, %max3A_322 : vector<128x512xi32>
    %max3A_324 = arith.maxsi %min3A_309, %max3A_322 : vector<128x512xi32>
    %min3A_325 = arith.minsi %min3A_311, %max3A_324 : vector<128x512xi32>
    %slice3A_326 = vector.extract_strided_slice %xor3A {offsets = [2816, 0], sizes = [128, 512], strides = [1, 1]} : vector<4096x512xi32> to vector<128x512xi32>
    %and3A_327 = arith.constant -32 : i32
    %and3A_328 = vector.broadcast %and3A_327 : i32 to vector<128x512xi32>
    %and3A_329 = arith.andi %slice3A_326, %and3A_328 : vector<128x512xi32>
    %or3A_330 = arith.constant 22 : i32
    %or3A_331 = vector.broadcast %or3A_330 : i32 to vector<128x512xi32>
    %or3A_332 = arith.ori %and3A_329, %or3A_331 : vector<128x512xi32>
    %min3A_333 = arith.minsi %min3A_319, %or3A_332 : vector<128x512xi32>
    %max3A_334 = arith.maxsi %min3A_319, %or3A_332 : vector<128x512xi32>
    %min3A_335 = arith.minsi %min3A_321, %max3A_334 : vector<128x512xi32>
    %max3A_336 = arith.maxsi %min3A_321, %max3A_334 : vector<128x512xi32>
    %min3A_337 = arith.minsi %min3A_323, %max3A_336 : vector<128x512xi32>
    %max3A_338 = arith.maxsi %min3A_323, %max3A_336 : vector<128x512xi32>
    %min3A_339 = arith.minsi %min3A_325, %max3A_338 : vector<128x512xi32>
    %slice3A_340 = vector.extract_strided_slice %xor3A {offsets = [2944, 0], sizes = [128, 512], strides = [1, 1]} : vector<4096x512xi32> to vector<128x512xi32>
    %and3A_341 = arith.constant -32 : i32
    %and3A_342 = vector.broadcast %and3A_341 : i32 to vector<128x512xi32>
    %and3A_343 = arith.andi %slice3A_340, %and3A_342 : vector<128x512xi32>
    %or3A_344 = arith.constant 23 : i32
    %or3A_345 = vector.broadcast %or3A_344 : i32 to vector<128x512xi32>
    %or3A_346 = arith.ori %and3A_343, %or3A_345 : vector<128x512xi32>
    %min3A_347 = arith.minsi %min3A_333, %or3A_346 : vector<128x512xi32>
    %max3A_348 = arith.maxsi %min3A_333, %or3A_346 : vector<128x512xi32>
    %min3A_349 = arith.minsi %min3A_335, %max3A_348 : vector<128x512xi32>
    %max3A_350 = arith.maxsi %min3A_335, %max3A_348 : vector<128x512xi32>
    %min3A_351 = arith.minsi %min3A_337, %max3A_350 : vector<128x512xi32>
    %max3A_352 = arith.maxsi %min3A_337, %max3A_350 : vector<128x512xi32>
    %min3A_353 = arith.minsi %min3A_339, %max3A_352 : vector<128x512xi32>
    %slice3A_354 = vector.extract_strided_slice %xor3A {offsets = [3072, 0], sizes = [128, 512], strides = [1, 1]} : vector<4096x512xi32> to vector<128x512xi32>
    %and3A_355 = arith.constant -32 : i32
    %and3A_356 = vector.broadcast %and3A_355 : i32 to vector<128x512xi32>
    %and3A_357 = arith.andi %slice3A_354, %and3A_356 : vector<128x512xi32>
    %or3A_358 = arith.constant 24 : i32
    %or3A_359 = vector.broadcast %or3A_358 : i32 to vector<128x512xi32>
    %or3A_360 = arith.ori %and3A_357, %or3A_359 : vector<128x512xi32>
    %min3A_361 = arith.minsi %min3A_347, %or3A_360 : vector<128x512xi32>
    %max3A_362 = arith.maxsi %min3A_347, %or3A_360 : vector<128x512xi32>
    %min3A_363 = arith.minsi %min3A_349, %max3A_362 : vector<128x512xi32>
    %max3A_364 = arith.maxsi %min3A_349, %max3A_362 : vector<128x512xi32>
    %min3A_365 = arith.minsi %min3A_351, %max3A_364 : vector<128x512xi32>
    %max3A_366 = arith.maxsi %min3A_351, %max3A_364 : vector<128x512xi32>
    %min3A_367 = arith.minsi %min3A_353, %max3A_366 : vector<128x512xi32>
    %slice3A_368 = vector.extract_strided_slice %xor3A {offsets = [3200, 0], sizes = [128, 512], strides = [1, 1]} : vector<4096x512xi32> to vector<128x512xi32>
    %and3A_369 = arith.constant -32 : i32
    %and3A_370 = vector.broadcast %and3A_369 : i32 to vector<128x512xi32>
    %and3A_371 = arith.andi %slice3A_368, %and3A_370 : vector<128x512xi32>
    %or3A_372 = arith.constant 25 : i32
    %or3A_373 = vector.broadcast %or3A_372 : i32 to vector<128x512xi32>
    %or3A_374 = arith.ori %and3A_371, %or3A_373 : vector<128x512xi32>
    %min3A_375 = arith.minsi %min3A_361, %or3A_374 : vector<128x512xi32>
    %max3A_376 = arith.maxsi %min3A_361, %or3A_374 : vector<128x512xi32>
    %min3A_377 = arith.minsi %min3A_363, %max3A_376 : vector<128x512xi32>
    %max3A_378 = arith.maxsi %min3A_363, %max3A_376 : vector<128x512xi32>
    %min3A_379 = arith.minsi %min3A_365, %max3A_378 : vector<128x512xi32>
    %max3A_380 = arith.maxsi %min3A_365, %max3A_378 : vector<128x512xi32>
    %min3A_381 = arith.minsi %min3A_367, %max3A_380 : vector<128x512xi32>
    %slice3A_382 = vector.extract_strided_slice %xor3A {offsets = [3328, 0], sizes = [128, 512], strides = [1, 1]} : vector<4096x512xi32> to vector<128x512xi32>
    %and3A_383 = arith.constant -32 : i32
    %and3A_384 = vector.broadcast %and3A_383 : i32 to vector<128x512xi32>
    %and3A_385 = arith.andi %slice3A_382, %and3A_384 : vector<128x512xi32>
    %or3A_386 = arith.constant 26 : i32
    %or3A_387 = vector.broadcast %or3A_386 : i32 to vector<128x512xi32>
    %or3A_388 = arith.ori %and3A_385, %or3A_387 : vector<128x512xi32>
    %min3A_389 = arith.minsi %min3A_375, %or3A_388 : vector<128x512xi32>
    %max3A_390 = arith.maxsi %min3A_375, %or3A_388 : vector<128x512xi32>
    %min3A_391 = arith.minsi %min3A_377, %max3A_390 : vector<128x512xi32>
    %max3A_392 = arith.maxsi %min3A_377, %max3A_390 : vector<128x512xi32>
    %min3A_393 = arith.minsi %min3A_379, %max3A_392 : vector<128x512xi32>
    %max3A_394 = arith.maxsi %min3A_379, %max3A_392 : vector<128x512xi32>
    %min3A_395 = arith.minsi %min3A_381, %max3A_394 : vector<128x512xi32>
    %slice3A_396 = vector.extract_strided_slice %xor3A {offsets = [3456, 0], sizes = [128, 512], strides = [1, 1]} : vector<4096x512xi32> to vector<128x512xi32>
    %and3A_397 = arith.constant -32 : i32
    %and3A_398 = vector.broadcast %and3A_397 : i32 to vector<128x512xi32>
    %and3A_399 = arith.andi %slice3A_396, %and3A_398 : vector<128x512xi32>
    %or3A_400 = arith.constant 27 : i32
    %or3A_401 = vector.broadcast %or3A_400 : i32 to vector<128x512xi32>
    %or3A_402 = arith.ori %and3A_399, %or3A_401 : vector<128x512xi32>
    %min3A_403 = arith.minsi %min3A_389, %or3A_402 : vector<128x512xi32>
    %max3A_404 = arith.maxsi %min3A_389, %or3A_402 : vector<128x512xi32>
    %min3A_405 = arith.minsi %min3A_391, %max3A_404 : vector<128x512xi32>
    %max3A_406 = arith.maxsi %min3A_391, %max3A_404 : vector<128x512xi32>
    %min3A_407 = arith.minsi %min3A_393, %max3A_406 : vector<128x512xi32>
    %max3A_408 = arith.maxsi %min3A_393, %max3A_406 : vector<128x512xi32>
    %min3A_409 = arith.minsi %min3A_395, %max3A_408 : vector<128x512xi32>
    %slice3A_410 = vector.extract_strided_slice %xor3A {offsets = [3584, 0], sizes = [128, 512], strides = [1, 1]} : vector<4096x512xi32> to vector<128x512xi32>
    %and3A_411 = arith.constant -32 : i32
    %and3A_412 = vector.broadcast %and3A_411 : i32 to vector<128x512xi32>
    %and3A_413 = arith.andi %slice3A_410, %and3A_412 : vector<128x512xi32>
    %or3A_414 = arith.constant 28 : i32
    %or3A_415 = vector.broadcast %or3A_414 : i32 to vector<128x512xi32>
    %or3A_416 = arith.ori %and3A_413, %or3A_415 : vector<128x512xi32>
    %min3A_417 = arith.minsi %min3A_403, %or3A_416 : vector<128x512xi32>
    %max3A_418 = arith.maxsi %min3A_403, %or3A_416 : vector<128x512xi32>
    %min3A_419 = arith.minsi %min3A_405, %max3A_418 : vector<128x512xi32>
    %max3A_420 = arith.maxsi %min3A_405, %max3A_418 : vector<128x512xi32>
    %min3A_421 = arith.minsi %min3A_407, %max3A_420 : vector<128x512xi32>
    %max3A_422 = arith.maxsi %min3A_407, %max3A_420 : vector<128x512xi32>
    %min3A_423 = arith.minsi %min3A_409, %max3A_422 : vector<128x512xi32>
    %slice3A_424 = vector.extract_strided_slice %xor3A {offsets = [3712, 0], sizes = [128, 512], strides = [1, 1]} : vector<4096x512xi32> to vector<128x512xi32>
    %and3A_425 = arith.constant -32 : i32
    %and3A_426 = vector.broadcast %and3A_425 : i32 to vector<128x512xi32>
    %and3A_427 = arith.andi %slice3A_424, %and3A_426 : vector<128x512xi32>
    %or3A_428 = arith.constant 29 : i32
    %or3A_429 = vector.broadcast %or3A_428 : i32 to vector<128x512xi32>
    %or3A_430 = arith.ori %and3A_427, %or3A_429 : vector<128x512xi32>
    %min3A_431 = arith.minsi %min3A_417, %or3A_430 : vector<128x512xi32>
    %max3A_432 = arith.maxsi %min3A_417, %or3A_430 : vector<128x512xi32>
    %min3A_433 = arith.minsi %min3A_419, %max3A_432 : vector<128x512xi32>
    %max3A_434 = arith.maxsi %min3A_419, %max3A_432 : vector<128x512xi32>
    %min3A_435 = arith.minsi %min3A_421, %max3A_434 : vector<128x512xi32>
    %max3A_436 = arith.maxsi %min3A_421, %max3A_434 : vector<128x512xi32>
    %min3A_437 = arith.minsi %min3A_423, %max3A_436 : vector<128x512xi32>
    %slice3A_438 = vector.extract_strided_slice %xor3A {offsets = [3840, 0], sizes = [128, 512], strides = [1, 1]} : vector<4096x512xi32> to vector<128x512xi32>
    %and3A_439 = arith.constant -32 : i32
    %and3A_440 = vector.broadcast %and3A_439 : i32 to vector<128x512xi32>
    %and3A_441 = arith.andi %slice3A_438, %and3A_440 : vector<128x512xi32>
    %or3A_442 = arith.constant 30 : i32
    %or3A_443 = vector.broadcast %or3A_442 : i32 to vector<128x512xi32>
    %or3A_444 = arith.ori %and3A_441, %or3A_443 : vector<128x512xi32>
    %min3A_445 = arith.minsi %min3A_431, %or3A_444 : vector<128x512xi32>
    %max3A_446 = arith.maxsi %min3A_431, %or3A_444 : vector<128x512xi32>
    %min3A_447 = arith.minsi %min3A_433, %max3A_446 : vector<128x512xi32>
    %max3A_448 = arith.maxsi %min3A_433, %max3A_446 : vector<128x512xi32>
    %min3A_449 = arith.minsi %min3A_435, %max3A_448 : vector<128x512xi32>
    %max3A_450 = arith.maxsi %min3A_435, %max3A_448 : vector<128x512xi32>
    %min3A_451 = arith.minsi %min3A_437, %max3A_450 : vector<128x512xi32>
    %slice3A_452 = vector.extract_strided_slice %xor3A {offsets = [3968, 0], sizes = [128, 512], strides = [1, 1]} : vector<4096x512xi32> to vector<128x512xi32>
    %and3A_453 = arith.constant -32 : i32
    %and3A_454 = vector.broadcast %and3A_453 : i32 to vector<128x512xi32>
    %and3A_455 = arith.andi %slice3A_452, %and3A_454 : vector<128x512xi32>
    %or3A_456 = arith.constant 31 : i32
    %or3A_457 = vector.broadcast %or3A_456 : i32 to vector<128x512xi32>
    %or3A_458 = arith.ori %and3A_455, %or3A_457 : vector<128x512xi32>
    %min3A_459 = arith.minsi %min3A_445, %or3A_458 : vector<128x512xi32>
    %max3A_460 = arith.maxsi %min3A_445, %or3A_458 : vector<128x512xi32>
    %min3A_461 = arith.minsi %min3A_447, %max3A_460 : vector<128x512xi32>
    %max3A_462 = arith.maxsi %min3A_447, %max3A_460 : vector<128x512xi32>
    %min3A_463 = arith.minsi %min3A_449, %max3A_462 : vector<128x512xi32>
    %max3A_464 = arith.maxsi %min3A_449, %max3A_462 : vector<128x512xi32>
    %min3A_465 = arith.minsi %min3A_451, %max3A_464 : vector<128x512xi32>
    %iota3A = tpu.iota {dimensions = array<i32: 0>} : vector<128x512xi32>
    %iota3A_466 = tpu.iota {dimensions = array<i32: 0>} : vector<24x512xi32>
    %broadcast_in_dim3A_467 = arith.constant 0 : i32
    %broadcast_in_dim3A_468 = vector.broadcast %broadcast_in_dim3A_467 : i32 to vector<24x512xi32>
    %reduce_min3A = arith.constant dense<2147483647> : vector<512xi32>
    %reduce_min3A_469 = vector.multi_reduction <minsi>, %min3A_459, %reduce_min3A [0] : vector<128x512xi32> to vector<512xi32>
    %broadcast_in_dim3A_470 = vector.shape_cast %reduce_min3A_469 : vector<512xi32> to vector<1x512xi32>
    %eq3A = vector.broadcast %broadcast_in_dim3A_470 : vector<1x512xi32> to vector<128x512xi32>
    %eq3A_471 = arith.cmpi eq, %min3A_459, %eq3A : vector<128x512xi32>
    %jit3A = arith.constant 128 : i32
    %broadcast_in_dim3A_472 = vector.broadcast %jit3A : i32 to vector<128x512xi32>
    %select_n3A = arith.select %eq3A_471, %iota3A, %broadcast_in_dim3A_472 : vector<128x512xi1>, vector<128x512xi32>
    %reduce_min3A_473 = arith.constant dense<2147483647> : vector<512xi32>
    %reduce_min3A_474 = vector.multi_reduction <minsi>, %select_n3A, %reduce_min3A_473 [0] : vector<128x512xi32> to vector<512xi32>
    %broadcast_in_dim3A_475 = vector.shape_cast %reduce_min3A_474 : vector<512xi32> to vector<1x512xi32>
    %and3A_476 = arith.constant 31 : i32
    %and3A_477 = vector.broadcast %and3A_476 : i32 to vector<1x512xi32>
    %and3A_478 = arith.andi %broadcast_in_dim3A_470, %and3A_477 : vector<1x512xi32>
    %mul3A_479 = arith.constant 128 : i32
    %mul3A_480 = vector.broadcast %mul3A_479 : i32 to vector<1x512xi32>
    %mul3A_481 = arith.muli %and3A_478, %mul3A_480 : vector<1x512xi32>
    %add3A = arith.addi %mul3A_481, %broadcast_in_dim3A_475 : vector<1x512xi32>
    %eq3A_482 = arith.constant 0 : i32
    %eq3A_483 = vector.broadcast %eq3A_482 : i32 to vector<24x512xi32>
    %eq3A_484 = arith.cmpi eq, %iota3A_466, %eq3A_483 : vector<24x512xi32>
    %broadcast_in_dim3A_485 = vector.shape_cast %add3A : vector<1x512xi32> to vector<1x512xi32>
    %broadcast_in_dim3A_486 = vector.broadcast %broadcast_in_dim3A_485 : vector<1x512xi32> to vector<24x512xi32>
    %select_n3A_487 = arith.select %eq3A_484, %broadcast_in_dim3A_486, %broadcast_in_dim3A_468 : vector<24x512xi1>, vector<24x512xi32>
    %eq3A_488 = vector.broadcast %broadcast_in_dim3A_475 : vector<1x512xi32> to vector<128x512xi32>
    %eq3A_489 = arith.cmpi eq, %iota3A, %eq3A_488 : vector<128x512xi32>
    %select_n3A_490 = arith.select %eq3A_489, %min3A_461, %min3A_459 : vector<128x512xi1>, vector<128x512xi32>
    %select_n3A_491 = arith.select %eq3A_489, %min3A_463, %min3A_461 : vector<128x512xi1>, vector<128x512xi32>
    %select_n3A_492 = arith.select %eq3A_489, %min3A_465, %min3A_463 : vector<128x512xi1>, vector<128x512xi32>
    %jit3A_493 = arith.constant 2147483647 : i32
    %broadcast_in_dim3A_494 = vector.broadcast %jit3A_493 : i32 to vector<128x512xi32>
    %select_n3A_495 = arith.select %eq3A_489, %broadcast_in_dim3A_494, %min3A_465 : vector<128x512xi1>, vector<128x512xi32>
    %reduce_min3A_496 = arith.constant dense<2147483647> : vector<512xi32>
    %reduce_min3A_497 = vector.multi_reduction <minsi>, %select_n3A_490, %reduce_min3A_496 [0] : vector<128x512xi32> to vector<512xi32>
    %broadcast_in_dim3A_498 = vector.shape_cast %reduce_min3A_497 : vector<512xi32> to vector<1x512xi32>
    %eq3A_499 = vector.broadcast %broadcast_in_dim3A_498 : vector<1x512xi32> to vector<128x512xi32>
    %eq3A_500 = arith.cmpi eq, %select_n3A_490, %eq3A_499 : vector<128x512xi32>
    %jit3A_501 = arith.constant 128 : i32
    %broadcast_in_dim3A_502 = vector.broadcast %jit3A_501 : i32 to vector<128x512xi32>
    %select_n3A_503 = arith.select %eq3A_500, %iota3A, %broadcast_in_dim3A_502 : vector<128x512xi1>, vector<128x512xi32>
    %reduce_min3A_504 = arith.constant dense<2147483647> : vector<512xi32>
    %reduce_min3A_505 = vector.multi_reduction <minsi>, %select_n3A_503, %reduce_min3A_504 [0] : vector<128x512xi32> to vector<512xi32>
    %broadcast_in_dim3A_506 = vector.shape_cast %reduce_min3A_505 : vector<512xi32> to vector<1x512xi32>
    %and3A_507 = arith.constant 31 : i32
    %and3A_508 = vector.broadcast %and3A_507 : i32 to vector<1x512xi32>
    %and3A_509 = arith.andi %broadcast_in_dim3A_498, %and3A_508 : vector<1x512xi32>
    %mul3A_510 = arith.constant 128 : i32
    %mul3A_511 = vector.broadcast %mul3A_510 : i32 to vector<1x512xi32>
    %mul3A_512 = arith.muli %and3A_509, %mul3A_511 : vector<1x512xi32>
    %add3A_513 = arith.addi %mul3A_512, %broadcast_in_dim3A_506 : vector<1x512xi32>
    %eq3A_514 = arith.constant 1 : i32
    %eq3A_515 = vector.broadcast %eq3A_514 : i32 to vector<24x512xi32>
    %eq3A_516 = arith.cmpi eq, %iota3A_466, %eq3A_515 : vector<24x512xi32>
    %broadcast_in_dim3A_517 = vector.shape_cast %add3A_513 : vector<1x512xi32> to vector<1x512xi32>
    %broadcast_in_dim3A_518 = vector.broadcast %broadcast_in_dim3A_517 : vector<1x512xi32> to vector<24x512xi32>
    %select_n3A_519 = arith.select %eq3A_516, %broadcast_in_dim3A_518, %select_n3A_487 : vector<24x512xi1>, vector<24x512xi32>
    %eq3A_520 = vector.broadcast %broadcast_in_dim3A_506 : vector<1x512xi32> to vector<128x512xi32>
    %eq3A_521 = arith.cmpi eq, %iota3A, %eq3A_520 : vector<128x512xi32>
    %select_n3A_522 = arith.select %eq3A_521, %select_n3A_491, %select_n3A_490 : vector<128x512xi1>, vector<128x512xi32>
    %select_n3A_523 = arith.select %eq3A_521, %select_n3A_492, %select_n3A_491 : vector<128x512xi1>, vector<128x512xi32>
    %select_n3A_524 = arith.select %eq3A_521, %select_n3A_495, %select_n3A_492 : vector<128x512xi1>, vector<128x512xi32>
    %jit3A_525 = arith.constant 2147483647 : i32
    %broadcast_in_dim3A_526 = vector.broadcast %jit3A_525 : i32 to vector<128x512xi32>
    %select_n3A_527 = arith.select %eq3A_521, %broadcast_in_dim3A_526, %select_n3A_495 : vector<128x512xi1>, vector<128x512xi32>
    %reduce_min3A_528 = arith.constant dense<2147483647> : vector<512xi32>
    %reduce_min3A_529 = vector.multi_reduction <minsi>, %select_n3A_522, %reduce_min3A_528 [0] : vector<128x512xi32> to vector<512xi32>
    %broadcast_in_dim3A_530 = vector.shape_cast %reduce_min3A_529 : vector<512xi32> to vector<1x512xi32>
    %eq3A_531 = vector.broadcast %broadcast_in_dim3A_530 : vector<1x512xi32> to vector<128x512xi32>
    %eq3A_532 = arith.cmpi eq, %select_n3A_522, %eq3A_531 : vector<128x512xi32>
    %jit3A_533 = arith.constant 128 : i32
    %broadcast_in_dim3A_534 = vector.broadcast %jit3A_533 : i32 to vector<128x512xi32>
    %select_n3A_535 = arith.select %eq3A_532, %iota3A, %broadcast_in_dim3A_534 : vector<128x512xi1>, vector<128x512xi32>
    %reduce_min3A_536 = arith.constant dense<2147483647> : vector<512xi32>
    %reduce_min3A_537 = vector.multi_reduction <minsi>, %select_n3A_535, %reduce_min3A_536 [0] : vector<128x512xi32> to vector<512xi32>
    %broadcast_in_dim3A_538 = vector.shape_cast %reduce_min3A_537 : vector<512xi32> to vector<1x512xi32>
    %and3A_539 = arith.constant 31 : i32
    %and3A_540 = vector.broadcast %and3A_539 : i32 to vector<1x512xi32>
    %and3A_541 = arith.andi %broadcast_in_dim3A_530, %and3A_540 : vector<1x512xi32>
    %mul3A_542 = arith.constant 128 : i32
    %mul3A_543 = vector.broadcast %mul3A_542 : i32 to vector<1x512xi32>
    %mul3A_544 = arith.muli %and3A_541, %mul3A_543 : vector<1x512xi32>
    %add3A_545 = arith.addi %mul3A_544, %broadcast_in_dim3A_538 : vector<1x512xi32>
    %eq3A_546 = arith.constant 2 : i32
    %eq3A_547 = vector.broadcast %eq3A_546 : i32 to vector<24x512xi32>
    %eq3A_548 = arith.cmpi eq, %iota3A_466, %eq3A_547 : vector<24x512xi32>
    %broadcast_in_dim3A_549 = vector.shape_cast %add3A_545 : vector<1x512xi32> to vector<1x512xi32>
    %broadcast_in_dim3A_550 = vector.broadcast %broadcast_in_dim3A_549 : vector<1x512xi32> to vector<24x512xi32>
    %select_n3A_551 = arith.select %eq3A_548, %broadcast_in_dim3A_550, %select_n3A_519 : vector<24x512xi1>, vector<24x512xi32>
    %eq3A_552 = vector.broadcast %broadcast_in_dim3A_538 : vector<1x512xi32> to vector<128x512xi32>
    %eq3A_553 = arith.cmpi eq, %iota3A, %eq3A_552 : vector<128x512xi32>
    %select_n3A_554 = arith.select %eq3A_553, %select_n3A_523, %select_n3A_522 : vector<128x512xi1>, vector<128x512xi32>
    %select_n3A_555 = arith.select %eq3A_553, %select_n3A_524, %select_n3A_523 : vector<128x512xi1>, vector<128x512xi32>
    %select_n3A_556 = arith.select %eq3A_553, %select_n3A_527, %select_n3A_524 : vector<128x512xi1>, vector<128x512xi32>
    %jit3A_557 = arith.constant 2147483647 : i32
    %broadcast_in_dim3A_558 = vector.broadcast %jit3A_557 : i32 to vector<128x512xi32>
    %select_n3A_559 = arith.select %eq3A_553, %broadcast_in_dim3A_558, %select_n3A_527 : vector<128x512xi1>, vector<128x512xi32>
    %reduce_min3A_560 = arith.constant dense<2147483647> : vector<512xi32>
    %reduce_min3A_561 = vector.multi_reduction <minsi>, %select_n3A_554, %reduce_min3A_560 [0] : vector<128x512xi32> to vector<512xi32>
    %broadcast_in_dim3A_562 = vector.shape_cast %reduce_min3A_561 : vector<512xi32> to vector<1x512xi32>
    %eq3A_563 = vector.broadcast %broadcast_in_dim3A_562 : vector<1x512xi32> to vector<128x512xi32>
    %eq3A_564 = arith.cmpi eq, %select_n3A_554, %eq3A_563 : vector<128x512xi32>
    %jit3A_565 = arith.constant 128 : i32
    %broadcast_in_dim3A_566 = vector.broadcast %jit3A_565 : i32 to vector<128x512xi32>
    %select_n3A_567 = arith.select %eq3A_564, %iota3A, %broadcast_in_dim3A_566 : vector<128x512xi1>, vector<128x512xi32>
    %reduce_min3A_568 = arith.constant dense<2147483647> : vector<512xi32>
    %reduce_min3A_569 = vector.multi_reduction <minsi>, %select_n3A_567, %reduce_min3A_568 [0] : vector<128x512xi32> to vector<512xi32>
    %broadcast_in_dim3A_570 = vector.shape_cast %reduce_min3A_569 : vector<512xi32> to vector<1x512xi32>
    %and3A_571 = arith.constant 31 : i32
    %and3A_572 = vector.broadcast %and3A_571 : i32 to vector<1x512xi32>
    %and3A_573 = arith.andi %broadcast_in_dim3A_562, %and3A_572 : vector<1x512xi32>
    %mul3A_574 = arith.constant 128 : i32
    %mul3A_575 = vector.broadcast %mul3A_574 : i32 to vector<1x512xi32>
    %mul3A_576 = arith.muli %and3A_573, %mul3A_575 : vector<1x512xi32>
    %add3A_577 = arith.addi %mul3A_576, %broadcast_in_dim3A_570 : vector<1x512xi32>
    %eq3A_578 = arith.constant 3 : i32
    %eq3A_579 = vector.broadcast %eq3A_578 : i32 to vector<24x512xi32>
    %eq3A_580 = arith.cmpi eq, %iota3A_466, %eq3A_579 : vector<24x512xi32>
    %broadcast_in_dim3A_581 = vector.shape_cast %add3A_577 : vector<1x512xi32> to vector<1x512xi32>
    %broadcast_in_dim3A_582 = vector.broadcast %broadcast_in_dim3A_581 : vector<1x512xi32> to vector<24x512xi32>
    %select_n3A_583 = arith.select %eq3A_580, %broadcast_in_dim3A_582, %select_n3A_551 : vector<24x512xi1>, vector<24x512xi32>
    %eq3A_584 = vector.broadcast %broadcast_in_dim3A_570 : vector<1x512xi32> to vector<128x512xi32>
    %eq3A_585 = arith.cmpi eq, %iota3A, %eq3A_584 : vector<128x512xi32>
    %select_n3A_586 = arith.select %eq3A_585, %select_n3A_555, %select_n3A_554 : vector<128x512xi1>, vector<128x512xi32>
    %select_n3A_587 = arith.select %eq3A_585, %select_n3A_556, %select_n3A_555 : vector<128x512xi1>, vector<128x512xi32>
    %select_n3A_588 = arith.select %eq3A_585, %select_n3A_559, %select_n3A_556 : vector<128x512xi1>, vector<128x512xi32>
    %jit3A_589 = arith.constant 2147483647 : i32
    %broadcast_in_dim3A_590 = vector.broadcast %jit3A_589 : i32 to vector<128x512xi32>
    %select_n3A_591 = arith.select %eq3A_585, %broadcast_in_dim3A_590, %select_n3A_559 : vector<128x512xi1>, vector<128x512xi32>
    %reduce_min3A_592 = arith.constant dense<2147483647> : vector<512xi32>
    %reduce_min3A_593 = vector.multi_reduction <minsi>, %select_n3A_586, %reduce_min3A_592 [0] : vector<128x512xi32> to vector<512xi32>
    %broadcast_in_dim3A_594 = vector.shape_cast %reduce_min3A_593 : vector<512xi32> to vector<1x512xi32>
    %eq3A_595 = vector.broadcast %broadcast_in_dim3A_594 : vector<1x512xi32> to vector<128x512xi32>
    %eq3A_596 = arith.cmpi eq, %select_n3A_586, %eq3A_595 : vector<128x512xi32>
    %jit3A_597 = arith.constant 128 : i32
    %broadcast_in_dim3A_598 = vector.broadcast %jit3A_597 : i32 to vector<128x512xi32>
    %select_n3A_599 = arith.select %eq3A_596, %iota3A, %broadcast_in_dim3A_598 : vector<128x512xi1>, vector<128x512xi32>
    %reduce_min3A_600 = arith.constant dense<2147483647> : vector<512xi32>
    %reduce_min3A_601 = vector.multi_reduction <minsi>, %select_n3A_599, %reduce_min3A_600 [0] : vector<128x512xi32> to vector<512xi32>
    %broadcast_in_dim3A_602 = vector.shape_cast %reduce_min3A_601 : vector<512xi32> to vector<1x512xi32>
    %and3A_603 = arith.constant 31 : i32
    %and3A_604 = vector.broadcast %and3A_603 : i32 to vector<1x512xi32>
    %and3A_605 = arith.andi %broadcast_in_dim3A_594, %and3A_604 : vector<1x512xi32>
    %mul3A_606 = arith.constant 128 : i32
    %mul3A_607 = vector.broadcast %mul3A_606 : i32 to vector<1x512xi32>
    %mul3A_608 = arith.muli %and3A_605, %mul3A_607 : vector<1x512xi32>
    %add3A_609 = arith.addi %mul3A_608, %broadcast_in_dim3A_602 : vector<1x512xi32>
    %eq3A_610 = arith.constant 4 : i32
    %eq3A_611 = vector.broadcast %eq3A_610 : i32 to vector<24x512xi32>
    %eq3A_612 = arith.cmpi eq, %iota3A_466, %eq3A_611 : vector<24x512xi32>
    %broadcast_in_dim3A_613 = vector.shape_cast %add3A_609 : vector<1x512xi32> to vector<1x512xi32>
    %broadcast_in_dim3A_614 = vector.broadcast %broadcast_in_dim3A_613 : vector<1x512xi32> to vector<24x512xi32>
    %select_n3A_615 = arith.select %eq3A_612, %broadcast_in_dim3A_614, %select_n3A_583 : vector<24x512xi1>, vector<24x512xi32>
    %eq3A_616 = vector.broadcast %broadcast_in_dim3A_602 : vector<1x512xi32> to vector<128x512xi32>
    %eq3A_617 = arith.cmpi eq, %iota3A, %eq3A_616 : vector<128x512xi32>
    %select_n3A_618 = arith.select %eq3A_617, %select_n3A_587, %select_n3A_586 : vector<128x512xi1>, vector<128x512xi32>
    %select_n3A_619 = arith.select %eq3A_617, %select_n3A_588, %select_n3A_587 : vector<128x512xi1>, vector<128x512xi32>
    %select_n3A_620 = arith.select %eq3A_617, %select_n3A_591, %select_n3A_588 : vector<128x512xi1>, vector<128x512xi32>
    %jit3A_621 = arith.constant 2147483647 : i32
    %broadcast_in_dim3A_622 = vector.broadcast %jit3A_621 : i32 to vector<128x512xi32>
    %select_n3A_623 = arith.select %eq3A_617, %broadcast_in_dim3A_622, %select_n3A_591 : vector<128x512xi1>, vector<128x512xi32>
    %reduce_min3A_624 = arith.constant dense<2147483647> : vector<512xi32>
    %reduce_min3A_625 = vector.multi_reduction <minsi>, %select_n3A_618, %reduce_min3A_624 [0] : vector<128x512xi32> to vector<512xi32>
    %broadcast_in_dim3A_626 = vector.shape_cast %reduce_min3A_625 : vector<512xi32> to vector<1x512xi32>
    %eq3A_627 = vector.broadcast %broadcast_in_dim3A_626 : vector<1x512xi32> to vector<128x512xi32>
    %eq3A_628 = arith.cmpi eq, %select_n3A_618, %eq3A_627 : vector<128x512xi32>
    %jit3A_629 = arith.constant 128 : i32
    %broadcast_in_dim3A_630 = vector.broadcast %jit3A_629 : i32 to vector<128x512xi32>
    %select_n3A_631 = arith.select %eq3A_628, %iota3A, %broadcast_in_dim3A_630 : vector<128x512xi1>, vector<128x512xi32>
    %reduce_min3A_632 = arith.constant dense<2147483647> : vector<512xi32>
    %reduce_min3A_633 = vector.multi_reduction <minsi>, %select_n3A_631, %reduce_min3A_632 [0] : vector<128x512xi32> to vector<512xi32>
    %broadcast_in_dim3A_634 = vector.shape_cast %reduce_min3A_633 : vector<512xi32> to vector<1x512xi32>
    %and3A_635 = arith.constant 31 : i32
    %and3A_636 = vector.broadcast %and3A_635 : i32 to vector<1x512xi32>
    %and3A_637 = arith.andi %broadcast_in_dim3A_626, %and3A_636 : vector<1x512xi32>
    %mul3A_638 = arith.constant 128 : i32
    %mul3A_639 = vector.broadcast %mul3A_638 : i32 to vector<1x512xi32>
    %mul3A_640 = arith.muli %and3A_637, %mul3A_639 : vector<1x512xi32>
    %add3A_641 = arith.addi %mul3A_640, %broadcast_in_dim3A_634 : vector<1x512xi32>
    %eq3A_642 = arith.constant 5 : i32
    %eq3A_643 = vector.broadcast %eq3A_642 : i32 to vector<24x512xi32>
    %eq3A_644 = arith.cmpi eq, %iota3A_466, %eq3A_643 : vector<24x512xi32>
    %broadcast_in_dim3A_645 = vector.shape_cast %add3A_641 : vector<1x512xi32> to vector<1x512xi32>
    %broadcast_in_dim3A_646 = vector.broadcast %broadcast_in_dim3A_645 : vector<1x512xi32> to vector<24x512xi32>
    %select_n3A_647 = arith.select %eq3A_644, %broadcast_in_dim3A_646, %select_n3A_615 : vector<24x512xi1>, vector<24x512xi32>
    %eq3A_648 = vector.broadcast %broadcast_in_dim3A_634 : vector<1x512xi32> to vector<128x512xi32>
    %eq3A_649 = arith.cmpi eq, %iota3A, %eq3A_648 : vector<128x512xi32>
    %select_n3A_650 = arith.select %eq3A_649, %select_n3A_619, %select_n3A_618 : vector<128x512xi1>, vector<128x512xi32>
    %select_n3A_651 = arith.select %eq3A_649, %select_n3A_620, %select_n3A_619 : vector<128x512xi1>, vector<128x512xi32>
    %select_n3A_652 = arith.select %eq3A_649, %select_n3A_623, %select_n3A_620 : vector<128x512xi1>, vector<128x512xi32>
    %jit3A_653 = arith.constant 2147483647 : i32
    %broadcast_in_dim3A_654 = vector.broadcast %jit3A_653 : i32 to vector<128x512xi32>
    %select_n3A_655 = arith.select %eq3A_649, %broadcast_in_dim3A_654, %select_n3A_623 : vector<128x512xi1>, vector<128x512xi32>
    %reduce_min3A_656 = arith.constant dense<2147483647> : vector<512xi32>
    %reduce_min3A_657 = vector.multi_reduction <minsi>, %select_n3A_650, %reduce_min3A_656 [0] : vector<128x512xi32> to vector<512xi32>
    %broadcast_in_dim3A_658 = vector.shape_cast %reduce_min3A_657 : vector<512xi32> to vector<1x512xi32>
    %eq3A_659 = vector.broadcast %broadcast_in_dim3A_658 : vector<1x512xi32> to vector<128x512xi32>
    %eq3A_660 = arith.cmpi eq, %select_n3A_650, %eq3A_659 : vector<128x512xi32>
    %jit3A_661 = arith.constant 128 : i32
    %broadcast_in_dim3A_662 = vector.broadcast %jit3A_661 : i32 to vector<128x512xi32>
    %select_n3A_663 = arith.select %eq3A_660, %iota3A, %broadcast_in_dim3A_662 : vector<128x512xi1>, vector<128x512xi32>
    %reduce_min3A_664 = arith.constant dense<2147483647> : vector<512xi32>
    %reduce_min3A_665 = vector.multi_reduction <minsi>, %select_n3A_663, %reduce_min3A_664 [0] : vector<128x512xi32> to vector<512xi32>
    %broadcast_in_dim3A_666 = vector.shape_cast %reduce_min3A_665 : vector<512xi32> to vector<1x512xi32>
    %and3A_667 = arith.constant 31 : i32
    %and3A_668 = vector.broadcast %and3A_667 : i32 to vector<1x512xi32>
    %and3A_669 = arith.andi %broadcast_in_dim3A_658, %and3A_668 : vector<1x512xi32>
    %mul3A_670 = arith.constant 128 : i32
    %mul3A_671 = vector.broadcast %mul3A_670 : i32 to vector<1x512xi32>
    %mul3A_672 = arith.muli %and3A_669, %mul3A_671 : vector<1x512xi32>
    %add3A_673 = arith.addi %mul3A_672, %broadcast_in_dim3A_666 : vector<1x512xi32>
    %eq3A_674 = arith.constant 6 : i32
    %eq3A_675 = vector.broadcast %eq3A_674 : i32 to vector<24x512xi32>
    %eq3A_676 = arith.cmpi eq, %iota3A_466, %eq3A_675 : vector<24x512xi32>
    %broadcast_in_dim3A_677 = vector.shape_cast %add3A_673 : vector<1x512xi32> to vector<1x512xi32>
    %broadcast_in_dim3A_678 = vector.broadcast %broadcast_in_dim3A_677 : vector<1x512xi32> to vector<24x512xi32>
    %select_n3A_679 = arith.select %eq3A_676, %broadcast_in_dim3A_678, %select_n3A_647 : vector<24x512xi1>, vector<24x512xi32>
    %eq3A_680 = vector.broadcast %broadcast_in_dim3A_666 : vector<1x512xi32> to vector<128x512xi32>
    %eq3A_681 = arith.cmpi eq, %iota3A, %eq3A_680 : vector<128x512xi32>
    %select_n3A_682 = arith.select %eq3A_681, %select_n3A_651, %select_n3A_650 : vector<128x512xi1>, vector<128x512xi32>
    %select_n3A_683 = arith.select %eq3A_681, %select_n3A_652, %select_n3A_651 : vector<128x512xi1>, vector<128x512xi32>
    %select_n3A_684 = arith.select %eq3A_681, %select_n3A_655, %select_n3A_652 : vector<128x512xi1>, vector<128x512xi32>
    %jit3A_685 = arith.constant 2147483647 : i32
    %broadcast_in_dim3A_686 = vector.broadcast %jit3A_685 : i32 to vector<128x512xi32>
    %select_n3A_687 = arith.select %eq3A_681, %broadcast_in_dim3A_686, %select_n3A_655 : vector<128x512xi1>, vector<128x512xi32>
    %reduce_min3A_688 = arith.constant dense<2147483647> : vector<512xi32>
    %reduce_min3A_689 = vector.multi_reduction <minsi>, %select_n3A_682, %reduce_min3A_688 [0] : vector<128x512xi32> to vector<512xi32>
    %broadcast_in_dim3A_690 = vector.shape_cast %reduce_min3A_689 : vector<512xi32> to vector<1x512xi32>
    %eq3A_691 = vector.broadcast %broadcast_in_dim3A_690 : vector<1x512xi32> to vector<128x512xi32>
    %eq3A_692 = arith.cmpi eq, %select_n3A_682, %eq3A_691 : vector<128x512xi32>
    %jit3A_693 = arith.constant 128 : i32
    %broadcast_in_dim3A_694 = vector.broadcast %jit3A_693 : i32 to vector<128x512xi32>
    %select_n3A_695 = arith.select %eq3A_692, %iota3A, %broadcast_in_dim3A_694 : vector<128x512xi1>, vector<128x512xi32>
    %reduce_min3A_696 = arith.constant dense<2147483647> : vector<512xi32>
    %reduce_min3A_697 = vector.multi_reduction <minsi>, %select_n3A_695, %reduce_min3A_696 [0] : vector<128x512xi32> to vector<512xi32>
    %broadcast_in_dim3A_698 = vector.shape_cast %reduce_min3A_697 : vector<512xi32> to vector<1x512xi32>
    %and3A_699 = arith.constant 31 : i32
    %and3A_700 = vector.broadcast %and3A_699 : i32 to vector<1x512xi32>
    %and3A_701 = arith.andi %broadcast_in_dim3A_690, %and3A_700 : vector<1x512xi32>
    %mul3A_702 = arith.constant 128 : i32
    %mul3A_703 = vector.broadcast %mul3A_702 : i32 to vector<1x512xi32>
    %mul3A_704 = arith.muli %and3A_701, %mul3A_703 : vector<1x512xi32>
    %add3A_705 = arith.addi %mul3A_704, %broadcast_in_dim3A_698 : vector<1x512xi32>
    %eq3A_706 = arith.constant 7 : i32
    %eq3A_707 = vector.broadcast %eq3A_706 : i32 to vector<24x512xi32>
    %eq3A_708 = arith.cmpi eq, %iota3A_466, %eq3A_707 : vector<24x512xi32>
    %broadcast_in_dim3A_709 = vector.shape_cast %add3A_705 : vector<1x512xi32> to vector<1x512xi32>
    %broadcast_in_dim3A_710 = vector.broadcast %broadcast_in_dim3A_709 : vector<1x512xi32> to vector<24x512xi32>
    %select_n3A_711 = arith.select %eq3A_708, %broadcast_in_dim3A_710, %select_n3A_679 : vector<24x512xi1>, vector<24x512xi32>
    %eq3A_712 = vector.broadcast %broadcast_in_dim3A_698 : vector<1x512xi32> to vector<128x512xi32>
    %eq3A_713 = arith.cmpi eq, %iota3A, %eq3A_712 : vector<128x512xi32>
    %select_n3A_714 = arith.select %eq3A_713, %select_n3A_683, %select_n3A_682 : vector<128x512xi1>, vector<128x512xi32>
    %select_n3A_715 = arith.select %eq3A_713, %select_n3A_684, %select_n3A_683 : vector<128x512xi1>, vector<128x512xi32>
    %select_n3A_716 = arith.select %eq3A_713, %select_n3A_687, %select_n3A_684 : vector<128x512xi1>, vector<128x512xi32>
    %jit3A_717 = arith.constant 2147483647 : i32
    %broadcast_in_dim3A_718 = vector.broadcast %jit3A_717 : i32 to vector<128x512xi32>
    %select_n3A_719 = arith.select %eq3A_713, %broadcast_in_dim3A_718, %select_n3A_687 : vector<128x512xi1>, vector<128x512xi32>
    %reduce_min3A_720 = arith.constant dense<2147483647> : vector<512xi32>
    %reduce_min3A_721 = vector.multi_reduction <minsi>, %select_n3A_714, %reduce_min3A_720 [0] : vector<128x512xi32> to vector<512xi32>
    %broadcast_in_dim3A_722 = vector.shape_cast %reduce_min3A_721 : vector<512xi32> to vector<1x512xi32>
    %eq3A_723 = vector.broadcast %broadcast_in_dim3A_722 : vector<1x512xi32> to vector<128x512xi32>
    %eq3A_724 = arith.cmpi eq, %select_n3A_714, %eq3A_723 : vector<128x512xi32>
    %jit3A_725 = arith.constant 128 : i32
    %broadcast_in_dim3A_726 = vector.broadcast %jit3A_725 : i32 to vector<128x512xi32>
    %select_n3A_727 = arith.select %eq3A_724, %iota3A, %broadcast_in_dim3A_726 : vector<128x512xi1>, vector<128x512xi32>
    %reduce_min3A_728 = arith.constant dense<2147483647> : vector<512xi32>
    %reduce_min3A_729 = vector.multi_reduction <minsi>, %select_n3A_727, %reduce_min3A_728 [0] : vector<128x512xi32> to vector<512xi32>
    %broadcast_in_dim3A_730 = vector.shape_cast %reduce_min3A_729 : vector<512xi32> to vector<1x512xi32>
    %and3A_731 = arith.constant 31 : i32
    %and3A_732 = vector.broadcast %and3A_731 : i32 to vector<1x512xi32>
    %and3A_733 = arith.andi %broadcast_in_dim3A_722, %and3A_732 : vector<1x512xi32>
    %mul3A_734 = arith.constant 128 : i32
    %mul3A_735 = vector.broadcast %mul3A_734 : i32 to vector<1x512xi32>
    %mul3A_736 = arith.muli %and3A_733, %mul3A_735 : vector<1x512xi32>
    %add3A_737 = arith.addi %mul3A_736, %broadcast_in_dim3A_730 : vector<1x512xi32>
    %eq3A_738 = arith.constant 8 : i32
    %eq3A_739 = vector.broadcast %eq3A_738 : i32 to vector<24x512xi32>
    %eq3A_740 = arith.cmpi eq, %iota3A_466, %eq3A_739 : vector<24x512xi32>
    %broadcast_in_dim3A_741 = vector.shape_cast %add3A_737 : vector<1x512xi32> to vector<1x512xi32>
    %broadcast_in_dim3A_742 = vector.broadcast %broadcast_in_dim3A_741 : vector<1x512xi32> to vector<24x512xi32>
    %select_n3A_743 = arith.select %eq3A_740, %broadcast_in_dim3A_742, %select_n3A_711 : vector<24x512xi1>, vector<24x512xi32>
    %eq3A_744 = vector.broadcast %broadcast_in_dim3A_730 : vector<1x512xi32> to vector<128x512xi32>
    %eq3A_745 = arith.cmpi eq, %iota3A, %eq3A_744 : vector<128x512xi32>
    %select_n3A_746 = arith.select %eq3A_745, %select_n3A_715, %select_n3A_714 : vector<128x512xi1>, vector<128x512xi32>
    %select_n3A_747 = arith.select %eq3A_745, %select_n3A_716, %select_n3A_715 : vector<128x512xi1>, vector<128x512xi32>
    %select_n3A_748 = arith.select %eq3A_745, %select_n3A_719, %select_n3A_716 : vector<128x512xi1>, vector<128x512xi32>
    %jit3A_749 = arith.constant 2147483647 : i32
    %broadcast_in_dim3A_750 = vector.broadcast %jit3A_749 : i32 to vector<128x512xi32>
    %select_n3A_751 = arith.select %eq3A_745, %broadcast_in_dim3A_750, %select_n3A_719 : vector<128x512xi1>, vector<128x512xi32>
    %reduce_min3A_752 = arith.constant dense<2147483647> : vector<512xi32>
    %reduce_min3A_753 = vector.multi_reduction <minsi>, %select_n3A_746, %reduce_min3A_752 [0] : vector<128x512xi32> to vector<512xi32>
    %broadcast_in_dim3A_754 = vector.shape_cast %reduce_min3A_753 : vector<512xi32> to vector<1x512xi32>
    %eq3A_755 = vector.broadcast %broadcast_in_dim3A_754 : vector<1x512xi32> to vector<128x512xi32>
    %eq3A_756 = arith.cmpi eq, %select_n3A_746, %eq3A_755 : vector<128x512xi32>
    %jit3A_757 = arith.constant 128 : i32
    %broadcast_in_dim3A_758 = vector.broadcast %jit3A_757 : i32 to vector<128x512xi32>
    %select_n3A_759 = arith.select %eq3A_756, %iota3A, %broadcast_in_dim3A_758 : vector<128x512xi1>, vector<128x512xi32>
    %reduce_min3A_760 = arith.constant dense<2147483647> : vector<512xi32>
    %reduce_min3A_761 = vector.multi_reduction <minsi>, %select_n3A_759, %reduce_min3A_760 [0] : vector<128x512xi32> to vector<512xi32>
    %broadcast_in_dim3A_762 = vector.shape_cast %reduce_min3A_761 : vector<512xi32> to vector<1x512xi32>
    %and3A_763 = arith.constant 31 : i32
    %and3A_764 = vector.broadcast %and3A_763 : i32 to vector<1x512xi32>
    %and3A_765 = arith.andi %broadcast_in_dim3A_754, %and3A_764 : vector<1x512xi32>
    %mul3A_766 = arith.constant 128 : i32
    %mul3A_767 = vector.broadcast %mul3A_766 : i32 to vector<1x512xi32>
    %mul3A_768 = arith.muli %and3A_765, %mul3A_767 : vector<1x512xi32>
    %add3A_769 = arith.addi %mul3A_768, %broadcast_in_dim3A_762 : vector<1x512xi32>
    %eq3A_770 = arith.constant 9 : i32
    %eq3A_771 = vector.broadcast %eq3A_770 : i32 to vector<24x512xi32>
    %eq3A_772 = arith.cmpi eq, %iota3A_466, %eq3A_771 : vector<24x512xi32>
    %broadcast_in_dim3A_773 = vector.shape_cast %add3A_769 : vector<1x512xi32> to vector<1x512xi32>
    %broadcast_in_dim3A_774 = vector.broadcast %broadcast_in_dim3A_773 : vector<1x512xi32> to vector<24x512xi32>
    %select_n3A_775 = arith.select %eq3A_772, %broadcast_in_dim3A_774, %select_n3A_743 : vector<24x512xi1>, vector<24x512xi32>
    %eq3A_776 = vector.broadcast %broadcast_in_dim3A_762 : vector<1x512xi32> to vector<128x512xi32>
    %eq3A_777 = arith.cmpi eq, %iota3A, %eq3A_776 : vector<128x512xi32>
    %select_n3A_778 = arith.select %eq3A_777, %select_n3A_747, %select_n3A_746 : vector<128x512xi1>, vector<128x512xi32>
    %select_n3A_779 = arith.select %eq3A_777, %select_n3A_748, %select_n3A_747 : vector<128x512xi1>, vector<128x512xi32>
    %select_n3A_780 = arith.select %eq3A_777, %select_n3A_751, %select_n3A_748 : vector<128x512xi1>, vector<128x512xi32>
    %jit3A_781 = arith.constant 2147483647 : i32
    %broadcast_in_dim3A_782 = vector.broadcast %jit3A_781 : i32 to vector<128x512xi32>
    %select_n3A_783 = arith.select %eq3A_777, %broadcast_in_dim3A_782, %select_n3A_751 : vector<128x512xi1>, vector<128x512xi32>
    %reduce_min3A_784 = arith.constant dense<2147483647> : vector<512xi32>
    %reduce_min3A_785 = vector.multi_reduction <minsi>, %select_n3A_778, %reduce_min3A_784 [0] : vector<128x512xi32> to vector<512xi32>
    %broadcast_in_dim3A_786 = vector.shape_cast %reduce_min3A_785 : vector<512xi32> to vector<1x512xi32>
    %eq3A_787 = vector.broadcast %broadcast_in_dim3A_786 : vector<1x512xi32> to vector<128x512xi32>
    %eq3A_788 = arith.cmpi eq, %select_n3A_778, %eq3A_787 : vector<128x512xi32>
    %jit3A_789 = arith.constant 128 : i32
    %broadcast_in_dim3A_790 = vector.broadcast %jit3A_789 : i32 to vector<128x512xi32>
    %select_n3A_791 = arith.select %eq3A_788, %iota3A, %broadcast_in_dim3A_790 : vector<128x512xi1>, vector<128x512xi32>
    %reduce_min3A_792 = arith.constant dense<2147483647> : vector<512xi32>
    %reduce_min3A_793 = vector.multi_reduction <minsi>, %select_n3A_791, %reduce_min3A_792 [0] : vector<128x512xi32> to vector<512xi32>
    %broadcast_in_dim3A_794 = vector.shape_cast %reduce_min3A_793 : vector<512xi32> to vector<1x512xi32>
    %and3A_795 = arith.constant 31 : i32
    %and3A_796 = vector.broadcast %and3A_795 : i32 to vector<1x512xi32>
    %and3A_797 = arith.andi %broadcast_in_dim3A_786, %and3A_796 : vector<1x512xi32>
    %mul3A_798 = arith.constant 128 : i32
    %mul3A_799 = vector.broadcast %mul3A_798 : i32 to vector<1x512xi32>
    %mul3A_800 = arith.muli %and3A_797, %mul3A_799 : vector<1x512xi32>
    %add3A_801 = arith.addi %mul3A_800, %broadcast_in_dim3A_794 : vector<1x512xi32>
    %eq3A_802 = arith.constant 10 : i32
    %eq3A_803 = vector.broadcast %eq3A_802 : i32 to vector<24x512xi32>
    %eq3A_804 = arith.cmpi eq, %iota3A_466, %eq3A_803 : vector<24x512xi32>
    %broadcast_in_dim3A_805 = vector.shape_cast %add3A_801 : vector<1x512xi32> to vector<1x512xi32>
    %broadcast_in_dim3A_806 = vector.broadcast %broadcast_in_dim3A_805 : vector<1x512xi32> to vector<24x512xi32>
    %select_n3A_807 = arith.select %eq3A_804, %broadcast_in_dim3A_806, %select_n3A_775 : vector<24x512xi1>, vector<24x512xi32>
    %eq3A_808 = vector.broadcast %broadcast_in_dim3A_794 : vector<1x512xi32> to vector<128x512xi32>
    %eq3A_809 = arith.cmpi eq, %iota3A, %eq3A_808 : vector<128x512xi32>
    %select_n3A_810 = arith.select %eq3A_809, %select_n3A_779, %select_n3A_778 : vector<128x512xi1>, vector<128x512xi32>
    %select_n3A_811 = arith.select %eq3A_809, %select_n3A_780, %select_n3A_779 : vector<128x512xi1>, vector<128x512xi32>
    %select_n3A_812 = arith.select %eq3A_809, %select_n3A_783, %select_n3A_780 : vector<128x512xi1>, vector<128x512xi32>
    %jit3A_813 = arith.constant 2147483647 : i32
    %broadcast_in_dim3A_814 = vector.broadcast %jit3A_813 : i32 to vector<128x512xi32>
    %select_n3A_815 = arith.select %eq3A_809, %broadcast_in_dim3A_814, %select_n3A_783 : vector<128x512xi1>, vector<128x512xi32>
    %reduce_min3A_816 = arith.constant dense<2147483647> : vector<512xi32>
    %reduce_min3A_817 = vector.multi_reduction <minsi>, %select_n3A_810, %reduce_min3A_816 [0] : vector<128x512xi32> to vector<512xi32>
    %broadcast_in_dim3A_818 = vector.shape_cast %reduce_min3A_817 : vector<512xi32> to vector<1x512xi32>
    %eq3A_819 = vector.broadcast %broadcast_in_dim3A_818 : vector<1x512xi32> to vector<128x512xi32>
    %eq3A_820 = arith.cmpi eq, %select_n3A_810, %eq3A_819 : vector<128x512xi32>
    %jit3A_821 = arith.constant 128 : i32
    %broadcast_in_dim3A_822 = vector.broadcast %jit3A_821 : i32 to vector<128x512xi32>
    %select_n3A_823 = arith.select %eq3A_820, %iota3A, %broadcast_in_dim3A_822 : vector<128x512xi1>, vector<128x512xi32>
    %reduce_min3A_824 = arith.constant dense<2147483647> : vector<512xi32>
    %reduce_min3A_825 = vector.multi_reduction <minsi>, %select_n3A_823, %reduce_min3A_824 [0] : vector<128x512xi32> to vector<512xi32>
    %broadcast_in_dim3A_826 = vector.shape_cast %reduce_min3A_825 : vector<512xi32> to vector<1x512xi32>
    %and3A_827 = arith.constant 31 : i32
    %and3A_828 = vector.broadcast %and3A_827 : i32 to vector<1x512xi32>
    %and3A_829 = arith.andi %broadcast_in_dim3A_818, %and3A_828 : vector<1x512xi32>
    %mul3A_830 = arith.constant 128 : i32
    %mul3A_831 = vector.broadcast %mul3A_830 : i32 to vector<1x512xi32>
    %mul3A_832 = arith.muli %and3A_829, %mul3A_831 : vector<1x512xi32>
    %add3A_833 = arith.addi %mul3A_832, %broadcast_in_dim3A_826 : vector<1x512xi32>
    %eq3A_834 = arith.constant 11 : i32
    %eq3A_835 = vector.broadcast %eq3A_834 : i32 to vector<24x512xi32>
    %eq3A_836 = arith.cmpi eq, %iota3A_466, %eq3A_835 : vector<24x512xi32>
    %broadcast_in_dim3A_837 = vector.shape_cast %add3A_833 : vector<1x512xi32> to vector<1x512xi32>
    %broadcast_in_dim3A_838 = vector.broadcast %broadcast_in_dim3A_837 : vector<1x512xi32> to vector<24x512xi32>
    %select_n3A_839 = arith.select %eq3A_836, %broadcast_in_dim3A_838, %select_n3A_807 : vector<24x512xi1>, vector<24x512xi32>
    %eq3A_840 = vector.broadcast %broadcast_in_dim3A_826 : vector<1x512xi32> to vector<128x512xi32>
    %eq3A_841 = arith.cmpi eq, %iota3A, %eq3A_840 : vector<128x512xi32>
    %select_n3A_842 = arith.select %eq3A_841, %select_n3A_811, %select_n3A_810 : vector<128x512xi1>, vector<128x512xi32>
    %select_n3A_843 = arith.select %eq3A_841, %select_n3A_812, %select_n3A_811 : vector<128x512xi1>, vector<128x512xi32>
    %select_n3A_844 = arith.select %eq3A_841, %select_n3A_815, %select_n3A_812 : vector<128x512xi1>, vector<128x512xi32>
    %jit3A_845 = arith.constant 2147483647 : i32
    %broadcast_in_dim3A_846 = vector.broadcast %jit3A_845 : i32 to vector<128x512xi32>
    %select_n3A_847 = arith.select %eq3A_841, %broadcast_in_dim3A_846, %select_n3A_815 : vector<128x512xi1>, vector<128x512xi32>
    %reduce_min3A_848 = arith.constant dense<2147483647> : vector<512xi32>
    %reduce_min3A_849 = vector.multi_reduction <minsi>, %select_n3A_842, %reduce_min3A_848 [0] : vector<128x512xi32> to vector<512xi32>
    %broadcast_in_dim3A_850 = vector.shape_cast %reduce_min3A_849 : vector<512xi32> to vector<1x512xi32>
    %eq3A_851 = vector.broadcast %broadcast_in_dim3A_850 : vector<1x512xi32> to vector<128x512xi32>
    %eq3A_852 = arith.cmpi eq, %select_n3A_842, %eq3A_851 : vector<128x512xi32>
    %jit3A_853 = arith.constant 128 : i32
    %broadcast_in_dim3A_854 = vector.broadcast %jit3A_853 : i32 to vector<128x512xi32>
    %select_n3A_855 = arith.select %eq3A_852, %iota3A, %broadcast_in_dim3A_854 : vector<128x512xi1>, vector<128x512xi32>
    %reduce_min3A_856 = arith.constant dense<2147483647> : vector<512xi32>
    %reduce_min3A_857 = vector.multi_reduction <minsi>, %select_n3A_855, %reduce_min3A_856 [0] : vector<128x512xi32> to vector<512xi32>
    %broadcast_in_dim3A_858 = vector.shape_cast %reduce_min3A_857 : vector<512xi32> to vector<1x512xi32>
    %and3A_859 = arith.constant 31 : i32
    %and3A_860 = vector.broadcast %and3A_859 : i32 to vector<1x512xi32>
    %and3A_861 = arith.andi %broadcast_in_dim3A_850, %and3A_860 : vector<1x512xi32>
    %mul3A_862 = arith.constant 128 : i32
    %mul3A_863 = vector.broadcast %mul3A_862 : i32 to vector<1x512xi32>
    %mul3A_864 = arith.muli %and3A_861, %mul3A_863 : vector<1x512xi32>
    %add3A_865 = arith.addi %mul3A_864, %broadcast_in_dim3A_858 : vector<1x512xi32>
    %eq3A_866 = arith.constant 12 : i32
    %eq3A_867 = vector.broadcast %eq3A_866 : i32 to vector<24x512xi32>
    %eq3A_868 = arith.cmpi eq, %iota3A_466, %eq3A_867 : vector<24x512xi32>
    %broadcast_in_dim3A_869 = vector.shape_cast %add3A_865 : vector<1x512xi32> to vector<1x512xi32>
    %broadcast_in_dim3A_870 = vector.broadcast %broadcast_in_dim3A_869 : vector<1x512xi32> to vector<24x512xi32>
    %select_n3A_871 = arith.select %eq3A_868, %broadcast_in_dim3A_870, %select_n3A_839 : vector<24x512xi1>, vector<24x512xi32>
    %eq3A_872 = vector.broadcast %broadcast_in_dim3A_858 : vector<1x512xi32> to vector<128x512xi32>
    %eq3A_873 = arith.cmpi eq, %iota3A, %eq3A_872 : vector<128x512xi32>
    %select_n3A_874 = arith.select %eq3A_873, %select_n3A_843, %select_n3A_842 : vector<128x512xi1>, vector<128x512xi32>
    %select_n3A_875 = arith.select %eq3A_873, %select_n3A_844, %select_n3A_843 : vector<128x512xi1>, vector<128x512xi32>
    %select_n3A_876 = arith.select %eq3A_873, %select_n3A_847, %select_n3A_844 : vector<128x512xi1>, vector<128x512xi32>
    %jit3A_877 = arith.constant 2147483647 : i32
    %broadcast_in_dim3A_878 = vector.broadcast %jit3A_877 : i32 to vector<128x512xi32>
    %select_n3A_879 = arith.select %eq3A_873, %broadcast_in_dim3A_878, %select_n3A_847 : vector<128x512xi1>, vector<128x512xi32>
    %reduce_min3A_880 = arith.constant dense<2147483647> : vector<512xi32>
    %reduce_min3A_881 = vector.multi_reduction <minsi>, %select_n3A_874, %reduce_min3A_880 [0] : vector<128x512xi32> to vector<512xi32>
    %broadcast_in_dim3A_882 = vector.shape_cast %reduce_min3A_881 : vector<512xi32> to vector<1x512xi32>
    %eq3A_883 = vector.broadcast %broadcast_in_dim3A_882 : vector<1x512xi32> to vector<128x512xi32>
    %eq3A_884 = arith.cmpi eq, %select_n3A_874, %eq3A_883 : vector<128x512xi32>
    %jit3A_885 = arith.constant 128 : i32
    %broadcast_in_dim3A_886 = vector.broadcast %jit3A_885 : i32 to vector<128x512xi32>
    %select_n3A_887 = arith.select %eq3A_884, %iota3A, %broadcast_in_dim3A_886 : vector<128x512xi1>, vector<128x512xi32>
    %reduce_min3A_888 = arith.constant dense<2147483647> : vector<512xi32>
    %reduce_min3A_889 = vector.multi_reduction <minsi>, %select_n3A_887, %reduce_min3A_888 [0] : vector<128x512xi32> to vector<512xi32>
    %broadcast_in_dim3A_890 = vector.shape_cast %reduce_min3A_889 : vector<512xi32> to vector<1x512xi32>
    %and3A_891 = arith.constant 31 : i32
    %and3A_892 = vector.broadcast %and3A_891 : i32 to vector<1x512xi32>
    %and3A_893 = arith.andi %broadcast_in_dim3A_882, %and3A_892 : vector<1x512xi32>
    %mul3A_894 = arith.constant 128 : i32
    %mul3A_895 = vector.broadcast %mul3A_894 : i32 to vector<1x512xi32>
    %mul3A_896 = arith.muli %and3A_893, %mul3A_895 : vector<1x512xi32>
    %add3A_897 = arith.addi %mul3A_896, %broadcast_in_dim3A_890 : vector<1x512xi32>
    %eq3A_898 = arith.constant 13 : i32
    %eq3A_899 = vector.broadcast %eq3A_898 : i32 to vector<24x512xi32>
    %eq3A_900 = arith.cmpi eq, %iota3A_466, %eq3A_899 : vector<24x512xi32>
    %broadcast_in_dim3A_901 = vector.shape_cast %add3A_897 : vector<1x512xi32> to vector<1x512xi32>
    %broadcast_in_dim3A_902 = vector.broadcast %broadcast_in_dim3A_901 : vector<1x512xi32> to vector<24x512xi32>
    %select_n3A_903 = arith.select %eq3A_900, %broadcast_in_dim3A_902, %select_n3A_871 : vector<24x512xi1>, vector<24x512xi32>
    %eq3A_904 = vector.broadcast %broadcast_in_dim3A_890 : vector<1x512xi32> to vector<128x512xi32>
    %eq3A_905 = arith.cmpi eq, %iota3A, %eq3A_904 : vector<128x512xi32>
    %select_n3A_906 = arith.select %eq3A_905, %select_n3A_875, %select_n3A_874 : vector<128x512xi1>, vector<128x512xi32>
    %select_n3A_907 = arith.select %eq3A_905, %select_n3A_876, %select_n3A_875 : vector<128x512xi1>, vector<128x512xi32>
    %select_n3A_908 = arith.select %eq3A_905, %select_n3A_879, %select_n3A_876 : vector<128x512xi1>, vector<128x512xi32>
    %jit3A_909 = arith.constant 2147483647 : i32
    %broadcast_in_dim3A_910 = vector.broadcast %jit3A_909 : i32 to vector<128x512xi32>
    %select_n3A_911 = arith.select %eq3A_905, %broadcast_in_dim3A_910, %select_n3A_879 : vector<128x512xi1>, vector<128x512xi32>
    %reduce_min3A_912 = arith.constant dense<2147483647> : vector<512xi32>
    %reduce_min3A_913 = vector.multi_reduction <minsi>, %select_n3A_906, %reduce_min3A_912 [0] : vector<128x512xi32> to vector<512xi32>
    %broadcast_in_dim3A_914 = vector.shape_cast %reduce_min3A_913 : vector<512xi32> to vector<1x512xi32>
    %eq3A_915 = vector.broadcast %broadcast_in_dim3A_914 : vector<1x512xi32> to vector<128x512xi32>
    %eq3A_916 = arith.cmpi eq, %select_n3A_906, %eq3A_915 : vector<128x512xi32>
    %jit3A_917 = arith.constant 128 : i32
    %broadcast_in_dim3A_918 = vector.broadcast %jit3A_917 : i32 to vector<128x512xi32>
    %select_n3A_919 = arith.select %eq3A_916, %iota3A, %broadcast_in_dim3A_918 : vector<128x512xi1>, vector<128x512xi32>
    %reduce_min3A_920 = arith.constant dense<2147483647> : vector<512xi32>
    %reduce_min3A_921 = vector.multi_reduction <minsi>, %select_n3A_919, %reduce_min3A_920 [0] : vector<128x512xi32> to vector<512xi32>
    %broadcast_in_dim3A_922 = vector.shape_cast %reduce_min3A_921 : vector<512xi32> to vector<1x512xi32>
    %and3A_923 = arith.constant 31 : i32
    %and3A_924 = vector.broadcast %and3A_923 : i32 to vector<1x512xi32>
    %and3A_925 = arith.andi %broadcast_in_dim3A_914, %and3A_924 : vector<1x512xi32>
    %mul3A_926 = arith.constant 128 : i32
    %mul3A_927 = vector.broadcast %mul3A_926 : i32 to vector<1x512xi32>
    %mul3A_928 = arith.muli %and3A_925, %mul3A_927 : vector<1x512xi32>
    %add3A_929 = arith.addi %mul3A_928, %broadcast_in_dim3A_922 : vector<1x512xi32>
    %eq3A_930 = arith.constant 14 : i32
    %eq3A_931 = vector.broadcast %eq3A_930 : i32 to vector<24x512xi32>
    %eq3A_932 = arith.cmpi eq, %iota3A_466, %eq3A_931 : vector<24x512xi32>
    %broadcast_in_dim3A_933 = vector.shape_cast %add3A_929 : vector<1x512xi32> to vector<1x512xi32>
    %broadcast_in_dim3A_934 = vector.broadcast %broadcast_in_dim3A_933 : vector<1x512xi32> to vector<24x512xi32>
    %select_n3A_935 = arith.select %eq3A_932, %broadcast_in_dim3A_934, %select_n3A_903 : vector<24x512xi1>, vector<24x512xi32>
    %eq3A_936 = vector.broadcast %broadcast_in_dim3A_922 : vector<1x512xi32> to vector<128x512xi32>
    %eq3A_937 = arith.cmpi eq, %iota3A, %eq3A_936 : vector<128x512xi32>
    %select_n3A_938 = arith.select %eq3A_937, %select_n3A_907, %select_n3A_906 : vector<128x512xi1>, vector<128x512xi32>
    %select_n3A_939 = arith.select %eq3A_937, %select_n3A_908, %select_n3A_907 : vector<128x512xi1>, vector<128x512xi32>
    %select_n3A_940 = arith.select %eq3A_937, %select_n3A_911, %select_n3A_908 : vector<128x512xi1>, vector<128x512xi32>
    %jit3A_941 = arith.constant 2147483647 : i32
    %broadcast_in_dim3A_942 = vector.broadcast %jit3A_941 : i32 to vector<128x512xi32>
    %select_n3A_943 = arith.select %eq3A_937, %broadcast_in_dim3A_942, %select_n3A_911 : vector<128x512xi1>, vector<128x512xi32>
    %reduce_min3A_944 = arith.constant dense<2147483647> : vector<512xi32>
    %reduce_min3A_945 = vector.multi_reduction <minsi>, %select_n3A_938, %reduce_min3A_944 [0] : vector<128x512xi32> to vector<512xi32>
    %broadcast_in_dim3A_946 = vector.shape_cast %reduce_min3A_945 : vector<512xi32> to vector<1x512xi32>
    %eq3A_947 = vector.broadcast %broadcast_in_dim3A_946 : vector<1x512xi32> to vector<128x512xi32>
    %eq3A_948 = arith.cmpi eq, %select_n3A_938, %eq3A_947 : vector<128x512xi32>
    %jit3A_949 = arith.constant 128 : i32
    %broadcast_in_dim3A_950 = vector.broadcast %jit3A_949 : i32 to vector<128x512xi32>
    %select_n3A_951 = arith.select %eq3A_948, %iota3A, %broadcast_in_dim3A_950 : vector<128x512xi1>, vector<128x512xi32>
    %reduce_min3A_952 = arith.constant dense<2147483647> : vector<512xi32>
    %reduce_min3A_953 = vector.multi_reduction <minsi>, %select_n3A_951, %reduce_min3A_952 [0] : vector<128x512xi32> to vector<512xi32>
    %broadcast_in_dim3A_954 = vector.shape_cast %reduce_min3A_953 : vector<512xi32> to vector<1x512xi32>
    %and3A_955 = arith.constant 31 : i32
    %and3A_956 = vector.broadcast %and3A_955 : i32 to vector<1x512xi32>
    %and3A_957 = arith.andi %broadcast_in_dim3A_946, %and3A_956 : vector<1x512xi32>
    %mul3A_958 = arith.constant 128 : i32
    %mul3A_959 = vector.broadcast %mul3A_958 : i32 to vector<1x512xi32>
    %mul3A_960 = arith.muli %and3A_957, %mul3A_959 : vector<1x512xi32>
    %add3A_961 = arith.addi %mul3A_960, %broadcast_in_dim3A_954 : vector<1x512xi32>
    %eq3A_962 = arith.constant 15 : i32
    %eq3A_963 = vector.broadcast %eq3A_962 : i32 to vector<24x512xi32>
    %eq3A_964 = arith.cmpi eq, %iota3A_466, %eq3A_963 : vector<24x512xi32>
    %broadcast_in_dim3A_965 = vector.shape_cast %add3A_961 : vector<1x512xi32> to vector<1x512xi32>
    %broadcast_in_dim3A_966 = vector.broadcast %broadcast_in_dim3A_965 : vector<1x512xi32> to vector<24x512xi32>
    %select_n3A_967 = arith.select %eq3A_964, %broadcast_in_dim3A_966, %select_n3A_935 : vector<24x512xi1>, vector<24x512xi32>
    %eq3A_968 = vector.broadcast %broadcast_in_dim3A_954 : vector<1x512xi32> to vector<128x512xi32>
    %eq3A_969 = arith.cmpi eq, %iota3A, %eq3A_968 : vector<128x512xi32>
    %select_n3A_970 = arith.select %eq3A_969, %select_n3A_939, %select_n3A_938 : vector<128x512xi1>, vector<128x512xi32>
    %select_n3A_971 = arith.select %eq3A_969, %select_n3A_940, %select_n3A_939 : vector<128x512xi1>, vector<128x512xi32>
    %select_n3A_972 = arith.select %eq3A_969, %select_n3A_943, %select_n3A_940 : vector<128x512xi1>, vector<128x512xi32>
    %jit3A_973 = arith.constant 2147483647 : i32
    %broadcast_in_dim3A_974 = vector.broadcast %jit3A_973 : i32 to vector<128x512xi32>
    %select_n3A_975 = arith.select %eq3A_969, %broadcast_in_dim3A_974, %select_n3A_943 : vector<128x512xi1>, vector<128x512xi32>
    %reduce_min3A_976 = arith.constant dense<2147483647> : vector<512xi32>
    %reduce_min3A_977 = vector.multi_reduction <minsi>, %select_n3A_970, %reduce_min3A_976 [0] : vector<128x512xi32> to vector<512xi32>
    %broadcast_in_dim3A_978 = vector.shape_cast %reduce_min3A_977 : vector<512xi32> to vector<1x512xi32>
    %eq3A_979 = vector.broadcast %broadcast_in_dim3A_978 : vector<1x512xi32> to vector<128x512xi32>
    %eq3A_980 = arith.cmpi eq, %select_n3A_970, %eq3A_979 : vector<128x512xi32>
    %jit3A_981 = arith.constant 128 : i32
    %broadcast_in_dim3A_982 = vector.broadcast %jit3A_981 : i32 to vector<128x512xi32>
    %select_n3A_983 = arith.select %eq3A_980, %iota3A, %broadcast_in_dim3A_982 : vector<128x512xi1>, vector<128x512xi32>
    %reduce_min3A_984 = arith.constant dense<2147483647> : vector<512xi32>
    %reduce_min3A_985 = vector.multi_reduction <minsi>, %select_n3A_983, %reduce_min3A_984 [0] : vector<128x512xi32> to vector<512xi32>
    %broadcast_in_dim3A_986 = vector.shape_cast %reduce_min3A_985 : vector<512xi32> to vector<1x512xi32>
    %and3A_987 = arith.constant 31 : i32
    %and3A_988 = vector.broadcast %and3A_987 : i32 to vector<1x512xi32>
    %and3A_989 = arith.andi %broadcast_in_dim3A_978, %and3A_988 : vector<1x512xi32>
    %mul3A_990 = arith.constant 128 : i32
    %mul3A_991 = vector.broadcast %mul3A_990 : i32 to vector<1x512xi32>
    %mul3A_992 = arith.muli %and3A_989, %mul3A_991 : vector<1x512xi32>
    %add3A_993 = arith.addi %mul3A_992, %broadcast_in_dim3A_986 : vector<1x512xi32>
    %eq3A_994 = arith.constant 16 : i32
    %eq3A_995 = vector.broadcast %eq3A_994 : i32 to vector<24x512xi32>
    %eq3A_996 = arith.cmpi eq, %iota3A_466, %eq3A_995 : vector<24x512xi32>
    %broadcast_in_dim3A_997 = vector.shape_cast %add3A_993 : vector<1x512xi32> to vector<1x512xi32>
    %broadcast_in_dim3A_998 = vector.broadcast %broadcast_in_dim3A_997 : vector<1x512xi32> to vector<24x512xi32>
    %select_n3A_999 = arith.select %eq3A_996, %broadcast_in_dim3A_998, %select_n3A_967 : vector<24x512xi1>, vector<24x512xi32>
    %eq3A_1000 = vector.broadcast %broadcast_in_dim3A_986 : vector<1x512xi32> to vector<128x512xi32>
    %eq3A_1001 = arith.cmpi eq, %iota3A, %eq3A_1000 : vector<128x512xi32>
    %select_n3A_1002 = arith.select %eq3A_1001, %select_n3A_971, %select_n3A_970 : vector<128x512xi1>, vector<128x512xi32>
    %select_n3A_1003 = arith.select %eq3A_1001, %select_n3A_972, %select_n3A_971 : vector<128x512xi1>, vector<128x512xi32>
    %select_n3A_1004 = arith.select %eq3A_1001, %select_n3A_975, %select_n3A_972 : vector<128x512xi1>, vector<128x512xi32>
    %jit3A_1005 = arith.constant 2147483647 : i32
    %broadcast_in_dim3A_1006 = vector.broadcast %jit3A_1005 : i32 to vector<128x512xi32>
    %select_n3A_1007 = arith.select %eq3A_1001, %broadcast_in_dim3A_1006, %select_n3A_975 : vector<128x512xi1>, vector<128x512xi32>
    %reduce_min3A_1008 = arith.constant dense<2147483647> : vector<512xi32>
    %reduce_min3A_1009 = vector.multi_reduction <minsi>, %select_n3A_1002, %reduce_min3A_1008 [0] : vector<128x512xi32> to vector<512xi32>
    %broadcast_in_dim3A_1010 = vector.shape_cast %reduce_min3A_1009 : vector<512xi32> to vector<1x512xi32>
    %eq3A_1011 = vector.broadcast %broadcast_in_dim3A_1010 : vector<1x512xi32> to vector<128x512xi32>
    %eq3A_1012 = arith.cmpi eq, %select_n3A_1002, %eq3A_1011 : vector<128x512xi32>
    %jit3A_1013 = arith.constant 128 : i32
    %broadcast_in_dim3A_1014 = vector.broadcast %jit3A_1013 : i32 to vector<128x512xi32>
    %select_n3A_1015 = arith.select %eq3A_1012, %iota3A, %broadcast_in_dim3A_1014 : vector<128x512xi1>, vector<128x512xi32>
    %reduce_min3A_1016 = arith.constant dense<2147483647> : vector<512xi32>
    %reduce_min3A_1017 = vector.multi_reduction <minsi>, %select_n3A_1015, %reduce_min3A_1016 [0] : vector<128x512xi32> to vector<512xi32>
    %broadcast_in_dim3A_1018 = vector.shape_cast %reduce_min3A_1017 : vector<512xi32> to vector<1x512xi32>
    %and3A_1019 = arith.constant 31 : i32
    %and3A_1020 = vector.broadcast %and3A_1019 : i32 to vector<1x512xi32>
    %and3A_1021 = arith.andi %broadcast_in_dim3A_1010, %and3A_1020 : vector<1x512xi32>
    %mul3A_1022 = arith.constant 128 : i32
    %mul3A_1023 = vector.broadcast %mul3A_1022 : i32 to vector<1x512xi32>
    %mul3A_1024 = arith.muli %and3A_1021, %mul3A_1023 : vector<1x512xi32>
    %add3A_1025 = arith.addi %mul3A_1024, %broadcast_in_dim3A_1018 : vector<1x512xi32>
    %eq3A_1026 = arith.constant 17 : i32
    %eq3A_1027 = vector.broadcast %eq3A_1026 : i32 to vector<24x512xi32>
    %eq3A_1028 = arith.cmpi eq, %iota3A_466, %eq3A_1027 : vector<24x512xi32>
    %broadcast_in_dim3A_1029 = vector.shape_cast %add3A_1025 : vector<1x512xi32> to vector<1x512xi32>
    %broadcast_in_dim3A_1030 = vector.broadcast %broadcast_in_dim3A_1029 : vector<1x512xi32> to vector<24x512xi32>
    %select_n3A_1031 = arith.select %eq3A_1028, %broadcast_in_dim3A_1030, %select_n3A_999 : vector<24x512xi1>, vector<24x512xi32>
    %eq3A_1032 = vector.broadcast %broadcast_in_dim3A_1018 : vector<1x512xi32> to vector<128x512xi32>
    %eq3A_1033 = arith.cmpi eq, %iota3A, %eq3A_1032 : vector<128x512xi32>
    %select_n3A_1034 = arith.select %eq3A_1033, %select_n3A_1003, %select_n3A_1002 : vector<128x512xi1>, vector<128x512xi32>
    %select_n3A_1035 = arith.select %eq3A_1033, %select_n3A_1004, %select_n3A_1003 : vector<128x512xi1>, vector<128x512xi32>
    %select_n3A_1036 = arith.select %eq3A_1033, %select_n3A_1007, %select_n3A_1004 : vector<128x512xi1>, vector<128x512xi32>
    %jit3A_1037 = arith.constant 2147483647 : i32
    %broadcast_in_dim3A_1038 = vector.broadcast %jit3A_1037 : i32 to vector<128x512xi32>
    %select_n3A_1039 = arith.select %eq3A_1033, %broadcast_in_dim3A_1038, %select_n3A_1007 : vector<128x512xi1>, vector<128x512xi32>
    %reduce_min3A_1040 = arith.constant dense<2147483647> : vector<512xi32>
    %reduce_min3A_1041 = vector.multi_reduction <minsi>, %select_n3A_1034, %reduce_min3A_1040 [0] : vector<128x512xi32> to vector<512xi32>
    %broadcast_in_dim3A_1042 = vector.shape_cast %reduce_min3A_1041 : vector<512xi32> to vector<1x512xi32>
    %eq3A_1043 = vector.broadcast %broadcast_in_dim3A_1042 : vector<1x512xi32> to vector<128x512xi32>
    %eq3A_1044 = arith.cmpi eq, %select_n3A_1034, %eq3A_1043 : vector<128x512xi32>
    %jit3A_1045 = arith.constant 128 : i32
    %broadcast_in_dim3A_1046 = vector.broadcast %jit3A_1045 : i32 to vector<128x512xi32>
    %select_n3A_1047 = arith.select %eq3A_1044, %iota3A, %broadcast_in_dim3A_1046 : vector<128x512xi1>, vector<128x512xi32>
    %reduce_min3A_1048 = arith.constant dense<2147483647> : vector<512xi32>
    %reduce_min3A_1049 = vector.multi_reduction <minsi>, %select_n3A_1047, %reduce_min3A_1048 [0] : vector<128x512xi32> to vector<512xi32>
    %broadcast_in_dim3A_1050 = vector.shape_cast %reduce_min3A_1049 : vector<512xi32> to vector<1x512xi32>
    %and3A_1051 = arith.constant 31 : i32
    %and3A_1052 = vector.broadcast %and3A_1051 : i32 to vector<1x512xi32>
    %and3A_1053 = arith.andi %broadcast_in_dim3A_1042, %and3A_1052 : vector<1x512xi32>
    %mul3A_1054 = arith.constant 128 : i32
    %mul3A_1055 = vector.broadcast %mul3A_1054 : i32 to vector<1x512xi32>
    %mul3A_1056 = arith.muli %and3A_1053, %mul3A_1055 : vector<1x512xi32>
    %add3A_1057 = arith.addi %mul3A_1056, %broadcast_in_dim3A_1050 : vector<1x512xi32>
    %eq3A_1058 = arith.constant 18 : i32
    %eq3A_1059 = vector.broadcast %eq3A_1058 : i32 to vector<24x512xi32>
    %eq3A_1060 = arith.cmpi eq, %iota3A_466, %eq3A_1059 : vector<24x512xi32>
    %broadcast_in_dim3A_1061 = vector.shape_cast %add3A_1057 : vector<1x512xi32> to vector<1x512xi32>
    %broadcast_in_dim3A_1062 = vector.broadcast %broadcast_in_dim3A_1061 : vector<1x512xi32> to vector<24x512xi32>
    %select_n3A_1063 = arith.select %eq3A_1060, %broadcast_in_dim3A_1062, %select_n3A_1031 : vector<24x512xi1>, vector<24x512xi32>
    %eq3A_1064 = vector.broadcast %broadcast_in_dim3A_1050 : vector<1x512xi32> to vector<128x512xi32>
    %eq3A_1065 = arith.cmpi eq, %iota3A, %eq3A_1064 : vector<128x512xi32>
    %select_n3A_1066 = arith.select %eq3A_1065, %select_n3A_1035, %select_n3A_1034 : vector<128x512xi1>, vector<128x512xi32>
    %select_n3A_1067 = arith.select %eq3A_1065, %select_n3A_1036, %select_n3A_1035 : vector<128x512xi1>, vector<128x512xi32>
    %select_n3A_1068 = arith.select %eq3A_1065, %select_n3A_1039, %select_n3A_1036 : vector<128x512xi1>, vector<128x512xi32>
    %jit3A_1069 = arith.constant 2147483647 : i32
    %broadcast_in_dim3A_1070 = vector.broadcast %jit3A_1069 : i32 to vector<128x512xi32>
    %select_n3A_1071 = arith.select %eq3A_1065, %broadcast_in_dim3A_1070, %select_n3A_1039 : vector<128x512xi1>, vector<128x512xi32>
    %reduce_min3A_1072 = arith.constant dense<2147483647> : vector<512xi32>
    %reduce_min3A_1073 = vector.multi_reduction <minsi>, %select_n3A_1066, %reduce_min3A_1072 [0] : vector<128x512xi32> to vector<512xi32>
    %broadcast_in_dim3A_1074 = vector.shape_cast %reduce_min3A_1073 : vector<512xi32> to vector<1x512xi32>
    %eq3A_1075 = vector.broadcast %broadcast_in_dim3A_1074 : vector<1x512xi32> to vector<128x512xi32>
    %eq3A_1076 = arith.cmpi eq, %select_n3A_1066, %eq3A_1075 : vector<128x512xi32>
    %jit3A_1077 = arith.constant 128 : i32
    %broadcast_in_dim3A_1078 = vector.broadcast %jit3A_1077 : i32 to vector<128x512xi32>
    %select_n3A_1079 = arith.select %eq3A_1076, %iota3A, %broadcast_in_dim3A_1078 : vector<128x512xi1>, vector<128x512xi32>
    %reduce_min3A_1080 = arith.constant dense<2147483647> : vector<512xi32>
    %reduce_min3A_1081 = vector.multi_reduction <minsi>, %select_n3A_1079, %reduce_min3A_1080 [0] : vector<128x512xi32> to vector<512xi32>
    %broadcast_in_dim3A_1082 = vector.shape_cast %reduce_min3A_1081 : vector<512xi32> to vector<1x512xi32>
    %and3A_1083 = arith.constant 31 : i32
    %and3A_1084 = vector.broadcast %and3A_1083 : i32 to vector<1x512xi32>
    %and3A_1085 = arith.andi %broadcast_in_dim3A_1074, %and3A_1084 : vector<1x512xi32>
    %mul3A_1086 = arith.constant 128 : i32
    %mul3A_1087 = vector.broadcast %mul3A_1086 : i32 to vector<1x512xi32>
    %mul3A_1088 = arith.muli %and3A_1085, %mul3A_1087 : vector<1x512xi32>
    %add3A_1089 = arith.addi %mul3A_1088, %broadcast_in_dim3A_1082 : vector<1x512xi32>
    %eq3A_1090 = arith.constant 19 : i32
    %eq3A_1091 = vector.broadcast %eq3A_1090 : i32 to vector<24x512xi32>
    %eq3A_1092 = arith.cmpi eq, %iota3A_466, %eq3A_1091 : vector<24x512xi32>
    %broadcast_in_dim3A_1093 = vector.shape_cast %add3A_1089 : vector<1x512xi32> to vector<1x512xi32>
    %broadcast_in_dim3A_1094 = vector.broadcast %broadcast_in_dim3A_1093 : vector<1x512xi32> to vector<24x512xi32>
    %select_n3A_1095 = arith.select %eq3A_1092, %broadcast_in_dim3A_1094, %select_n3A_1063 : vector<24x512xi1>, vector<24x512xi32>
    %eq3A_1096 = vector.broadcast %broadcast_in_dim3A_1082 : vector<1x512xi32> to vector<128x512xi32>
    %eq3A_1097 = arith.cmpi eq, %iota3A, %eq3A_1096 : vector<128x512xi32>
    %select_n3A_1098 = arith.select %eq3A_1097, %select_n3A_1067, %select_n3A_1066 : vector<128x512xi1>, vector<128x512xi32>
    %select_n3A_1099 = arith.select %eq3A_1097, %select_n3A_1068, %select_n3A_1067 : vector<128x512xi1>, vector<128x512xi32>
    %select_n3A_1100 = arith.select %eq3A_1097, %select_n3A_1071, %select_n3A_1068 : vector<128x512xi1>, vector<128x512xi32>
    %jit3A_1101 = arith.constant 2147483647 : i32
    %broadcast_in_dim3A_1102 = vector.broadcast %jit3A_1101 : i32 to vector<128x512xi32>
    %select_n3A_1103 = arith.select %eq3A_1097, %broadcast_in_dim3A_1102, %select_n3A_1071 : vector<128x512xi1>, vector<128x512xi32>
    %reduce_min3A_1104 = arith.constant dense<2147483647> : vector<512xi32>
    %reduce_min3A_1105 = vector.multi_reduction <minsi>, %select_n3A_1098, %reduce_min3A_1104 [0] : vector<128x512xi32> to vector<512xi32>
    %broadcast_in_dim3A_1106 = vector.shape_cast %reduce_min3A_1105 : vector<512xi32> to vector<1x512xi32>
    %eq3A_1107 = vector.broadcast %broadcast_in_dim3A_1106 : vector<1x512xi32> to vector<128x512xi32>
    %eq3A_1108 = arith.cmpi eq, %select_n3A_1098, %eq3A_1107 : vector<128x512xi32>
    %jit3A_1109 = arith.constant 128 : i32
    %broadcast_in_dim3A_1110 = vector.broadcast %jit3A_1109 : i32 to vector<128x512xi32>
    %select_n3A_1111 = arith.select %eq3A_1108, %iota3A, %broadcast_in_dim3A_1110 : vector<128x512xi1>, vector<128x512xi32>
    %reduce_min3A_1112 = arith.constant dense<2147483647> : vector<512xi32>
    %reduce_min3A_1113 = vector.multi_reduction <minsi>, %select_n3A_1111, %reduce_min3A_1112 [0] : vector<128x512xi32> to vector<512xi32>
    %broadcast_in_dim3A_1114 = vector.shape_cast %reduce_min3A_1113 : vector<512xi32> to vector<1x512xi32>
    %and3A_1115 = arith.constant 31 : i32
    %and3A_1116 = vector.broadcast %and3A_1115 : i32 to vector<1x512xi32>
    %and3A_1117 = arith.andi %broadcast_in_dim3A_1106, %and3A_1116 : vector<1x512xi32>
    %mul3A_1118 = arith.constant 128 : i32
    %mul3A_1119 = vector.broadcast %mul3A_1118 : i32 to vector<1x512xi32>
    %mul3A_1120 = arith.muli %and3A_1117, %mul3A_1119 : vector<1x512xi32>
    %add3A_1121 = arith.addi %mul3A_1120, %broadcast_in_dim3A_1114 : vector<1x512xi32>
    %eq3A_1122 = arith.constant 20 : i32
    %eq3A_1123 = vector.broadcast %eq3A_1122 : i32 to vector<24x512xi32>
    %eq3A_1124 = arith.cmpi eq, %iota3A_466, %eq3A_1123 : vector<24x512xi32>
    %broadcast_in_dim3A_1125 = vector.shape_cast %add3A_1121 : vector<1x512xi32> to vector<1x512xi32>
    %broadcast_in_dim3A_1126 = vector.broadcast %broadcast_in_dim3A_1125 : vector<1x512xi32> to vector<24x512xi32>
    %select_n3A_1127 = arith.select %eq3A_1124, %broadcast_in_dim3A_1126, %select_n3A_1095 : vector<24x512xi1>, vector<24x512xi32>
    %eq3A_1128 = vector.broadcast %broadcast_in_dim3A_1114 : vector<1x512xi32> to vector<128x512xi32>
    %eq3A_1129 = arith.cmpi eq, %iota3A, %eq3A_1128 : vector<128x512xi32>
    %select_n3A_1130 = arith.select %eq3A_1129, %select_n3A_1099, %select_n3A_1098 : vector<128x512xi1>, vector<128x512xi32>
    %select_n3A_1131 = arith.select %eq3A_1129, %select_n3A_1100, %select_n3A_1099 : vector<128x512xi1>, vector<128x512xi32>
    %select_n3A_1132 = arith.select %eq3A_1129, %select_n3A_1103, %select_n3A_1100 : vector<128x512xi1>, vector<128x512xi32>
    %reduce_min3A_1133 = arith.constant dense<2147483647> : vector<512xi32>
    %reduce_min3A_1134 = vector.multi_reduction <minsi>, %select_n3A_1130, %reduce_min3A_1133 [0] : vector<128x512xi32> to vector<512xi32>
    %broadcast_in_dim3A_1135 = vector.shape_cast %reduce_min3A_1134 : vector<512xi32> to vector<1x512xi32>
    %eq3A_1136 = vector.broadcast %broadcast_in_dim3A_1135 : vector<1x512xi32> to vector<128x512xi32>
    %eq3A_1137 = arith.cmpi eq, %select_n3A_1130, %eq3A_1136 : vector<128x512xi32>
    %jit3A_1138 = arith.constant 128 : i32
    %broadcast_in_dim3A_1139 = vector.broadcast %jit3A_1138 : i32 to vector<128x512xi32>
    %select_n3A_1140 = arith.select %eq3A_1137, %iota3A, %broadcast_in_dim3A_1139 : vector<128x512xi1>, vector<128x512xi32>
    %reduce_min3A_1141 = arith.constant dense<2147483647> : vector<512xi32>
    %reduce_min3A_1142 = vector.multi_reduction <minsi>, %select_n3A_1140, %reduce_min3A_1141 [0] : vector<128x512xi32> to vector<512xi32>
    %broadcast_in_dim3A_1143 = vector.shape_cast %reduce_min3A_1142 : vector<512xi32> to vector<1x512xi32>
    %and3A_1144 = arith.constant 31 : i32
    %and3A_1145 = vector.broadcast %and3A_1144 : i32 to vector<1x512xi32>
    %and3A_1146 = arith.andi %broadcast_in_dim3A_1135, %and3A_1145 : vector<1x512xi32>
    %mul3A_1147 = arith.constant 128 : i32
    %mul3A_1148 = vector.broadcast %mul3A_1147 : i32 to vector<1x512xi32>
    %mul3A_1149 = arith.muli %and3A_1146, %mul3A_1148 : vector<1x512xi32>
    %add3A_1150 = arith.addi %mul3A_1149, %broadcast_in_dim3A_1143 : vector<1x512xi32>
    %eq3A_1151 = arith.constant 21 : i32
    %eq3A_1152 = vector.broadcast %eq3A_1151 : i32 to vector<24x512xi32>
    %eq3A_1153 = arith.cmpi eq, %iota3A_466, %eq3A_1152 : vector<24x512xi32>
    %broadcast_in_dim3A_1154 = vector.shape_cast %add3A_1150 : vector<1x512xi32> to vector<1x512xi32>
    %broadcast_in_dim3A_1155 = vector.broadcast %broadcast_in_dim3A_1154 : vector<1x512xi32> to vector<24x512xi32>
    %select_n3A_1156 = arith.select %eq3A_1153, %broadcast_in_dim3A_1155, %select_n3A_1127 : vector<24x512xi1>, vector<24x512xi32>
    %eq3A_1157 = vector.broadcast %broadcast_in_dim3A_1143 : vector<1x512xi32> to vector<128x512xi32>
    %eq3A_1158 = arith.cmpi eq, %iota3A, %eq3A_1157 : vector<128x512xi32>
    %select_n3A_1159 = arith.select %eq3A_1158, %select_n3A_1131, %select_n3A_1130 : vector<128x512xi1>, vector<128x512xi32>
    %select_n3A_1160 = arith.select %eq3A_1158, %select_n3A_1132, %select_n3A_1131 : vector<128x512xi1>, vector<128x512xi32>
    %reduce_min3A_1161 = arith.constant dense<2147483647> : vector<512xi32>
    %reduce_min3A_1162 = vector.multi_reduction <minsi>, %select_n3A_1159, %reduce_min3A_1161 [0] : vector<128x512xi32> to vector<512xi32>
    %broadcast_in_dim3A_1163 = vector.shape_cast %reduce_min3A_1162 : vector<512xi32> to vector<1x512xi32>
    %eq3A_1164 = vector.broadcast %broadcast_in_dim3A_1163 : vector<1x512xi32> to vector<128x512xi32>
    %eq3A_1165 = arith.cmpi eq, %select_n3A_1159, %eq3A_1164 : vector<128x512xi32>
    %jit3A_1166 = arith.constant 128 : i32
    %broadcast_in_dim3A_1167 = vector.broadcast %jit3A_1166 : i32 to vector<128x512xi32>
    %select_n3A_1168 = arith.select %eq3A_1165, %iota3A, %broadcast_in_dim3A_1167 : vector<128x512xi1>, vector<128x512xi32>
    %reduce_min3A_1169 = arith.constant dense<2147483647> : vector<512xi32>
    %reduce_min3A_1170 = vector.multi_reduction <minsi>, %select_n3A_1168, %reduce_min3A_1169 [0] : vector<128x512xi32> to vector<512xi32>
    %broadcast_in_dim3A_1171 = vector.shape_cast %reduce_min3A_1170 : vector<512xi32> to vector<1x512xi32>
    %and3A_1172 = arith.constant 31 : i32
    %and3A_1173 = vector.broadcast %and3A_1172 : i32 to vector<1x512xi32>
    %and3A_1174 = arith.andi %broadcast_in_dim3A_1163, %and3A_1173 : vector<1x512xi32>
    %mul3A_1175 = arith.constant 128 : i32
    %mul3A_1176 = vector.broadcast %mul3A_1175 : i32 to vector<1x512xi32>
    %mul3A_1177 = arith.muli %and3A_1174, %mul3A_1176 : vector<1x512xi32>
    %add3A_1178 = arith.addi %mul3A_1177, %broadcast_in_dim3A_1171 : vector<1x512xi32>
    %eq3A_1179 = arith.constant 22 : i32
    %eq3A_1180 = vector.broadcast %eq3A_1179 : i32 to vector<24x512xi32>
    %eq3A_1181 = arith.cmpi eq, %iota3A_466, %eq3A_1180 : vector<24x512xi32>
    %broadcast_in_dim3A_1182 = vector.shape_cast %add3A_1178 : vector<1x512xi32> to vector<1x512xi32>
    %broadcast_in_dim3A_1183 = vector.broadcast %broadcast_in_dim3A_1182 : vector<1x512xi32> to vector<24x512xi32>
    %select_n3A_1184 = arith.select %eq3A_1181, %broadcast_in_dim3A_1183, %select_n3A_1156 : vector<24x512xi1>, vector<24x512xi32>
    %eq3A_1185 = vector.broadcast %broadcast_in_dim3A_1171 : vector<1x512xi32> to vector<128x512xi32>
    %eq3A_1186 = arith.cmpi eq, %iota3A, %eq3A_1185 : vector<128x512xi32>
    %select_n3A_1187 = arith.select %eq3A_1186, %select_n3A_1160, %select_n3A_1159 : vector<128x512xi1>, vector<128x512xi32>
    %reduce_min3A_1188 = arith.constant dense<2147483647> : vector<512xi32>
    %reduce_min3A_1189 = vector.multi_reduction <minsi>, %select_n3A_1187, %reduce_min3A_1188 [0] : vector<128x512xi32> to vector<512xi32>
    %broadcast_in_dim3A_1190 = vector.shape_cast %reduce_min3A_1189 : vector<512xi32> to vector<1x512xi32>
    %eq3A_1191 = vector.broadcast %broadcast_in_dim3A_1190 : vector<1x512xi32> to vector<128x512xi32>
    %eq3A_1192 = arith.cmpi eq, %select_n3A_1187, %eq3A_1191 : vector<128x512xi32>
    %jit3A_1193 = arith.constant 128 : i32
    %broadcast_in_dim3A_1194 = vector.broadcast %jit3A_1193 : i32 to vector<128x512xi32>
    %select_n3A_1195 = arith.select %eq3A_1192, %iota3A, %broadcast_in_dim3A_1194 : vector<128x512xi1>, vector<128x512xi32>
    %reduce_min3A_1196 = arith.constant dense<2147483647> : vector<512xi32>
    %reduce_min3A_1197 = vector.multi_reduction <minsi>, %select_n3A_1195, %reduce_min3A_1196 [0] : vector<128x512xi32> to vector<512xi32>
    %broadcast_in_dim3A_1198 = vector.shape_cast %reduce_min3A_1197 : vector<512xi32> to vector<1x512xi32>
    %and3A_1199 = arith.constant 31 : i32
    %and3A_1200 = vector.broadcast %and3A_1199 : i32 to vector<1x512xi32>
    %and3A_1201 = arith.andi %broadcast_in_dim3A_1190, %and3A_1200 : vector<1x512xi32>
    %mul3A_1202 = arith.constant 128 : i32
    %mul3A_1203 = vector.broadcast %mul3A_1202 : i32 to vector<1x512xi32>
    %mul3A_1204 = arith.muli %and3A_1201, %mul3A_1203 : vector<1x512xi32>
    %add3A_1205 = arith.addi %mul3A_1204, %broadcast_in_dim3A_1198 : vector<1x512xi32>
    %eq3A_1206 = arith.constant 23 : i32
    %eq3A_1207 = vector.broadcast %eq3A_1206 : i32 to vector<24x512xi32>
    %eq3A_1208 = arith.cmpi eq, %iota3A_466, %eq3A_1207 : vector<24x512xi32>
    %broadcast_in_dim3A_1209 = vector.shape_cast %add3A_1205 : vector<1x512xi32> to vector<1x512xi32>
    %broadcast_in_dim3A_1210 = vector.broadcast %broadcast_in_dim3A_1209 : vector<1x512xi32> to vector<24x512xi32>
    %select_n3A_1211 = arith.select %eq3A_1208, %broadcast_in_dim3A_1210, %select_n3A_1184 : vector<24x512xi1>, vector<24x512xi32>
    %swap3A = arith.constant 0 : index
    %swap3A_1212 = arith.constant 0 : index
    %swap3A_1213 = arith.constant 0 : index
    %swap3A_1214 = vector.load %arg9[%swap3A, %swap3A_1212, %swap3A_1213] : memref<1x24x512xi32, #tpu.memory_space<vmem>>, vector<1x24x512xi32>
    %swap3A_1215 = vector.shape_cast %swap3A_1214 : vector<1x24x512xi32> to vector<24x512xi32>
    %swap3A_1216 = vector.shape_cast %select_n3A_1211 : vector<24x512xi32> to vector<1x24x512xi32>
    tpu.vector_store %arg9[%swap3A, %swap3A_1212, %swap3A_1213], %swap3A_1216 {strides = array<i32>} : memref<1x24x512xi32, #tpu.memory_space<vmem>>, vector<1x24x512xi32>,
    %iota3A_1217 = tpu.iota {dimensions = array<i32: 1>} : vector<512x128xi32>
    %get3A_1218 = arith.constant 0 : index
    %get3A_1219 = arith.constant 0 : index
    %get3A_1220 = vector.load %arg7[%get3A_1218, %get3A_1219] : memref<8x128xf32, #tpu.memory_space<vmem>>, vector<8x128xf32>
    %slice3A_1221 = vector.extract_strided_slice %get3A_3 {offsets = [0, 0], sizes = [512, 1], strides = [1, 1]} : vector<512x128xf32> to vector<512x1xf32>
    %slice3A_1222 = vector.extract_strided_slice %get3A_1220 {offsets = [0, 0], sizes = [1, 128], strides = [1, 1]} : vector<8x128xf32> to vector<1x128xf32>
    %mul3A_1223 = vector.broadcast %slice3A_1221 : vector<512x1xf32> to vector<512x128xf32>
    %mul3A_1224 = vector.broadcast %slice3A_1222 : vector<1x128xf32> to vector<512x128xf32>
    %mul3A_1225 = arith.mulf %mul3A_1223, %mul3A_1224 : vector<512x128xf32>
    %slice3A_1226 = vector.extract_strided_slice %get3A_3 {offsets = [0, 1], sizes = [512, 1], strides = [1, 1]} : vector<512x128xf32> to vector<512x1xf32>
    %slice3A_1227 = vector.extract_strided_slice %get3A_1220 {offsets = [1, 0], sizes = [1, 128], strides = [1, 1]} : vector<8x128xf32> to vector<1x128xf32>
    %mul3A_1228 = vector.broadcast %slice3A_1226 : vector<512x1xf32> to vector<512x128xf32>
    %mul3A_1229 = vector.broadcast %slice3A_1227 : vector<1x128xf32> to vector<512x128xf32>
    %mul3A_1230 = arith.mulf %mul3A_1228, %mul3A_1229 : vector<512x128xf32>
    %add3A_1231 = arith.addf %mul3A_1225, %mul3A_1230 : vector<512x128xf32>
    %slice3A_1232 = vector.extract_strided_slice %get3A_3 {offsets = [0, 2], sizes = [512, 1], strides = [1, 1]} : vector<512x128xf32> to vector<512x1xf32>
    %slice3A_1233 = vector.extract_strided_slice %get3A_1220 {offsets = [2, 0], sizes = [1, 128], strides = [1, 1]} : vector<8x128xf32> to vector<1x128xf32>
    %mul3A_1234 = vector.broadcast %slice3A_1232 : vector<512x1xf32> to vector<512x128xf32>
    %mul3A_1235 = vector.broadcast %slice3A_1233 : vector<1x128xf32> to vector<512x128xf32>
    %mul3A_1236 = arith.mulf %mul3A_1234, %mul3A_1235 : vector<512x128xf32>
    %add3A_1237 = arith.addf %add3A_1231, %mul3A_1236 : vector<512x128xf32>
    %sin3A = math.sin %add3A_1237 : vector<512x128xf32>
    %cos3A = math.cos %add3A_1237 : vector<512x128xf32>
    %lt3A = arith.constant 32 : i32
    %lt3A_1238 = vector.broadcast %lt3A : i32 to vector<512x128xi32>
    %lt3A_1239 = arith.cmpi slt, %iota3A_1217, %lt3A_1238 : vector<512x128xi32>
    %lt3A_1240 = arith.constant 64 : i32
    %lt3A_1241 = vector.broadcast %lt3A_1240 : i32 to vector<512x128xi32>
    %lt3A_1242 = arith.cmpi slt, %iota3A_1217, %lt3A_1241 : vector<512x128xi32>
    %lt3A_1243 = arith.constant 96 : i32
    %lt3A_1244 = vector.broadcast %lt3A_1243 : i32 to vector<512x128xi32>
    %lt3A_1245 = arith.cmpi slt, %iota3A_1217, %lt3A_1244 : vector<512x128xi32>
    %jit3A_1246 = arith.constant 0.000000e+00 : f32
    %broadcast_in_dim3A_1247 = vector.broadcast %jit3A_1246 : f32 to vector<512x128xf32>
    %select_n3A_1248 = arith.select %lt3A_1245, %cos3A, %broadcast_in_dim3A_1247 : vector<512x128xi1>, vector<512x128xf32>
    %select_n3A_1249 = arith.select %lt3A_1242, %sin3A, %select_n3A_1248 : vector<512x128xi1>, vector<512x128xf32>
    %select_n3A_1250 = arith.select %lt3A_1239, %get3A_3, %select_n3A_1249 : vector<512x128xi1>, vector<512x128xf32>
    %swap3A_1251 = arith.constant 0 : index
    %swap3A_1252 = arith.constant 0 : index
    %swap3A_1253 = arith.constant 0 : index
    %swap3A_1254 = vector.load %arg10[%swap3A_1251, %swap3A_1252, %swap3A_1253] : memref<1x512x128xf32, #tpu.memory_space<vmem>>, vector<1x512x128xf32>
    %swap3A_1255 = vector.shape_cast %swap3A_1254 : vector<1x512x128xf32> to vector<512x128xf32>
    %swap3A_1256 = vector.shape_cast %select_n3A_1250 : vector<512x128xf32> to vector<1x512x128xf32>
    tpu.vector_store %arg10[%swap3A_1251, %swap3A_1252, %swap3A_1253], %swap3A_1256 {strides = array<i32>} : memref<1x512x128xf32, #tpu.memory_space<vmem>>, vector<1x512x128xf32>,
    %get3A_1257 = arith.constant 0 : index
    %get3A_1258 = arith.constant 0 : index
    %get3A_1259 = arith.constant 0 : index
    %get3A_1260 = vector.load %arg4[%get3A_1257, %get3A_1258, %get3A_1259] : memref<1x512x64xf32, #tpu.memory_space<vmem>>, vector<1x512x64xf32>
    %get3A_1261 = vector.shape_cast %get3A_1260 : vector<1x512x64xf32> to vector<512x64xf32>
    %get3A_1262 = arith.constant 0 : index
    %get3A_1263 = arith.constant 0 : index
    %get3A_1264 = vector.load %arg5[%get3A_1262, %get3A_1263] : memref<64x128xf32, #tpu.memory_space<vmem>>, vector<64x128xf32>
    %convert_element_type3A_1265 = arith.truncf %get3A_1261 : vector<512x64xf32> to vector<512x64xbf16>
    %convert_element_type3A_1266 = arith.truncf %get3A_1264 : vector<64x128xf32> to vector<64x128xbf16>
    %dot_general3A_1267 = arith.constant dense<0.000000e+00> : vector<512x128xf32>
    %dot_general3A_1268 = tpu.matmul %convert_element_type3A_1265, %convert_element_type3A_1266, %dot_general3A_1267 {dimension_numbers = #tpu.dot_dimension_numbers<[1], [0], [0], [1], [0, 0, 1, 1], [], []>, transpose_lhs_hint = false} : vector<512x64xbf16>, vector<64x128xbf16>, vector<512x128xf32> -> vector<512x128xf32>
    %get3A_1269 = arith.constant 0 : index
    %get3A_1270 = arith.constant 0 : index
    %get3A_1271 = vector.load %arg6[%get3A_1269, %get3A_1270] : memref<1x128xf32, #tpu.memory_space<vmem>>, vector<1x128xf32>
    %add3A_1272 = vector.broadcast %get3A_1271 : vector<1x128xf32> to vector<512x128xf32>
    %add3A_1273 = arith.addf %dot_general3A_1268, %add3A_1272 : vector<512x128xf32>
    %swap3A_1274 = arith.constant 0 : index
    %swap3A_1275 = arith.constant 0 : index
    %swap3A_1276 = arith.constant 0 : index
    %swap3A_1277 = vector.load %arg8[%swap3A_1274, %swap3A_1275, %swap3A_1276] : memref<1x512x128xf32, #tpu.memory_space<vmem>>, vector<1x512x128xf32>
    %swap3A_1278 = vector.shape_cast %swap3A_1277 : vector<1x512x128xf32> to vector<512x128xf32>
    %swap3A_1279 = vector.shape_cast %add3A_1273 : vector<512x128xf32> to vector<1x512x128xf32>
    tpu.vector_store %arg8[%swap3A_1274, %swap3A_1275, %swap3A_1276], %swap3A_1279 {strides = array<i32>} : memref<1x512x128xf32, #tpu.memory_space<vmem>>, vector<1x512x128xf32>,
    return
  }
  func.func @transform_0(%arg0: i32, %arg1: i32) -> (i32, i32, i32) {
    %c0_i32 = arith.constant 0 : i32
    %c0_i32_0 = arith.constant 0 : i32
    return %arg0, %arg1, %c0_i32 : i32, i32, i32
  }
  func.func @transform_1(%arg0: i32, %arg1: i32) -> (i32, i32, i32) {
    %c0_i32 = arith.constant 0 : i32
    %c0_i32_0 = arith.constant 0 : i32
    %c0_i32_1 = arith.constant 0 : i32
    return %arg0, %c0_i32, %c0_i32_0 : i32, i32, i32
  }
  func.func @transform_2(%arg0: i32, %arg1: i32) -> (i32, i32, i32) {
    %c0_i32 = arith.constant 0 : i32
    %c0_i32_0 = arith.constant 0 : i32
    return %arg0, %arg1, %c0_i32 : i32, i32, i32
  }
  func.func @transform_3(%arg0: i32, %arg1: i32) -> (i32, i32) {
    %c0_i32 = arith.constant 0 : i32
    %c0_i32_0 = arith.constant 0 : i32
    %c0_i32_1 = arith.constant 0 : i32
    return %c0_i32, %c0_i32_0 : i32, i32
  }
  func.func @transform_4(%arg0: i32, %arg1: i32) -> (i32, i32) {
    %c0_i32 = arith.constant 0 : i32
    %c0_i32_0 = arith.constant 0 : i32
    %c0_i32_1 = arith.constant 0 : i32
    return %c0_i32, %c0_i32_0 : i32, i32
  }
  func.func @transform_5(%arg0: i32, %arg1: i32) -> (i32, i32) {
    %c0_i32 = arith.constant 0 : i32
    %c0_i32_0 = arith.constant 0 : i32
    %c0_i32_1 = arith.constant 0 : i32
    return %c0_i32, %c0_i32_0 : i32, i32
  }
  func.func @transform_6(%arg0: i32, %arg1: i32) -> (i32, i32, i32) {
    %c0_i32 = arith.constant 0 : i32
    %c0_i32_0 = arith.constant 0 : i32
    return %arg0, %arg1, %c0_i32 : i32, i32, i32
  }
  func.func @transform_7(%arg0: i32, %arg1: i32) -> (i32, i32, i32) {
    %c0_i32 = arith.constant 0 : i32
    %c0_i32_0 = arith.constant 0 : i32
    return %arg0, %c0_i32, %arg1 : i32, i32, i32
  }
  func.func @transform_8(%arg0: i32, %arg1: i32) -> (i32, i32, i32) {
    %c0_i32 = arith.constant 0 : i32
    %c0_i32_0 = arith.constant 0 : i32
    return %arg0, %arg1, %c0_i32 : i32, i32, i32
  }
}

module attributes {stable_mosaic.version = 14 : i64} {
  func.func @_mlp_body(%arg0: i32, %arg1: i32, %arg2: memref<1x256x128xf32, #tpu.memory_space<vmem>>, %arg3: memref<1x256x128xf32, #tpu.memory_space<vmem>>, %arg4: memref<6144x128xf32, #tpu.memory_space<vmem>>, %arg5: memref<6144x128xf32, #tpu.memory_space<vmem>>, %arg6: memref<32x128xf32, #tpu.memory_space<vmem>>, %arg7: memref<32x128xf32, #tpu.memory_space<vmem>>, %arg8: memref<1x128xf32, #tpu.memory_space<vmem>>, %arg9: memref<128x128xf32, #tpu.memory_space<vmem>>, %arg10: memref<1x128xf32, #tpu.memory_space<vmem>>, %arg11: memref<128x128xf32, #tpu.memory_space<vmem>>, %arg12: memref<1x128xf32, #tpu.memory_space<vmem>>, %arg13: memref<128x128xf32, #tpu.memory_space<vmem>>, %arg14: memref<1x128xf32, #tpu.memory_space<vmem>>, %arg15: memref<128x128xf32, #tpu.memory_space<vmem>>, %arg16: memref<1x128xf32, #tpu.memory_space<vmem>>, %arg17: memref<1x256x24x128xf32, #tpu.memory_space<vmem>>, %arg18: memref<1x256x128xf32, #tpu.memory_space<vmem>>) attributes {dimension_semantics = [#tpu.dimension_semantics<parallel>, #tpu.dimension_semantics<parallel>], iteration_bounds = array<i64: 1, 16>, scalar_prefetch = 0 : i64, scratch_operands = 0 : i64, tpu.core_type = #tpu.core_type<tc>, window_params = [{transform_indices = @transform_0, window_bounds = array<i64: 1, 256, 128>}, {transform_indices = @transform_1, window_bounds = array<i64: 1, 256, 128>}, {transform_indices = @transform_2, window_bounds = array<i64: 6144, 128>}, {transform_indices = @transform_3, window_bounds = array<i64: 6144, 128>}, {pipeline_mode = #tpu.pipeline_mode<synchronous>, transform_indices = @transform_4, window_bounds = array<i64: 32, 128>}, {pipeline_mode = #tpu.pipeline_mode<synchronous>, transform_indices = @transform_5, window_bounds = array<i64: 32, 128>}, {pipeline_mode = #tpu.pipeline_mode<synchronous>, transform_indices = @transform_6, window_bounds = array<i64: 1, 128>}, {pipeline_mode = #tpu.pipeline_mode<synchronous>, transform_indices = @transform_7, window_bounds = array<i64: 128, 128>}, {pipeline_mode = #tpu.pipeline_mode<synchronous>, transform_indices = @transform_8, window_bounds = array<i64: 1, 128>}, {pipeline_mode = #tpu.pipeline_mode<synchronous>, transform_indices = @transform_9, window_bounds = array<i64: 128, 128>}, {pipeline_mode = #tpu.pipeline_mode<synchronous>, transform_indices = @transform_10, window_bounds = array<i64: 1, 128>}, {pipeline_mode = #tpu.pipeline_mode<synchronous>, transform_indices = @transform_11, window_bounds = array<i64: 128, 128>}, {pipeline_mode = #tpu.pipeline_mode<synchronous>, transform_indices = @transform_12, window_bounds = array<i64: 1, 128>}, {pipeline_mode = #tpu.pipeline_mode<synchronous>, transform_indices = @transform_13, window_bounds = array<i64: 128, 128>}, {pipeline_mode = #tpu.pipeline_mode<synchronous>, transform_indices = @transform_14, window_bounds = array<i64: 1, 128>}, {transform_indices = @transform_15, window_bounds = array<i64: 1, 256, 24, 128>}, {transform_indices = @transform_16, window_bounds = array<i64: 1, 256, 128>}]} {
    %get3A = arith.constant 0 : index
    %get3A_0 = arith.constant 0 : index
    %get3A_1 = arith.constant 0 : index
    %get3A_2 = vector.load %arg2[%get3A, %get3A_0, %get3A_1] : memref<1x256x128xf32, #tpu.memory_space<vmem>>, vector<1x256x128xf32>
    %get3A_3 = vector.shape_cast %get3A_2 : vector<1x256x128xf32> to vector<256x128xf32>
    %get3A_4 = arith.constant 0 : index
    %get3A_5 = arith.constant 0 : index
    %get3A_6 = arith.constant 0 : index
    %get3A_7 = vector.load %arg3[%get3A_4, %get3A_5, %get3A_6] : memref<1x256x128xf32, #tpu.memory_space<vmem>>, vector<1x256x128xf32>
    %get3A_8 = vector.shape_cast %get3A_7 : vector<1x256x128xf32> to vector<256x128xf32>
    %get3A_9 = arith.constant 0 : index
    %get3A_10 = arith.constant 0 : index
    %get3A_11 = vector.load %arg4[%get3A_9, %get3A_10] : memref<6144x128xf32, #tpu.memory_space<vmem>>, vector<6144x128xf32>
    %get3A_12 = arith.constant 0 : index
    %get3A_13 = arith.constant 0 : index
    %get3A_14 = vector.load %arg5[%get3A_12, %get3A_13] : memref<6144x128xf32, #tpu.memory_space<vmem>>, vector<6144x128xf32>
    %reshape3A = vector.shape_cast %get3A_14 : vector<6144x128xf32> to vector<256x24x128xf32>
    %reshape3A_15 = vector.shape_cast %get3A_11 : vector<6144x128xf32> to vector<256x24x128xf32>
    %slice3A = vector.extract_strided_slice %reshape3A {offsets = [0, 0, 32], sizes = [256, 24, 32], strides = [1, 1, 1]} : vector<256x24x128xf32> to vector<256x24x32xf32>
    %slice3A_16 = vector.extract_strided_slice %reshape3A {offsets = [0, 0, 64], sizes = [256, 24, 32], strides = [1, 1, 1]} : vector<256x24x128xf32> to vector<256x24x32xf32>
    %slice3A_17 = vector.extract_strided_slice %get3A_8 {offsets = [0, 32], sizes = [256, 32], strides = [1, 1]} : vector<256x128xf32> to vector<256x32xf32>
    %broadcast_in_dim3A = vector.shape_cast %slice3A_17 : vector<256x32xf32> to vector<256x1x32xf32>
    %slice3A_18 = vector.extract_strided_slice %get3A_8 {offsets = [0, 64], sizes = [256, 32], strides = [1, 1]} : vector<256x128xf32> to vector<256x32xf32>
    %broadcast_in_dim3A_19 = vector.shape_cast %slice3A_18 : vector<256x32xf32> to vector<256x1x32xf32>
    %mul3A = vector.broadcast %broadcast_in_dim3A : vector<256x1x32xf32> to vector<256x24x32xf32>
    %mul3A_20 = arith.mulf %mul3A, %slice3A_16 : vector<256x24x32xf32>
    %mul3A_21 = vector.broadcast %broadcast_in_dim3A_19 : vector<256x1x32xf32> to vector<256x24x32xf32>
    %mul3A_22 = arith.mulf %mul3A_21, %slice3A : vector<256x24x32xf32>
    %sub3A = arith.subf %mul3A_20, %mul3A_22 : vector<256x24x32xf32>
    %reshape3A_23 = vector.shape_cast %sub3A : vector<256x24x32xf32> to vector<6144x32xf32>
    %mul3A_24 = vector.broadcast %broadcast_in_dim3A_19 : vector<256x1x32xf32> to vector<256x24x32xf32>
    %mul3A_25 = arith.mulf %mul3A_24, %slice3A_16 : vector<256x24x32xf32>
    %mul3A_26 = vector.broadcast %broadcast_in_dim3A : vector<256x1x32xf32> to vector<256x24x32xf32>
    %mul3A_27 = arith.mulf %mul3A_26, %slice3A : vector<256x24x32xf32>
    %add3A = arith.addf %mul3A_25, %mul3A_27 : vector<256x24x32xf32>
    %reshape3A_28 = vector.shape_cast %add3A : vector<256x24x32xf32> to vector<6144x32xf32>
    %get3A_29 = arith.constant 0 : index
    %get3A_30 = arith.constant 0 : index
    %get3A_31 = vector.load %arg6[%get3A_29, %get3A_30] : memref<32x128xf32, #tpu.memory_space<vmem>>, vector<32x128xf32>
    %convert_element_type3A = arith.truncf %reshape3A_23 : vector<6144x32xf32> to vector<6144x32xbf16>
    %convert_element_type3A_32 = arith.truncf %get3A_31 : vector<32x128xf32> to vector<32x128xbf16>
    %dot_general3A = arith.constant dense<0.000000e+00> : vector<6144x128xf32>
    %dot_general3A_33 = tpu.matmul %convert_element_type3A, %convert_element_type3A_32, %dot_general3A {dimension_numbers = #tpu.dot_dimension_numbers<[1], [0], [0], [1], [0, 0, 1, 1], [], []>, transpose_lhs_hint = false} : vector<6144x32xbf16>, vector<32x128xbf16>, vector<6144x128xf32> -> vector<6144x128xf32>
    %get3A_34 = arith.constant 0 : index
    %get3A_35 = arith.constant 0 : index
    %get3A_36 = vector.load %arg7[%get3A_34, %get3A_35] : memref<32x128xf32, #tpu.memory_space<vmem>>, vector<32x128xf32>
    %convert_element_type3A_37 = arith.truncf %reshape3A_28 : vector<6144x32xf32> to vector<6144x32xbf16>
    %convert_element_type3A_38 = arith.truncf %get3A_36 : vector<32x128xf32> to vector<32x128xbf16>
    %dot_general3A_39 = arith.constant dense<0.000000e+00> : vector<6144x128xf32>
    %dot_general3A_40 = tpu.matmul %convert_element_type3A_37, %convert_element_type3A_38, %dot_general3A_39 {dimension_numbers = #tpu.dot_dimension_numbers<[1], [0], [0], [1], [0, 0, 1, 1], [], []>, transpose_lhs_hint = false} : vector<6144x32xbf16>, vector<32x128xbf16>, vector<6144x128xf32> -> vector<6144x128xf32>
    %add3A_41 = arith.addf %dot_general3A_33, %dot_general3A_40 : vector<6144x128xf32>
    %get3A_42 = arith.constant 0 : index
    %get3A_43 = arith.constant 0 : index
    %get3A_44 = vector.load %arg8[%get3A_42, %get3A_43] : memref<1x128xf32, #tpu.memory_space<vmem>>, vector<1x128xf32>
    %add3A_45 = vector.broadcast %get3A_44 : vector<1x128xf32> to vector<6144x128xf32>
    %add3A_46 = arith.addf %add3A_41, %add3A_45 : vector<6144x128xf32>
    %max3A = arith.constant 0.000000e+00 : f32
    %max3A_47 = vector.broadcast %max3A : f32 to vector<6144x128xf32>
    %max3A_48 = arith.maximumf %add3A_46, %max3A_47 : vector<6144x128xf32>
    %get3A_49 = arith.constant 0 : index
    %get3A_50 = arith.constant 0 : index
    %get3A_51 = vector.load %arg9[%get3A_49, %get3A_50] : memref<128x128xf32, #tpu.memory_space<vmem>>, vector<128x128xf32>
    %convert_element_type3A_52 = arith.truncf %max3A_48 : vector<6144x128xf32> to vector<6144x128xbf16>
    %convert_element_type3A_53 = arith.truncf %get3A_51 : vector<128x128xf32> to vector<128x128xbf16>
    %dot_general3A_54 = arith.constant dense<0.000000e+00> : vector<6144x128xf32>
    %dot_general3A_55 = tpu.matmul %convert_element_type3A_52, %convert_element_type3A_53, %dot_general3A_54 {dimension_numbers = #tpu.dot_dimension_numbers<[1], [0], [0], [1], [0, 0, 1, 1], [], []>, transpose_lhs_hint = false} : vector<6144x128xbf16>, vector<128x128xbf16>, vector<6144x128xf32> -> vector<6144x128xf32>
    %get3A_56 = arith.constant 0 : index
    %get3A_57 = arith.constant 0 : index
    %get3A_58 = vector.load %arg10[%get3A_56, %get3A_57] : memref<1x128xf32, #tpu.memory_space<vmem>>, vector<1x128xf32>
    %add3A_59 = vector.broadcast %get3A_58 : vector<1x128xf32> to vector<6144x128xf32>
    %add3A_60 = arith.addf %dot_general3A_55, %add3A_59 : vector<6144x128xf32>
    %broadcast_in_dim3A_61 = vector.shape_cast %get3A_3 : vector<256x128xf32> to vector<256x1x128xf32>
    %sub3A_62 = vector.broadcast %broadcast_in_dim3A_61 : vector<256x1x128xf32> to vector<256x24x128xf32>
    %sub3A_63 = arith.subf %sub3A_62, %reshape3A_15 : vector<256x24x128xf32>
    %reshape3A_64 = vector.shape_cast %add3A_60 : vector<6144x128xf32> to vector<256x24x128xf32>
    %add3A_65 = arith.addf %sub3A_63, %reshape3A_64 : vector<256x24x128xf32>
    %reshape3A_66 = vector.shape_cast %add3A_65 : vector<256x24x128xf32> to vector<6144x128xf32>
    %get3A_67 = arith.constant 0 : index
    %get3A_68 = arith.constant 0 : index
    %get3A_69 = vector.load %arg11[%get3A_67, %get3A_68] : memref<128x128xf32, #tpu.memory_space<vmem>>, vector<128x128xf32>
    %convert_element_type3A_70 = arith.truncf %reshape3A_66 : vector<6144x128xf32> to vector<6144x128xbf16>
    %convert_element_type3A_71 = arith.truncf %get3A_69 : vector<128x128xf32> to vector<128x128xbf16>
    %dot_general3A_72 = arith.constant dense<0.000000e+00> : vector<6144x128xf32>
    %dot_general3A_73 = tpu.matmul %convert_element_type3A_70, %convert_element_type3A_71, %dot_general3A_72 {dimension_numbers = #tpu.dot_dimension_numbers<[1], [0], [0], [1], [0, 0, 1, 1], [], []>, transpose_lhs_hint = false} : vector<6144x128xbf16>, vector<128x128xbf16>, vector<6144x128xf32> -> vector<6144x128xf32>
    %get3A_74 = arith.constant 0 : index
    %get3A_75 = arith.constant 0 : index
    %get3A_76 = vector.load %arg12[%get3A_74, %get3A_75] : memref<1x128xf32, #tpu.memory_space<vmem>>, vector<1x128xf32>
    %add3A_77 = vector.broadcast %get3A_76 : vector<1x128xf32> to vector<6144x128xf32>
    %add3A_78 = arith.addf %dot_general3A_73, %add3A_77 : vector<6144x128xf32>
    %max3A_79 = arith.constant 0.000000e+00 : f32
    %max3A_80 = vector.broadcast %max3A_79 : f32 to vector<6144x128xf32>
    %max3A_81 = arith.maximumf %add3A_78, %max3A_80 : vector<6144x128xf32>
    %get3A_82 = arith.constant 0 : index
    %get3A_83 = arith.constant 0 : index
    %get3A_84 = vector.load %arg13[%get3A_82, %get3A_83] : memref<128x128xf32, #tpu.memory_space<vmem>>, vector<128x128xf32>
    %convert_element_type3A_85 = arith.truncf %max3A_81 : vector<6144x128xf32> to vector<6144x128xbf16>
    %convert_element_type3A_86 = arith.truncf %get3A_84 : vector<128x128xf32> to vector<128x128xbf16>
    %dot_general3A_87 = arith.constant dense<0.000000e+00> : vector<6144x128xf32>
    %dot_general3A_88 = tpu.matmul %convert_element_type3A_85, %convert_element_type3A_86, %dot_general3A_87 {dimension_numbers = #tpu.dot_dimension_numbers<[1], [0], [0], [1], [0, 0, 1, 1], [], []>, transpose_lhs_hint = false} : vector<6144x128xbf16>, vector<128x128xbf16>, vector<6144x128xf32> -> vector<6144x128xf32>
    %get3A_89 = arith.constant 0 : index
    %get3A_90 = arith.constant 0 : index
    %get3A_91 = vector.load %arg14[%get3A_89, %get3A_90] : memref<1x128xf32, #tpu.memory_space<vmem>>, vector<1x128xf32>
    %add3A_92 = vector.broadcast %get3A_91 : vector<1x128xf32> to vector<6144x128xf32>
    %add3A_93 = arith.addf %dot_general3A_88, %add3A_92 : vector<6144x128xf32>
    %sqrt3A = arith.constant 1.280000e+02 : f32
    %sqrt3A_94 = math.sqrt %sqrt3A : f32
    %div3A = vector.broadcast %sqrt3A_94 : f32 to vector<6144x128xf32>
    %div3A_95 = arith.divf %add3A_93, %div3A : vector<6144x128xf32>
    %reshape3A_96 = vector.shape_cast %div3A_95 : vector<6144x128xf32> to vector<256x24x128xf32>
    %reduce_max3A = arith.constant dense<0xFF800000> : vector<256x128xf32>
    %reduce_max3A_97 = vector.multi_reduction <maximumf>, %reshape3A_96, %reduce_max3A [1] : vector<256x24x128xf32> to vector<256x128xf32>
    %broadcast_in_dim3A_98 = vector.shape_cast %reduce_max3A_97 : vector<256x128xf32> to vector<256x1x128xf32>
    %sub3A_99 = vector.broadcast %broadcast_in_dim3A_98 : vector<256x1x128xf32> to vector<256x24x128xf32>
    %sub3A_100 = arith.subf %reshape3A_96, %sub3A_99 : vector<256x24x128xf32>
    %exp3A = math.exp %sub3A_100 : vector<256x24x128xf32>
    %reduce_sum3A = arith.constant dense<0.000000e+00> : vector<256x128xf32>
    %reduce_sum3A_101 = vector.multi_reduction <add>, %exp3A, %reduce_sum3A [1] : vector<256x24x128xf32> to vector<256x128xf32>
    %broadcast_in_dim3A_102 = vector.shape_cast %reduce_sum3A_101 : vector<256x128xf32> to vector<256x1x128xf32>
    %div3A_103 = vector.broadcast %broadcast_in_dim3A_102 : vector<256x1x128xf32> to vector<256x24x128xf32>
    %div3A_104 = arith.divf %exp3A, %div3A_103 : vector<256x24x128xf32>
    %swap3A = arith.constant 0 : index
    %swap3A_105 = arith.constant 0 : index
    %swap3A_106 = arith.constant 0 : index
    %swap3A_107 = arith.constant 0 : index
    %swap3A_108 = vector.load %arg17[%swap3A, %swap3A_105, %swap3A_106, %swap3A_107] : memref<1x256x24x128xf32, #tpu.memory_space<vmem>>, vector<1x256x24x128xf32>
    %swap3A_109 = vector.shape_cast %swap3A_108 : vector<1x256x24x128xf32> to vector<256x24x128xf32>
    %swap3A_110 = vector.shape_cast %div3A_104 : vector<256x24x128xf32> to vector<1x256x24x128xf32>
    tpu.vector_store %arg17[%swap3A, %swap3A_105, %swap3A_106, %swap3A_107], %swap3A_110 {strides = array<i32>} : memref<1x256x24x128xf32, #tpu.memory_space<vmem>>, vector<1x256x24x128xf32>,
    %reshape3A_111 = vector.shape_cast %div3A_104 : vector<256x24x128xf32> to vector<6144x128xf32>
    %add3A_112 = arith.addf %get3A_11, %add3A_60 : vector<6144x128xf32>
    %mul3A_113 = arith.mulf %reshape3A_111, %add3A_112 : vector<6144x128xf32>
    %reshape3A_114 = vector.shape_cast %mul3A_113 : vector<6144x128xf32> to vector<256x24x128xf32>
    %reduce_sum3A_115 = arith.constant dense<0.000000e+00> : vector<256x128xf32>
    %reduce_sum3A_116 = vector.multi_reduction <add>, %reshape3A_114, %reduce_sum3A_115 [1] : vector<256x24x128xf32> to vector<256x128xf32>
    %get3A_117 = arith.constant 0 : index
    %get3A_118 = arith.constant 0 : index
    %get3A_119 = vector.load %arg15[%get3A_117, %get3A_118] : memref<128x128xf32, #tpu.memory_space<vmem>>, vector<128x128xf32>
    %convert_element_type3A_120 = arith.truncf %reduce_sum3A_116 : vector<256x128xf32> to vector<256x128xbf16>
    %convert_element_type3A_121 = arith.truncf %get3A_119 : vector<128x128xf32> to vector<128x128xbf16>
    %dot_general3A_122 = arith.constant dense<0.000000e+00> : vector<256x128xf32>
    %dot_general3A_123 = tpu.matmul %convert_element_type3A_120, %convert_element_type3A_121, %dot_general3A_122 {dimension_numbers = #tpu.dot_dimension_numbers<[1], [0], [0], [1], [0, 0, 1, 1], [], []>, transpose_lhs_hint = false} : vector<256x128xbf16>, vector<128x128xbf16>, vector<256x128xf32> -> vector<256x128xf32>
    %get3A_124 = arith.constant 0 : index
    %get3A_125 = arith.constant 0 : index
    %get3A_126 = vector.load %arg16[%get3A_124, %get3A_125] : memref<1x128xf32, #tpu.memory_space<vmem>>, vector<1x128xf32>
    %add3A_127 = vector.broadcast %get3A_126 : vector<1x128xf32> to vector<256x128xf32>
    %add3A_128 = arith.addf %dot_general3A_123, %add3A_127 : vector<256x128xf32>
    %add3A_129 = arith.addf %add3A_128, %get3A_3 : vector<256x128xf32>
    %swap3A_130 = arith.constant 0 : index
    %swap3A_131 = arith.constant 0 : index
    %swap3A_132 = arith.constant 0 : index
    %swap3A_133 = vector.load %arg18[%swap3A_130, %swap3A_131, %swap3A_132] : memref<1x256x128xf32, #tpu.memory_space<vmem>>, vector<1x256x128xf32>
    %swap3A_134 = vector.shape_cast %swap3A_133 : vector<1x256x128xf32> to vector<256x128xf32>
    %swap3A_135 = vector.shape_cast %add3A_129 : vector<256x128xf32> to vector<1x256x128xf32>
    tpu.vector_store %arg18[%swap3A_130, %swap3A_131, %swap3A_132], %swap3A_135 {strides = array<i32>} : memref<1x256x128xf32, #tpu.memory_space<vmem>>, vector<1x256x128xf32>,
    return
  }
  func.func @transform_0(%arg0: i32, %arg1: i32) -> (i32, i32, i32) {
    %c0_i32 = arith.constant 0 : i32
    %c0_i32_0 = arith.constant 0 : i32
    return %arg0, %arg1, %c0_i32 : i32, i32, i32
  }
  func.func @transform_1(%arg0: i32, %arg1: i32) -> (i32, i32, i32) {
    %c0_i32 = arith.constant 0 : i32
    %c0_i32_0 = arith.constant 0 : i32
    return %arg0, %arg1, %c0_i32 : i32, i32, i32
  }
  func.func @transform_2(%arg0: i32, %arg1: i32) -> (i32, i32) {
    %mul3A = arith.constant 16 : i32
    %mul3A_0 = arith.muli %arg0, %mul3A : i32
    %add3A = arith.addi %mul3A_0, %arg1 : i32
    %c0_i32 = arith.constant 0 : i32
    %c0_i32_1 = arith.constant 0 : i32
    return %add3A, %c0_i32 : i32, i32
  }
  func.func @transform_3(%arg0: i32, %arg1: i32) -> (i32, i32) {
    %mul3A = arith.constant 16 : i32
    %mul3A_0 = arith.muli %arg0, %mul3A : i32
    %add3A = arith.addi %mul3A_0, %arg1 : i32
    %c0_i32 = arith.constant 0 : i32
    %c0_i32_1 = arith.constant 0 : i32
    return %add3A, %c0_i32 : i32, i32
  }
  func.func @transform_4(%arg0: i32, %arg1: i32) -> (i32, i32) {
    %c0_i32 = arith.constant 0 : i32
    %c0_i32_0 = arith.constant 0 : i32
    %c0_i32_1 = arith.constant 0 : i32
    return %c0_i32, %c0_i32_0 : i32, i32
  }
  func.func @transform_5(%arg0: i32, %arg1: i32) -> (i32, i32) {
    %c0_i32 = arith.constant 0 : i32
    %c0_i32_0 = arith.constant 0 : i32
    %c0_i32_1 = arith.constant 0 : i32
    return %c0_i32, %c0_i32_0 : i32, i32
  }
  func.func @transform_6(%arg0: i32, %arg1: i32) -> (i32, i32) {
    %c0_i32 = arith.constant 0 : i32
    %c0_i32_0 = arith.constant 0 : i32
    %c0_i32_1 = arith.constant 0 : i32
    return %c0_i32, %c0_i32_0 : i32, i32
  }
  func.func @transform_7(%arg0: i32, %arg1: i32) -> (i32, i32) {
    %c0_i32 = arith.constant 0 : i32
    %c0_i32_0 = arith.constant 0 : i32
    %c0_i32_1 = arith.constant 0 : i32
    return %c0_i32, %c0_i32_0 : i32, i32
  }
  func.func @transform_8(%arg0: i32, %arg1: i32) -> (i32, i32) {
    %c0_i32 = arith.constant 0 : i32
    %c0_i32_0 = arith.constant 0 : i32
    %c0_i32_1 = arith.constant 0 : i32
    return %c0_i32, %c0_i32_0 : i32, i32
  }
  func.func @transform_9(%arg0: i32, %arg1: i32) -> (i32, i32) {
    %c0_i32 = arith.constant 0 : i32
    %c0_i32_0 = arith.constant 0 : i32
    %c0_i32_1 = arith.constant 0 : i32
    return %c0_i32, %c0_i32_0 : i32, i32
  }
  func.func @transform_10(%arg0: i32, %arg1: i32) -> (i32, i32) {
    %c0_i32 = arith.constant 0 : i32
    %c0_i32_0 = arith.constant 0 : i32
    %c0_i32_1 = arith.constant 0 : i32
    return %c0_i32, %c0_i32_0 : i32, i32
  }
  func.func @transform_11(%arg0: i32, %arg1: i32) -> (i32, i32) {
    %c0_i32 = arith.constant 0 : i32
    %c0_i32_0 = arith.constant 0 : i32
    %c0_i32_1 = arith.constant 0 : i32
    return %c0_i32, %c0_i32_0 : i32, i32
  }
  func.func @transform_12(%arg0: i32, %arg1: i32) -> (i32, i32) {
    %c0_i32 = arith.constant 0 : i32
    %c0_i32_0 = arith.constant 0 : i32
    %c0_i32_1 = arith.constant 0 : i32
    return %c0_i32, %c0_i32_0 : i32, i32
  }
  func.func @transform_13(%arg0: i32, %arg1: i32) -> (i32, i32) {
    %c0_i32 = arith.constant 0 : i32
    %c0_i32_0 = arith.constant 0 : i32
    %c0_i32_1 = arith.constant 0 : i32
    return %c0_i32, %c0_i32_0 : i32, i32
  }
  func.func @transform_14(%arg0: i32, %arg1: i32) -> (i32, i32) {
    %c0_i32 = arith.constant 0 : i32
    %c0_i32_0 = arith.constant 0 : i32
    %c0_i32_1 = arith.constant 0 : i32
    return %c0_i32, %c0_i32_0 : i32, i32
  }
  func.func @transform_15(%arg0: i32, %arg1: i32) -> (i32, i32, i32, i32) {
    %c0_i32 = arith.constant 0 : i32
    %c0_i32_0 = arith.constant 0 : i32
    %c0_i32_1 = arith.constant 0 : i32
    return %arg0, %arg1, %c0_i32, %c0_i32_0 : i32, i32, i32, i32
  }
  func.func @transform_16(%arg0: i32, %arg1: i32) -> (i32, i32, i32) {
    %c0_i32 = arith.constant 0 : i32
    %c0_i32_0 = arith.constant 0 : i32
    return %arg0, %arg1, %c0_i32 : i32, i32, i32
  }
}

</mosaic_0001>

<sc_bundles>
// kernel: kernel.14.cloned.1.call-start
scs
__scs_entry_jumppad:
0x0: {  	(pc) =	sbr.rel $0x88, $3  }
0x1: {  	(tag) =	ssettag $0x0;
	lr =	simm.s32 $0x1  }
0x2: {  	[smem:$0x3F93] =	sst lr;
	_ =	strace $0xD0000000  }
0x3: {  	_ = 	snop  }
0x4: {  	_ = 	snop  }
0x5: {  	_ = 	snop  }
0x6: {  	_ = 	snop  }
0x7: {  	_ = 	snop  }
__scs_overlays_trampoline_lowered:
0x8: {  	[smem:$0x3FA2] =	sst s0  }
0x9: {  	[smem:$0x3FA3] =	sst s1  }
0xa: {  	[smem:$0x3FA4] =	sst s2  }
0xb: {  	[smem:$0x3FA5] =	sst s3  }
0xc: {  	[smem:$0x3FA6] =	sst s4  }
0xd: {  	[smem:$0x3FA7] =	sst s5  }
0xe: {  	[smem:$0x3FA8] =	sst s6  }
0xf: {  	[smem:$0x3FA9] =	sst s7  }
0x10: {  	[smem:$0x3FAA] =	sst s8  }
0x11: {  	[smem:$0x3FAB] =	sst s9;
	s0 =	simm.s32 @!p0 $0x0  }
0x12: {  	s1 =	sld [smem:$0x3F91];
	s0 =	simm.s32 @p0 $0x1  }
0x13: {  	[smem:$0x3FAC] =	sst s0;
	s0 =	simm.s32 @!p1 $0x0  }
0x14: {  	s2 =	sld [smem:$0x3F90];
	s0 =	simm.s32 @p1 $0x1  }
0x15: {  	[smem:$0x3FAD] =	sst s0;
	s0 =	simm.s32 @!p2 $0x0  }
0x16: {  	s3 =	sld [smem:$0x3FDB];
	s0 =	simm.s32 @p2 $0x1  }
0x17: {  	s4 =	simm.s32 $0x1BF5;
	[smem:$0x3FAF] =	sst s0  }
0x18: {  	s0 =	sld [smem:$0x3F92];
	_ =	swait.ge [sflag:s4], $0x0  }
0x19: {  	s7 =	sld [smem:$0x3F93]  }
0x1a: {  	s8 =	sadd.s32 $0xFFFFE003, lr  }
0x1b: {  	s9 =	sadd.s32 $0xFFFFFEF7, lr;
	s5 =	simm.s32 $0xFFFFFFFF;
	p2 =	slt.u32 s8, $0xFFFFF086  }
0x1c: {  	p1 =	slt.u32 s9, $0xF7A;
	s5 =	simm.s32 @!p2 $0x0  }
0x1d: {  	s5 =	simm.s32 @p1 $0x1;
	p0 =	seq.s32 s7, s2  }
0x1e: {  	s7 =	smul.u32 @!p0 $0xF7A, s2;
	p2 =	seq.s32 @!p0 s5, $0x0  }
0x1f: {  	s9 =	smul.u32 $0xF7A, s1;
	s8 =	simm.s32 @!p0 $0x1BF5;
	p2 =	por !p2, p0  }
0x20: {  	[sflag:s8] =	ssyncset.s32 @!p0 $0xFFFFF086;
	s6 =	sadd.s32 @!p0 s3, s7;
	s7 =	simm.s32 @!p0 $0x108  }
0x21: {  	s3 =	sadd.s32 s3, s9;
	s6 =	sadd.s32 @!p0 $0x88, s6;
	s7 =	simm.s32 @p2 $0x1082  }
0x22: {  	[simem:s7], [sflag:s8] =	dma.local @!p0 [hbm:s6], $0xF7A  }
0x23: {  	s9 =	sor.u32 $0xD0000000, s2;
	s6 =	simm.s32 $0x108;
	_ =	swait.ge @!p0 [sflag:s8], $0x0  }
0x24: {  	s3 =	sadd.s32 $0x88, s3;
	s6 =	simm.s32 @!p1 $0x1082;
	[sflag:s4] =	ssyncset.s32 $0xFFFFF086  }
0x25: {  	[simem:s6], [sflag:s4] =	dma.local [hbm:s3], $0xF7A  }
0x26: {  	[smem:$0x3F93] =	sst s1;
	(tag) =	ssettag s2;
	_ =	strace s9  }
0x27: {  	s1 =	sld [smem:$0x3FA3]  }
0x28: {  	s2 =	sld [smem:$0x3FA4]  }
0x29: {  	s4 =	sld [smem:$0x3FA6]  }
0x2a: {  	p0 =	seq.s32 s5, $0x0;
	s5 =	sld [smem:$0x3FA7]  }
0x2b: {  	s6 =	sld [smem:$0x3FA8]  }
0x2c: {  	s7 =	sld [smem:$0x3FA9]  }
0x2d: {  	s3 =	simm.s32 $0x108;
	s8 =	sld [smem:$0x3FAA]  }
0x2e: {  	s3 =	simm.s32 @!p0 $0x1082;
	s9 =	sld [smem:$0x3FAB]  }
0x2f: {  	lr =	sadd.s32 s0, s3;
	s0 =	sld [smem:$0x3FA2]  }
0x30: {  	s3 =	sld [smem:$0x3FA5]  }
0x31: {  	[smem:$0x3FAE] =	sst s10  }
0x32: {  	s10 =	sld [smem:$0x3FAC];
	_ =	sdelay $0x3  }
0x33: {  	p0 =	seq.s32 s10, $0x1;
	s10 =	sld [smem:$0x3FAE];
	_ =	sdelay $0x3  }
0x34: {  	[smem:$0x3FAE] =	sst s10  }
0x35: {  	s10 =	sld [smem:$0x3FAD];
	_ =	sdelay $0x3  }
0x36: {  	p1 =	seq.s32 s10, $0x1;
	s10 =	sld [smem:$0x3FAE];
	_ =	sdelay $0x3  }
0x37: {  	[smem:$0x3FAE] =	sst s10  }
0x38: {  	s10 =	sld [smem:$0x3FAF]  }
0x39: {  	_ = 	snop;
	(pc) =	sbr.ind lr, $3  }
0x3a: {  	_ = 	snop  }
0x3b: {  	_ = 	snop  }
0x3c: {  	p2 =	seq.s32 s10, $0x1;
	s10 =	sld [smem:$0x3FAE]  }
0x3d: {  	_ =	shalt  }
0x3e: {  	_ =	shalt  }
0x3f: {  	_ =	shalt  }
0x40: {  	_ =	shalt  }
0x41: {  	_ =	shalt  }
0x42: {  	_ =	shalt  }
0x43: {  	_ =	shalt  }
0x44: {  	_ =	shalt  }
0x45: {  	_ =	shalt  }
0x46: {  	_ =	shalt  }
0x47: {  	_ =	shalt  }
0x48: {  	_ =	shalt  }
0x49: {  	_ =	shalt  }
0x4a: {  	_ =	shalt  }
0x4b: {  	_ =	shalt  }
0x4c: {  	_ =	shalt  }
0x4d: {  	_ =	shalt  }
0x4e: {  	_ =	shalt  }
0x4f: {  	_ =	shalt  }
0x50: {  	_ =	shalt  }
0x51: {  	_ =	shalt  }
0x52: {  	_ =	shalt  }
0x53: {  	_ =	shalt  }
0x54: {  	_ =	shalt  }
0x55: {  	_ =	shalt  }
0x56: {  	_ =	shalt  }
0x57: {  	_ =	shalt  }
0x58: {  	_ =	shalt  }
0x59: {  	_ =	shalt  }
0x5a: {  	_ =	shalt  }
0x5b: {  	_ =	shalt  }
0x5c: {  	_ =	shalt  }
0x5d: {  	_ =	shalt  }
0x5e: {  	_ =	shalt  }
0x5f: {  	_ =	shalt  }
0x60: {  	_ =	shalt  }
0x61: {  	_ =	shalt  }
0x62: {  	_ =	shalt  }
0x63: {  	_ =	shalt  }
0x64: {  	_ =	shalt  }
0x65: {  	_ =	shalt  }
0x66: {  	_ =	shalt  }
0x67: {  	_ =	shalt  }
0x68: {  	_ =	shalt  }
0x69: {  	_ =	shalt  }
0x6a: {  	_ =	shalt  }
0x6b: {  	_ =	shalt  }
0x6c: {  	_ =	shalt  }
0x6d: {  	_ =	shalt  }
0x6e: {  	_ =	shalt  }
0x6f: {  	_ =	shalt  }
0x70: {  	_ =	shalt  }
0x71: {  	_ =	shalt  }
0x72: {  	_ =	shalt  }
0x73: {  	_ =	shalt  }
0x74: {  	_ =	shalt  }
0x75: {  	_ =	shalt  }
0x76: {  	_ =	shalt  }
0x77: {  	_ =	shalt  }
0x78: {  	_ =	shalt  }
0x79: {  	_ =	shalt  }
0x7a: {  	_ =	shalt  }
0x7b: {  	_ =	shalt  }
0x7c: {  	_ =	shalt  }
0x7d: {  	_ =	shalt  }
0x7e: {  	_ =	shalt  }
0x7f: {  	_ =	shalt  }
0x80: {  	_ =	shalt  }
0x81: {  	_ =	shalt  }
0x82: {  	_ =	shalt  }
0x83: {  	_ =	shalt  }
0x84: {  	_ =	shalt  }
0x85: {  	_ =	shalt  }
0x86: {  	_ =	shalt  }
0x87: {  	_ =	shalt  }
.Lfunc_end0:
.L_simem_size_0:
called_computation_lowered:
.L_overlay_start_0:
0x88: {  	s2 =	sld [smem:$0x3FD9]  }
0x89: {  	s3 =	sld [smem:$0x3FFE];
	_ =	sdelay $0x1  }
0x8a: {  	s1 =	srdreg.scid  }
0x8b: {  	s0 =	sand.u32 $0x1, s1  }
0x8c: {  	s15 =	sshll.u32 s0, $0xA;
	s2 =	sadd.s32 s3, s2  }
0x8d: {  	s2 =	sadd.s32 s2, s15  }
0x8e: {  	[smem:$0x3FBA] =	sst s2  }
0x8f: {  	_ = 	snop  }
0x90: {  	s2 =	sld [smem:$0x3FD0];
	_ =	sdelay $0x2  }
0x91: {  	s16 =	simm.s32 $0xD;
	s4 =	simm.s32 $0x10  }
0x92: {  	[smem:s4], [sflag:s16] =	dma.local [hbm:s2], $0x1  }
0x93: {  	_ =	swait.eq [sflag:s16], $0x1  }
0x94: {  	[sflag:s16] =	ssyncset.done $0x0  }
0x95: {  	[sflag:s16] =	ssyncadd.s32 $0xFFFFFFFF  }
0x96: {  	s17 =	sld [smem:$0x11];
	(tm) =	ssettm $0x1  }
0x97: {  	s18 =	sld [smem:$0x3FFB];
	_ =	sdelay $0x3  }
0x98: {  	_ =	strace s18  }
0x99: {  	s2 =	sld [smem:$0x3FFC];
	_ =	sdelay $0x3  }
0x9a: {  	_ =	strace s2  }
0x9b: {  	s2 =	sld [smem:$0x3FFD];
	_ =	sdelay $0x3  }
0x9c: {  	_ =	strace s2  }
0x9d: {  	_ =	strace $0x8FFFFFFF  }
0x9e: {  	s19 =	sld [smem:$0x3FDB];
	_ =	sdelay $0x1  }
0x9f: {  	s20 =	simm.s32 $_scs_section_size  }
0xa0: {  	s5 =	simm.s32 $_size__tile_overlayer_lowered;
	s6 =	simm.s32 $_tile_overlayer_lowered  }
0xa1: {  	s7 =	simm.s32 $0x1BFF;
	s21 =	sshll.u32 s6, $0x1;
	s4 =	sadd.s32 s20, s19  }
0xa2: {  	s22 =	simm.s32 $0x0;
	s5 =	sshll.u32 s5, $0x1;
	s6 =	sadd.s32 s21, s4  }
0xa3: {  	[timem:s22], [sflag:s7] =	dma.local [hbm:s6], s5  }
0xa4: {  	_ =	swait.ge [sflag:s7], s5  }
0xa5: {  	s5 =	ssub.s32 $0x0, s5;
	[sflag:s7] =	ssyncset.done $0x0  }
0xa6: {  	[sflag:s7] =	ssyncadd.s32 s5;
	_ =	sdelay $0x1  }
0xa7: {  	s23 =	simm.s32 $0x1B8B  }
0xa8: {  	_ =	swait.ge [sflag:s23], $0x1  }
0xa9: {  	[sflag:s23] =	ssyncset.done $0x0  }
0xaa: {  	[sflag:s23] =	ssyncadd.s32 $0xFFFFFFFF  }
0xab: {  	s5 =	sld [smem:$0x0]  }
0xac: {  	s6 =	sand.u32 $0xFFFFFFFE, s1  }
0xad: {  	p0 =	sne.s32 s1, s6  }
0xae: {  	s6 =	sshll.u32 @p0 s6, $0xE  }
0xaf: {  	s6 =	sadd.s32 @p0 $0x11B8D, s6;
	s7 =	sshll.u32 @p0 s5, $0x11  }
0xb0: {  	s6 =	sor.u32 @p0 s7, s6  }
0xb1: {  	[sflag:s6] =	ssyncadd.remote.s32 @p0 $0x1;
	_ =	sdelay $0x1  }
0xb2: {  	s6 =	simm.s32 @p0 $0x1B8D  }
0xb3: {  	_ =	swait.eq @p0 [sflag:s6], $0x1  }
0xb4: {  	[sflag:s6] =	ssyncadd.s32 @p0 $0xFFFFFFFF  }
0xb5: {  	s7 =	sshll.u32 @!p0 s1, $0xE  }
0xb6: {  	s7 =	sor.u32 @!p0 $0x4000, s7;
	s6 =	simm.s32 @!p0 $0x1B8D  }
0xb7: {  	s5 =	sshll.u32 @!p0 s5, $0x11;
	s7 =	sadd.s32 @!p0 $0x11B8D, s7;
	_ =	swait.eq @!p0 [sflag:s6], $0x1  }
0xb8: {  	s5 =	sor.u32 @!p0 s5, s7;
	[sflag:s6] =	ssyncadd.s32 @!p0 $0xFFFFFFFF  }
0xb9: {  	s25 =	simm.s32 $0x1B8E;
	s24 =	sld [smem:$0x3FFE];
	[sflag:s5] =	ssyncadd.remote.s32 @!p0 $0x1  }
0xba: {  	s26 =	simm.s32 $execute0_lowered;
	[smem:$0x3FD2] =	sst s25  }
0xbb: {  	s6 =	sshll.u32 s26, $0x1;
	_ =	strace $0x8000004F;
	[dreg:$0x1] =	wrdreg $0xFFFFFFFF  }
0xbc: {  	s28 =	simm.s32 $_size_execute0_lowered;
	s4 =	sadd.s32 s4, s6;
	[dreg:$0x0] =	wrdreg $0x0  }
0xbd: {  	s6 =	sshll.u32 s28, $0x1;
	[dreg:$0x2] =	wrdreg s4  }
0xbe: {  	[dreg:$0x3] =	wrdreg s6  }
0xbf: {  	[dreg:$0x4] =	wrdreg $0xC0  }
0xc0: {  	_ =	task [dreg:s22], $0x5FFFF  }
0xc1: {  	[dreg:$0x1] =	wrdreg $0xFFFFFFFF  }
0xc2: {  	[dreg:$0x0] =	wrdreg $0x60  }
0xc3: {  	[dreg:$0x2] =	wrdreg s24  }
0xc4: {  	[dreg:$0x3] =	wrdreg s17  }
0xc5: {  	[dreg:$0x4] =	wrdreg $0x9  }
0xc6: {  	_ =	task.clear_ibuf [dreg:s22], $0x5FFFF;
	_ =	strace $0x9000004F  }
0xc7: {  	s29 =	simm.s32 $0x9;
	_ =	strace $0x80000051  }
0xc8: {  	_ =	swait.ge [sflag:s29], $0x1  }
0xc9: {  	[sflag:s29] =	ssyncadd.s32 $0xFFFFFFFF  }
0xca: {  	_ =	strace $0x90000051  }
0xcb: {  	_ =	sfence  }
0xcc: {  	s30 =	sld [smem:$0x0];
	_ =	sdelay $0x2  }
0xcd: {  	s31 =	sshll.u32 s1, $0xD;
	s1 =	sshrl.u32 s1, $0x2  }
0xce: {  	s4 =	sand.u32 $0x4000, s31;
	s1 =	sadd.s32 s1, s30  }
0xcf: {  	s0 =	sor.u32 s4, s0;
	s1 =	sshll.u32 s1, $0x11  }
0xd0: {  	s0 =	sor.u32 s1, s0  }
0xd1: {  	s0 =	sadd.s32 $0x8F2B, s0  }
0xd2: {  	[sflag:s0] =	ssyncadd.remote.s32 $0x1  }
0xd3: {  	_ =	sfence.sel $0xFFFF  }
0xd4: {  	[dreg:$0x0] =	wrdreg $0xFFFFFFFF;
	(pc) =	sbr.abs _section_cstart, $3  }
0xd5: {  	[dreg:$0x1] =	wrdreg $0xFFFFFFFF  }
0xd6: {  	_ =	task.clear_ibuf [dreg:s22], $0x2FFFF;
	_ =	strace $0x9FFFFFFF  }
0xd7: {  	(tm) =	ssettm $0x7FFFFFFF  }
tec
execute0_lowered:
.L_overlay_start_1:
0x0: {  	(tag) =	ssettag $0x1  }
0x1: {  	s6 =	rddreg [dreg:$0x0]  }
0x2: {  	s1 =	rddreg [dreg:$0x1]  }
0x3: {  	s0 =	rddreg [dreg:$0x2];
	s3 =	simm.s32 $0x0;
	s4 =	srdreg.scid  }
0x4: {  	s2 =	stileid.u32;
	s13 =	simm.s32 $0x4080;
	s14 =	simm.s32 $0x8080  }
0x5: {  	s15 =	simm.s32 $0x8100;
	s16 =	simm.s32 $0xC100;
	s17 =	simm.s32 $0x1  }
0x6: {  	s18 =	simm.s32 $0x2;
	s19 =	simm.s32 $0xC00;
	s20 =	simm.s32 $0x3  }
0x7: {  	s21 =	simm.s32 $0x4;
	s22 =	simm.s32 $0x0;
	[smem:$0x7FF] =	sst s3  }
0x8: {  	s7 =	sand.u32 $0x1, s4;
	s8 =	smul.u32 $0x1800, s2;
	s4 =	sadd.s32 $0x960400, s6  }
0x9: {  	s5 =	sadd.s32 $0x970400, s6;
	s9 =	smul.u32 $0xC00, s7;
	s11 =	ssub.s32 $0x2, s7  }
0xa: {  	s10 =	sadd.s32 $0x980400, s6;
	s6 =	sadd.s32 $0x983400, s6;
	s30 =	sshrl.u32 s11, $0x1  }
0xb: {  	_ =	strace $0x80000050;
	s7 =	sadd.s32 s9, s8;
	s8 =	ssub.s32 s11, s30  }
0xc: {  	s11 =	simm.s32 $0x5;
	s9 =	sshrl.u32 s7, $0x3;
	s12 =	sor.u32 $0x80, s7  }
0xd: {  	s8 =	smax.u32 s8, $0x1;
	s9 =	sadd.s32 s9, s10;
	s31 =	sshrl.u32 s12, $0x3  }
0xe: {  	[dreg:$0x3] =	wrdreg s9;
	s10 =	sadd.s32 s31, s10;
	s9 =	sshrl.u32 s7, $0x5  }
0xf: {  	[dreg:$0x4] =	wrdreg s10;
	s10 =	smul.u32 $0xC00, s12;
	s12 =	simm.s32 $0x80  }
.LBB2_1:
0x10: {  	s23 =	rddreg [dreg:$0x3]  }
0x11: {  	s23 =	sadd.s32 $0x0, s23  }
0x12: {  	[tilespmem:s3], [sflag:$0x5] =	stream.linear.gather [hbm4b:s23+s3], $0x80, $0x38;
	[tilespmem:$0x10100] =	vst v63  }
0x13: {  	_ =	swait.ge [sflag:s11], $0x80  }
0x14: {  	[sflag:s11] =	ssyncset.done $0x0  }
0x15: {  	[sflag:s11] =	ssyncadd.s32 $0xFFFFFF80  }
0x16: {  	[tilespmem:s12], [sflag:$0x1] =	stream.indirect.gather [hbm4b:s4+s12], $0x80, s3, s12, $0xb8;
	[tilespmem:$0x10100] =	vst v63  }
0x17: {  	s26 =	rddreg [dreg:$0x4]  }
0x18: {  	[tilespmem:s13], [sflag:$0x2] =	stream.indirect.gather [hbm4b:s5+s12], $0x80, s3, s12, $0xb8;
	[tilespmem:$0x10100] =	vst v63  }
0x19: {  	s23 =	sadd.s32 $0x0, s26  }
0x1a: {  	[tilespmem:s14], [sflag:$0x5] =	stream.linear.gather [hbm4b:s23+s3], $0x80, $0x38;
	[tilespmem:$0x10100] =	vst v63  }
0x1b: {  	_ =	swait.ge [sflag:s11], $0x80  }
0x1c: {  	[sflag:s11] =	ssyncset.done $0x0  }
0x1d: {  	[sflag:s11] =	ssyncadd.s32 $0xFFFFFF80  }
0x1e: {  	[tilespmem:s15], [sflag:$0x3] =	stream.indirect.gather [hbm4b:s4+s12], $0x80, s14, s12, $0xb8;
	[tilespmem:$0x10100] =	vst v63  }
0x1f: {  	s30 =	sand.u32 $0xF00, s7  }
0x20: {  	[tilespmem:s16], [sflag:$0x4] =	stream.indirect.gather [hbm4b:s5+s12], $0x80, s14, s12, $0xb8;
	[tilespmem:$0x10100] =	vst v63  }
0x21: {  	s23 =	smul.u32 $0xC00, s30;
	_ =	swait.ge [sflag:s17], $0x4000  }
0x22: {  	s24 =	sand.u32 $0x3FFFC00, s9;
	[sflag:s17] =	ssyncset.done $0x0  }
0x23: {  	s25 =	sand.u32 $0x380, s9;
	s23 =	sadd.s32 s24, s23;
	[sflag:s17] =	ssyncadd.s32 $0xFFFFC000  }
0x24: {  	s23 =	sor.u32 s25, s23;
	_ =	swait.ge [sflag:s18], $0x4000  }
0x25: {  	s23 =	sshrl.u32 s23, $0x3;
	[sflag:s18] =	ssyncset.done $0x0  }
0x26: {  	s31 =	sadd.s32 s1, s23;
	[sflag:s18] =	ssyncadd.s32 $0xFFFFC000  }
0x27: {  	[hbm4b:s31+s12] =	stream.strided.scatter [tilespmem:s12], [sflag:$0x5], $0x4000, s19, s12, $0x38;
	[tilespmem:$0x10100] =	vst v63  }
0x28: {  	_ =	swait.ge [sflag:s11], $0x4000  }
0x29: {  	[sflag:s11] =	ssyncset.done $0x0  }
0x2a: {  	s23 =	sadd.s32 s6, s23;
	[sflag:s11] =	ssyncadd.s32 $0xFFFFC000  }
0x2b: {  	[hbm4b:s23+s12] =	stream.strided.scatter [tilespmem:s13], [sflag:$0x5], $0x4000, s19, s12, $0x38;
	[tilespmem:$0x10100] =	vst v63  }
0x2c: {  	_ =	swait.ge [sflag:s11], $0x4000  }
0x2d: {  	[sflag:s11] =	ssyncset.done $0x0  }
0x2e: {  	[sflag:s11] =	ssyncadd.s32 $0xFFFFC000  }
0x2f: {  	s26 =	sand.u32 $0xFFFFFC00, s9;
	s30 =	sshrl.u32 s7, $0xC;
	_ =	swait.ge [sflag:s20], $0x4000  }
0x30: {  	s24 =	smul.u32 $0xC00000, s30;
	s23 =	sadd.s32 s26, s10;
	[sflag:s20] =	ssyncset.done $0x0  }
0x31: {  	s23 =	sadd.s32 s25, s23;
	[sflag:s20] =	ssyncadd.s32 $0xFFFFC000  }
0x32: {  	s23 =	ssub.s32 s23, s24;
	_ =	swait.ge [sflag:s21], $0x4000  }
0x33: {  	s23 =	sshrl.u32 s23, $0x3;
	[sflag:s21] =	ssyncset.done $0x0  }
0x34: {  	s31 =	sadd.s32 s1, s23;
	[sflag:s21] =	ssyncadd.s32 $0xFFFFC000  }
0x35: {  	[hbm4b:s31+s12] =	stream.strided.scatter [tilespmem:s15], [sflag:$0x5], $0x4000, s19, s12, $0x38;
	[tilespmem:$0x10100] =	vst v63  }
0x36: {  	_ =	swait.ge [sflag:s11], $0x4000  }
0x37: {  	s28 =	simm.s32 $0x40;
	[sflag:s11] =	ssyncset.done $0x0  }
0x38: {  	s26 =	smov.u32 s7;
	s23 =	sadd.s32 s6, s23;
	[sflag:s11] =	ssyncadd.s32 $0xFFFFC000  }
0x39: {  	[hbm4b:s23+s12] =	stream.strided.scatter [tilespmem:s16], [sflag:$0x5], $0x4000, s19, s12, $0x38;
	[tilespmem:$0x10100] =	vst v63  }
0x3a: {  	s25 =	simm.s32 $0x20;
	s24 =	smov.u32 s9;
	_ =	swait.ge [sflag:s11], $0x4000  }
0x3b: {  	s23 =	sadd.s32 $0xC0000, s10;
	s29 =	rddreg [dreg:$0x3];
	[sflag:s11] =	ssyncset.done $0x0  }
.LBB2_2:
0x3c: {  	[sflag:s11] =	ssyncadd.s32 $0xFFFFC000;
	s29 =	sadd.s32 s25, s29  }
0x3d: {  	[tilespmem:s3], [sflag:$0x5] =	stream.linear.gather [hbm4b:s29+s3], $0x80, $0x38;
	[tilespmem:$0x10100] =	vst v63  }
0x3e: {  	_ =	swait.ge [sflag:s11], $0x80  }
0x3f: {  	[sflag:s11] =	ssyncset.done $0x0  }
0x40: {  	[sflag:s11] =	ssyncadd.s32 $0xFFFFFF80  }
0x41: {  	[tilespmem:s12], [sflag:$0x1] =	stream.indirect.gather [hbm4b:s4+s12], $0x80, s3, s12, $0xb8;
	[tilespmem:$0x10100] =	vst v63  }
0x42: {  	s29 =	rddreg [dreg:$0x4]  }
0x43: {  	[tilespmem:s13], [sflag:$0x2] =	stream.indirect.gather [hbm4b:s5+s12], $0x80, s3, s12, $0xb8;
	[tilespmem:$0x10100] =	vst v63  }
0x44: {  	s29 =	sadd.s32 s25, s29  }
0x45: {  	[tilespmem:s14], [sflag:$0x5] =	stream.linear.gather [hbm4b:s29+s3], $0x80, $0x38;
	[tilespmem:$0x10100] =	vst v63  }
0x46: {  	_ =	swait.ge [sflag:s11], $0x80  }
0x47: {  	[sflag:s11] =	ssyncset.done $0x0  }
0x48: {  	s26 =	sadd.s32 $0x100, s26;
	[sflag:s11] =	ssyncadd.s32 $0xFFFFFF80  }
0x49: {  	[tilespmem:s15], [sflag:$0x3] =	stream.indirect.gather [hbm4b:s4+s12], $0x80, s14, s12, $0xb8;
	[tilespmem:$0x10100] =	vst v63  }
0x4a: {  	s24 =	sadd.s32 $0x8, s24;
	s29 =	sand.u32 $0xF00, s26  }
0x4b: {  	[tilespmem:s16], [sflag:$0x4] =	stream.indirect.gather [hbm4b:s5+s12], $0x80, s14, s12, $0xb8;
	[tilespmem:$0x10100] =	vst v63  }
0x4c: {  	s30 =	smov.u32 s28;
	s29 =	smul.u32 $0xC00, s29;
	_ =	swait.ge [sflag:s17], $0x4000  }
0x4d: {  	s25 =	smov.u32 s30;
	s30 =	sand.u32 $0x3FFFC00, s24;
	[sflag:s17] =	ssyncset.done $0x0  }
0x4e: {  	s31 =	sand.u32 $0x380, s24;
	s29 =	sadd.s32 s30, s29;
	[sflag:s17] =	ssyncadd.s32 $0xFFFFC000  }
0x4f: {  	s29 =	sor.u32 s31, s29;
	_ =	swait.ge [sflag:s18], $0x4000  }
0x50: {  	s29 =	sshrl.u32 s29, $0x3;
	[sflag:s18] =	ssyncset.done $0x0  }
0x51: {  	s30 =	sadd.s32 s1, s29;
	[sflag:s18] =	ssyncadd.s32 $0xFFFFC000  }
0x52: {  	[hbm4b:s30+s12] =	stream.strided.scatter [tilespmem:s12], [sflag:$0x5], $0x4000, s19, s12, $0x38;
	[tilespmem:$0x10100] =	vst v63  }
0x53: {  	_ =	swait.ge [sflag:s11], $0x4000  }
0x54: {  	[sflag:s11] =	ssyncset.done $0x0  }
0x55: {  	s29 =	sadd.s32 s6, s29;
	[sflag:s11] =	ssyncadd.s32 $0xFFFFC000  }
0x56: {  	[hbm4b:s29+s12] =	stream.strided.scatter [tilespmem:s13], [sflag:$0x5], $0x4000, s19, s12, $0x38;
	[tilespmem:$0x10100] =	vst v63  }
0x57: {  	_ =	swait.ge [sflag:s11], $0x4000  }
0x58: {  	[sflag:s11] =	ssyncset.done $0x0  }
0x59: {  	[sflag:s11] =	ssyncadd.s32 $0xFFFFC000  }
0x5a: {  	s30 =	sshrl.u32 s26, $0xC;
	s29 =	sand.u32 $0xFFFFFC00, s24;
	_ =	swait.ge [sflag:s20], $0x4000  }
0x5b: {  	s30 =	smul.u32 $0xC00000, s30;
	s29 =	sadd.s32 s29, s23;
	[sflag:s20] =	ssyncset.done $0x0  }
0x5c: {  	s29 =	sadd.s32 s31, s29;
	[sflag:s20] =	ssyncadd.s32 $0xFFFFC000  }
0x5d: {  	s29 =	ssub.s32 s29, s30;
	_ =	swait.ge [sflag:s21], $0x4000  }
0x5e: {  	s29 =	sshrl.u32 s29, $0x3;
	[sflag:s21] =	ssyncset.done $0x0  }
0x5f: {  	s31 =	sadd.s32 s1, s29;
	[sflag:s21] =	ssyncadd.s32 $0xFFFFC000  }
0x60: {  	[hbm4b:s31+s12] =	stream.strided.scatter [tilespmem:s15], [sflag:$0x5], $0x4000, s19, s12, $0x38;
	[tilespmem:$0x10100] =	vst v63  }
0x61: {  	p0 =	sne.s32 s28, $0x160;
	_ =	swait.ge [sflag:s11], $0x4000  }
.Ltmp0:
0x62: {  	[sflag:s11] =	ssyncset.done $0x0;
	(pc) =	sbr.rel @p0 .LBB2_2-.Ltmp0, $4  }
0x63: {  	s29 =	sadd.s32 s6, s29;
	[sflag:s11] =	ssyncadd.s32 $0xFFFFC000  }
0x64: {  	[hbm4b:s29+s12] =	stream.strided.scatter [tilespmem:s16], [sflag:$0x5], $0x4000, s19, s12, $0x38;
	[tilespmem:$0x10100] =	vst v63  }
0x65: {  	s28 =	sadd.s32 $0x20, s28;
	_ =	swait.ge [sflag:s11], $0x4000  }
0x66: {  	s23 =	sadd.s32 $0xC0000, s23;
	s29 =	rddreg [dreg:$0x3];
	[sflag:s11] =	ssyncset.done $0x0  }
0x67: {  	[sflag:s11] =	ssyncadd.s32 $0xFFFFC000;
	s28 =	sadd.s32 s25, s29  }
0x68: {  	[tilespmem:s3], [sflag:$0x5] =	stream.linear.gather [hbm4b:s28+s3], $0x80, $0x38;
	[tilespmem:$0x10100] =	vst v63  }
0x69: {  	_ =	swait.ge [sflag:s11], $0x80  }
0x6a: {  	[sflag:s11] =	ssyncset.done $0x0  }
0x6b: {  	[sflag:s11] =	ssyncadd.s32 $0xFFFFFF80  }
0x6c: {  	[tilespmem:s12], [sflag:$0x1] =	stream.indirect.gather [hbm4b:s4+s12], $0x80, s3, s12, $0xb8;
	[tilespmem:$0x10100] =	vst v63  }
0x6d: {  	s31 =	rddreg [dreg:$0x4]  }
0x6e: {  	[tilespmem:s13], [sflag:$0x2] =	stream.indirect.gather [hbm4b:s5+s12], $0x80, s3, s12, $0xb8;
	[tilespmem:$0x10100] =	vst v63  }
0x6f: {  	s29 =	sadd.s32 s25, s31  }
0x70: {  	[tilespmem:s14], [sflag:$0x5] =	stream.linear.gather [hbm4b:s29+s3], $0x80, $0x38;
	[tilespmem:$0x10100] =	vst v63  }
0x71: {  	_ =	swait.ge [sflag:s11], $0x80  }
0x72: {  	[sflag:s11] =	ssyncset.done $0x0  }
0x73: {  	s25 =	sadd.s32 $0x100, s26;
	[sflag:s11] =	ssyncadd.s32 $0xFFFFFF80  }
0x74: {  	[tilespmem:s15], [sflag:$0x3] =	stream.indirect.gather [hbm4b:s4+s12], $0x80, s14, s12, $0xb8;
	[tilespmem:$0x10100] =	vst v63  }
0x75: {  	s26 =	sand.u32 $0xF00, s25  }
0x76: {  	[tilespmem:s16], [sflag:$0x4] =	stream.indirect.gather [hbm4b:s5+s12], $0x80, s14, s12, $0xb8;
	[tilespmem:$0x10100] =	vst v63  }
0x77: {  	s24 =	sadd.s32 $0x8, s24;
	s26 =	smul.u32 $0xC00, s26;
	_ =	swait.ge [sflag:s17], $0x4000  }
0x78: {  	s30 =	sand.u32 $0x3FFFC00, s24;
	[sflag:s17] =	ssyncset.done $0x0  }
0x79: {  	s26 =	sadd.s32 s30, s26;
	s29 =	sand.u32 $0x380, s24;
	[sflag:s17] =	ssyncadd.s32 $0xFFFFC000  }
0x7a: {  	s26 =	sor.u32 s29, s26;
	_ =	swait.ge [sflag:s18], $0x4000  }
0x7b: {  	s26 =	sshrl.u32 s26, $0x3;
	[sflag:s18] =	ssyncset.done $0x0  }
0x7c: {  	s31 =	sadd.s32 s1, s26;
	[sflag:s18] =	ssyncadd.s32 $0xFFFFC000  }
0x7d: {  	[hbm4b:s31+s12] =	stream.strided.scatter [tilespmem:s12], [sflag:$0x5], $0x4000, s19, s12, $0x38;
	[tilespmem:$0x10100] =	vst v63  }
0x7e: {  	_ =	swait.ge [sflag:s11], $0x4000  }
0x7f: {  	[sflag:s11] =	ssyncset.done $0x0  }
0x80: {  	s26 =	sadd.s32 s6, s26;
	[sflag:s11] =	ssyncadd.s32 $0xFFFFC000  }
0x81: {  	[hbm4b:s26+s12] =	stream.strided.scatter [tilespmem:s13], [sflag:$0x5], $0x4000, s19, s12, $0x38;
	[tilespmem:$0x10100] =	vst v63  }
0x82: {  	_ =	swait.ge [sflag:s11], $0x4000  }
0x83: {  	[sflag:s11] =	ssyncset.done $0x0  }
0x84: {  	[sflag:s11] =	ssyncadd.s32 $0xFFFFC000  }
0x85: {  	s25 =	sshrl.u32 s25, $0xC;
	s24 =	sand.u32 $0xFFFFFC00, s24;
	_ =	swait.ge [sflag:s20], $0x4000  }
0x86: {  	s30 =	smul.u32 $0xC00000, s25;
	s23 =	sadd.s32 s24, s23;
	[sflag:s20] =	ssyncset.done $0x0  }
0x87: {  	s23 =	sadd.s32 s29, s23;
	[sflag:s20] =	ssyncadd.s32 $0xFFFFC000  }
0x88: {  	s23 =	ssub.s32 s23, s30;
	_ =	swait.ge [sflag:s21], $0x4000  }
0x89: {  	s23 =	sshrl.u32 s23, $0x3;
	[sflag:s21] =	ssyncset.done $0x0  }
0x8a: {  	s31 =	sadd.s32 s1, s23;
	[sflag:s21] =	ssyncadd.s32 $0xFFFFC000  }
0x8b: {  	[hbm4b:s31+s12] =	stream.strided.scatter [tilespmem:s15], [sflag:$0x5], $0x4000, s19, s12, $0x38;
	[tilespmem:$0x10100] =	vst v63  }
0x8c: {  	s22 =	sadd.s32 $0x1, s22;
	_ =	swait.ge [sflag:s11], $0x4000  }
0x8d: {  	p0 =	sne.s32 s22, s8;
	[sflag:s11] =	ssyncset.done $0x0  }
.Ltmp1:
0x8e: {  	s23 =	sadd.s32 s6, s23;
	[sflag:s11] =	ssyncadd.s32 $0xFFFFC000;
	(pc) =	sbr.rel @p0 .LBB2_1-.Ltmp1, $4  }
0x8f: {  	[hbm4b:s23+s12] =	stream.strided.scatter [tilespmem:s16], [sflag:$0x5], $0x4000, s19, s12, $0x38;
	[tilespmem:$0x10100] =	vst v63  }
0x90: {  	_ =	swait.ge [sflag:s11], $0x4000  }
0x91: {  	[sflag:s11] =	ssyncset.done $0x0  }
0x92: {  	[sflag:s11] =	ssyncadd.s32 $0xFFFFC000  }
0x93: {  	_ =	sfence.sel $0x180000  }
0x94: {  	[bflag:$0x0] =	sbarrier.arrive $0xFFFF  }
0x95: {  	p0 =	sne.s32 s2, $0x0;
	_ =	strace $0x90000050  }
0x96: {  	s0 =	sadd.s32 @!p0 $0x100000, s0;
	[bflag:$0x2] =	sbarrier.arrive $0xFFFF  }
0x97: {  	[sflag:s0] =	ssyncadd.tile.s32 @!p0 $0x1;
	_ =	shalt  }
.Lfunc_end2:
_tile_overlayer_lowered:
.L_overlay_start_2:
0x98: {  	(tag) =	ssettag $0x2  }
0x99: {  	s0 =	rddreg [dreg:$0x0];
	s2 =	stileid.u32  }
0x9a: {  	s1 =	rddreg [dreg:$0x1];
	p0 =	sne.s32 s2, $0x0  }
0x9b: {  	s3 =	rddreg [dreg:$0x2];
	[bflag:$0x3] =	sbarrier.arrive $0xFFFF;
	s2 =	simm.s32 @!p0 $0x1C05  }
0x9c: {  	[timem:s3], [sflag:s2] =	dma.local @!p0 [hbm:s0], s1  }
0x9d: {  	s0 =	simm.s32 @!p0 $0x5  }
0x9e: {  	_ =	swait.ge @!p0 [sflag:s0], s1  }
0x9f: {  	s1 =	ssub.s32 @!p0 $0x0, s1;
	[sflag:s0] =	ssyncset.done @!p0 $0x0  }
0xa0: {  	[sflag:s0] =	ssyncadd.s32 @!p0 s1  }
0xa1: {  	[bflag:$0x3] =	sbarrier.arrive $0xFFFF  }
0xa2: {  	_ =	shalt  }

// kernel: kernel.17.cloned.1.call-start
scs
__scs_entry_jumppad:
0x0: {  	(pc) =	sbr.rel $0x88, $3  }
0x1: {  	(tag) =	ssettag $0x0;
	lr =	simm.s32 $0x1  }
0x2: {  	[smem:$0x3F93] =	sst lr;
	_ =	strace $0xD0000000  }
0x3: {  	_ = 	snop  }
0x4: {  	_ = 	snop  }
0x5: {  	_ = 	snop  }
0x6: {  	_ = 	snop  }
0x7: {  	_ = 	snop  }
__scs_overlays_trampoline_lowered:
0x8: {  	[smem:$0x3FA2] =	sst s0  }
0x9: {  	[smem:$0x3FA3] =	sst s1  }
0xa: {  	[smem:$0x3FA4] =	sst s2  }
0xb: {  	[smem:$0x3FA5] =	sst s3  }
0xc: {  	[smem:$0x3FA6] =	sst s4  }
0xd: {  	[smem:$0x3FA7] =	sst s5  }
0xe: {  	[smem:$0x3FA8] =	sst s6  }
0xf: {  	[smem:$0x3FA9] =	sst s7  }
0x10: {  	[smem:$0x3FAA] =	sst s8  }
0x11: {  	[smem:$0x3FAB] =	sst s9;
	s0 =	simm.s32 @!p0 $0x0  }
0x12: {  	s1 =	sld [smem:$0x3F91];
	s0 =	simm.s32 @p0 $0x1  }
0x13: {  	[smem:$0x3FAC] =	sst s0;
	s0 =	simm.s32 @!p1 $0x0  }
0x14: {  	s2 =	sld [smem:$0x3F90];
	s0 =	simm.s32 @p1 $0x1  }
0x15: {  	[smem:$0x3FAD] =	sst s0;
	s0 =	simm.s32 @!p2 $0x0  }
0x16: {  	s3 =	sld [smem:$0x3FDB];
	s0 =	simm.s32 @p2 $0x1  }
0x17: {  	s4 =	simm.s32 $0x1BF5;
	[smem:$0x3FAF] =	sst s0  }
0x18: {  	s0 =	sld [smem:$0x3F92];
	_ =	swait.ge [sflag:s4], $0x0  }
0x19: {  	s7 =	sld [smem:$0x3F93]  }
0x1a: {  	s8 =	sadd.s32 $0xFFFFE003, lr  }
0x1b: {  	s9 =	sadd.s32 $0xFFFFFEF7, lr;
	s5 =	simm.s32 $0xFFFFFFFF;
	p2 =	slt.u32 s8, $0xFFFFF086  }
0x1c: {  	p1 =	slt.u32 s9, $0xF7A;
	s5 =	simm.s32 @!p2 $0x0  }
0x1d: {  	s5 =	simm.s32 @p1 $0x1;
	p0 =	seq.s32 s7, s2  }
0x1e: {  	s7 =	smul.u32 @!p0 $0xF7A, s2;
	p2 =	seq.s32 @!p0 s5, $0x0  }
0x1f: {  	s9 =	smul.u32 $0xF7A, s1;
	s8 =	simm.s32 @!p0 $0x1BF5;
	p2 =	por !p2, p0  }
0x20: {  	[sflag:s8] =	ssyncset.s32 @!p0 $0xFFFFF086;
	s6 =	sadd.s32 @!p0 s3, s7;
	s7 =	simm.s32 @!p0 $0x108  }
0x21: {  	s3 =	sadd.s32 s3, s9;
	s6 =	sadd.s32 @!p0 $0x88, s6;
	s7 =	simm.s32 @p2 $0x1082  }
0x22: {  	[simem:s7], [sflag:s8] =	dma.local @!p0 [hbm:s6], $0xF7A  }
0x23: {  	s9 =	sor.u32 $0xD0000000, s2;
	s6 =	simm.s32 $0x108;
	_ =	swait.ge @!p0 [sflag:s8], $0x0  }
0x24: {  	s3 =	sadd.s32 $0x88, s3;
	s6 =	simm.s32 @!p1 $0x1082;
	[sflag:s4] =	ssyncset.s32 $0xFFFFF086  }
0x25: {  	[simem:s6], [sflag:s4] =	dma.local [hbm:s3], $0xF7A  }
0x26: {  	[smem:$0x3F93] =	sst s1;
	(tag) =	ssettag s2;
	_ =	strace s9  }
0x27: {  	s1 =	sld [smem:$0x3FA3]  }
0x28: {  	s2 =	sld [smem:$0x3FA4]  }
0x29: {  	s4 =	sld [smem:$0x3FA6]  }
0x2a: {  	p0 =	seq.s32 s5, $0x0;
	s5 =	sld [smem:$0x3FA7]  }
0x2b: {  	s6 =	sld [smem:$0x3FA8]  }
0x2c: {  	s7 =	sld [smem:$0x3FA9]  }
0x2d: {  	s3 =	simm.s32 $0x108;
	s8 =	sld [smem:$0x3FAA]  }
0x2e: {  	s3 =	simm.s32 @!p0 $0x1082;
	s9 =	sld [smem:$0x3FAB]  }
0x2f: {  	lr =	sadd.s32 s0, s3;
	s0 =	sld [smem:$0x3FA2]  }
0x30: {  	s3 =	sld [smem:$0x3FA5]  }
0x31: {  	[smem:$0x3FAE] =	sst s10  }
0x32: {  	s10 =	sld [smem:$0x3FAC];
	_ =	sdelay $0x3  }
0x33: {  	p0 =	seq.s32 s10, $0x1;
	s10 =	sld [smem:$0x3FAE];
	_ =	sdelay $0x3  }
0x34: {  	[smem:$0x3FAE] =	sst s10  }
0x35: {  	s10 =	sld [smem:$0x3FAD];
	_ =	sdelay $0x3  }
0x36: {  	p1 =	seq.s32 s10, $0x1;
	s10 =	sld [smem:$0x3FAE];
	_ =	sdelay $0x3  }
0x37: {  	[smem:$0x3FAE] =	sst s10  }
0x38: {  	s10 =	sld [smem:$0x3FAF]  }
0x39: {  	_ = 	snop;
	(pc) =	sbr.ind lr, $3  }
0x3a: {  	_ = 	snop  }
0x3b: {  	_ = 	snop  }
0x3c: {  	p2 =	seq.s32 s10, $0x1;
	s10 =	sld [smem:$0x3FAE]  }
0x3d: {  	_ =	shalt  }
0x3e: {  	_ =	shalt  }
0x3f: {  	_ =	shalt  }
0x40: {  	_ =	shalt  }
0x41: {  	_ =	shalt  }
0x42: {  	_ =	shalt  }
0x43: {  	_ =	shalt  }
0x44: {  	_ =	shalt  }
0x45: {  	_ =	shalt  }
0x46: {  	_ =	shalt  }
0x47: {  	_ =	shalt  }
0x48: {  	_ =	shalt  }
0x49: {  	_ =	shalt  }
0x4a: {  	_ =	shalt  }
0x4b: {  	_ =	shalt  }
0x4c: {  	_ =	shalt  }
0x4d: {  	_ =	shalt  }
0x4e: {  	_ =	shalt  }
0x4f: {  	_ =	shalt  }
0x50: {  	_ =	shalt  }
0x51: {  	_ =	shalt  }
0x52: {  	_ =	shalt  }
0x53: {  	_ =	shalt  }
0x54: {  	_ =	shalt  }
0x55: {  	_ =	shalt  }
0x56: {  	_ =	shalt  }
0x57: {  	_ =	shalt  }
0x58: {  	_ =	shalt  }
0x59: {  	_ =	shalt  }
0x5a: {  	_ =	shalt  }
0x5b: {  	_ =	shalt  }
0x5c: {  	_ =	shalt  }
0x5d: {  	_ =	shalt  }
0x5e: {  	_ =	shalt  }
0x5f: {  	_ =	shalt  }
0x60: {  	_ =	shalt  }
0x61: {  	_ =	shalt  }
0x62: {  	_ =	shalt  }
0x63: {  	_ =	shalt  }
0x64: {  	_ =	shalt  }
0x65: {  	_ =	shalt  }
0x66: {  	_ =	shalt  }
0x67: {  	_ =	shalt  }
0x68: {  	_ =	shalt  }
0x69: {  	_ =	shalt  }
0x6a: {  	_ =	shalt  }
0x6b: {  	_ =	shalt  }
0x6c: {  	_ =	shalt  }
0x6d: {  	_ =	shalt  }
0x6e: {  	_ =	shalt  }
0x6f: {  	_ =	shalt  }
0x70: {  	_ =	shalt  }
0x71: {  	_ =	shalt  }
0x72: {  	_ =	shalt  }
0x73: {  	_ =	shalt  }
0x74: {  	_ =	shalt  }
0x75: {  	_ =	shalt  }
0x76: {  	_ =	shalt  }
0x77: {  	_ =	shalt  }
0x78: {  	_ =	shalt  }
0x79: {  	_ =	shalt  }
0x7a: {  	_ =	shalt  }
0x7b: {  	_ =	shalt  }
0x7c: {  	_ =	shalt  }
0x7d: {  	_ =	shalt  }
0x7e: {  	_ =	shalt  }
0x7f: {  	_ =	shalt  }
0x80: {  	_ =	shalt  }
0x81: {  	_ =	shalt  }
0x82: {  	_ =	shalt  }
0x83: {  	_ =	shalt  }
0x84: {  	_ =	shalt  }
0x85: {  	_ =	shalt  }
0x86: {  	_ =	shalt  }
0x87: {  	_ =	shalt  }
.Lfunc_end0:
.L_simem_size_0:
called_computation.1_lowered:
.L_overlay_start_0:
0x88: {  	s2 =	sld [smem:$0x3FD9]  }
0x89: {  	s3 =	sld [smem:$0x3FFE];
	_ =	sdelay $0x1  }
0x8a: {  	s1 =	srdreg.scid  }
0x8b: {  	s0 =	sand.u32 $0x1, s1  }
0x8c: {  	s17 =	sshll.u32 s0, $0xA;
	s2 =	sadd.s32 s3, s2  }
0x8d: {  	s2 =	sadd.s32 s2, s17  }
0x8e: {  	[smem:$0x3FBA] =	sst s2  }
0x8f: {  	_ = 	snop  }
0x90: {  	(tm) =	ssettm $0x1  }
0x91: {  	s18 =	sld [smem:$0x3FFB];
	_ =	sdelay $0x3  }
0x92: {  	_ =	strace s18  }
0x93: {  	s2 =	sld [smem:$0x3FFC];
	_ =	sdelay $0x3  }
0x94: {  	_ =	strace s2  }
0x95: {  	s2 =	sld [smem:$0x3FFD];
	_ =	sdelay $0x3  }
0x96: {  	_ =	strace s2  }
0x97: {  	_ =	strace $0x8FFFFFFF  }
0x98: {  	s19 =	sld [smem:$0x3FDB];
	_ =	sdelay $0x1  }
0x99: {  	s20 =	simm.s32 $_scs_section_size  }
0x9a: {  	s4 =	simm.s32 $_size__tile_overlayer_lowered;
	s5 =	simm.s32 $_tile_overlayer_lowered  }
0x9b: {  	s6 =	simm.s32 $0x1BFF;
	s21 =	sshll.u32 s5, $0x1;
	s3 =	sadd.s32 s20, s19  }
0x9c: {  	s22 =	simm.s32 $0x0;
	s4 =	sshll.u32 s4, $0x1;
	s5 =	sadd.s32 s21, s3  }
0x9d: {  	[timem:s22], [sflag:s6] =	dma.local [hbm:s5], s4  }
0x9e: {  	_ =	swait.ge [sflag:s6], s4  }
0x9f: {  	s4 =	ssub.s32 $0x0, s4;
	[sflag:s6] =	ssyncset.done $0x0  }
0xa0: {  	[sflag:s6] =	ssyncadd.s32 s4;
	_ =	sdelay $0x1  }
0xa1: {  	s23 =	simm.s32 $0x1B8B  }
0xa2: {  	_ =	swait.ge [sflag:s23], $0x1  }
0xa3: {  	[sflag:s23] =	ssyncset.done $0x0  }
0xa4: {  	[sflag:s23] =	ssyncadd.s32 $0xFFFFFFFF  }
0xa5: {  	s4 =	sld [smem:$0x0]  }
0xa6: {  	s5 =	sand.u32 $0xFFFFFFFE, s1  }
0xa7: {  	p0 =	sne.s32 s1, s5  }
0xa8: {  	s5 =	sshll.u32 @p0 s5, $0xE  }
0xa9: {  	s5 =	sadd.s32 @p0 $0x11B8D, s5;
	s6 =	sshll.u32 @p0 s4, $0x11  }
0xaa: {  	s5 =	sor.u32 @p0 s6, s5  }
0xab: {  	[sflag:s5] =	ssyncadd.remote.s32 @p0 $0x1;
	_ =	sdelay $0x1  }
0xac: {  	s5 =	simm.s32 @p0 $0x1B8D  }
0xad: {  	_ =	swait.eq @p0 [sflag:s5], $0x1  }
0xae: {  	[sflag:s5] =	ssyncadd.s32 @p0 $0xFFFFFFFF  }
0xaf: {  	s6 =	sshll.u32 @!p0 s1, $0xE  }
0xb0: {  	s6 =	sor.u32 @!p0 $0x4000, s6;
	s5 =	simm.s32 @!p0 $0x1B8D  }
0xb1: {  	s4 =	sshll.u32 @!p0 s4, $0x11;
	s6 =	sadd.s32 @!p0 $0x11B8D, s6;
	_ =	swait.eq @!p0 [sflag:s5], $0x1  }
0xb2: {  	s4 =	sor.u32 @!p0 s4, s6;
	[sflag:s5] =	ssyncadd.s32 @!p0 $0xFFFFFFFF  }
0xb3: {  	s25 =	simm.s32 $0x1B8E;
	s24 =	sld [smem:$0x3FFE];
	[sflag:s4] =	ssyncadd.remote.s32 @!p0 $0x1  }
0xb4: {  	s26 =	simm.s32 $execute0_lowered;
	[smem:$0x3FD2] =	sst s25  }
0xb5: {  	s5 =	sshll.u32 s26, $0x1;
	_ =	strace $0x8000004C;
	[dreg:$0x1] =	wrdreg $0xFFFFFFFF  }
0xb6: {  	s28 =	simm.s32 $_size_execute0_lowered;
	s3 =	sadd.s32 s3, s5;
	[dreg:$0x0] =	wrdreg $0x0  }
0xb7: {  	s5 =	sshll.u32 s28, $0x1;
	[dreg:$0x2] =	wrdreg s3  }
0xb8: {  	[dreg:$0x3] =	wrdreg s5  }
0xb9: {  	[dreg:$0x4] =	wrdreg $0xC0  }
0xba: {  	_ =	task [dreg:s22], $0x5FFFF  }
0xbb: {  	[dreg:$0x1] =	wrdreg $0xFFFFFFFF  }
0xbc: {  	[dreg:$0x0] =	wrdreg $0x60  }
0xbd: {  	[dreg:$0x2] =	wrdreg s24  }
0xbe: {  	[dreg:$0x3] =	wrdreg $0xA  }
0xbf: {  	_ =	task.clear_ibuf [dreg:s22], $0x4FFFF;
	_ =	strace $0x9000004C  }
0xc0: {  	s29 =	simm.s32 $0xA;
	_ =	strace $0x8000004E  }
0xc1: {  	_ =	swait.ge [sflag:s29], $0x1  }
0xc2: {  	[sflag:s29] =	ssyncadd.s32 $0xFFFFFFFF  }
0xc3: {  	_ =	strace $0x9000004E  }
0xc4: {  	_ =	sfence  }
0xc5: {  	s30 =	sld [smem:$0x0];
	_ =	sdelay $0x2  }
0xc6: {  	s31 =	sshll.u32 s1, $0xD;
	s1 =	sshrl.u32 s1, $0x2  }
0xc7: {  	s4 =	sand.u32 $0x4000, s31;
	s1 =	sadd.s32 s1, s30  }
0xc8: {  	s0 =	sor.u32 s4, s0;
	s1 =	sshll.u32 s1, $0x11  }
0xc9: {  	s0 =	sor.u32 s1, s0  }
0xca: {  	s0 =	sadd.s32 $0x8F2B, s0  }
0xcb: {  	[sflag:s0] =	ssyncadd.remote.s32 $0x1  }
0xcc: {  	_ =	sfence.sel $0xFFFF  }
0xcd: {  	[dreg:$0x0] =	wrdreg $0xFFFFFFFF;
	(pc) =	sbr.abs _section_cstart, $3  }
0xce: {  	[dreg:$0x1] =	wrdreg $0xFFFFFFFF  }
0xcf: {  	_ =	task.clear_ibuf [dreg:s22], $0x2FFFF;
	_ =	strace $0x9FFFFFFF  }
0xd0: {  	(tm) =	ssettm $0x7FFFFFFF  }
0xd1: {  	_ =	shalt  }
tec
execute0_lowered:
.L_overlay_start_1:
0x0: {  	(tag) =	ssettag $0x1  }
0x1: {  	s6 =	rddreg [dreg:$0x0]  }
0x2: {  	s0 =	rddreg [dreg:$0x1]  }
0x3: {  	s2 =	simm.s32 $0x0;
	s4 =	srdreg.scid;
	s1 =	stileid.u32  }
0x4: {  	s13 =	simm.s32 $0x4080;
	s14 =	simm.s32 $0x8080;
	s15 =	simm.s32 $0x8100  }
0x5: {  	s16 =	simm.s32 $0xC100;
	s17 =	simm.s32 $0x1;
	s18 =	simm.s32 $0x2  }
0x6: {  	s19 =	simm.s32 $0xC00;
	s20 =	simm.s32 $0x3;
	s21 =	simm.s32 $0x4  }
0x7: {  	s22 =	simm.s32 $0x0;
	[smem:$0x7FF] =	sst s2;
	s3 =	sadd.s32 $0x63D400, s6  }
0x8: {  	s7 =	sand.u32 $0x1, s4;
	s8 =	smul.u32 $0x1800, s1;
	s4 =	sadd.s32 $0x64D400, s6  }
0x9: {  	s10 =	sadd.s32 $0x65D400, s6;
	s9 =	smul.u32 $0xC00, s7;
	s11 =	ssub.s32 $0x2, s7  }
0xa: {  	s5 =	sadd.s32 $0x660400, s6;
	s6 =	sadd.s32 $0x7E0400, s6;
	s30 =	sshrl.u32 s11, $0x1  }
0xb: {  	_ =	strace $0x8000004D;
	s7 =	sadd.s32 s9, s8;
	s8 =	ssub.s32 s11, s30  }
0xc: {  	s11 =	simm.s32 $0x5;
	s9 =	sshrl.u32 s7, $0x3;
	s12 =	sor.u32 $0x80, s7  }
0xd: {  	s8 =	smax.u32 s8, $0x1;
	s9 =	sadd.s32 s9, s10;
	s31 =	sshrl.u32 s12, $0x3  }
0xe: {  	[dreg:$0x2] =	wrdreg s9;
	s10 =	sadd.s32 s31, s10;
	s9 =	sshrl.u32 s7, $0x5  }
0xf: {  	[dreg:$0x3] =	wrdreg s10;
	s10 =	smul.u32 $0xC00, s12;
	s12 =	simm.s32 $0x80  }
.LBB2_1:
0x10: {  	s23 =	rddreg [dreg:$0x2]  }
0x11: {  	s23 =	sadd.s32 $0x0, s23  }
0x12: {  	[tilespmem:s2], [sflag:$0x5] =	stream.linear.gather [hbm4b:s23+s2], $0x80, $0x38;
	[tilespmem:$0x10100] =	vst v63  }
0x13: {  	_ =	swait.ge [sflag:s11], $0x80  }
0x14: {  	[sflag:s11] =	ssyncset.done $0x0  }
0x15: {  	[sflag:s11] =	ssyncadd.s32 $0xFFFFFF80  }
0x16: {  	[tilespmem:s12], [sflag:$0x1] =	stream.indirect.gather [hbm4b:s3+s12], $0x80, s2, s12, $0xb8;
	[tilespmem:$0x10100] =	vst v63  }
0x17: {  	s26 =	rddreg [dreg:$0x3]  }
0x18: {  	[tilespmem:s13], [sflag:$0x2] =	stream.indirect.gather [hbm4b:s4+s12], $0x80, s2, s12, $0xb8;
	[tilespmem:$0x10100] =	vst v63  }
0x19: {  	s23 =	sadd.s32 $0x0, s26  }
0x1a: {  	[tilespmem:s14], [sflag:$0x5] =	stream.linear.gather [hbm4b:s23+s2], $0x80, $0x38;
	[tilespmem:$0x10100] =	vst v63  }
0x1b: {  	_ =	swait.ge [sflag:s11], $0x80  }
0x1c: {  	[sflag:s11] =	ssyncset.done $0x0  }
0x1d: {  	[sflag:s11] =	ssyncadd.s32 $0xFFFFFF80  }
0x1e: {  	[tilespmem:s15], [sflag:$0x3] =	stream.indirect.gather [hbm4b:s3+s12], $0x80, s14, s12, $0xb8;
	[tilespmem:$0x10100] =	vst v63  }
0x1f: {  	s30 =	sand.u32 $0xF00, s7  }
0x20: {  	[tilespmem:s16], [sflag:$0x4] =	stream.indirect.gather [hbm4b:s4+s12], $0x80, s14, s12, $0xb8;
	[tilespmem:$0x10100] =	vst v63  }
0x21: {  	s23 =	smul.u32 $0xC00, s30;
	_ =	swait.ge [sflag:s17], $0x4000  }
0x22: {  	s24 =	sand.u32 $0x3FFFC00, s9;
	[sflag:s17] =	ssyncset.done $0x0  }
0x23: {  	s25 =	sand.u32 $0x380, s9;
	s23 =	sadd.s32 s24, s23;
	[sflag:s17] =	ssyncadd.s32 $0xFFFFC000  }
0x24: {  	s23 =	sor.u32 s25, s23;
	_ =	swait.ge [sflag:s18], $0x4000  }
0x25: {  	s23 =	sshrl.u32 s23, $0x3;
	[sflag:s18] =	ssyncset.done $0x0  }
0x26: {  	s31 =	sadd.s32 s5, s23;
	[sflag:s18] =	ssyncadd.s32 $0xFFFFC000  }
0x27: {  	[hbm4b:s31+s12] =	stream.strided.scatter [tilespmem:s12], [sflag:$0x5], $0x4000, s19, s12, $0x38;
	[tilespmem:$0x10100] =	vst v63  }
0x28: {  	_ =	swait.ge [sflag:s11], $0x4000  }
0x29: {  	[sflag:s11] =	ssyncset.done $0x0  }
0x2a: {  	s23 =	sadd.s32 s6, s23;
	[sflag:s11] =	ssyncadd.s32 $0xFFFFC000  }
0x2b: {  	[hbm4b:s23+s12] =	stream.strided.scatter [tilespmem:s13], [sflag:$0x5], $0x4000, s19, s12, $0x38;
	[tilespmem:$0x10100] =	vst v63  }
0x2c: {  	_ =	swait.ge [sflag:s11], $0x4000  }
0x2d: {  	[sflag:s11] =	ssyncset.done $0x0  }
0x2e: {  	[sflag:s11] =	ssyncadd.s32 $0xFFFFC000  }
0x2f: {  	s26 =	sand.u32 $0xFFFFFC00, s9;
	s30 =	sshrl.u32 s7, $0xC;
	_ =	swait.ge [sflag:s20], $0x4000  }
0x30: {  	s24 =	smul.u32 $0xC00000, s30;
	s23 =	sadd.s32 s26, s10;
	[sflag:s20] =	ssyncset.done $0x0  }
0x31: {  	s23 =	sadd.s32 s25, s23;
	[sflag:s20] =	ssyncadd.s32 $0xFFFFC000  }
0x32: {  	s23 =	ssub.s32 s23, s24;
	_ =	swait.ge [sflag:s21], $0x4000  }
0x33: {  	s23 =	sshrl.u32 s23, $0x3;
	[sflag:s21] =	ssyncset.done $0x0  }
0x34: {  	s31 =	sadd.s32 s5, s23;
	[sflag:s21] =	ssyncadd.s32 $0xFFFFC000  }
0x35: {  	[hbm4b:s31+s12] =	stream.strided.scatter [tilespmem:s15], [sflag:$0x5], $0x4000, s19, s12, $0x38;
	[tilespmem:$0x10100] =	vst v63  }
0x36: {  	_ =	swait.ge [sflag:s11], $0x4000  }
0x37: {  	s28 =	simm.s32 $0x40;
	[sflag:s11] =	ssyncset.done $0x0  }
0x38: {  	s26 =	smov.u32 s7;
	s23 =	sadd.s32 s6, s23;
	[sflag:s11] =	ssyncadd.s32 $0xFFFFC000  }
0x39: {  	[hbm4b:s23+s12] =	stream.strided.scatter [tilespmem:s16], [sflag:$0x5], $0x4000, s19, s12, $0x38;
	[tilespmem:$0x10100] =	vst v63  }
0x3a: {  	s25 =	simm.s32 $0x20;
	s24 =	smov.u32 s9;
	_ =	swait.ge [sflag:s11], $0x4000  }
0x3b: {  	s23 =	sadd.s32 $0xC0000, s10;
	s29 =	rddreg [dreg:$0x2];
	[sflag:s11] =	ssyncset.done $0x0  }
.LBB2_2:
0x3c: {  	[sflag:s11] =	ssyncadd.s32 $0xFFFFC000;
	s29 =	sadd.s32 s25, s29  }
0x3d: {  	[tilespmem:s2], [sflag:$0x5] =	stream.linear.gather [hbm4b:s29+s2], $0x80, $0x38;
	[tilespmem:$0x10100] =	vst v63  }
0x3e: {  	_ =	swait.ge [sflag:s11], $0x80  }
0x3f: {  	[sflag:s11] =	ssyncset.done $0x0  }
0x40: {  	[sflag:s11] =	ssyncadd.s32 $0xFFFFFF80  }
0x41: {  	[tilespmem:s12], [sflag:$0x1] =	stream.indirect.gather [hbm4b:s3+s12], $0x80, s2, s12, $0xb8;
	[tilespmem:$0x10100] =	vst v63  }
0x42: {  	s29 =	rddreg [dreg:$0x3]  }
0x43: {  	[tilespmem:s13], [sflag:$0x2] =	stream.indirect.gather [hbm4b:s4+s12], $0x80, s2, s12, $0xb8;
	[tilespmem:$0x10100] =	vst v63  }
0x44: {  	s29 =	sadd.s32 s25, s29  }
0x45: {  	[tilespmem:s14], [sflag:$0x5] =	stream.linear.gather [hbm4b:s29+s2], $0x80, $0x38;
	[tilespmem:$0x10100] =	vst v63  }
0x46: {  	_ =	swait.ge [sflag:s11], $0x80  }
0x47: {  	[sflag:s11] =	ssyncset.done $0x0  }
0x48: {  	s26 =	sadd.s32 $0x100, s26;
	[sflag:s11] =	ssyncadd.s32 $0xFFFFFF80  }
0x49: {  	[tilespmem:s15], [sflag:$0x3] =	stream.indirect.gather [hbm4b:s3+s12], $0x80, s14, s12, $0xb8;
	[tilespmem:$0x10100] =	vst v63  }
0x4a: {  	s24 =	sadd.s32 $0x8, s24;
	s29 =	sand.u32 $0xF00, s26  }
0x4b: {  	[tilespmem:s16], [sflag:$0x4] =	stream.indirect.gather [hbm4b:s4+s12], $0x80, s14, s12, $0xb8;
	[tilespmem:$0x10100] =	vst v63  }
0x4c: {  	s30 =	smov.u32 s28;
	s29 =	smul.u32 $0xC00, s29;
	_ =	swait.ge [sflag:s17], $0x4000  }
0x4d: {  	s25 =	smov.u32 s30;
	s30 =	sand.u32 $0x3FFFC00, s24;
	[sflag:s17] =	ssyncset.done $0x0  }
0x4e: {  	s31 =	sand.u32 $0x380, s24;
	s29 =	sadd.s32 s30, s29;
	[sflag:s17] =	ssyncadd.s32 $0xFFFFC000  }
0x4f: {  	s29 =	sor.u32 s31, s29;
	_ =	swait.ge [sflag:s18], $0x4000  }
0x50: {  	s29 =	sshrl.u32 s29, $0x3;
	[sflag:s18] =	ssyncset.done $0x0  }
0x51: {  	s30 =	sadd.s32 s5, s29;
	[sflag:s18] =	ssyncadd.s32 $0xFFFFC000  }
0x52: {  	[hbm4b:s30+s12] =	stream.strided.scatter [tilespmem:s12], [sflag:$0x5], $0x4000, s19, s12, $0x38;
	[tilespmem:$0x10100] =	vst v63  }
0x53: {  	_ =	swait.ge [sflag:s11], $0x4000  }
0x54: {  	[sflag:s11] =	ssyncset.done $0x0  }
0x55: {  	s29 =	sadd.s32 s6, s29;
	[sflag:s11] =	ssyncadd.s32 $0xFFFFC000  }
0x56: {  	[hbm4b:s29+s12] =	stream.strided.scatter [tilespmem:s13], [sflag:$0x5], $0x4000, s19, s12, $0x38;
	[tilespmem:$0x10100] =	vst v63  }
0x57: {  	_ =	swait.ge [sflag:s11], $0x4000  }
0x58: {  	[sflag:s11] =	ssyncset.done $0x0  }
0x59: {  	[sflag:s11] =	ssyncadd.s32 $0xFFFFC000  }
0x5a: {  	s30 =	sshrl.u32 s26, $0xC;
	s29 =	sand.u32 $0xFFFFFC00, s24;
	_ =	swait.ge [sflag:s20], $0x4000  }
0x5b: {  	s30 =	smul.u32 $0xC00000, s30;
	s29 =	sadd.s32 s29, s23;
	[sflag:s20] =	ssyncset.done $0x0  }
0x5c: {  	s29 =	sadd.s32 s31, s29;
	[sflag:s20] =	ssyncadd.s32 $0xFFFFC000  }
0x5d: {  	s29 =	ssub.s32 s29, s30;
	_ =	swait.ge [sflag:s21], $0x4000  }
0x5e: {  	s29 =	sshrl.u32 s29, $0x3;
	[sflag:s21] =	ssyncset.done $0x0  }
0x5f: {  	s31 =	sadd.s32 s5, s29;
	[sflag:s21] =	ssyncadd.s32 $0xFFFFC000  }
0x60: {  	[hbm4b:s31+s12] =	stream.strided.scatter [tilespmem:s15], [sflag:$0x5], $0x4000, s19, s12, $0x38;
	[tilespmem:$0x10100] =	vst v63  }
0x61: {  	p0 =	sne.s32 s28, $0x160;
	_ =	swait.ge [sflag:s11], $0x4000  }
.Ltmp0:
0x62: {  	[sflag:s11] =	ssyncset.done $0x0;
	(pc) =	sbr.rel @p0 .LBB2_2-.Ltmp0, $4  }
0x63: {  	s29 =	sadd.s32 s6, s29;
	[sflag:s11] =	ssyncadd.s32 $0xFFFFC000  }
0x64: {  	[hbm4b:s29+s12] =	stream.strided.scatter [tilespmem:s16], [sflag:$0x5], $0x4000, s19, s12, $0x38;
	[tilespmem:$0x10100] =	vst v63  }
0x65: {  	s28 =	sadd.s32 $0x20, s28;
	_ =	swait.ge [sflag:s11], $0x4000  }
0x66: {  	s23 =	sadd.s32 $0xC0000, s23;
	s29 =	rddreg [dreg:$0x2];
	[sflag:s11] =	ssyncset.done $0x0  }
0x67: {  	[sflag:s11] =	ssyncadd.s32 $0xFFFFC000;
	s28 =	sadd.s32 s25, s29  }
0x68: {  	[tilespmem:s2], [sflag:$0x5] =	stream.linear.gather [hbm4b:s28+s2], $0x80, $0x38;
	[tilespmem:$0x10100] =	vst v63  }
0x69: {  	_ =	swait.ge [sflag:s11], $0x80  }
0x6a: {  	[sflag:s11] =	ssyncset.done $0x0  }
0x6b: {  	[sflag:s11] =	ssyncadd.s32 $0xFFFFFF80  }
0x6c: {  	[tilespmem:s12], [sflag:$0x1] =	stream.indirect.gather [hbm4b:s3+s12], $0x80, s2, s12, $0xb8;
	[tilespmem:$0x10100] =	vst v63  }
0x6d: {  	s31 =	rddreg [dreg:$0x3]  }
0x6e: {  	[tilespmem:s13], [sflag:$0x2] =	stream.indirect.gather [hbm4b:s4+s12], $0x80, s2, s12, $0xb8;
	[tilespmem:$0x10100] =	vst v63  }
0x6f: {  	s29 =	sadd.s32 s25, s31  }
0x70: {  	[tilespmem:s14], [sflag:$0x5] =	stream.linear.gather [hbm4b:s29+s2], $0x80, $0x38;
	[tilespmem:$0x10100] =	vst v63  }
0x71: {  	_ =	swait.ge [sflag:s11], $0x80  }
0x72: {  	[sflag:s11] =	ssyncset.done $0x0  }
0x73: {  	s25 =	sadd.s32 $0x100, s26;
	[sflag:s11] =	ssyncadd.s32 $0xFFFFFF80  }
0x74: {  	[tilespmem:s15], [sflag:$0x3] =	stream.indirect.gather [hbm4b:s3+s12], $0x80, s14, s12, $0xb8;
	[tilespmem:$0x10100] =	vst v63  }
0x75: {  	s26 =	sand.u32 $0xF00, s25  }
0x76: {  	[tilespmem:s16], [sflag:$0x4] =	stream.indirect.gather [hbm4b:s4+s12], $0x80, s14, s12, $0xb8;
	[tilespmem:$0x10100] =	vst v63  }
0x77: {  	s24 =	sadd.s32 $0x8, s24;
	s26 =	smul.u32 $0xC00, s26;
	_ =	swait.ge [sflag:s17], $0x4000  }
0x78: {  	s30 =	sand.u32 $0x3FFFC00, s24;
	[sflag:s17] =	ssyncset.done $0x0  }
0x79: {  	s26 =	sadd.s32 s30, s26;
	s29 =	sand.u32 $0x380, s24;
	[sflag:s17] =	ssyncadd.s32 $0xFFFFC000  }
0x7a: {  	s26 =	sor.u32 s29, s26;
	_ =	swait.ge [sflag:s18], $0x4000  }
0x7b: {  	s26 =	sshrl.u32 s26, $0x3;
	[sflag:s18] =	ssyncset.done $0x0  }
0x7c: {  	s31 =	sadd.s32 s5, s26;
	[sflag:s18] =	ssyncadd.s32 $0xFFFFC000  }
0x7d: {  	[hbm4b:s31+s12] =	stream.strided.scatter [tilespmem:s12], [sflag:$0x5], $0x4000, s19, s12, $0x38;
	[tilespmem:$0x10100] =	vst v63  }
0x7e: {  	_ =	swait.ge [sflag:s11], $0x4000  }
0x7f: {  	[sflag:s11] =	ssyncset.done $0x0  }
0x80: {  	s26 =	sadd.s32 s6, s26;
	[sflag:s11] =	ssyncadd.s32 $0xFFFFC000  }
0x81: {  	[hbm4b:s26+s12] =	stream.strided.scatter [tilespmem:s13], [sflag:$0x5], $0x4000, s19, s12, $0x38;
	[tilespmem:$0x10100] =	vst v63  }
0x82: {  	_ =	swait.ge [sflag:s11], $0x4000  }
0x83: {  	[sflag:s11] =	ssyncset.done $0x0  }
0x84: {  	[sflag:s11] =	ssyncadd.s32 $0xFFFFC000  }
0x85: {  	s25 =	sshrl.u32 s25, $0xC;
	s24 =	sand.u32 $0xFFFFFC00, s24;
	_ =	swait.ge [sflag:s20], $0x4000  }
0x86: {  	s30 =	smul.u32 $0xC00000, s25;
	s23 =	sadd.s32 s24, s23;
	[sflag:s20] =	ssyncset.done $0x0  }
0x87: {  	s23 =	sadd.s32 s29, s23;
	[sflag:s20] =	ssyncadd.s32 $0xFFFFC000  }
0x88: {  	s23 =	ssub.s32 s23, s30;
	_ =	swait.ge [sflag:s21], $0x4000  }
0x89: {  	s23 =	sshrl.u32 s23, $0x3;
	[sflag:s21] =	ssyncset.done $0x0  }
0x8a: {  	s31 =	sadd.s32 s5, s23;
	[sflag:s21] =	ssyncadd.s32 $0xFFFFC000  }
0x8b: {  	[hbm4b:s31+s12] =	stream.strided.scatter [tilespmem:s15], [sflag:$0x5], $0x4000, s19, s12, $0x38;
	[tilespmem:$0x10100] =	vst v63  }
0x8c: {  	s22 =	sadd.s32 $0x1, s22;
	_ =	swait.ge [sflag:s11], $0x4000  }
0x8d: {  	p0 =	sne.s32 s22, s8;
	[sflag:s11] =	ssyncset.done $0x0  }
.Ltmp1:
0x8e: {  	s23 =	sadd.s32 s6, s23;
	[sflag:s11] =	ssyncadd.s32 $0xFFFFC000;
	(pc) =	sbr.rel @p0 .LBB2_1-.Ltmp1, $4  }
0x8f: {  	[hbm4b:s23+s12] =	stream.strided.scatter [tilespmem:s16], [sflag:$0x5], $0x4000, s19, s12, $0x38;
	[tilespmem:$0x10100] =	vst v63  }
0x90: {  	_ =	swait.ge [sflag:s11], $0x4000  }
0x91: {  	[sflag:s11] =	ssyncset.done $0x0  }
0x92: {  	[sflag:s11] =	ssyncadd.s32 $0xFFFFC000  }
0x93: {  	_ =	sfence.sel $0x180000  }
0x94: {  	[bflag:$0x0] =	sbarrier.arrive $0xFFFF  }
0x95: {  	p0 =	sne.s32 s1, $0x0;
	_ =	strace $0x9000004D  }
0x96: {  	s0 =	sadd.s32 @!p0 $0x100000, s0;
	[bflag:$0x2] =	sbarrier.arrive $0xFFFF  }
0x97: {  	[sflag:s0] =	ssyncadd.tile.s32 @!p0 $0x1;
	_ =	shalt  }
.Lfunc_end2:
_tile_overlayer_lowered:
.L_overlay_start_2:
0x98: {  	(tag) =	ssettag $0x2  }
0x99: {  	s0 =	rddreg [dreg:$0x0];
	s2 =	stileid.u32  }
0x9a: {  	s1 =	rddreg [dreg:$0x1];
	p0 =	sne.s32 s2, $0x0  }
0x9b: {  	s3 =	rddreg [dreg:$0x2];
	[bflag:$0x3] =	sbarrier.arrive $0xFFFF;
	s2 =	simm.s32 @!p0 $0x1C05  }
0x9c: {  	[timem:s3], [sflag:s2] =	dma.local @!p0 [hbm:s0], s1  }
0x9d: {  	s0 =	simm.s32 @!p0 $0x5  }
0x9e: {  	_ =	swait.ge @!p0 [sflag:s0], s1  }
0x9f: {  	s1 =	ssub.s32 @!p0 $0x0, s1;
	[sflag:s0] =	ssyncset.done @!p0 $0x0  }
0xa0: {  	[sflag:s0] =	ssyncadd.s32 @!p0 s1  }
0xa1: {  	[bflag:$0x3] =	sbarrier.arrive $0xFFFF  }
0xa2: {  	_ =	shalt  }

// kernel: kernel.20.cloned.1.call-start
scs
__scs_entry_jumppad:
0x0: {  	(pc) =	sbr.rel $0x88, $3  }
0x1: {  	(tag) =	ssettag $0x0;
	lr =	simm.s32 $0x1  }
0x2: {  	[smem:$0x3F93] =	sst lr;
	_ =	strace $0xD0000000  }
0x3: {  	_ = 	snop  }
0x4: {  	_ = 	snop  }
0x5: {  	_ = 	snop  }
0x6: {  	_ = 	snop  }
0x7: {  	_ = 	snop  }
__scs_overlays_trampoline_lowered:
0x8: {  	[smem:$0x3FA2] =	sst s0  }
0x9: {  	[smem:$0x3FA3] =	sst s1  }
0xa: {  	[smem:$0x3FA4] =	sst s2  }
0xb: {  	[smem:$0x3FA5] =	sst s3  }
0xc: {  	[smem:$0x3FA6] =	sst s4  }
0xd: {  	[smem:$0x3FA7] =	sst s5  }
0xe: {  	[smem:$0x3FA8] =	sst s6  }
0xf: {  	[smem:$0x3FA9] =	sst s7  }
0x10: {  	[smem:$0x3FAA] =	sst s8  }
0x11: {  	[smem:$0x3FAB] =	sst s9;
	s0 =	simm.s32 @!p0 $0x0  }
0x12: {  	s1 =	sld [smem:$0x3F91];
	s0 =	simm.s32 @p0 $0x1  }
0x13: {  	[smem:$0x3FAC] =	sst s0;
	s0 =	simm.s32 @!p1 $0x0  }
0x14: {  	s2 =	sld [smem:$0x3F90];
	s0 =	simm.s32 @p1 $0x1  }
0x15: {  	[smem:$0x3FAD] =	sst s0;
	s0 =	simm.s32 @!p2 $0x0  }
0x16: {  	s3 =	sld [smem:$0x3FDB];
	s0 =	simm.s32 @p2 $0x1  }
0x17: {  	s4 =	simm.s32 $0x1BF5;
	[smem:$0x3FAF] =	sst s0  }
0x18: {  	s0 =	sld [smem:$0x3F92];
	_ =	swait.ge [sflag:s4], $0x0  }
0x19: {  	s7 =	sld [smem:$0x3F93]  }
0x1a: {  	s8 =	sadd.s32 $0xFFFFE003, lr  }
0x1b: {  	s9 =	sadd.s32 $0xFFFFFEF7, lr;
	s5 =	simm.s32 $0xFFFFFFFF;
	p2 =	slt.u32 s8, $0xFFFFF086  }
0x1c: {  	p1 =	slt.u32 s9, $0xF7A;
	s5 =	simm.s32 @!p2 $0x0  }
0x1d: {  	s5 =	simm.s32 @p1 $0x1;
	p0 =	seq.s32 s7, s2  }
0x1e: {  	s7 =	smul.u32 @!p0 $0xF7A, s2;
	p2 =	seq.s32 @!p0 s5, $0x0  }
0x1f: {  	s9 =	smul.u32 $0xF7A, s1;
	s8 =	simm.s32 @!p0 $0x1BF5;
	p2 =	por !p2, p0  }
0x20: {  	[sflag:s8] =	ssyncset.s32 @!p0 $0xFFFFF086;
	s6 =	sadd.s32 @!p0 s3, s7;
	s7 =	simm.s32 @!p0 $0x108  }
0x21: {  	s3 =	sadd.s32 s3, s9;
	s6 =	sadd.s32 @!p0 $0x88, s6;
	s7 =	simm.s32 @p2 $0x1082  }
0x22: {  	[simem:s7], [sflag:s8] =	dma.local @!p0 [hbm:s6], $0xF7A  }
0x23: {  	s9 =	sor.u32 $0xD0000000, s2;
	s6 =	simm.s32 $0x108;
	_ =	swait.ge @!p0 [sflag:s8], $0x0  }
0x24: {  	s3 =	sadd.s32 $0x88, s3;
	s6 =	simm.s32 @!p1 $0x1082;
	[sflag:s4] =	ssyncset.s32 $0xFFFFF086  }
0x25: {  	[simem:s6], [sflag:s4] =	dma.local [hbm:s3], $0xF7A  }
0x26: {  	[smem:$0x3F93] =	sst s1;
	(tag) =	ssettag s2;
	_ =	strace s9  }
0x27: {  	s1 =	sld [smem:$0x3FA3]  }
0x28: {  	s2 =	sld [smem:$0x3FA4]  }
0x29: {  	s4 =	sld [smem:$0x3FA6]  }
0x2a: {  	p0 =	seq.s32 s5, $0x0;
	s5 =	sld [smem:$0x3FA7]  }
0x2b: {  	s6 =	sld [smem:$0x3FA8]  }
0x2c: {  	s7 =	sld [smem:$0x3FA9]  }
0x2d: {  	s3 =	simm.s32 $0x108;
	s8 =	sld [smem:$0x3FAA]  }
0x2e: {  	s3 =	simm.s32 @!p0 $0x1082;
	s9 =	sld [smem:$0x3FAB]  }
0x2f: {  	lr =	sadd.s32 s0, s3;
	s0 =	sld [smem:$0x3FA2]  }
0x30: {  	s3 =	sld [smem:$0x3FA5]  }
0x31: {  	[smem:$0x3FAE] =	sst s10  }
0x32: {  	s10 =	sld [smem:$0x3FAC];
	_ =	sdelay $0x3  }
0x33: {  	p0 =	seq.s32 s10, $0x1;
	s10 =	sld [smem:$0x3FAE];
	_ =	sdelay $0x3  }
0x34: {  	[smem:$0x3FAE] =	sst s10  }
0x35: {  	s10 =	sld [smem:$0x3FAD];
	_ =	sdelay $0x3  }
0x36: {  	p1 =	seq.s32 s10, $0x1;
	s10 =	sld [smem:$0x3FAE];
	_ =	sdelay $0x3  }
0x37: {  	[smem:$0x3FAE] =	sst s10  }
0x38: {  	s10 =	sld [smem:$0x3FAF]  }
0x39: {  	_ = 	snop;
	(pc) =	sbr.ind lr, $3  }
0x3a: {  	_ = 	snop  }
0x3b: {  	_ = 	snop  }
0x3c: {  	p2 =	seq.s32 s10, $0x1;
	s10 =	sld [smem:$0x3FAE]  }
0x3d: {  	_ =	shalt  }
0x3e: {  	_ =	shalt  }
0x3f: {  	_ =	shalt  }
0x40: {  	_ =	shalt  }
0x41: {  	_ =	shalt  }
0x42: {  	_ =	shalt  }
0x43: {  	_ =	shalt  }
0x44: {  	_ =	shalt  }
0x45: {  	_ =	shalt  }
0x46: {  	_ =	shalt  }
0x47: {  	_ =	shalt  }
0x48: {  	_ =	shalt  }
0x49: {  	_ =	shalt  }
0x4a: {  	_ =	shalt  }
0x4b: {  	_ =	shalt  }
0x4c: {  	_ =	shalt  }
0x4d: {  	_ =	shalt  }
0x4e: {  	_ =	shalt  }
0x4f: {  	_ =	shalt  }
0x50: {  	_ =	shalt  }
0x51: {  	_ =	shalt  }
0x52: {  	_ =	shalt  }
0x53: {  	_ =	shalt  }
0x54: {  	_ =	shalt  }
0x55: {  	_ =	shalt  }
0x56: {  	_ =	shalt  }
0x57: {  	_ =	shalt  }
0x58: {  	_ =	shalt  }
0x59: {  	_ =	shalt  }
0x5a: {  	_ =	shalt  }
0x5b: {  	_ =	shalt  }
0x5c: {  	_ =	shalt  }
0x5d: {  	_ =	shalt  }
0x5e: {  	_ =	shalt  }
0x5f: {  	_ =	shalt  }
0x60: {  	_ =	shalt  }
0x61: {  	_ =	shalt  }
0x62: {  	_ =	shalt  }
0x63: {  	_ =	shalt  }
0x64: {  	_ =	shalt  }
0x65: {  	_ =	shalt  }
0x66: {  	_ =	shalt  }
0x67: {  	_ =	shalt  }
0x68: {  	_ =	shalt  }
0x69: {  	_ =	shalt  }
0x6a: {  	_ =	shalt  }
0x6b: {  	_ =	shalt  }
0x6c: {  	_ =	shalt  }
0x6d: {  	_ =	shalt  }
0x6e: {  	_ =	shalt  }
0x6f: {  	_ =	shalt  }
0x70: {  	_ =	shalt  }
0x71: {  	_ =	shalt  }
0x72: {  	_ =	shalt  }
0x73: {  	_ =	shalt  }
0x74: {  	_ =	shalt  }
0x75: {  	_ =	shalt  }
0x76: {  	_ =	shalt  }
0x77: {  	_ =	shalt  }
0x78: {  	_ =	shalt  }
0x79: {  	_ =	shalt  }
0x7a: {  	_ =	shalt  }
0x7b: {  	_ =	shalt  }
0x7c: {  	_ =	shalt  }
0x7d: {  	_ =	shalt  }
0x7e: {  	_ =	shalt  }
0x7f: {  	_ =	shalt  }
0x80: {  	_ =	shalt  }
0x81: {  	_ =	shalt  }
0x82: {  	_ =	shalt  }
0x83: {  	_ =	shalt  }
0x84: {  	_ =	shalt  }
0x85: {  	_ =	shalt  }
0x86: {  	_ =	shalt  }
0x87: {  	_ =	shalt  }
.Lfunc_end0:
.L_simem_size_0:
called_computation.2_lowered:
.L_overlay_start_0:
0x88: {  	s2 =	sld [smem:$0x3FD9]  }
0x89: {  	s3 =	sld [smem:$0x3FFE];
	_ =	sdelay $0x1  }
0x8a: {  	s1 =	srdreg.scid  }
0x8b: {  	s0 =	sand.u32 $0x1, s1  }
0x8c: {  	s17 =	sshll.u32 s0, $0xA;
	s2 =	sadd.s32 s3, s2  }
0x8d: {  	s2 =	sadd.s32 s2, s17  }
0x8e: {  	[smem:$0x3FBA] =	sst s2  }
0x8f: {  	_ = 	snop  }
0x90: {  	(tm) =	ssettm $0x1  }
0x91: {  	s18 =	sld [smem:$0x3FFB];
	_ =	sdelay $0x3  }
0x92: {  	_ =	strace s18  }
0x93: {  	s2 =	sld [smem:$0x3FFC];
	_ =	sdelay $0x3  }
0x94: {  	_ =	strace s2  }
0x95: {  	s2 =	sld [smem:$0x3FFD];
	_ =	sdelay $0x3  }
0x96: {  	_ =	strace s2  }
0x97: {  	_ =	strace $0x8FFFFFFF  }
0x98: {  	s19 =	sld [smem:$0x3FDB];
	_ =	sdelay $0x1  }
0x99: {  	s20 =	simm.s32 $_scs_section_size  }
0x9a: {  	s4 =	simm.s32 $_size__tile_overlayer_lowered;
	s5 =	simm.s32 $_tile_overlayer_lowered  }
0x9b: {  	s6 =	simm.s32 $0x1BFF;
	s21 =	sshll.u32 s5, $0x1;
	s3 =	sadd.s32 s20, s19  }
0x9c: {  	s22 =	simm.s32 $0x0;
	s4 =	sshll.u32 s4, $0x1;
	s5 =	sadd.s32 s21, s3  }
0x9d: {  	[timem:s22], [sflag:s6] =	dma.local [hbm:s5], s4  }
0x9e: {  	_ =	swait.ge [sflag:s6], s4  }
0x9f: {  	s4 =	ssub.s32 $0x0, s4;
	[sflag:s6] =	ssyncset.done $0x0  }
0xa0: {  	[sflag:s6] =	ssyncadd.s32 s4;
	_ =	sdelay $0x1  }
0xa1: {  	s23 =	simm.s32 $0x1B8B  }
0xa2: {  	_ =	swait.ge [sflag:s23], $0x1  }
0xa3: {  	[sflag:s23] =	ssyncset.done $0x0  }
0xa4: {  	[sflag:s23] =	ssyncadd.s32 $0xFFFFFFFF  }
0xa5: {  	s4 =	sld [smem:$0x0]  }
0xa6: {  	s5 =	sand.u32 $0xFFFFFFFE, s1  }
0xa7: {  	p0 =	sne.s32 s1, s5  }
0xa8: {  	s5 =	sshll.u32 @p0 s5, $0xE  }
0xa9: {  	s5 =	sadd.s32 @p0 $0x11B8D, s5;
	s6 =	sshll.u32 @p0 s4, $0x11  }
0xaa: {  	s5 =	sor.u32 @p0 s6, s5  }
0xab: {  	[sflag:s5] =	ssyncadd.remote.s32 @p0 $0x1;
	_ =	sdelay $0x1  }
0xac: {  	s5 =	simm.s32 @p0 $0x1B8D  }
0xad: {  	_ =	swait.eq @p0 [sflag:s5], $0x1  }
0xae: {  	[sflag:s5] =	ssyncadd.s32 @p0 $0xFFFFFFFF  }
0xaf: {  	s6 =	sshll.u32 @!p0 s1, $0xE  }
0xb0: {  	s6 =	sor.u32 @!p0 $0x4000, s6;
	s5 =	simm.s32 @!p0 $0x1B8D  }
0xb1: {  	s4 =	sshll.u32 @!p0 s4, $0x11;
	s6 =	sadd.s32 @!p0 $0x11B8D, s6;
	_ =	swait.eq @!p0 [sflag:s5], $0x1  }
0xb2: {  	s4 =	sor.u32 @!p0 s4, s6;
	[sflag:s5] =	ssyncadd.s32 @!p0 $0xFFFFFFFF  }
0xb3: {  	s25 =	simm.s32 $0x1B8E;
	s24 =	sld [smem:$0x3FFE];
	[sflag:s4] =	ssyncadd.remote.s32 @!p0 $0x1  }
0xb4: {  	s26 =	simm.s32 $execute0_lowered;
	[smem:$0x3FD2] =	sst s25  }
0xb5: {  	s5 =	sshll.u32 s26, $0x1;
	_ =	strace $0x80000049;
	[dreg:$0x1] =	wrdreg $0xFFFFFFFF  }
0xb6: {  	s28 =	simm.s32 $_size_execute0_lowered;
	s3 =	sadd.s32 s3, s5;
	[dreg:$0x0] =	wrdreg $0x0  }
0xb7: {  	s5 =	sshll.u32 s28, $0x1;
	[dreg:$0x2] =	wrdreg s3  }
0xb8: {  	[dreg:$0x3] =	wrdreg s5  }
0xb9: {  	[dreg:$0x4] =	wrdreg $0xC0  }
0xba: {  	_ =	task [dreg:s22], $0x5FFFF  }
0xbb: {  	[dreg:$0x1] =	wrdreg $0xFFFFFFFF  }
0xbc: {  	[dreg:$0x0] =	wrdreg $0x60  }
0xbd: {  	[dreg:$0x2] =	wrdreg s24  }
0xbe: {  	[dreg:$0x3] =	wrdreg $0xB  }
0xbf: {  	_ =	task.clear_ibuf [dreg:s22], $0x4FFFF;
	_ =	strace $0x90000049  }
0xc0: {  	s29 =	simm.s32 $0xB;
	_ =	strace $0x8000004B  }
0xc1: {  	_ =	swait.ge [sflag:s29], $0x1  }
0xc2: {  	[sflag:s29] =	ssyncadd.s32 $0xFFFFFFFF  }
0xc3: {  	_ =	strace $0x9000004B  }
0xc4: {  	_ =	sfence  }
0xc5: {  	s30 =	sld [smem:$0x0];
	_ =	sdelay $0x2  }
0xc6: {  	s31 =	sshll.u32 s1, $0xD;
	s1 =	sshrl.u32 s1, $0x2  }
0xc7: {  	s4 =	sand.u32 $0x4000, s31;
	s1 =	sadd.s32 s1, s30  }
0xc8: {  	s0 =	sor.u32 s4, s0;
	s1 =	sshll.u32 s1, $0x11  }
0xc9: {  	s0 =	sor.u32 s1, s0  }
0xca: {  	s0 =	sadd.s32 $0x8F2B, s0  }
0xcb: {  	[sflag:s0] =	ssyncadd.remote.s32 $0x1  }
0xcc: {  	_ =	sfence.sel $0xFFFF  }
0xcd: {  	[dreg:$0x0] =	wrdreg $0xFFFFFFFF;
	(pc) =	sbr.abs _section_cstart, $3  }
0xce: {  	[dreg:$0x1] =	wrdreg $0xFFFFFFFF  }
0xcf: {  	_ =	task.clear_ibuf [dreg:s22], $0x2FFFF;
	_ =	strace $0x9FFFFFFF  }
0xd0: {  	(tm) =	ssettm $0x7FFFFFFF  }
0xd1: {  	_ =	shalt  }
tec
execute0_lowered:
.L_overlay_start_1:
0x0: {  	(tag) =	ssettag $0x1  }
0x1: {  	s6 =	rddreg [dreg:$0x0]  }
0x2: {  	s0 =	rddreg [dreg:$0x1]  }
0x3: {  	s2 =	simm.s32 $0x0;
	s4 =	srdreg.scid;
	s1 =	stileid.u32  }
0x4: {  	s13 =	simm.s32 $0x4080;
	s14 =	simm.s32 $0x8080;
	s15 =	simm.s32 $0x8100  }
0x5: {  	s16 =	simm.s32 $0xC100;
	s17 =	simm.s32 $0x1;
	s18 =	simm.s32 $0x2  }
0x6: {  	s19 =	simm.s32 $0xC00;
	s20 =	simm.s32 $0x3;
	s21 =	simm.s32 $0x4  }
0x7: {  	s22 =	simm.s32 $0x0;
	[smem:$0x7FF] =	sst s2;
	s3 =	sadd.s32 $0x31A400, s6  }
0x8: {  	s7 =	sand.u32 $0x1, s4;
	s8 =	smul.u32 $0x1800, s1;
	s4 =	sadd.s32 $0x32A400, s6  }
0x9: {  	s10 =	sadd.s32 $0x33A400, s6;
	s9 =	smul.u32 $0xC00, s7;
	s11 =	ssub.s32 $0x2, s7  }
0xa: {  	s5 =	sadd.s32 $0x33D400, s6;
	s6 =	sadd.s32 $0x4BD400, s6;
	s30 =	sshrl.u32 s11, $0x1  }
0xb: {  	_ =	strace $0x8000004A;
	s7 =	sadd.s32 s9, s8;
	s8 =	ssub.s32 s11, s30  }
0xc: {  	s11 =	simm.s32 $0x5;
	s9 =	sshrl.u32 s7, $0x3;
	s12 =	sor.u32 $0x80, s7  }
0xd: {  	s8 =	smax.u32 s8, $0x1;
	s9 =	sadd.s32 s9, s10;
	s31 =	sshrl.u32 s12, $0x3  }
0xe: {  	[dreg:$0x2] =	wrdreg s9;
	s10 =	sadd.s32 s31, s10;
	s9 =	sshrl.u32 s7, $0x5  }
0xf: {  	[dreg:$0x3] =	wrdreg s10;
	s10 =	smul.u32 $0xC00, s12;
	s12 =	simm.s32 $0x80  }
.LBB2_1:
0x10: {  	s23 =	rddreg [dreg:$0x2]  }
0x11: {  	s23 =	sadd.s32 $0x0, s23  }
0x12: {  	[tilespmem:s2], [sflag:$0x5] =	stream.linear.gather [hbm4b:s23+s2], $0x80, $0x38;
	[tilespmem:$0x10100] =	vst v63  }
0x13: {  	_ =	swait.ge [sflag:s11], $0x80  }
0x14: {  	[sflag:s11] =	ssyncset.done $0x0  }
0x15: {  	[sflag:s11] =	ssyncadd.s32 $0xFFFFFF80  }
0x16: {  	[tilespmem:s12], [sflag:$0x1] =	stream.indirect.gather [hbm4b:s3+s12], $0x80, s2, s12, $0xb8;
	[tilespmem:$0x10100] =	vst v63  }
0x17: {  	s26 =	rddreg [dreg:$0x3]  }
0x18: {  	[tilespmem:s13], [sflag:$0x2] =	stream.indirect.gather [hbm4b:s4+s12], $0x80, s2, s12, $0xb8;
	[tilespmem:$0x10100] =	vst v63  }
0x19: {  	s23 =	sadd.s32 $0x0, s26  }
0x1a: {  	[tilespmem:s14], [sflag:$0x5] =	stream.linear.gather [hbm4b:s23+s2], $0x80, $0x38;
	[tilespmem:$0x10100] =	vst v63  }
0x1b: {  	_ =	swait.ge [sflag:s11], $0x80  }
0x1c: {  	[sflag:s11] =	ssyncset.done $0x0  }
0x1d: {  	[sflag:s11] =	ssyncadd.s32 $0xFFFFFF80  }
0x1e: {  	[tilespmem:s15], [sflag:$0x3] =	stream.indirect.gather [hbm4b:s3+s12], $0x80, s14, s12, $0xb8;
	[tilespmem:$0x10100] =	vst v63  }
0x1f: {  	s30 =	sand.u32 $0xF00, s7  }
0x20: {  	[tilespmem:s16], [sflag:$0x4] =	stream.indirect.gather [hbm4b:s4+s12], $0x80, s14, s12, $0xb8;
	[tilespmem:$0x10100] =	vst v63  }
0x21: {  	s23 =	smul.u32 $0xC00, s30;
	_ =	swait.ge [sflag:s17], $0x4000  }
0x22: {  	s24 =	sand.u32 $0x3FFFC00, s9;
	[sflag:s17] =	ssyncset.done $0x0  }
0x23: {  	s25 =	sand.u32 $0x380, s9;
	s23 =	sadd.s32 s24, s23;
	[sflag:s17] =	ssyncadd.s32 $0xFFFFC000  }
0x24: {  	s23 =	sor.u32 s25, s23;
	_ =	swait.ge [sflag:s18], $0x4000  }
0x25: {  	s23 =	sshrl.u32 s23, $0x3;
	[sflag:s18] =	ssyncset.done $0x0  }
0x26: {  	s31 =	sadd.s32 s5, s23;
	[sflag:s18] =	ssyncadd.s32 $0xFFFFC000  }
0x27: {  	[hbm4b:s31+s12] =	stream.strided.scatter [tilespmem:s12], [sflag:$0x5], $0x4000, s19, s12, $0x38;
	[tilespmem:$0x10100] =	vst v63  }
0x28: {  	_ =	swait.ge [sflag:s11], $0x4000  }
0x29: {  	[sflag:s11] =	ssyncset.done $0x0  }
0x2a: {  	s23 =	sadd.s32 s6, s23;
	[sflag:s11] =	ssyncadd.s32 $0xFFFFC000  }
0x2b: {  	[hbm4b:s23+s12] =	stream.strided.scatter [tilespmem:s13], [sflag:$0x5], $0x4000, s19, s12, $0x38;
	[tilespmem:$0x10100] =	vst v63  }
0x2c: {  	_ =	swait.ge [sflag:s11], $0x4000  }
0x2d: {  	[sflag:s11] =	ssyncset.done $0x0  }
0x2e: {  	[sflag:s11] =	ssyncadd.s32 $0xFFFFC000  }
0x2f: {  	s26 =	sand.u32 $0xFFFFFC00, s9;
	s30 =	sshrl.u32 s7, $0xC;
	_ =	swait.ge [sflag:s20], $0x4000  }
0x30: {  	s24 =	smul.u32 $0xC00000, s30;
	s23 =	sadd.s32 s26, s10;
	[sflag:s20] =	ssyncset.done $0x0  }
0x31: {  	s23 =	sadd.s32 s25, s23;
	[sflag:s20] =	ssyncadd.s32 $0xFFFFC000  }
0x32: {  	s23 =	ssub.s32 s23, s24;
	_ =	swait.ge [sflag:s21], $0x4000  }
0x33: {  	s23 =	sshrl.u32 s23, $0x3;
	[sflag:s21] =	ssyncset.done $0x0  }
0x34: {  	s31 =	sadd.s32 s5, s23;
	[sflag:s21] =	ssyncadd.s32 $0xFFFFC000  }
0x35: {  	[hbm4b:s31+s12] =	stream.strided.scatter [tilespmem:s15], [sflag:$0x5], $0x4000, s19, s12, $0x38;
	[tilespmem:$0x10100] =	vst v63  }
0x36: {  	_ =	swait.ge [sflag:s11], $0x4000  }
0x37: {  	s28 =	simm.s32 $0x40;
	[sflag:s11] =	ssyncset.done $0x0  }
0x38: {  	s26 =	smov.u32 s7;
	s23 =	sadd.s32 s6, s23;
	[sflag:s11] =	ssyncadd.s32 $0xFFFFC000  }
0x39: {  	[hbm4b:s23+s12] =	stream.strided.scatter [tilespmem:s16], [sflag:$0x5], $0x4000, s19, s12, $0x38;
	[tilespmem:$0x10100] =	vst v63  }
0x3a: {  	s25 =	simm.s32 $0x20;
	s24 =	smov.u32 s9;
	_ =	swait.ge [sflag:s11], $0x4000  }
0x3b: {  	s23 =	sadd.s32 $0xC0000, s10;
	s29 =	rddreg [dreg:$0x2];
	[sflag:s11] =	ssyncset.done $0x0  }
.LBB2_2:
0x3c: {  	[sflag:s11] =	ssyncadd.s32 $0xFFFFC000;
	s29 =	sadd.s32 s25, s29  }
0x3d: {  	[tilespmem:s2], [sflag:$0x5] =	stream.linear.gather [hbm4b:s29+s2], $0x80, $0x38;
	[tilespmem:$0x10100] =	vst v63  }
0x3e: {  	_ =	swait.ge [sflag:s11], $0x80  }
0x3f: {  	[sflag:s11] =	ssyncset.done $0x0  }
0x40: {  	[sflag:s11] =	ssyncadd.s32 $0xFFFFFF80  }
0x41: {  	[tilespmem:s12], [sflag:$0x1] =	stream.indirect.gather [hbm4b:s3+s12], $0x80, s2, s12, $0xb8;
	[tilespmem:$0x10100] =	vst v63  }
0x42: {  	s29 =	rddreg [dreg:$0x3]  }
0x43: {  	[tilespmem:s13], [sflag:$0x2] =	stream.indirect.gather [hbm4b:s4+s12], $0x80, s2, s12, $0xb8;
	[tilespmem:$0x10100] =	vst v63  }
0x44: {  	s29 =	sadd.s32 s25, s29  }
0x45: {  	[tilespmem:s14], [sflag:$0x5] =	stream.linear.gather [hbm4b:s29+s2], $0x80, $0x38;
	[tilespmem:$0x10100] =	vst v63  }
0x46: {  	_ =	swait.ge [sflag:s11], $0x80  }
0x47: {  	[sflag:s11] =	ssyncset.done $0x0  }
0x48: {  	s26 =	sadd.s32 $0x100, s26;
	[sflag:s11] =	ssyncadd.s32 $0xFFFFFF80  }
0x49: {  	[tilespmem:s15], [sflag:$0x3] =	stream.indirect.gather [hbm4b:s3+s12], $0x80, s14, s12, $0xb8;
	[tilespmem:$0x10100] =	vst v63  }
0x4a: {  	s24 =	sadd.s32 $0x8, s24;
	s29 =	sand.u32 $0xF00, s26  }
0x4b: {  	[tilespmem:s16], [sflag:$0x4] =	stream.indirect.gather [hbm4b:s4+s12], $0x80, s14, s12, $0xb8;
	[tilespmem:$0x10100] =	vst v63  }
0x4c: {  	s30 =	smov.u32 s28;
	s29 =	smul.u32 $0xC00, s29;
	_ =	swait.ge [sflag:s17], $0x4000  }
0x4d: {  	s25 =	smov.u32 s30;
	s30 =	sand.u32 $0x3FFFC00, s24;
	[sflag:s17] =	ssyncset.done $0x0  }
0x4e: {  	s31 =	sand.u32 $0x380, s24;
	s29 =	sadd.s32 s30, s29;
	[sflag:s17] =	ssyncadd.s32 $0xFFFFC000  }
0x4f: {  	s29 =	sor.u32 s31, s29;
	_ =	swait.ge [sflag:s18], $0x4000  }
0x50: {  	s29 =	sshrl.u32 s29, $0x3;
	[sflag:s18] =	ssyncset.done $0x0  }
0x51: {  	s30 =	sadd.s32 s5, s29;
	[sflag:s18] =	ssyncadd.s32 $0xFFFFC000  }
0x52: {  	[hbm4b:s30+s12] =	stream.strided.scatter [tilespmem:s12], [sflag:$0x5], $0x4000, s19, s12, $0x38;
	[tilespmem:$0x10100] =	vst v63  }
0x53: {  	_ =	swait.ge [sflag:s11], $0x4000  }
0x54: {  	[sflag:s11] =	ssyncset.done $0x0  }
0x55: {  	s29 =	sadd.s32 s6, s29;
	[sflag:s11] =	ssyncadd.s32 $0xFFFFC000  }
0x56: {  	[hbm4b:s29+s12] =	stream.strided.scatter [tilespmem:s13], [sflag:$0x5], $0x4000, s19, s12, $0x38;
	[tilespmem:$0x10100] =	vst v63  }
0x57: {  	_ =	swait.ge [sflag:s11], $0x4000  }
0x58: {  	[sflag:s11] =	ssyncset.done $0x0  }
0x59: {  	[sflag:s11] =	ssyncadd.s32 $0xFFFFC000  }
0x5a: {  	s30 =	sshrl.u32 s26, $0xC;
	s29 =	sand.u32 $0xFFFFFC00, s24;
	_ =	swait.ge [sflag:s20], $0x4000  }
0x5b: {  	s30 =	smul.u32 $0xC00000, s30;
	s29 =	sadd.s32 s29, s23;
	[sflag:s20] =	ssyncset.done $0x0  }
0x5c: {  	s29 =	sadd.s32 s31, s29;
	[sflag:s20] =	ssyncadd.s32 $0xFFFFC000  }
0x5d: {  	s29 =	ssub.s32 s29, s30;
	_ =	swait.ge [sflag:s21], $0x4000  }
0x5e: {  	s29 =	sshrl.u32 s29, $0x3;
	[sflag:s21] =	ssyncset.done $0x0  }
0x5f: {  	s31 =	sadd.s32 s5, s29;
	[sflag:s21] =	ssyncadd.s32 $0xFFFFC000  }
0x60: {  	[hbm4b:s31+s12] =	stream.strided.scatter [tilespmem:s15], [sflag:$0x5], $0x4000, s19, s12, $0x38;
	[tilespmem:$0x10100] =	vst v63  }
0x61: {  	p0 =	sne.s32 s28, $0x160;
	_ =	swait.ge [sflag:s11], $0x4000  }
.Ltmp0:
0x62: {  	[sflag:s11] =	ssyncset.done $0x0;
	(pc) =	sbr.rel @p0 .LBB2_2-.Ltmp0, $4  }
0x63: {  	s29 =	sadd.s32 s6, s29;
	[sflag:s11] =	ssyncadd.s32 $0xFFFFC000  }
0x64: {  	[hbm4b:s29+s12] =	stream.strided.scatter [tilespmem:s16], [sflag:$0x5], $0x4000, s19, s12, $0x38;
	[tilespmem:$0x10100] =	vst v63  }
0x65: {  	s28 =	sadd.s32 $0x20, s28;
	_ =	swait.ge [sflag:s11], $0x4000  }
0x66: {  	s23 =	sadd.s32 $0xC0000, s23;
	s29 =	rddreg [dreg:$0x2];
	[sflag:s11] =	ssyncset.done $0x0  }
0x67: {  	[sflag:s11] =	ssyncadd.s32 $0xFFFFC000;
	s28 =	sadd.s32 s25, s29  }
0x68: {  	[tilespmem:s2], [sflag:$0x5] =	stream.linear.gather [hbm4b:s28+s2], $0x80, $0x38;
	[tilespmem:$0x10100] =	vst v63  }
0x69: {  	_ =	swait.ge [sflag:s11], $0x80  }
0x6a: {  	[sflag:s11] =	ssyncset.done $0x0  }
0x6b: {  	[sflag:s11] =	ssyncadd.s32 $0xFFFFFF80  }
0x6c: {  	[tilespmem:s12], [sflag:$0x1] =	stream.indirect.gather [hbm4b:s3+s12], $0x80, s2, s12, $0xb8;
	[tilespmem:$0x10100] =	vst v63  }
0x6d: {  	s31 =	rddreg [dreg:$0x3]  }
0x6e: {  	[tilespmem:s13], [sflag:$0x2] =	stream.indirect.gather [hbm4b:s4+s12], $0x80, s2, s12, $0xb8;
	[tilespmem:$0x10100] =	vst v63  }
0x6f: {  	s29 =	sadd.s32 s25, s31  }
0x70: {  	[tilespmem:s14], [sflag:$0x5] =	stream.linear.gather [hbm4b:s29+s2], $0x80, $0x38;
	[tilespmem:$0x10100] =	vst v63  }
0x71: {  	_ =	swait.ge [sflag:s11], $0x80  }
0x72: {  	[sflag:s11] =	ssyncset.done $0x0  }
0x73: {  	s25 =	sadd.s32 $0x100, s26;
	[sflag:s11] =	ssyncadd.s32 $0xFFFFFF80  }
0x74: {  	[tilespmem:s15], [sflag:$0x3] =	stream.indirect.gather [hbm4b:s3+s12], $0x80, s14, s12, $0xb8;
	[tilespmem:$0x10100] =	vst v63  }
0x75: {  	s26 =	sand.u32 $0xF00, s25  }
0x76: {  	[tilespmem:s16], [sflag:$0x4] =	stream.indirect.gather [hbm4b:s4+s12], $0x80, s14, s12, $0xb8;
	[tilespmem:$0x10100] =	vst v63  }
0x77: {  	s24 =	sadd.s32 $0x8, s24;
	s26 =	smul.u32 $0xC00, s26;
	_ =	swait.ge [sflag:s17], $0x4000  }
0x78: {  	s30 =	sand.u32 $0x3FFFC00, s24;
	[sflag:s17] =	ssyncset.done $0x0  }
0x79: {  	s26 =	sadd.s32 s30, s26;
	s29 =	sand.u32 $0x380, s24;
	[sflag:s17] =	ssyncadd.s32 $0xFFFFC000  }
0x7a: {  	s26 =	sor.u32 s29, s26;
	_ =	swait.ge [sflag:s18], $0x4000  }
0x7b: {  	s26 =	sshrl.u32 s26, $0x3;
	[sflag:s18] =	ssyncset.done $0x0  }
0x7c: {  	s31 =	sadd.s32 s5, s26;
	[sflag:s18] =	ssyncadd.s32 $0xFFFFC000  }
0x7d: {  	[hbm4b:s31+s12] =	stream.strided.scatter [tilespmem:s12], [sflag:$0x5], $0x4000, s19, s12, $0x38;
	[tilespmem:$0x10100] =	vst v63  }
0x7e: {  	_ =	swait.ge [sflag:s11], $0x4000  }
0x7f: {  	[sflag:s11] =	ssyncset.done $0x0  }
0x80: {  	s26 =	sadd.s32 s6, s26;
	[sflag:s11] =	ssyncadd.s32 $0xFFFFC000  }
0x81: {  	[hbm4b:s26+s12] =	stream.strided.scatter [tilespmem:s13], [sflag:$0x5], $0x4000, s19, s12, $0x38;
	[tilespmem:$0x10100] =	vst v63  }
0x82: {  	_ =	swait.ge [sflag:s11], $0x4000  }
0x83: {  	[sflag:s11] =	ssyncset.done $0x0  }
0x84: {  	[sflag:s11] =	ssyncadd.s32 $0xFFFFC000  }
0x85: {  	s25 =	sshrl.u32 s25, $0xC;
	s24 =	sand.u32 $0xFFFFFC00, s24;
	_ =	swait.ge [sflag:s20], $0x4000  }
0x86: {  	s30 =	smul.u32 $0xC00000, s25;
	s23 =	sadd.s32 s24, s23;
	[sflag:s20] =	ssyncset.done $0x0  }
0x87: {  	s23 =	sadd.s32 s29, s23;
	[sflag:s20] =	ssyncadd.s32 $0xFFFFC000  }
0x88: {  	s23 =	ssub.s32 s23, s30;
	_ =	swait.ge [sflag:s21], $0x4000  }
0x89: {  	s23 =	sshrl.u32 s23, $0x3;
	[sflag:s21] =	ssyncset.done $0x0  }
0x8a: {  	s31 =	sadd.s32 s5, s23;
	[sflag:s21] =	ssyncadd.s32 $0xFFFFC000  }
0x8b: {  	[hbm4b:s31+s12] =	stream.strided.scatter [tilespmem:s15], [sflag:$0x5], $0x4000, s19, s12, $0x38;
	[tilespmem:$0x10100] =	vst v63  }
0x8c: {  	s22 =	sadd.s32 $0x1, s22;
	_ =	swait.ge [sflag:s11], $0x4000  }
0x8d: {  	p0 =	sne.s32 s22, s8;
	[sflag:s11] =	ssyncset.done $0x0  }
.Ltmp1:
0x8e: {  	s23 =	sadd.s32 s6, s23;
	[sflag:s11] =	ssyncadd.s32 $0xFFFFC000;
	(pc) =	sbr.rel @p0 .LBB2_1-.Ltmp1, $4  }
0x8f: {  	[hbm4b:s23+s12] =	stream.strided.scatter [tilespmem:s16], [sflag:$0x5], $0x4000, s19, s12, $0x38;
	[tilespmem:$0x10100] =	vst v63  }
0x90: {  	_ =	swait.ge [sflag:s11], $0x4000  }
0x91: {  	[sflag:s11] =	ssyncset.done $0x0  }
0x92: {  	[sflag:s11] =	ssyncadd.s32 $0xFFFFC000  }
0x93: {  	_ =	sfence.sel $0x180000  }
0x94: {  	[bflag:$0x0] =	sbarrier.arrive $0xFFFF  }
0x95: {  	p0 =	sne.s32 s1, $0x0;
	_ =	strace $0x9000004A  }
0x96: {  	s0 =	sadd.s32 @!p0 $0x100000, s0;
	[bflag:$0x2] =	sbarrier.arrive $0xFFFF  }
0x97: {  	[sflag:s0] =	ssyncadd.tile.s32 @!p0 $0x1;
	_ =	shalt  }
.Lfunc_end2:
_tile_overlayer_lowered:
.L_overlay_start_2:
0x98: {  	(tag) =	ssettag $0x2  }
0x99: {  	s0 =	rddreg [dreg:$0x0];
	s2 =	stileid.u32  }
0x9a: {  	s1 =	rddreg [dreg:$0x1];
	p0 =	sne.s32 s2, $0x0  }
0x9b: {  	s3 =	rddreg [dreg:$0x2];
	[bflag:$0x3] =	sbarrier.arrive $0xFFFF;
	s2 =	simm.s32 @!p0 $0x1C05  }
0x9c: {  	[timem:s3], [sflag:s2] =	dma.local @!p0 [hbm:s0], s1  }
0x9d: {  	s0 =	simm.s32 @!p0 $0x5  }
0x9e: {  	_ =	swait.ge @!p0 [sflag:s0], s1  }
0x9f: {  	s1 =	ssub.s32 @!p0 $0x0, s1;
	[sflag:s0] =	ssyncset.done @!p0 $0x0  }
0xa0: {  	[sflag:s0] =	ssyncadd.s32 @!p0 s1  }
0xa1: {  	[bflag:$0x3] =	sbarrier.arrive $0xFFFF  }
0xa2: {  	_ =	shalt  }

// kernel: kernel.23.cloned.1.call-start
scs
__scs_entry_jumppad:
0x0: {  	(pc) =	sbr.rel $0x88, $3  }
0x1: {  	(tag) =	ssettag $0x0;
	lr =	simm.s32 $0x1  }
0x2: {  	[smem:$0x3F93] =	sst lr;
	_ =	strace $0xD0000000  }
0x3: {  	_ = 	snop  }
0x4: {  	_ = 	snop  }
0x5: {  	_ = 	snop  }
0x6: {  	_ = 	snop  }
0x7: {  	_ = 	snop  }
__scs_overlays_trampoline_lowered:
0x8: {  	[smem:$0x3FA2] =	sst s0  }
0x9: {  	[smem:$0x3FA3] =	sst s1  }
0xa: {  	[smem:$0x3FA4] =	sst s2  }
0xb: {  	[smem:$0x3FA5] =	sst s3  }
0xc: {  	[smem:$0x3FA6] =	sst s4  }
0xd: {  	[smem:$0x3FA7] =	sst s5  }
0xe: {  	[smem:$0x3FA8] =	sst s6  }
0xf: {  	[smem:$0x3FA9] =	sst s7  }
0x10: {  	[smem:$0x3FAA] =	sst s8  }
0x11: {  	[smem:$0x3FAB] =	sst s9;
	s0 =	simm.s32 @!p0 $0x0  }
0x12: {  	s1 =	sld [smem:$0x3F91];
	s0 =	simm.s32 @p0 $0x1  }
0x13: {  	[smem:$0x3FAC] =	sst s0;
	s0 =	simm.s32 @!p1 $0x0  }
0x14: {  	s2 =	sld [smem:$0x3F90];
	s0 =	simm.s32 @p1 $0x1  }
0x15: {  	[smem:$0x3FAD] =	sst s0;
	s0 =	simm.s32 @!p2 $0x0  }
0x16: {  	s3 =	sld [smem:$0x3FDB];
	s0 =	simm.s32 @p2 $0x1  }
0x17: {  	s4 =	simm.s32 $0x1BF5;
	[smem:$0x3FAF] =	sst s0  }
0x18: {  	s0 =	sld [smem:$0x3F92];
	_ =	swait.ge [sflag:s4], $0x0  }
0x19: {  	s7 =	sld [smem:$0x3F93]  }
0x1a: {  	s8 =	sadd.s32 $0xFFFFE003, lr  }
0x1b: {  	s9 =	sadd.s32 $0xFFFFFEF7, lr;
	s5 =	simm.s32 $0xFFFFFFFF;
	p2 =	slt.u32 s8, $0xFFFFF086  }
0x1c: {  	p1 =	slt.u32 s9, $0xF7A;
	s5 =	simm.s32 @!p2 $0x0  }
0x1d: {  	s5 =	simm.s32 @p1 $0x1;
	p0 =	seq.s32 s7, s2  }
0x1e: {  	s7 =	smul.u32 @!p0 $0xF7A, s2;
	p2 =	seq.s32 @!p0 s5, $0x0  }
0x1f: {  	s9 =	smul.u32 $0xF7A, s1;
	s8 =	simm.s32 @!p0 $0x1BF5;
	p2 =	por !p2, p0  }
0x20: {  	[sflag:s8] =	ssyncset.s32 @!p0 $0xFFFFF086;
	s6 =	sadd.s32 @!p0 s3, s7;
	s7 =	simm.s32 @!p0 $0x108  }
0x21: {  	s3 =	sadd.s32 s3, s9;
	s6 =	sadd.s32 @!p0 $0x88, s6;
	s7 =	simm.s32 @p2 $0x1082  }
0x22: {  	[simem:s7], [sflag:s8] =	dma.local @!p0 [hbm:s6], $0xF7A  }
0x23: {  	s9 =	sor.u32 $0xD0000000, s2;
	s6 =	simm.s32 $0x108;
	_ =	swait.ge @!p0 [sflag:s8], $0x0  }
0x24: {  	s3 =	sadd.s32 $0x88, s3;
	s6 =	simm.s32 @!p1 $0x1082;
	[sflag:s4] =	ssyncset.s32 $0xFFFFF086  }
0x25: {  	[simem:s6], [sflag:s4] =	dma.local [hbm:s3], $0xF7A  }
0x26: {  	[smem:$0x3F93] =	sst s1;
	(tag) =	ssettag s2;
	_ =	strace s9  }
0x27: {  	s1 =	sld [smem:$0x3FA3]  }
0x28: {  	s2 =	sld [smem:$0x3FA4]  }
0x29: {  	s4 =	sld [smem:$0x3FA6]  }
0x2a: {  	p0 =	seq.s32 s5, $0x0;
	s5 =	sld [smem:$0x3FA7]  }
0x2b: {  	s6 =	sld [smem:$0x3FA8]  }
0x2c: {  	s7 =	sld [smem:$0x3FA9]  }
0x2d: {  	s3 =	simm.s32 $0x108;
	s8 =	sld [smem:$0x3FAA]  }
0x2e: {  	s3 =	simm.s32 @!p0 $0x1082;
	s9 =	sld [smem:$0x3FAB]  }
0x2f: {  	lr =	sadd.s32 s0, s3;
	s0 =	sld [smem:$0x3FA2]  }
0x30: {  	s3 =	sld [smem:$0x3FA5]  }
0x31: {  	[smem:$0x3FAE] =	sst s10  }
0x32: {  	s10 =	sld [smem:$0x3FAC];
	_ =	sdelay $0x3  }
0x33: {  	p0 =	seq.s32 s10, $0x1;
	s10 =	sld [smem:$0x3FAE];
	_ =	sdelay $0x3  }
0x34: {  	[smem:$0x3FAE] =	sst s10  }
0x35: {  	s10 =	sld [smem:$0x3FAD];
	_ =	sdelay $0x3  }
0x36: {  	p1 =	seq.s32 s10, $0x1;
	s10 =	sld [smem:$0x3FAE];
	_ =	sdelay $0x3  }
0x37: {  	[smem:$0x3FAE] =	sst s10  }
0x38: {  	s10 =	sld [smem:$0x3FAF]  }
0x39: {  	_ = 	snop;
	(pc) =	sbr.ind lr, $3  }
0x3a: {  	_ = 	snop  }
0x3b: {  	_ = 	snop  }
0x3c: {  	p2 =	seq.s32 s10, $0x1;
	s10 =	sld [smem:$0x3FAE]  }
0x3d: {  	_ =	shalt  }
0x3e: {  	_ =	shalt  }
0x3f: {  	_ =	shalt  }
0x40: {  	_ =	shalt  }
0x41: {  	_ =	shalt  }
0x42: {  	_ =	shalt  }
0x43: {  	_ =	shalt  }
0x44: {  	_ =	shalt  }
0x45: {  	_ =	shalt  }
0x46: {  	_ =	shalt  }
0x47: {  	_ =	shalt  }
0x48: {  	_ =	shalt  }
0x49: {  	_ =	shalt  }
0x4a: {  	_ =	shalt  }
0x4b: {  	_ =	shalt  }
0x4c: {  	_ =	shalt  }
0x4d: {  	_ =	shalt  }
0x4e: {  	_ =	shalt  }
0x4f: {  	_ =	shalt  }
0x50: {  	_ =	shalt  }
0x51: {  	_ =	shalt  }
0x52: {  	_ =	shalt  }
0x53: {  	_ =	shalt  }
0x54: {  	_ =	shalt  }
0x55: {  	_ =	shalt  }
0x56: {  	_ =	shalt  }
0x57: {  	_ =	shalt  }
0x58: {  	_ =	shalt  }
0x59: {  	_ =	shalt  }
0x5a: {  	_ =	shalt  }
0x5b: {  	_ =	shalt  }
0x5c: {  	_ =	shalt  }
0x5d: {  	_ =	shalt  }
0x5e: {  	_ =	shalt  }
0x5f: {  	_ =	shalt  }
0x60: {  	_ =	shalt  }
0x61: {  	_ =	shalt  }
0x62: {  	_ =	shalt  }
0x63: {  	_ =	shalt  }
0x64: {  	_ =	shalt  }
0x65: {  	_ =	shalt  }
0x66: {  	_ =	shalt  }
0x67: {  	_ =	shalt  }
0x68: {  	_ =	shalt  }
0x69: {  	_ =	shalt  }
0x6a: {  	_ =	shalt  }
0x6b: {  	_ =	shalt  }
0x6c: {  	_ =	shalt  }
0x6d: {  	_ =	shalt  }
0x6e: {  	_ =	shalt  }
0x6f: {  	_ =	shalt  }
0x70: {  	_ =	shalt  }
0x71: {  	_ =	shalt  }
0x72: {  	_ =	shalt  }
0x73: {  	_ =	shalt  }
0x74: {  	_ =	shalt  }
0x75: {  	_ =	shalt  }
0x76: {  	_ =	shalt  }
0x77: {  	_ =	shalt  }
0x78: {  	_ =	shalt  }
0x79: {  	_ =	shalt  }
0x7a: {  	_ =	shalt  }
0x7b: {  	_ =	shalt  }
0x7c: {  	_ =	shalt  }
0x7d: {  	_ =	shalt  }
0x7e: {  	_ =	shalt  }
0x7f: {  	_ =	shalt  }
0x80: {  	_ =	shalt  }
0x81: {  	_ =	shalt  }
0x82: {  	_ =	shalt  }
0x83: {  	_ =	shalt  }
0x84: {  	_ =	shalt  }
0x85: {  	_ =	shalt  }
0x86: {  	_ =	shalt  }
0x87: {  	_ =	shalt  }
.Lfunc_end0:
.L_simem_size_0:
called_computation.3_lowered:
.L_overlay_start_0:
0x88: {  	s2 =	sld [smem:$0x3FD9]  }
0x89: {  	s3 =	sld [smem:$0x3FFE];
	_ =	sdelay $0x1  }
0x8a: {  	s1 =	srdreg.scid  }
0x8b: {  	s0 =	sand.u32 $0x1, s1  }
0x8c: {  	s14 =	sshll.u32 s0, $0xA;
	s2 =	sadd.s32 s3, s2  }
0x8d: {  	s2 =	sadd.s32 s2, s14  }
0x8e: {  	[smem:$0x3FBA] =	sst s2  }
0x8f: {  	_ = 	snop  }
0x90: {  	s2 =	sld [smem:$0x3FD0];
	_ =	sdelay $0x2  }
0x91: {  	s15 =	simm.s32 $0xD;
	s4 =	simm.s32 $0x10  }
0x92: {  	[smem:s4], [sflag:s15] =	dma.local [hbm:s2], $0x1  }
0x93: {  	_ =	swait.eq [sflag:s15], $0x1  }
0x94: {  	[sflag:s15] =	ssyncset.done $0x0  }
0x95: {  	[sflag:s15] =	ssyncadd.s32 $0xFFFFFFFF  }
0x96: {  	s16 =	sld [smem:$0x10];
	(tm) =	ssettm $0x1  }
0x97: {  	s17 =	sld [smem:$0x3FFB];
	_ =	sdelay $0x3  }
0x98: {  	_ =	strace s17  }
0x99: {  	s3 =	sld [smem:$0x3FFC];
	_ =	sdelay $0x3  }
0x9a: {  	_ =	strace s3  }
0x9b: {  	s3 =	sld [smem:$0x3FFD];
	_ =	sdelay $0x3  }
0x9c: {  	_ =	strace s3  }
0x9d: {  	_ =	strace $0x8FFFFFFF  }
0x9e: {  	s18 =	sld [smem:$0x3FDB];
	_ =	sdelay $0x1  }
0x9f: {  	s19 =	simm.s32 $_scs_section_size  }
0xa0: {  	s5 =	simm.s32 $_size__tile_overlayer_lowered;
	s6 =	simm.s32 $_tile_overlayer_lowered  }
0xa1: {  	s22 =	simm.s32 $0x1BFF;
	s21 =	sshll.u32 s6, $0x1;
	s3 =	sadd.s32 s19, s18  }
0xa2: {  	s7 =	simm.s32 $0x0;
	s20 =	sshll.u32 s5, $0x1;
	s5 =	sadd.s32 s21, s3  }
0xa3: {  	[timem:s7], [sflag:s22] =	dma.local [hbm:s5], s20  }
0xa4: {  	_ =	swait.ge [sflag:s22], s20  }
0xa5: {  	s4 =	ssub.s32 $0x0, s20;
	[sflag:s22] =	ssyncset.done $0x0  }
0xa6: {  	[sflag:s22] =	ssyncadd.s32 s4;
	_ =	sdelay $0x1  }
0xa7: {  	s23 =	simm.s32 $0x1B8B  }
0xa8: {  	_ =	swait.ge [sflag:s23], $0x1  }
0xa9: {  	[sflag:s23] =	ssyncset.done $0x0  }
0xaa: {  	s25 =	simm.s32 $0x1B8E;
	s24 =	sld [smem:$0x3FFE];
	[sflag:s23] =	ssyncadd.s32 $0xFFFFFFFF  }
0xab: {  	s26 =	simm.s32 $execute0_lowered;
	[smem:$0x3FD2] =	sst s25  }
0xac: {  	s5 =	sshll.u32 s26, $0x1;
	_ =	strace $0x80000046;
	[dreg:$0x1] =	wrdreg $0xFFFFFFFF  }
0xad: {  	s28 =	simm.s32 $_size_execute0_lowered;
	s3 =	sadd.s32 s3, s5;
	[dreg:$0x0] =	wrdreg $0x0  }
0xae: {  	s5 =	sshll.u32 s28, $0x1;
	[dreg:$0x2] =	wrdreg s3  }
0xaf: {  	[dreg:$0x3] =	wrdreg s5  }
0xb0: {  	[dreg:$0x4] =	wrdreg $0xC0  }
0xb1: {  	_ =	task [dreg:s7], $0x5FFFF  }
0xb2: {  	[dreg:$0x1] =	wrdreg $0xFFFFFFFF  }
0xb3: {  	[dreg:$0x0] =	wrdreg $0x60  }
0xb4: {  	[dreg:$0x2] =	wrdreg s16  }
0xb5: {  	[dreg:$0x3] =	wrdreg s24  }
0xb6: {  	[dreg:$0x4] =	wrdreg $0xC  }
0xb7: {  	_ =	task.clear_ibuf [dreg:s7], $0x5FFFF;
	_ =	strace $0x90000046  }
0xb8: {  	s29 =	simm.s32 $0xC;
	_ =	strace $0x80000048  }
0xb9: {  	_ =	swait.ge [sflag:s29], $0x1  }
0xba: {  	[sflag:s29] =	ssyncadd.s32 $0xFFFFFFFF  }
0xbb: {  	_ =	strace $0x90000048  }
0xbc: {  	_ =	sfence  }
0xbd: {  	s30 =	sld [smem:$0x0];
	_ =	sdelay $0x2  }
0xbe: {  	s31 =	sshll.u32 s1, $0xD;
	s1 =	sshrl.u32 s1, $0x2  }
0xbf: {  	s3 =	sand.u32 $0x4000, s31;
	s1 =	sadd.s32 s1, s30  }
0xc0: {  	s0 =	sor.u32 s3, s0;
	s1 =	sshll.u32 s1, $0x11  }
0xc1: {  	s0 =	sor.u32 s1, s0  }
0xc2: {  	s0 =	sadd.s32 $0x8F2B, s0  }
0xc3: {  	[sflag:s0] =	ssyncadd.remote.s32 $0x1  }
0xc4: {  	_ =	sfence.sel $0xFFFF  }
0xc5: {  	[dreg:$0x0] =	wrdreg $0xFFFFFFFF;
	(pc) =	sbr.abs _section_cstart, $3  }
0xc6: {  	[dreg:$0x1] =	wrdreg $0xFFFFFFFF  }
0xc7: {  	_ =	task.clear_ibuf [dreg:s7], $0x2FFFF;
	_ =	strace $0x9FFFFFFF  }
0xc8: {  	(tm) =	ssettm $0x7FFFFFFF  }
0xc9: {  	_ =	shalt  }
tec
execute0_lowered:
.L_overlay_start_1:
0x0: {  	(tag) =	ssettag $0x1  }
0x1: {  	s1 =	rddreg [dreg:$0x0]  }
0x2: {  	s6 =	rddreg [dreg:$0x1]  }
0x3: {  	s0 =	rddreg [dreg:$0x2];
	s3 =	simm.s32 $0x0;
	s4 =	srdreg.scid  }
0x4: {  	s2 =	stileid.u32;
	s13 =	simm.s32 $0x4080;
	s14 =	simm.s32 $0x8080  }
0x5: {  	s15 =	simm.s32 $0x8100;
	s16 =	simm.s32 $0xC100;
	s17 =	simm.s32 $0x1  }
0x6: {  	s18 =	simm.s32 $0x2;
	s19 =	simm.s32 $0xC00;
	s20 =	simm.s32 $0x3  }
0x7: {  	s21 =	simm.s32 $0x4;
	s22 =	simm.s32 $0x0;
	[smem:$0x7FF] =	sst s3  }
0x8: {  	s7 =	sand.u32 $0x1, s4;
	s8 =	smul.u32 $0x1800, s2;
	s4 =	sadd.s32 $0x7400, s6  }
0x9: {  	s10 =	sadd.s32 $0x17400, s6;
	s9 =	smul.u32 $0xC00, s7;
	s11 =	ssub.s32 $0x2, s7  }
0xa: {  	s5 =	sadd.s32 $0x1A400, s6;
	s6 =	sadd.s32 $0x19A400, s6;
	s30 =	sshrl.u32 s11, $0x1  }
0xb: {  	_ =	strace $0x80000047;
	s7 =	sadd.s32 s9, s8;
	s8 =	ssub.s32 s11, s30  }
0xc: {  	s11 =	simm.s32 $0x5;
	s9 =	sshrl.u32 s7, $0x3;
	s12 =	sor.u32 $0x80, s7  }
0xd: {  	s8 =	smax.u32 s8, $0x1;
	s9 =	sadd.s32 s9, s10;
	s31 =	sshrl.u32 s12, $0x3  }
0xe: {  	[dreg:$0x3] =	wrdreg s9;
	s10 =	sadd.s32 s31, s10;
	s9 =	sshrl.u32 s7, $0x5  }
0xf: {  	[dreg:$0x4] =	wrdreg s10;
	s10 =	smul.u32 $0xC00, s12;
	s12 =	simm.s32 $0x80  }
.LBB2_1:
0x10: {  	s23 =	rddreg [dreg:$0x3]  }
0x11: {  	s23 =	sadd.s32 $0x0, s23  }
0x12: {  	[tilespmem:s3], [sflag:$0x5] =	stream.linear.gather [hbm4b:s23+s3], $0x80, $0x38;
	[tilespmem:$0x10100] =	vst v63  }
0x13: {  	_ =	swait.ge [sflag:s11], $0x80  }
0x14: {  	[sflag:s11] =	ssyncset.done $0x0  }
0x15: {  	[sflag:s11] =	ssyncadd.s32 $0xFFFFFF80  }
0x16: {  	[tilespmem:s12], [sflag:$0x1] =	stream.indirect.gather [hbm4b:s1+s12], $0x80, s3, s12, $0xb8;
	[tilespmem:$0x10100] =	vst v63  }
0x17: {  	s26 =	rddreg [dreg:$0x4]  }
0x18: {  	[tilespmem:s13], [sflag:$0x2] =	stream.indirect.gather [hbm4b:s4+s12], $0x80, s3, s12, $0xb8;
	[tilespmem:$0x10100] =	vst v63  }
0x19: {  	s23 =	sadd.s32 $0x0, s26  }
0x1a: {  	[tilespmem:s14], [sflag:$0x5] =	stream.linear.gather [hbm4b:s23+s3], $0x80, $0x38;
	[tilespmem:$0x10100] =	vst v63  }
0x1b: {  	_ =	swait.ge [sflag:s11], $0x80  }
0x1c: {  	[sflag:s11] =	ssyncset.done $0x0  }
0x1d: {  	[sflag:s11] =	ssyncadd.s32 $0xFFFFFF80  }
0x1e: {  	[tilespmem:s15], [sflag:$0x3] =	stream.indirect.gather [hbm4b:s1+s12], $0x80, s14, s12, $0xb8;
	[tilespmem:$0x10100] =	vst v63  }
0x1f: {  	s30 =	sand.u32 $0xF00, s7  }
0x20: {  	[tilespmem:s16], [sflag:$0x4] =	stream.indirect.gather [hbm4b:s4+s12], $0x80, s14, s12, $0xb8;
	[tilespmem:$0x10100] =	vst v63  }
0x21: {  	s23 =	smul.u32 $0xC00, s30;
	_ =	swait.ge [sflag:s17], $0x4000  }
0x22: {  	s24 =	sand.u32 $0x3FFFC00, s9;
	[sflag:s17] =	ssyncset.done $0x0  }
0x23: {  	s25 =	sand.u32 $0x380, s9;
	s23 =	sadd.s32 s24, s23;
	[sflag:s17] =	ssyncadd.s32 $0xFFFFC000  }
0x24: {  	s23 =	sor.u32 s25, s23;
	_ =	swait.ge [sflag:s18], $0x4000  }
0x25: {  	s23 =	sshrl.u32 s23, $0x3;
	[sflag:s18] =	ssyncset.done $0x0  }
0x26: {  	s31 =	sadd.s32 s5, s23;
	[sflag:s18] =	ssyncadd.s32 $0xFFFFC000  }
0x27: {  	[hbm4b:s31+s12] =	stream.strided.scatter [tilespmem:s12], [sflag:$0x5], $0x4000, s19, s12, $0x38;
	[tilespmem:$0x10100] =	vst v63  }
0x28: {  	_ =	swait.ge [sflag:s11], $0x4000  }
0x29: {  	[sflag:s11] =	ssyncset.done $0x0  }
0x2a: {  	s23 =	sadd.s32 s6, s23;
	[sflag:s11] =	ssyncadd.s32 $0xFFFFC000  }
0x2b: {  	[hbm4b:s23+s12] =	stream.strided.scatter [tilespmem:s13], [sflag:$0x5], $0x4000, s19, s12, $0x38;
	[tilespmem:$0x10100] =	vst v63  }
0x2c: {  	_ =	swait.ge [sflag:s11], $0x4000  }
0x2d: {  	[sflag:s11] =	ssyncset.done $0x0  }
0x2e: {  	[sflag:s11] =	ssyncadd.s32 $0xFFFFC000  }
0x2f: {  	s26 =	sand.u32 $0xFFFFFC00, s9;
	s30 =	sshrl.u32 s7, $0xC;
	_ =	swait.ge [sflag:s20], $0x4000  }
0x30: {  	s24 =	smul.u32 $0xC00000, s30;
	s23 =	sadd.s32 s26, s10;
	[sflag:s20] =	ssyncset.done $0x0  }
0x31: {  	s23 =	sadd.s32 s25, s23;
	[sflag:s20] =	ssyncadd.s32 $0xFFFFC000  }
0x32: {  	s23 =	ssub.s32 s23, s24;
	_ =	swait.ge [sflag:s21], $0x4000  }
0x33: {  	s23 =	sshrl.u32 s23, $0x3;
	[sflag:s21] =	ssyncset.done $0x0  }
0x34: {  	s31 =	sadd.s32 s5, s23;
	[sflag:s21] =	ssyncadd.s32 $0xFFFFC000  }
0x35: {  	[hbm4b:s31+s12] =	stream.strided.scatter [tilespmem:s15], [sflag:$0x5], $0x4000, s19, s12, $0x38;
	[tilespmem:$0x10100] =	vst v63  }
0x36: {  	_ =	swait.ge [sflag:s11], $0x4000  }
0x37: {  	s28 =	simm.s32 $0x40;
	[sflag:s11] =	ssyncset.done $0x0  }
0x38: {  	s26 =	smov.u32 s7;
	s23 =	sadd.s32 s6, s23;
	[sflag:s11] =	ssyncadd.s32 $0xFFFFC000  }
0x39: {  	[hbm4b:s23+s12] =	stream.strided.scatter [tilespmem:s16], [sflag:$0x5], $0x4000, s19, s12, $0x38;
	[tilespmem:$0x10100] =	vst v63  }
0x3a: {  	s25 =	simm.s32 $0x20;
	s24 =	smov.u32 s9;
	_ =	swait.ge [sflag:s11], $0x4000  }
0x3b: {  	s23 =	sadd.s32 $0xC0000, s10;
	s29 =	rddreg [dreg:$0x3];
	[sflag:s11] =	ssyncset.done $0x0  }
.LBB2_2:
0x3c: {  	[sflag:s11] =	ssyncadd.s32 $0xFFFFC000;
	s29 =	sadd.s32 s25, s29  }
0x3d: {  	[tilespmem:s3], [sflag:$0x5] =	stream.linear.gather [hbm4b:s29+s3], $0x80, $0x38;
	[tilespmem:$0x10100] =	vst v63  }
0x3e: {  	_ =	swait.ge [sflag:s11], $0x80  }
0x3f: {  	[sflag:s11] =	ssyncset.done $0x0  }
0x40: {  	[sflag:s11] =	ssyncadd.s32 $0xFFFFFF80  }
0x41: {  	[tilespmem:s12], [sflag:$0x1] =	stream.indirect.gather [hbm4b:s1+s12], $0x80, s3, s12, $0xb8;
	[tilespmem:$0x10100] =	vst v63  }
0x42: {  	s29 =	rddreg [dreg:$0x4]  }
0x43: {  	[tilespmem:s13], [sflag:$0x2] =	stream.indirect.gather [hbm4b:s4+s12], $0x80, s3, s12, $0xb8;
	[tilespmem:$0x10100] =	vst v63  }
0x44: {  	s29 =	sadd.s32 s25, s29  }
0x45: {  	[tilespmem:s14], [sflag:$0x5] =	stream.linear.gather [hbm4b:s29+s3], $0x80, $0x38;
	[tilespmem:$0x10100] =	vst v63  }
0x46: {  	_ =	swait.ge [sflag:s11], $0x80  }
0x47: {  	[sflag:s11] =	ssyncset.done $0x0  }
0x48: {  	s26 =	sadd.s32 $0x100, s26;
	[sflag:s11] =	ssyncadd.s32 $0xFFFFFF80  }
0x49: {  	[tilespmem:s15], [sflag:$0x3] =	stream.indirect.gather [hbm4b:s1+s12], $0x80, s14, s12, $0xb8;
	[tilespmem:$0x10100] =	vst v63  }
0x4a: {  	s24 =	sadd.s32 $0x8, s24;
	s29 =	sand.u32 $0xF00, s26  }
0x4b: {  	[tilespmem:s16], [sflag:$0x4] =	stream.indirect.gather [hbm4b:s4+s12], $0x80, s14, s12, $0xb8;
	[tilespmem:$0x10100] =	vst v63  }
0x4c: {  	s30 =	smov.u32 s28;
	s29 =	smul.u32 $0xC00, s29;
	_ =	swait.ge [sflag:s17], $0x4000  }
0x4d: {  	s25 =	smov.u32 s30;
	s30 =	sand.u32 $0x3FFFC00, s24;
	[sflag:s17] =	ssyncset.done $0x0  }
0x4e: {  	s31 =	sand.u32 $0x380, s24;
	s29 =	sadd.s32 s30, s29;
	[sflag:s17] =	ssyncadd.s32 $0xFFFFC000  }
0x4f: {  	s29 =	sor.u32 s31, s29;
	_ =	swait.ge [sflag:s18], $0x4000  }
0x50: {  	s29 =	sshrl.u32 s29, $0x3;
	[sflag:s18] =	ssyncset.done $0x0  }
0x51: {  	s30 =	sadd.s32 s5, s29;
	[sflag:s18] =	ssyncadd.s32 $0xFFFFC000  }
0x52: {  	[hbm4b:s30+s12] =	stream.strided.scatter [tilespmem:s12], [sflag:$0x5], $0x4000, s19, s12, $0x38;
	[tilespmem:$0x10100] =	vst v63  }
0x53: {  	_ =	swait.ge [sflag:s11], $0x4000  }
0x54: {  	[sflag:s11] =	ssyncset.done $0x0  }
0x55: {  	s29 =	sadd.s32 s6, s29;
	[sflag:s11] =	ssyncadd.s32 $0xFFFFC000  }
0x56: {  	[hbm4b:s29+s12] =	stream.strided.scatter [tilespmem:s13], [sflag:$0x5], $0x4000, s19, s12, $0x38;
	[tilespmem:$0x10100] =	vst v63  }
0x57: {  	_ =	swait.ge [sflag:s11], $0x4000  }
0x58: {  	[sflag:s11] =	ssyncset.done $0x0  }
0x59: {  	[sflag:s11] =	ssyncadd.s32 $0xFFFFC000  }
0x5a: {  	s30 =	sshrl.u32 s26, $0xC;
	s29 =	sand.u32 $0xFFFFFC00, s24;
	_ =	swait.ge [sflag:s20], $0x4000  }
0x5b: {  	s30 =	smul.u32 $0xC00000, s30;
	s29 =	sadd.s32 s29, s23;
	[sflag:s20] =	ssyncset.done $0x0  }
0x5c: {  	s29 =	sadd.s32 s31, s29;
	[sflag:s20] =	ssyncadd.s32 $0xFFFFC000  }
0x5d: {  	s29 =	ssub.s32 s29, s30;
	_ =	swait.ge [sflag:s21], $0x4000  }
0x5e: {  	s29 =	sshrl.u32 s29, $0x3;
	[sflag:s21] =	ssyncset.done $0x0  }
0x5f: {  	s31 =	sadd.s32 s5, s29;
	[sflag:s21] =	ssyncadd.s32 $0xFFFFC000  }
0x60: {  	[hbm4b:s31+s12] =	stream.strided.scatter [tilespmem:s15], [sflag:$0x5], $0x4000, s19, s12, $0x38;
	[tilespmem:$0x10100] =	vst v63  }
0x61: {  	p0 =	sne.s32 s28, $0x160;
	_ =	swait.ge [sflag:s11], $0x4000  }
.Ltmp0:
0x62: {  	[sflag:s11] =	ssyncset.done $0x0;
	(pc) =	sbr.rel @p0 .LBB2_2-.Ltmp0, $4  }
0x63: {  	s29 =	sadd.s32 s6, s29;
	[sflag:s11] =	ssyncadd.s32 $0xFFFFC000  }
0x64: {  	[hbm4b:s29+s12] =	stream.strided.scatter [tilespmem:s16], [sflag:$0x5], $0x4000, s19, s12, $0x38;
	[tilespmem:$0x10100] =	vst v63  }
0x65: {  	s28 =	sadd.s32 $0x20, s28;
	_ =	swait.ge [sflag:s11], $0x4000  }
0x66: {  	s23 =	sadd.s32 $0xC0000, s23;
	s29 =	rddreg [dreg:$0x3];
	[sflag:s11] =	ssyncset.done $0x0  }
0x67: {  	[sflag:s11] =	ssyncadd.s32 $0xFFFFC000;
	s28 =	sadd.s32 s25, s29  }
0x68: {  	[tilespmem:s3], [sflag:$0x5] =	stream.linear.gather [hbm4b:s28+s3], $0x80, $0x38;
	[tilespmem:$0x10100] =	vst v63  }
0x69: {  	_ =	swait.ge [sflag:s11], $0x80  }
0x6a: {  	[sflag:s11] =	ssyncset.done $0x0  }
0x6b: {  	[sflag:s11] =	ssyncadd.s32 $0xFFFFFF80  }
0x6c: {  	[tilespmem:s12], [sflag:$0x1] =	stream.indirect.gather [hbm4b:s1+s12], $0x80, s3, s12, $0xb8;
	[tilespmem:$0x10100] =	vst v63  }
0x6d: {  	s31 =	rddreg [dreg:$0x4]  }
0x6e: {  	[tilespmem:s13], [sflag:$0x2] =	stream.indirect.gather [hbm4b:s4+s12], $0x80, s3, s12, $0xb8;
	[tilespmem:$0x10100] =	vst v63  }
0x6f: {  	s29 =	sadd.s32 s25, s31  }
0x70: {  	[tilespmem:s14], [sflag:$0x5] =	stream.linear.gather [hbm4b:s29+s3], $0x80, $0x38;
	[tilespmem:$0x10100] =	vst v63  }
0x71: {  	_ =	swait.ge [sflag:s11], $0x80  }
0x72: {  	[sflag:s11] =	ssyncset.done $0x0  }
0x73: {  	s25 =	sadd.s32 $0x100, s26;
	[sflag:s11] =	ssyncadd.s32 $0xFFFFFF80  }
0x74: {  	[tilespmem:s15], [sflag:$0x3] =	stream.indirect.gather [hbm4b:s1+s12], $0x80, s14, s12, $0xb8;
	[tilespmem:$0x10100] =	vst v63  }
0x75: {  	s26 =	sand.u32 $0xF00, s25  }
0x76: {  	[tilespmem:s16], [sflag:$0x4] =	stream.indirect.gather [hbm4b:s4+s12], $0x80, s14, s12, $0xb8;
	[tilespmem:$0x10100] =	vst v63  }
0x77: {  	s24 =	sadd.s32 $0x8, s24;
	s26 =	smul.u32 $0xC00, s26;
	_ =	swait.ge [sflag:s17], $0x4000  }
0x78: {  	s30 =	sand.u32 $0x3FFFC00, s24;
	[sflag:s17] =	ssyncset.done $0x0  }
0x79: {  	s26 =	sadd.s32 s30, s26;
	s29 =	sand.u32 $0x380, s24;
	[sflag:s17] =	ssyncadd.s32 $0xFFFFC000  }
0x7a: {  	s26 =	sor.u32 s29, s26;
	_ =	swait.ge [sflag:s18], $0x4000  }
0x7b: {  	s26 =	sshrl.u32 s26, $0x3;
	[sflag:s18] =	ssyncset.done $0x0  }
0x7c: {  	s31 =	sadd.s32 s5, s26;
	[sflag:s18] =	ssyncadd.s32 $0xFFFFC000  }
0x7d: {  	[hbm4b:s31+s12] =	stream.strided.scatter [tilespmem:s12], [sflag:$0x5], $0x4000, s19, s12, $0x38;
	[tilespmem:$0x10100] =	vst v63  }
0x7e: {  	_ =	swait.ge [sflag:s11], $0x4000  }
0x7f: {  	[sflag:s11] =	ssyncset.done $0x0  }
0x80: {  	s26 =	sadd.s32 s6, s26;
	[sflag:s11] =	ssyncadd.s32 $0xFFFFC000  }
0x81: {  	[hbm4b:s26+s12] =	stream.strided.scatter [tilespmem:s13], [sflag:$0x5], $0x4000, s19, s12, $0x38;
	[tilespmem:$0x10100] =	vst v63  }
0x82: {  	_ =	swait.ge [sflag:s11], $0x4000  }
0x83: {  	[sflag:s11] =	ssyncset.done $0x0  }
0x84: {  	[sflag:s11] =	ssyncadd.s32 $0xFFFFC000  }
0x85: {  	s25 =	sshrl.u32 s25, $0xC;
	s24 =	sand.u32 $0xFFFFFC00, s24;
	_ =	swait.ge [sflag:s20], $0x4000  }
0x86: {  	s30 =	smul.u32 $0xC00000, s25;
	s23 =	sadd.s32 s24, s23;
	[sflag:s20] =	ssyncset.done $0x0  }
0x87: {  	s23 =	sadd.s32 s29, s23;
	[sflag:s20] =	ssyncadd.s32 $0xFFFFC000  }
0x88: {  	s23 =	ssub.s32 s23, s30;
	_ =	swait.ge [sflag:s21], $0x4000  }
0x89: {  	s23 =	sshrl.u32 s23, $0x3;
	[sflag:s21] =	ssyncset.done $0x0  }
0x8a: {  	s31 =	sadd.s32 s5, s23;
	[sflag:s21] =	ssyncadd.s32 $0xFFFFC000  }
0x8b: {  	[hbm4b:s31+s12] =	stream.strided.scatter [tilespmem:s15], [sflag:$0x5], $0x4000, s19, s12, $0x38;
	[tilespmem:$0x10100] =	vst v63  }
0x8c: {  	s22 =	sadd.s32 $0x1, s22;
	_ =	swait.ge [sflag:s11], $0x4000  }
0x8d: {  	p0 =	sne.s32 s22, s8;
	[sflag:s11] =	ssyncset.done $0x0  }
.Ltmp1:
0x8e: {  	s23 =	sadd.s32 s6, s23;
	[sflag:s11] =	ssyncadd.s32 $0xFFFFC000;
	(pc) =	sbr.rel @p0 .LBB2_1-.Ltmp1, $4  }
0x8f: {  	[hbm4b:s23+s12] =	stream.strided.scatter [tilespmem:s16], [sflag:$0x5], $0x4000, s19, s12, $0x38;
	[tilespmem:$0x10100] =	vst v63  }
0x90: {  	_ =	swait.ge [sflag:s11], $0x4000  }
0x91: {  	[sflag:s11] =	ssyncset.done $0x0  }
0x92: {  	[sflag:s11] =	ssyncadd.s32 $0xFFFFC000  }
0x93: {  	_ =	sfence.sel $0x180000  }
0x94: {  	[bflag:$0x0] =	sbarrier.arrive $0xFFFF  }
0x95: {  	p0 =	sne.s32 s2, $0x0;
	_ =	strace $0x90000047  }
0x96: {  	s0 =	sadd.s32 @!p0 $0x100000, s0;
	[bflag:$0x2] =	sbarrier.arrive $0xFFFF  }
0x97: {  	[sflag:s0] =	ssyncadd.tile.s32 @!p0 $0x1;
	_ =	shalt  }
.Lfunc_end2:
_tile_overlayer_lowered:
.L_overlay_start_2:
0x98: {  	(tag) =	ssettag $0x2  }
0x99: {  	s0 =	rddreg [dreg:$0x0];
	s2 =	stileid.u32  }
0x9a: {  	s1 =	rddreg [dreg:$0x1];
	p0 =	sne.s32 s2, $0x0  }
0x9b: {  	s3 =	rddreg [dreg:$0x2];
	[bflag:$0x3] =	sbarrier.arrive $0xFFFF;
	s2 =	simm.s32 @!p0 $0x1C05  }
0x9c: {  	[timem:s3], [sflag:s2] =	dma.local @!p0 [hbm:s0], s1  }
0x9d: {  	s0 =	simm.s32 @!p0 $0x5  }
0x9e: {  	_ =	swait.ge @!p0 [sflag:s0], s1  }
0x9f: {  	s1 =	ssub.s32 @!p0 $0x0, s1;
	[sflag:s0] =	ssyncset.done @!p0 $0x0  }
0xa0: {  	[sflag:s0] =	ssyncadd.s32 @!p0 s1  }
0xa1: {  	[bflag:$0x3] =	sbarrier.arrive $0xFFFF  }
0xa2: {  	_ =	shalt  }

</sc_bundles>
